<compile_context>
chip_gen: v7x
topology: tpu7x:2x2x1
jax: 0.10.2.dev20260603
libtpu: 0.0.44.dev20260713+nightly
codegen_flags: <defaults>
</compile_context>

<pallas_src>
import functools

import jax
import jax.numpy as jnp
from jax import lax
from jax.experimental import pallas as pl
from jax.experimental.pallas import tpu as pltpu
from jax.experimental.pallas import tpu_sc as plsc

N = 10000
NPAD = 10240
E = 320000
EPAD = 327680
NW = 32
EPW = EPAD // NW
CHUNK = 2048
NCH = EPW // CHUNK
KCAP2 = 10496
DUMPSLOT = NPAD * NPAD - 1
R2 = 1.0
PT_THLD = 0.9
BT = 512
BS = 512

_mesh = plsc.VectorSubcoreMesh(core_axis_name="c", subcore_axis_name="s")
_sc_params = pltpu.CompilerParams(needs_layout_passes=False)


def _scatter_body(src_hbm, tgt_hbm, pt_hbm,
                  table_hbm, keys_hbm, cnts_hbm,
                  ptv, srcv, tgtv, keyflat, ids2d, cntbuf, sem):
    c = lax.axis_index("c")
    s_ = lax.axis_index("s")
    w = c * 16 + s_
    pltpu.sync_copy(pt_hbm, ptv)
    ebase = w * EPW

    def fill_ids(j, _):
        for k in range(8):
            ids2d[j, pl.ds(k * 16, 16)] = (
                lax.iota(jnp.int32, 16) + (w * KCAP2 + j * 128 + k * 16))
        return 0

    lax.fori_loop(0, KCAP2 // 128, fill_ids, 0)

    def do_chunk(ch, off):
        pltpu.sync_copy(src_hbm.at[pl.ds(ebase + ch * CHUNK, CHUNK)], srcv)
        pltpu.sync_copy(tgt_hbm.at[pl.ds(ebase + ch * CHUNK, CHUNK)], tgtv)

        def vec(i, off):
            sidx = srcv[pl.ds(i * 16, 16)]
            tidx = tgtv[pl.ds(i * 16, 16)]
            ptg = plsc.load_gather(ptv, [sidx])
            m = ptg > PT_THLD
            key = tidx * NPAD + sidx
            plsc.store_compressed(keyflat.at[pl.ds(off, 16)], key, mask=m)
            return off + jnp.sum(m.astype(jnp.int32))

        return lax.fori_loop(0, CHUNK // 16, vec, off)

    cnt = lax.fori_loop(0, NCH, do_chunk, 0)

    dumpv = jnp.full((16,), DUMPSLOT, jnp.int32)
    for j in range(8):
        keyflat[pl.ds(cnt + j * 16, 16)] = dumpv

    cntbuf[...] = jnp.full((16,), cnt, jnp.int32)
    pltpu.sync_copy(cntbuf, cnts_hbm.at[w])
    pltpu.sync_copy(keyflat, keys_hbm.at[w])

    nrows = (cnt + 127) // 128

    def scat_start(j, _):
        pltpu.make_async_copy(
            ids2d.at[j], table_hbm.at[keyflat.at[pl.ds(j * 128, 128)]],
            sem).start()
        return 0

    def scat_wait(j, _):
        pltpu.make_async_copy(
            ids2d.at[j], table_hbm.at[keyflat.at[pl.ds(j * 128, 128)]],
            sem).wait()
        return 0

    lax.fori_loop(0, nrows, scat_start, 0)
    lax.fori_loop(0, nrows, scat_wait, 0)


def _sqrt_f32(a):
    bits = plsc.bitcast(a, jnp.int32)
    i = jnp.int32(0x5F3759DF) - (bits >> 1)
    y = plsc.bitcast(i, jnp.float32)
    h = 0.5 * a
    y = y * (1.5 - h * y * y)
    y = y * (1.5 - h * y * y)
    y = y * (1.5 - h * y * y)
    return jnp.where(a > 0.0, a * y, 0.0)


def _bf16r(v):
    u = plsc.bitcast(v, jnp.int32)
    r = (u + 0x7FFF + ((u >> 16) & 1)) & jnp.int32(-65536)
    return plsc.bitcast(r, jnp.float32)


def _compute_body(table_hbm, keys_hbm, cnts_hbm,
                  x_hbm, pid_hbm, batch_hbm, out_hbm,
                  keyv, srcv2, tgtv2, pidv, batchv, idsall,
                  xs0, xt0, xs1, xt1, accA, accC, accR,
                  outbuf, cntbuf, semA, semB, sem2):
    c = lax.axis_index("c")
    s_ = lax.axis_index("s")
    w = c * 16 + s_
    pltpu.sync_copy(cnts_hbm.at[w], cntbuf)
    cnt = cntbuf[...][0]
    pltpu.sync_copy(keys_hbm.at[w], keyv)
    pltpu.sync_copy(pid_hbm, pidv)
    pltpu.sync_copy(batch_hbm, batchv)

    nrows = (cnt + 127) // 128
    lane = lax.iota(jnp.int32, 16)

    def unpack(i, _):
        kv = keyv[pl.ds(i * 16, 16)]
        tvv = kv // NPAD
        svv = kv - tvv * NPAD
        srcv2[pl.ds(i * 16, 16)] = svv
        tgtv2[pl.ds(i * 16, 16)] = tvv
        return 0

    lax.fori_loop(0, nrows * 8, unpack, 0)
    accA[...] = jnp.zeros((16,), jnp.float32)
    accC[...] = jnp.zeros((16,), jnp.float32)
    accR[...] = jnp.zeros((16,), jnp.float32)

    def x_start(j, xs, xt, sem):
        pltpu.make_async_copy(
            x_hbm.at[srcv2.at[pl.ds(j * 128, 128)]], xs, sem).start()
        pltpu.make_async_copy(
            x_hbm.at[tgtv2.at[pl.ds(j * 128, 128)]], xt, sem).start()

    def x_wait(j, xs, xt, sem):
        pltpu.make_async_copy(
            x_hbm.at[srcv2.at[pl.ds(j * 128, 128)]], xs, sem).wait()
        pltpu.make_async_copy(
            x_hbm.at[tgtv2.at[pl.ds(j * 128, 128)]], xt, sem).wait()

    def g_start(j, _):
        pltpu.make_async_copy(
            table_hbm.at[keyv.at[pl.ds(j * 128, 128)]],
            idsall.at[pl.ds(j * 128, 128)], sem2).start()
        return 0

    def g_wait(j, _):
        pltpu.make_async_copy(
            table_hbm.at[keyv.at[pl.ds(j * 128, 128)]],
            idsall.at[pl.ds(j * 128, 128)], sem2).wait()
        return 0

    lax.fori_loop(0, nrows, g_start, 0)

    @pl.when(nrows > 0)
    def _prime():
        x_start(0, xs0, xt0, semA)

    lax.fori_loop(0, nrows, g_wait, 0)

    def do_row(j, xs, xt):
        base = j * 128
        idbase = w * KCAP2 + base

        def grp(i, _):
            eoff = i * 16
            sv = srcv2[pl.ds(base + eoff, 16)]
            tv = tgtv2[pl.ds(base + eoff, 16)]
            ids = idsall[pl.ds(base + eoff, 16)]
            myid = idbase + eoff + lane
            valid_e = (base + eoff + lane) < cnt
            winner = valid_e & (ids == myid)
            ev = eoff + lane
            dotb = jnp.zeros((16,), jnp.float32)
            dotf = jnp.zeros((16,), jnp.float32)
            sqs = jnp.zeros((16,), jnp.float32)
            sqt = jnp.zeros((16,), jnp.float32)
            for dd in range(16):
                dc = jnp.full((16,), dd, jnp.int32)
                xsd = plsc.load_gather(xs, [ev, dc])
                xtd = plsc.load_gather(xt, [ev, dc])
                dotb = dotb + _bf16r(xsd) * _bf16r(xtd)
                dotf = dotf + xsd * xtd
                sqs = sqs + xsd * xsd
                sqt = sqt + xtd * xtd
            d2m = jnp.maximum(sqs + sqt - 2.0 * dotb, 0.0)
            d2f = jnp.maximum(sqs + sqt - 2.0 * dotf, 0.0)
            dist = _sqrt_f32(d2f)
            bs = plsc.load_gather(batchv, [sv])
            bt = plsc.load_gather(batchv, [tv])
            ps = plsc.load_gather(pidv, [sv])
            pt_ = plsc.load_gather(pidv, [tv])
            inr = (bs == bt) & (d2m <= R2) & (sv != tv)
            rawt = (ps == pt_) & (ps > 0)
            contrib = winner & jnp.logical_not(inr)
            ac = contrib & rawt
            rc = contrib & jnp.logical_not(rawt)
            accA[...] = accA[...] + jnp.where(ac, dist, 0.0)
            accC[...] = accC[...] + jnp.where(ac, 1.0, 0.0)
            accR[...] = accR[...] + jnp.where(
                rc, jnp.maximum(1.0 - dist, 0.0), 0.0)
            return 0

        lax.fori_loop(0, 8, grp, 0)

    def pair(k, _):
        j0 = k * 2
        j1 = j0 + 1

        @pl.when(j0 < nrows)
        def _even():
            x_wait(j0, xs0, xt0, semA)

            @pl.when(j1 < nrows)
            def _pf1():
                x_start(j1, xs1, xt1, semB)

            do_row(j0, xs0, xt0)

        @pl.when(j1 < nrows)
        def _odd():
            x_wait(j1, xs1, xt1, semB)

            @pl.when(j1 + 1 < nrows)
            def _pf2():
                x_start(j1 + 1, xs0, xt0, semA)

            do_row(j1, xs1, xt1)

        return 0

    lax.fori_loop(0, (nrows + 1) // 2, pair, 0)

    attr_s = jnp.sum(accA[...], axis=0)
    cnt_s = jnp.sum(accC[...], axis=0)
    rep_s = jnp.sum(accR[...], axis=0)
    li = lax.iota(jnp.int32, 16)
    outv = jnp.where(li == 0, attr_s,
                     jnp.where(li == 1, cnt_s,
                               jnp.where(li == 2, rep_s, 0.0)))
    outbuf[...] = outv
    pltpu.sync_copy(outbuf, out_hbm.at[w])


def _true_edge_partials(srcp, tgtp, ptp, x128, pid_p, batch_p):
    scatter = functools.partial(
        pl.kernel,
        out_type=(
            jax.ShapeDtypeStruct((NPAD * NPAD,), jnp.int32),
            jax.ShapeDtypeStruct((NW, KCAP2), jnp.int32),
            jax.ShapeDtypeStruct((NW, 16), jnp.int32),
        ),
        mesh=_mesh,
        scratch_types=[
            pltpu.VMEM((NPAD,), jnp.float32),
            pltpu.VMEM((CHUNK,), jnp.int32),
            pltpu.VMEM((CHUNK,), jnp.int32),
            pltpu.VMEM((KCAP2,), jnp.int32),
            pltpu.VMEM((KCAP2 // 128, 128), jnp.int32),
            pltpu.VMEM((16,), jnp.int32),
            pltpu.SemaphoreType.DMA,
        ],
        compiler_params=_sc_params,
    )(_scatter_body)
    table, keys, cnts = scatter(srcp, tgtp, ptp)

    compute = functools.partial(
        pl.kernel,
        out_type=jax.ShapeDtypeStruct((NW, 16), jnp.float32),
        mesh=_mesh,
        scratch_types=[
            pltpu.VMEM((KCAP2,), jnp.int32),
            pltpu.VMEM((KCAP2,), jnp.int32),
            pltpu.VMEM((KCAP2,), jnp.int32),
            pltpu.VMEM((NPAD,), jnp.int32),
            pltpu.VMEM((NPAD,), jnp.int32),
            pltpu.VMEM((KCAP2,), jnp.int32),
            pltpu.VMEM((128, 128), jnp.float32),
            pltpu.VMEM((128, 128), jnp.float32),
            pltpu.VMEM((128, 128), jnp.float32),
            pltpu.VMEM((128, 128), jnp.float32),
            pltpu.VMEM((16,), jnp.float32),
            pltpu.VMEM((16,), jnp.float32),
            pltpu.VMEM((16,), jnp.float32),
            pltpu.VMEM((16,), jnp.float32),
            pltpu.VMEM((16,), jnp.int32),
            pltpu.SemaphoreType.DMA,
            pltpu.SemaphoreType.DMA,
            pltpu.SemaphoreType.DMA,
        ],
        compiler_params=_sc_params,
    )(_compute_body)
    return compute(table, keys, cnts, x128, pid_p, batch_p)


def _dense_body(xt_ref, xs_ref, bc_ref, br_ref, pc_ref, pr_ref, ptr_ref,
                attr_ref, cnt_ref, rep_ref, acc_ref):
    rt = pl.program_id(0)
    cs = pl.program_id(1)
    n_t = pl.num_programs(0)
    n_s = pl.num_programs(1)

    @pl.when((rt == 0) & (cs == 0))
    def _init():
        acc_ref[0] = 0.0
        acc_ref[1] = 0.0
        acc_ref[2] = 0.0

    bc = bc_ref[...]
    br = br_ref[...]
    active = (jnp.min(bc) <= jnp.max(br)) & (jnp.min(br) <= jnp.max(bc))

    @pl.when(active)
    def _compute():
        xt = xt_ref[...]
        xs = xs_ref[...]
        sqt = jnp.sum(xt * xt, axis=1, keepdims=True)
        sqs = jnp.sum(xs * xs, axis=1).reshape(1, BS)
        dotb = lax.dot_general(xt.astype(jnp.bfloat16), xs.astype(jnp.bfloat16),
                               (((1,), (1,)), ((), ())),
                               preferred_element_type=jnp.float32)
        d2m = jnp.maximum(sqt + sqs - 2.0 * dotb, 0.0)
        dot = lax.dot_general(xt, xs, (((1,), (1,)), ((), ())),
                              preferred_element_type=jnp.float32,
                              precision=lax.Precision.HIGHEST)
        d2 = jnp.maximum(sqt + sqs - 2.0 * dot, 0.0)
        dist = jnp.sqrt(d2)
        tglob = rt * BT + lax.broadcasted_iota(jnp.int32, (BT, BS), 0)
        sglob = cs * BS + lax.broadcasted_iota(jnp.int32, (BT, BS), 1)
        inr = (bc == br) & (d2m <= R2) & (tglob != sglob)
        rawt = (pc_ref[...] == pr_ref[...]) & (pc_ref[...] > 0)
        ptm = ptr_ref[...] > PT_THLD
        ac = inr & rawt & ptm
        rc = inr & jnp.logical_not(rawt)
        acc_ref[0] += jnp.sum(jnp.where(ac, dist, 0.0))
        acc_ref[1] += jnp.sum(jnp.where(ac, 1.0, 0.0))
        acc_ref[2] += jnp.sum(jnp.where(rc, jnp.maximum(1.0 - dist, 0.0), 0.0))

    @pl.when((rt == n_t - 1) & (cs == n_s - 1))
    def _fin():
        attr_ref[...] = jnp.full((1, 1), acc_ref[0], jnp.float32)
        cnt_ref[...] = jnp.full((1, 1), acc_ref[1], jnp.float32)
        rep_ref[...] = jnp.full((1, 1), acc_ref[2], jnp.float32)


def _radius_sums(xp, batch_p, pid_p, pt_p):
    grid = (NPAD // BT, NPAD // BS)
    bc = batch_p.reshape(NPAD, 1)
    br = batch_p.reshape(1, NPAD)
    pc = pid_p.reshape(NPAD, 1)
    pr = pid_p.reshape(1, NPAD)
    ptr = pt_p.reshape(1, NPAD)
    return pl.pallas_call(
        _dense_body,
        grid=grid,
        in_specs=[
            pl.BlockSpec((BT, 16), lambda i, j: (i, 0)),
            pl.BlockSpec((BS, 16), lambda i, j: (j, 0)),
            pl.BlockSpec((BT, 1), lambda i, j: (i, 0)),
            pl.BlockSpec((1, BS), lambda i, j: (0, j)),
            pl.BlockSpec((BT, 1), lambda i, j: (i, 0)),
            pl.BlockSpec((1, BS), lambda i, j: (0, j)),
            pl.BlockSpec((1, BS), lambda i, j: (0, j)),
        ],
        out_specs=[
            pl.BlockSpec((1, 1), lambda i, j: (0, 0)),
            pl.BlockSpec((1, 1), lambda i, j: (0, 0)),
            pl.BlockSpec((1, 1), lambda i, j: (0, 0)),
        ],
        out_shape=[
            jax.ShapeDtypeStruct((1, 1), jnp.float32),
            jax.ShapeDtypeStruct((1, 1), jnp.float32),
            jax.ShapeDtypeStruct((1, 1), jnp.float32),
        ],
        scratch_shapes=[pltpu.SMEM((4,), jnp.float32)],
        compiler_params=pltpu.CompilerParams(
            dimension_semantics=("arbitrary", "arbitrary")),
    )(xp, xp, bc, br, pc, pr, ptr)


def kernel(x, particle_id, batch, true_edge_index, pt):
    npad = NPAD - N
    pad_x = (1.0e4 + 100.0 * jnp.arange(npad, dtype=jnp.float32))[:, None]
    pad_x = jnp.broadcast_to(pad_x, (npad, x.shape[1]))
    xp = jnp.concatenate([x, pad_x], axis=0)
    batch_p = jnp.concatenate(
        [batch.astype(jnp.int32), jnp.full((npad,), 8, jnp.int32)])
    pid_p = jnp.concatenate(
        [particle_id.astype(jnp.int32), jnp.zeros((npad,), jnp.int32)])
    pt_p = jnp.concatenate([pt, jnp.zeros((npad,), jnp.float32)])
    epad = EPAD - E
    srcp = jnp.concatenate(
        [true_edge_index[0].astype(jnp.int32),
         jnp.full((epad,), NPAD - 1, jnp.int32)])
    tgtp = jnp.concatenate(
        [true_edge_index[1].astype(jnp.int32),
         jnp.full((epad,), NPAD - 2, jnp.int32)])
    x128 = jnp.pad(xp, ((0, 0), (0, 112)))

    partials = _true_edge_partials(srcp, tgtp, pt_p, x128, pid_p, batch_p)
    a_tc, c_tc, r_tc = _radius_sums(xp, batch_p, pid_p, pt_p)

    a_sc = jnp.sum(partials[:, 0])
    c_sc = jnp.sum(partials[:, 1])
    r_sc = jnp.sum(partials[:, 2])
    norm = c_tc[0, 0] + c_sc + 1e-8
    attr = (a_tc[0, 0] + a_sc) / norm
    rep = (r_tc[0, 0] + r_sc) / norm
    return attr, rep

# --- scband reference (transcript-rebuilt; emitter-appended) ---
"""Pipeline reference for scband-graph-construction-hinge-embedding-loss-47210280517640 (READ-ONLY COPY).

The authoritative reference and input builder live on the scoring server;
editing this copy changes nothing except your own understanding.
"""

import jax, jax.numpy as jnp
import numpy as np

R_EMB = 1.0
MAX_NUM_NEIGHBORS = 256
ATTR_PT_THLD = 0.9
P_ATTR = 1.0
P_REP = 1.0


def _radius_graph(x, batch, r, max_num_neighbors):
    # brute-force radius graph (loop=False), capped at max_num_neighbors nearest per target node
    N = x.shape[0]
    sq = jnp.sum(x * x, axis=1)
    d2 = sq[:, None] + sq[None, :] - 2.0 * (x @ x.T)
    d2 = jnp.maximum(d2, 0.0)
    same_batch = batch[:, None] == batch[None, :]
    valid = same_batch & (d2 <= r * r)
    d2m = jnp.where(valid, d2, jnp.inf)
    d2m = d2m.at[jnp.arange(N), jnp.arange(N)].set(jnp.inf)  # loop=False
    vals, idx = jax.lax.top_k(-d2m, max_num_neighbors)
    keep = jnp.isfinite(vals)
    tgt = jnp.broadcast_to(jnp.arange(N)[:, None], idx.shape)
    src = idx.ravel()
    tgt = tgt.ravel()
    keep = keep.ravel()
    return jnp.stack([src, tgt], axis=0), keep


def _build_graph(x, batch, true_edge_index, pt):
    N = x.shape[0]
    true_edge_mask = pt[true_edge_index[0]] > ATTR_PT_THLD
    near_edges, near_mask = _radius_graph(x, batch, R_EMB, MAX_NUM_NEIGHBORS)
    cat = jnp.concatenate([true_edge_index, near_edges], axis=1)
    mask = jnp.concatenate([true_edge_mask, near_mask], axis=0)
    keys = cat[0] * N + cat[1]
    sentinel = N * N
    keys = jnp.where(mask, keys, sentinel)
    keys = jnp.sort(keys)
    first = jnp.concatenate([jnp.array([True]), keys[1:] != keys[:-1]])
    valid = first & (keys < sentinel)
    keys = jnp.where(valid, keys, 0)
    edges = jnp.stack([keys // N, keys % N], axis=0)
    return edges, valid


def _hinge_loss_components(x, edge_index, edge_mask, particle_id, pt):
    pid0 = particle_id[edge_index[0]]
    pid1 = particle_id[edge_index[1]]
    raw_true_edge = (pid0 == pid1) & (pid0 > 0)
    true_edge = raw_true_edge & edge_mask
    true_high_pt_edge = true_edge & (pt[edge_index[0]] > ATTR_PT_THLD)
    dists = jnp.linalg.norm(x[edge_index[0]] - x[edge_index[1]], axis=-1)
    normalization = true_high_pt_edge.sum().astype(jnp.float32) + 1e-08
    attr = jnp.sum(jnp.where(true_high_pt_edge, jnp.power(dists, P_ATTR), 0.0)) / normalization
    rep = jnp.sum(jnp.where((~raw_true_edge) & edge_mask, jax.nn.relu(R_EMB - jnp.power(dists, P_REP)), 0.0) / normalization)
    return attr, rep


def setup_inputs(seed: int = 0):
    key = jax.random.key(seed)
    k0, k1, k2, k3, k4 = jax.random.split(key, 5)
    N = 10000
    x = jax.random.uniform(k0, (N, 16), dtype=jnp.float32)
    particle_id = jax.random.randint(k1, (N,), 0, 5000)
    batch = jnp.sort(jax.random.randint(k2, (N,), 0, 8))
    true_edge_index = jax.random.randint(k3, (2, 320000), 0, N)
    pt = jax.random.uniform(k4, (N,), dtype=jnp.float32)
    return {"x": x, "particle_id": particle_id, "batch": batch, "true_edge_index": true_edge_index, "pt": pt}


def reference(x, particle_id, batch, true_edge_index, pt):
    edges, edge_mask = _build_graph(x, batch, true_edge_index, pt)
    attr, rep = _hinge_loss_components(x, edges, edge_mask, particle_id, pt)
    return attr, rep

if __name__ == "__main__":
    import jax
    _d = setup_inputs()
    print(jax.jit(kernel)(*tuple(_d.values())))

</pallas_src>

<mosaic_0001>
#map = affine_map<(d0, d1) -> (0)>
#map1 = affine_map<(d0, d1) -> (0, 0)>
module attributes {stable_mosaic.version = 14 : i64} {
  func.func @_scatter_body(%arg0: i32, %arg1: i32, %arg2: memref<327680xi32, #tpu.memory_space<hbm>>, %arg3: memref<327680xi32, #tpu.memory_space<hbm>>, %arg4: memref<10240xf32, #tpu.memory_space<hbm>>, %arg5: memref<104857600xi32, #tpu.memory_space<hbm>>, %arg6: memref<32x10496xi32, #tpu.memory_space<hbm>>, %arg7: memref<32x16xi32, #tpu.memory_space<hbm>>, %arg8: memref<10240xf32, #tpu.memory_space<vmem>>, %arg9: memref<2048xi32, #tpu.memory_space<vmem>>, %arg10: memref<2048xi32, #tpu.memory_space<vmem>>, %arg11: memref<10496xi32, #tpu.memory_space<vmem>>, %arg12: memref<82x128xi32, #tpu.memory_space<vmem>>, %arg13: memref<16xi32, #tpu.memory_space<vmem>>, %arg14: memref<!tpu.dma_semaphore, #tpu.memory_space<semaphore_mem>>) attributes {dimension_semantics = [#tpu.dimension_semantics<core_parallel>, #tpu.dimension_semantics<subcore_parallel>], iteration_bounds = array<i64: 2, 16>, scalar_prefetch = 0 : i64, scratch_operands = 7 : i64, tpu.core_type = #tpu.core_type<sc_vector_subcore>, window_params = [{transform_indices = #map}, {transform_indices = #map}, {transform_indices = #map}, {transform_indices = #map}, {transform_indices = #map1}, {transform_indices = #map1}]} {
    %mul3A = arith.constant 16 : i32
    %mul3A_0 = arith.muli %arg0, %mul3A : i32
    %add3A = arith.addi %mul3A_0, %arg1 : i32
    "tpu.region"() ({
      %run_scoped3A = tpu.sem_alloc : memref<!tpu.dma_semaphore, #tpu.memory_space<semaphore_mem>>
      tpu.enqueue_dma source(%arg4 : memref<10240xf32, #tpu.memory_space<hbm>>) target(%arg8 : memref<10240xf32, #tpu.memory_space<vmem>>) target_semaphore(%run_scoped3A : memref<!tpu.dma_semaphore, #tpu.memory_space<semaphore_mem>>)
      tpu.wait_dma2 semaphore(%run_scoped3A : memref<!tpu.dma_semaphore, #tpu.memory_space<semaphore_mem>>) src(%arg4 : memref<10240xf32, #tpu.memory_space<hbm>>) dst(%arg8 : memref<10240xf32, #tpu.memory_space<vmem>>)
      tpu.yield
    }) : () -> ()
    %mul3A_1 = arith.constant 10240 : i32
    %mul3A_2 = arith.muli %add3A, %mul3A_1 : i32
    %scan3A = arith.constant 0 : i32
    %scan3A_3 = arith.constant 0 : i32
    %scan3A_4 = arith.constant 82 : i32
    %scan3A_5 = arith.addi %scan3A_3, %scan3A_4 : i32
    %scan3A_6 = arith.constant 1 : i32
    %scan3A_7 = scf.for %scan3A_92 = %scan3A_3 to %scan3A_5 step %scan3A_6 iter_args(%scan3A_93 = %scan3A) -> (i32)  : i32 {
      %iota3A = tpu.iota {dimensions = array<i32: 0>} : vector<16xi32>
      %mul3A_94 = arith.constant 10496 : i32
      %mul3A_95 = arith.muli %add3A, %mul3A_94 : i32
      %mul3A_96 = arith.constant 128 : i32
      %mul3A_97 = arith.muli %scan3A_92, %mul3A_96 : i32
      %add3A_98 = arith.addi %mul3A_95, %mul3A_97 : i32
      %add3A_99 = arith.constant 0 : i32
      %add3A_100 = arith.addi %add3A_98, %add3A_99 : i32
      %add3A_101 = vector.broadcast %add3A_100 : i32 to vector<16xi32>
      %add3A_102 = arith.addi %iota3A, %add3A_101 : vector<16xi32>
      %swap3A_103 = arith.index_cast %scan3A_92 : i32 to index
      %swap3A_104 = arith.constant 0 : index
      %swap3A_105 = tpu.vector_load %arg12[%swap3A_103, %swap3A_104] {strides = array<i32>} : memref<82x128xi32, #tpu.memory_space<vmem>>, vector<16xi32>,
      tpu.vector_store %arg12[%swap3A_103, %swap3A_104], %add3A_102 {strides = array<i32>} : memref<82x128xi32, #tpu.memory_space<vmem>>, vector<16xi32>,
      %iota3A_106 = tpu.iota {dimensions = array<i32: 0>} : vector<16xi32>
      %mul3A_107 = arith.constant 10496 : i32
      %mul3A_108 = arith.muli %add3A, %mul3A_107 : i32
      %mul3A_109 = arith.constant 128 : i32
      %mul3A_110 = arith.muli %scan3A_92, %mul3A_109 : i32
      %add3A_111 = arith.addi %mul3A_108, %mul3A_110 : i32
      %add3A_112 = arith.constant 16 : i32
      %add3A_113 = arith.addi %add3A_111, %add3A_112 : i32
      %add3A_114 = vector.broadcast %add3A_113 : i32 to vector<16xi32>
      %add3A_115 = arith.addi %iota3A_106, %add3A_114 : vector<16xi32>
      %swap3A_116 = arith.index_cast %scan3A_92 : i32 to index
      %swap3A_117 = arith.constant 16 : index
      %swap3A_118 = tpu.vector_load %arg12[%swap3A_116, %swap3A_117] {strides = array<i32>} : memref<82x128xi32, #tpu.memory_space<vmem>>, vector<16xi32>,
      tpu.vector_store %arg12[%swap3A_116, %swap3A_117], %add3A_115 {strides = array<i32>} : memref<82x128xi32, #tpu.memory_space<vmem>>, vector<16xi32>,
      %iota3A_119 = tpu.iota {dimensions = array<i32: 0>} : vector<16xi32>
      %mul3A_120 = arith.constant 10496 : i32
      %mul3A_121 = arith.muli %add3A, %mul3A_120 : i32
      %mul3A_122 = arith.constant 128 : i32
      %mul3A_123 = arith.muli %scan3A_92, %mul3A_122 : i32
      %add3A_124 = arith.addi %mul3A_121, %mul3A_123 : i32
      %add3A_125 = arith.constant 32 : i32
      %add3A_126 = arith.addi %add3A_124, %add3A_125 : i32
      %add3A_127 = vector.broadcast %add3A_126 : i32 to vector<16xi32>
      %add3A_128 = arith.addi %iota3A_119, %add3A_127 : vector<16xi32>
      %swap3A_129 = arith.index_cast %scan3A_92 : i32 to index
      %swap3A_130 = arith.constant 32 : index
      %swap3A_131 = tpu.vector_load %arg12[%swap3A_129, %swap3A_130] {strides = array<i32>} : memref<82x128xi32, #tpu.memory_space<vmem>>, vector<16xi32>,
      tpu.vector_store %arg12[%swap3A_129, %swap3A_130], %add3A_128 {strides = array<i32>} : memref<82x128xi32, #tpu.memory_space<vmem>>, vector<16xi32>,
      %iota3A_132 = tpu.iota {dimensions = array<i32: 0>} : vector<16xi32>
      %mul3A_133 = arith.constant 10496 : i32
      %mul3A_134 = arith.muli %add3A, %mul3A_133 : i32
      %mul3A_135 = arith.constant 128 : i32
      %mul3A_136 = arith.muli %scan3A_92, %mul3A_135 : i32
      %add3A_137 = arith.addi %mul3A_134, %mul3A_136 : i32
      %add3A_138 = arith.constant 48 : i32
      %add3A_139 = arith.addi %add3A_137, %add3A_138 : i32
      %add3A_140 = vector.broadcast %add3A_139 : i32 to vector<16xi32>
      %add3A_141 = arith.addi %iota3A_132, %add3A_140 : vector<16xi32>
      %swap3A_142 = arith.index_cast %scan3A_92 : i32 to index
      %swap3A_143 = arith.constant 48 : index
      %swap3A_144 = tpu.vector_load %arg12[%swap3A_142, %swap3A_143] {strides = array<i32>} : memref<82x128xi32, #tpu.memory_space<vmem>>, vector<16xi32>,
      tpu.vector_store %arg12[%swap3A_142, %swap3A_143], %add3A_141 {strides = array<i32>} : memref<82x128xi32, #tpu.memory_space<vmem>>, vector<16xi32>,
      %iota3A_145 = tpu.iota {dimensions = array<i32: 0>} : vector<16xi32>
      %mul3A_146 = arith.constant 10496 : i32
      %mul3A_147 = arith.muli %add3A, %mul3A_146 : i32
      %mul3A_148 = arith.constant 128 : i32
      %mul3A_149 = arith.muli %scan3A_92, %mul3A_148 : i32
      %add3A_150 = arith.addi %mul3A_147, %mul3A_149 : i32
      %add3A_151 = arith.constant 64 : i32
      %add3A_152 = arith.addi %add3A_150, %add3A_151 : i32
      %add3A_153 = vector.broadcast %add3A_152 : i32 to vector<16xi32>
      %add3A_154 = arith.addi %iota3A_145, %add3A_153 : vector<16xi32>
      %swap3A_155 = arith.index_cast %scan3A_92 : i32 to index
      %swap3A_156 = arith.constant 64 : index
      %swap3A_157 = tpu.vector_load %arg12[%swap3A_155, %swap3A_156] {strides = array<i32>} : memref<82x128xi32, #tpu.memory_space<vmem>>, vector<16xi32>,
      tpu.vector_store %arg12[%swap3A_155, %swap3A_156], %add3A_154 {strides = array<i32>} : memref<82x128xi32, #tpu.memory_space<vmem>>, vector<16xi32>,
      %iota3A_158 = tpu.iota {dimensions = array<i32: 0>} : vector<16xi32>
      %mul3A_159 = arith.constant 10496 : i32
      %mul3A_160 = arith.muli %add3A, %mul3A_159 : i32
      %mul3A_161 = arith.constant 128 : i32
      %mul3A_162 = arith.muli %scan3A_92, %mul3A_161 : i32
      %add3A_163 = arith.addi %mul3A_160, %mul3A_162 : i32
      %add3A_164 = arith.constant 80 : i32
      %add3A_165 = arith.addi %add3A_163, %add3A_164 : i32
      %add3A_166 = vector.broadcast %add3A_165 : i32 to vector<16xi32>
      %add3A_167 = arith.addi %iota3A_158, %add3A_166 : vector<16xi32>
      %swap3A_168 = arith.index_cast %scan3A_92 : i32 to index
      %swap3A_169 = arith.constant 80 : index
      %swap3A_170 = tpu.vector_load %arg12[%swap3A_168, %swap3A_169] {strides = array<i32>} : memref<82x128xi32, #tpu.memory_space<vmem>>, vector<16xi32>,
      tpu.vector_store %arg12[%swap3A_168, %swap3A_169], %add3A_167 {strides = array<i32>} : memref<82x128xi32, #tpu.memory_space<vmem>>, vector<16xi32>,
      %iota3A_171 = tpu.iota {dimensions = array<i32: 0>} : vector<16xi32>
      %mul3A_172 = arith.constant 10496 : i32
      %mul3A_173 = arith.muli %add3A, %mul3A_172 : i32
      %mul3A_174 = arith.constant 128 : i32
      %mul3A_175 = arith.muli %scan3A_92, %mul3A_174 : i32
      %add3A_176 = arith.addi %mul3A_173, %mul3A_175 : i32
      %add3A_177 = arith.constant 96 : i32
      %add3A_178 = arith.addi %add3A_176, %add3A_177 : i32
      %add3A_179 = vector.broadcast %add3A_178 : i32 to vector<16xi32>
      %add3A_180 = arith.addi %iota3A_171, %add3A_179 : vector<16xi32>
      %swap3A_181 = arith.index_cast %scan3A_92 : i32 to index
      %swap3A_182 = arith.constant 96 : index
      %swap3A_183 = tpu.vector_load %arg12[%swap3A_181, %swap3A_182] {strides = array<i32>} : memref<82x128xi32, #tpu.memory_space<vmem>>, vector<16xi32>,
      tpu.vector_store %arg12[%swap3A_181, %swap3A_182], %add3A_180 {strides = array<i32>} : memref<82x128xi32, #tpu.memory_space<vmem>>, vector<16xi32>,
      %iota3A_184 = tpu.iota {dimensions = array<i32: 0>} : vector<16xi32>
      %mul3A_185 = arith.constant 10496 : i32
      %mul3A_186 = arith.muli %add3A, %mul3A_185 : i32
      %mul3A_187 = arith.constant 128 : i32
      %mul3A_188 = arith.muli %scan3A_92, %mul3A_187 : i32
      %add3A_189 = arith.addi %mul3A_186, %mul3A_188 : i32
      %add3A_190 = arith.constant 112 : i32
      %add3A_191 = arith.addi %add3A_189, %add3A_190 : i32
      %add3A_192 = vector.broadcast %add3A_191 : i32 to vector<16xi32>
      %add3A_193 = arith.addi %iota3A_184, %add3A_192 : vector<16xi32>
      %swap3A_194 = arith.index_cast %scan3A_92 : i32 to index
      %swap3A_195 = arith.constant 112 : index
      %swap3A_196 = tpu.vector_load %arg12[%swap3A_194, %swap3A_195] {strides = array<i32>} : memref<82x128xi32, #tpu.memory_space<vmem>>, vector<16xi32>,
      tpu.vector_store %arg12[%swap3A_194, %swap3A_195], %add3A_193 {strides = array<i32>} : memref<82x128xi32, #tpu.memory_space<vmem>>, vector<16xi32>,
      %scan3A_197 = arith.constant 0 : i32
      scf.yield %scan3A_197 : i32
    }
    %scan3A_8 = arith.constant 82 : i32
    %scan3A_9 = arith.constant 0 : i32
    %scan3A_10 = arith.constant 0 : i32
    %scan3A_11 = arith.constant 5 : i32
    %scan3A_12 = arith.addi %scan3A_10, %scan3A_11 : i32
    %scan3A_13 = arith.constant 1 : i32
    %scan3A_14 = scf.for %scan3A_92 = %scan3A_10 to %scan3A_12 step %scan3A_13 iter_args(%scan3A_93 = %scan3A_9) -> (i32)  : i32 {
      %mul3A_94 = arith.constant 2048 : i32
      %mul3A_95 = arith.muli %scan3A_92, %mul3A_94 : i32
      %add3A_96 = arith.addi %mul3A_2, %mul3A_95 : i32
      "tpu.region"() ({
        %run_scoped3A = tpu.sem_alloc : memref<!tpu.dma_semaphore, #tpu.memory_space<semaphore_mem>>
        %dma_start3A = tpu.memref_slice %arg2[%add3A_96] : memref<327680xi32, #tpu.memory_space<hbm>> -> memref<2048xi32, #tpu.memory_space<hbm>>
        %dma_start3A_106 = tpu.memref_slice %arg2[%add3A_96] : memref<327680xi32, #tpu.memory_space<hbm>> -> memref<2048xi32, #tpu.memory_space<hbm>>
        tpu.enqueue_dma source(%dma_start3A_106 : memref<2048xi32, #tpu.memory_space<hbm>>) target(%arg9 : memref<2048xi32, #tpu.memory_space<vmem>>) target_semaphore(%run_scoped3A : memref<!tpu.dma_semaphore, #tpu.memory_space<semaphore_mem>>)
        %dma_wait3A = tpu.memref_slice %arg2[%add3A_96] : memref<327680xi32, #tpu.memory_space<hbm>> -> memref<2048xi32, #tpu.memory_space<hbm>>
        %dma_wait3A_107 = tpu.memref_slice %arg2[%add3A_96] : memref<327680xi32, #tpu.memory_space<hbm>> -> memref<2048xi32, #tpu.memory_space<hbm>>
        tpu.wait_dma2 semaphore(%run_scoped3A : memref<!tpu.dma_semaphore, #tpu.memory_space<semaphore_mem>>) src(%dma_wait3A_107 : memref<2048xi32, #tpu.memory_space<hbm>>) dst(%arg9 : memref<2048xi32, #tpu.memory_space<vmem>>)
        tpu.yield
      }) : () -> ()
      %mul3A_97 = arith.constant 2048 : i32
      %mul3A_98 = arith.muli %scan3A_92, %mul3A_97 : i32
      %add3A_99 = arith.addi %mul3A_2, %mul3A_98 : i32
      "tpu.region"() ({
        %run_scoped3A = tpu.sem_alloc : memref<!tpu.dma_semaphore, #tpu.memory_space<semaphore_mem>>
        %dma_start3A = tpu.memref_slice %arg3[%add3A_99] : memref<327680xi32, #tpu.memory_space<hbm>> -> memref<2048xi32, #tpu.memory_space<hbm>>
        %dma_start3A_106 = tpu.memref_slice %arg3[%add3A_99] : memref<327680xi32, #tpu.memory_space<hbm>> -> memref<2048xi32, #tpu.memory_space<hbm>>
        tpu.enqueue_dma source(%dma_start3A_106 : memref<2048xi32, #tpu.memory_space<hbm>>) target(%arg10 : memref<2048xi32, #tpu.memory_space<vmem>>) target_semaphore(%run_scoped3A : memref<!tpu.dma_semaphore, #tpu.memory_space<semaphore_mem>>)
        %dma_wait3A = tpu.memref_slice %arg3[%add3A_99] : memref<327680xi32, #tpu.memory_space<hbm>> -> memref<2048xi32, #tpu.memory_space<hbm>>
        %dma_wait3A_107 = tpu.memref_slice %arg3[%add3A_99] : memref<327680xi32, #tpu.memory_space<hbm>> -> memref<2048xi32, #tpu.memory_space<hbm>>
        tpu.wait_dma2 semaphore(%run_scoped3A : memref<!tpu.dma_semaphore, #tpu.memory_space<semaphore_mem>>) src(%dma_wait3A_107 : memref<2048xi32, #tpu.memory_space<hbm>>) dst(%arg10 : memref<2048xi32, #tpu.memory_space<vmem>>)
        tpu.yield
      }) : () -> ()
      %scan3A_100 = arith.constant 0 : i32
      %scan3A_101 = arith.constant 128 : i32
      %scan3A_102 = arith.addi %scan3A_100, %scan3A_101 : i32
      %scan3A_103 = arith.constant 1 : i32
      %scan3A_104 = scf.for %scan3A_106 = %scan3A_100 to %scan3A_102 step %scan3A_103 iter_args(%scan3A_107 = %scan3A_93) -> (i32)  : i32 {
        %mul3A_108 = arith.constant 16 : i32
        %mul3A_109 = arith.muli %scan3A_106, %mul3A_108 : i32
        %get3A = arith.index_cast %mul3A_109 : i32 to index
        %get3A_110 = tpu.vector_load %arg9[%get3A] {strides = array<i32>} : memref<2048xi32, #tpu.memory_space<vmem>>, vector<16xi32>,
        %mul3A_111 = arith.constant 16 : i32
        %mul3A_112 = arith.muli %scan3A_106, %mul3A_111 : i32
        %get3A_113 = arith.index_cast %mul3A_112 : i32 to index
        %get3A_114 = tpu.vector_load %arg10[%get3A_113] {strides = array<i32>} : memref<2048xi32, #tpu.memory_space<vmem>>, vector<16xi32>,
        %gather3A = tpu.vector_load_idx %arg8[%get3A_110] : memref<10240xf32, #tpu.memory_space<vmem>>[vector<16xi32>], vector<16xf32>,
        %gt3A = arith.constant 0.899999976 : f32
        %gt3A_115 = vector.broadcast %gt3A : f32 to vector<16xf32>
        %gt3A_116 = arith.cmpf ogt, %gather3A, %gt3A_115 : vector<16xf32>
        %mul3A_117 = arith.constant 10240 : i32
        %mul3A_118 = vector.broadcast %mul3A_117 : i32 to vector<16xi32>
        %mul3A_119 = arith.muli %get3A_114, %mul3A_118 : vector<16xi32>
        %add3A_120 = arith.addi %mul3A_119, %get3A_110 : vector<16xi32>
        %swap3A_121 = arith.index_cast %scan3A_107 : i32 to index
        %swap3A_122 = tpu.vector_load %arg11[%swap3A_121] masked %gt3A_116 {strides = array<i32>} : memref<10496xi32, #tpu.memory_space<vmem>>, vector<16xi32>, vector<16xi1>
        tpu.vector_store %arg11[%swap3A_121], %add3A_120 masked %gt3A_116 {strides = array<i32>} : memref<10496xi32, #tpu.memory_space<vmem>>, vector<16xi32>, vector<16xi1>
        %convert_element_type3A = arith.extui %gt3A_116 : vector<16xi1> to vector<16xi32>
        %reduce_sum3A = arith.constant true
        %reduce_sum3A_123 = vector.broadcast %reduce_sum3A : i1 to vector<16xi1>
        %reduce_sum3A_124 = tpu.scan <sum>, %convert_element_type3A masked %reduce_sum3A_123 : vector<16xi32>, vector<16xi1> -> vector<16xi32>
        %reduce_sum3A_125 = vector.extract %reduce_sum3A_124[15] : i32 from vector<16xi32>
        %add3A_126 = arith.addi %scan3A_107, %reduce_sum3A_125 : i32
        scf.yield %add3A_126 : i32
      }
      %scan3A_105 = arith.constant 128 : i32
      scf.yield %scan3A_104 : i32
    }
    %scan3A_15 = arith.constant 5 : i32
    %broadcast_in_dim3A = arith.constant 104857599 : i32
    %broadcast_in_dim3A_16 = vector.broadcast %broadcast_in_dim3A : i32 to vector<16xi32>
    %add3A_17 = arith.constant 0 : i32
    %add3A_18 = arith.addi %scan3A_14, %add3A_17 : i32
    %swap3A = arith.index_cast %add3A_18 : i32 to index
    %swap3A_19 = tpu.vector_load %arg11[%swap3A] {strides = array<i32>} : memref<10496xi32, #tpu.memory_space<vmem>>, vector<16xi32>,
    tpu.vector_store %arg11[%swap3A], %broadcast_in_dim3A_16 {strides = array<i32>} : memref<10496xi32, #tpu.memory_space<vmem>>, vector<16xi32>,
    %add3A_20 = arith.constant 16 : i32
    %add3A_21 = arith.addi %scan3A_14, %add3A_20 : i32
    %swap3A_22 = arith.index_cast %add3A_21 : i32 to index
    %swap3A_23 = tpu.vector_load %arg11[%swap3A_22] {strides = array<i32>} : memref<10496xi32, #tpu.memory_space<vmem>>, vector<16xi32>,
    tpu.vector_store %arg11[%swap3A_22], %broadcast_in_dim3A_16 {strides = array<i32>} : memref<10496xi32, #tpu.memory_space<vmem>>, vector<16xi32>,
    %add3A_24 = arith.constant 32 : i32
    %add3A_25 = arith.addi %scan3A_14, %add3A_24 : i32
    %swap3A_26 = arith.index_cast %add3A_25 : i32 to index
    %swap3A_27 = tpu.vector_load %arg11[%swap3A_26] {strides = array<i32>} : memref<10496xi32, #tpu.memory_space<vmem>>, vector<16xi32>,
    tpu.vector_store %arg11[%swap3A_26], %broadcast_in_dim3A_16 {strides = array<i32>} : memref<10496xi32, #tpu.memory_space<vmem>>, vector<16xi32>,
    %add3A_28 = arith.constant 48 : i32
    %add3A_29 = arith.addi %scan3A_14, %add3A_28 : i32
    %swap3A_30 = arith.index_cast %add3A_29 : i32 to index
    %swap3A_31 = tpu.vector_load %arg11[%swap3A_30] {strides = array<i32>} : memref<10496xi32, #tpu.memory_space<vmem>>, vector<16xi32>,
    tpu.vector_store %arg11[%swap3A_30], %broadcast_in_dim3A_16 {strides = array<i32>} : memref<10496xi32, #tpu.memory_space<vmem>>, vector<16xi32>,
    %add3A_32 = arith.constant 64 : i32
    %add3A_33 = arith.addi %scan3A_14, %add3A_32 : i32
    %swap3A_34 = arith.index_cast %add3A_33 : i32 to index
    %swap3A_35 = tpu.vector_load %arg11[%swap3A_34] {strides = array<i32>} : memref<10496xi32, #tpu.memory_space<vmem>>, vector<16xi32>,
    tpu.vector_store %arg11[%swap3A_34], %broadcast_in_dim3A_16 {strides = array<i32>} : memref<10496xi32, #tpu.memory_space<vmem>>, vector<16xi32>,
    %add3A_36 = arith.constant 80 : i32
    %add3A_37 = arith.addi %scan3A_14, %add3A_36 : i32
    %swap3A_38 = arith.index_cast %add3A_37 : i32 to index
    %swap3A_39 = tpu.vector_load %arg11[%swap3A_38] {strides = array<i32>} : memref<10496xi32, #tpu.memory_space<vmem>>, vector<16xi32>,
    tpu.vector_store %arg11[%swap3A_38], %broadcast_in_dim3A_16 {strides = array<i32>} : memref<10496xi32, #tpu.memory_space<vmem>>, vector<16xi32>,
    %add3A_40 = arith.constant 96 : i32
    %add3A_41 = arith.addi %scan3A_14, %add3A_40 : i32
    %swap3A_42 = arith.index_cast %add3A_41 : i32 to index
    %swap3A_43 = tpu.vector_load %arg11[%swap3A_42] {strides = array<i32>} : memref<10496xi32, #tpu.memory_space<vmem>>, vector<16xi32>,
    tpu.vector_store %arg11[%swap3A_42], %broadcast_in_dim3A_16 {strides = array<i32>} : memref<10496xi32, #tpu.memory_space<vmem>>, vector<16xi32>,
    %add3A_44 = arith.constant 112 : i32
    %add3A_45 = arith.addi %scan3A_14, %add3A_44 : i32
    %swap3A_46 = arith.index_cast %add3A_45 : i32 to index
    %swap3A_47 = tpu.vector_load %arg11[%swap3A_46] {strides = array<i32>} : memref<10496xi32, #tpu.memory_space<vmem>>, vector<16xi32>,
    tpu.vector_store %arg11[%swap3A_46], %broadcast_in_dim3A_16 {strides = array<i32>} : memref<10496xi32, #tpu.memory_space<vmem>>, vector<16xi32>,
    %broadcast_in_dim3A_48 = vector.broadcast %scan3A_14 : i32 to vector<16xi32>
    %swap3A_49 = arith.constant 0 : index
    %swap3A_50 = tpu.vector_load %arg13[%swap3A_49] {strides = array<i32>} : memref<16xi32, #tpu.memory_space<vmem>>, vector<16xi32>,
    tpu.vector_store %arg13[%swap3A_49], %broadcast_in_dim3A_48 {strides = array<i32>} : memref<16xi32, #tpu.memory_space<vmem>>, vector<16xi32>,
    "tpu.region"() ({
      %run_scoped3A = tpu.sem_alloc : memref<!tpu.dma_semaphore, #tpu.memory_space<semaphore_mem>>
      %dma_start3A = arith.constant 0 : i32
      %dma_start3A_92 = tpu.memref_slice %arg7[%add3A, %dma_start3A] : memref<32x16xi32, #tpu.memory_space<hbm>> -> memref<1x16xi32, #tpu.memory_space<hbm>>
      %dma_start3A_93 = tpu.memref_squeeze %dma_start3A_92 : memref<1x16xi32, #tpu.memory_space<hbm>> -> memref<16xi32, #tpu.memory_space<hbm>>
      %dma_start3A_94 = arith.constant 0 : i32
      %dma_start3A_95 = tpu.memref_slice %arg7[%add3A, %dma_start3A_94] : memref<32x16xi32, #tpu.memory_space<hbm>> -> memref<1x16xi32, #tpu.memory_space<hbm>>
      %dma_start3A_96 = tpu.memref_squeeze %dma_start3A_95 : memref<1x16xi32, #tpu.memory_space<hbm>> -> memref<16xi32, #tpu.memory_space<hbm>>
      tpu.enqueue_dma source(%arg13 : memref<16xi32, #tpu.memory_space<vmem>>) target(%dma_start3A_96 : memref<16xi32, #tpu.memory_space<hbm>>) target_semaphore(%run_scoped3A : memref<!tpu.dma_semaphore, #tpu.memory_space<semaphore_mem>>)
      %dma_wait3A = arith.constant 0 : i32
      %dma_wait3A_97 = tpu.memref_slice %arg7[%add3A, %dma_wait3A] : memref<32x16xi32, #tpu.memory_space<hbm>> -> memref<1x16xi32, #tpu.memory_space<hbm>>
      %dma_wait3A_98 = tpu.memref_squeeze %dma_wait3A_97 : memref<1x16xi32, #tpu.memory_space<hbm>> -> memref<16xi32, #tpu.memory_space<hbm>>
      %dma_wait3A_99 = arith.constant 0 : i32
      %dma_wait3A_100 = tpu.memref_slice %arg7[%add3A, %dma_wait3A_99] : memref<32x16xi32, #tpu.memory_space<hbm>> -> memref<1x16xi32, #tpu.memory_space<hbm>>
      %dma_wait3A_101 = tpu.memref_squeeze %dma_wait3A_100 : memref<1x16xi32, #tpu.memory_space<hbm>> -> memref<16xi32, #tpu.memory_space<hbm>>
      tpu.wait_dma2 semaphore(%run_scoped3A : memref<!tpu.dma_semaphore, #tpu.memory_space<semaphore_mem>>) src(%arg13 : memref<16xi32, #tpu.memory_space<vmem>>) dst(%dma_wait3A_101 : memref<16xi32, #tpu.memory_space<hbm>>)
      tpu.yield
    }) : () -> ()
    "tpu.region"() ({
      %run_scoped3A = tpu.sem_alloc : memref<!tpu.dma_semaphore, #tpu.memory_space<semaphore_mem>>
      %dma_start3A = arith.constant 0 : i32
      %dma_start3A_92 = tpu.memref_slice %arg6[%add3A, %dma_start3A] : memref<32x10496xi32, #tpu.memory_space<hbm>> -> memref<1x10496xi32, #tpu.memory_space<hbm>>
      %dma_start3A_93 = tpu.memref_squeeze %dma_start3A_92 : memref<1x10496xi32, #tpu.memory_space<hbm>> -> memref<10496xi32, #tpu.memory_space<hbm>>
      %dma_start3A_94 = arith.constant 0 : i32
      %dma_start3A_95 = tpu.memref_slice %arg6[%add3A, %dma_start3A_94] : memref<32x10496xi32, #tpu.memory_space<hbm>> -> memref<1x10496xi32, #tpu.memory_space<hbm>>
      %dma_start3A_96 = tpu.memref_squeeze %dma_start3A_95 : memref<1x10496xi32, #tpu.memory_space<hbm>> -> memref<10496xi32, #tpu.memory_space<hbm>>
      tpu.enqueue_dma source(%arg11 : memref<10496xi32, #tpu.memory_space<vmem>>) target(%dma_start3A_96 : memref<10496xi32, #tpu.memory_space<hbm>>) target_semaphore(%run_scoped3A : memref<!tpu.dma_semaphore, #tpu.memory_space<semaphore_mem>>)
      %dma_wait3A = arith.constant 0 : i32
      %dma_wait3A_97 = tpu.memref_slice %arg6[%add3A, %dma_wait3A] : memref<32x10496xi32, #tpu.memory_space<hbm>> -> memref<1x10496xi32, #tpu.memory_space<hbm>>
      %dma_wait3A_98 = tpu.memref_squeeze %dma_wait3A_97 : memref<1x10496xi32, #tpu.memory_space<hbm>> -> memref<10496xi32, #tpu.memory_space<hbm>>
      %dma_wait3A_99 = arith.constant 0 : i32
      %dma_wait3A_100 = tpu.memref_slice %arg6[%add3A, %dma_wait3A_99] : memref<32x10496xi32, #tpu.memory_space<hbm>> -> memref<1x10496xi32, #tpu.memory_space<hbm>>
      %dma_wait3A_101 = tpu.memref_squeeze %dma_wait3A_100 : memref<1x10496xi32, #tpu.memory_space<hbm>> -> memref<10496xi32, #tpu.memory_space<hbm>>
      tpu.wait_dma2 semaphore(%run_scoped3A : memref<!tpu.dma_semaphore, #tpu.memory_space<semaphore_mem>>) src(%arg11 : memref<10496xi32, #tpu.memory_space<vmem>>) dst(%dma_wait3A_101 : memref<10496xi32, #tpu.memory_space<hbm>>)
      tpu.yield
    }) : () -> ()
    %add3A_51 = arith.constant 127 : i32
    %add3A_52 = arith.addi %scan3A_14, %add3A_51 : i32
    %jit3A = arith.constant 128 : i32
    %div3A = arith.divsi %add3A_52, %jit3A : i32
    %sign3A = arith.constant 0 : i32
    %sign3A_53 = arith.cmpi sgt, %add3A_52, %sign3A : i32
    %sign3A_54 = arith.extui %sign3A_53 : i1 to i32
    %sign3A_55 = arith.constant 0 : i32
    %sign3A_56 = arith.cmpi slt, %add3A_52, %sign3A_55 : i32
    %sign3A_57 = arith.extui %sign3A_56 : i1 to i32
    %sign3A_58 = arith.subi %sign3A_54, %sign3A_57 : i32
    %sign3A_59 = arith.constant 0 : i32
    %sign3A_60 = arith.cmpi sgt, %jit3A, %sign3A_59 : i32
    %sign3A_61 = arith.extui %sign3A_60 : i1 to i32
    %sign3A_62 = arith.constant 0 : i32
    %sign3A_63 = arith.cmpi slt, %jit3A, %sign3A_62 : i32
    %sign3A_64 = arith.extui %sign3A_63 : i1 to i32
    %sign3A_65 = arith.subi %sign3A_61, %sign3A_64 : i32
    %ne3A = arith.cmpi ne, %sign3A_58, %sign3A_65 : i32
    %rem3A = arith.remsi %add3A_52, %jit3A : i32
    %ne3A_66 = arith.constant 0 : i32
    %ne3A_67 = arith.cmpi ne, %rem3A, %ne3A_66 : i32
    %and3A = arith.andi %ne3A, %ne3A_67 : i1
    %sub3A = arith.constant 1 : i32
    %sub3A_68 = arith.subi %div3A, %sub3A : i32
    %select_n3A = arith.select %and3A, %sub3A_68, %div3A : i32
    %while3A = arith.constant 0 : i32
    %while3A_69 = arith.constant 0 : i32
    %while3A_70 = arith.subi %select_n3A, %while3A : i32
    %while3A_71 = arith.addi %while3A, %while3A_70 : i32
    %while3A_72 = arith.constant 1 : i32
    %while3A_73 = arith.divsi %while3A_70, %while3A_72 : i32
    %while3A_74 = arith.muli %while3A_73, %while3A_72 : i32
    %while3A_75 = arith.addi %while3A, %while3A_74 : i32
    %while3A_76 = arith.constant 1 : i32
    %while3A_77 = scf.for %while3A_92 = %while3A to %while3A_75 step %while3A_76 iter_args(%while3A_93 = %while3A_69) -> (i32)  : i32 {
      %mul3A_94 = arith.constant 128 : i32
      %mul3A_95 = arith.muli %while3A_92, %mul3A_94 : i32
      %dma_start3A = arith.constant 0 : i32
      %dma_start3A_96 = tpu.memref_slice %arg12[%while3A_92, %dma_start3A] : memref<82x128xi32, #tpu.memory_space<vmem>> -> memref<1x128xi32, #tpu.memory_space<vmem>>
      %dma_start3A_97 = tpu.memref_squeeze %dma_start3A_96 : memref<1x128xi32, #tpu.memory_space<vmem>> -> memref<128xi32, #tpu.memory_space<vmem>>
      %dma_start3A_98 = tpu.memref_slice %arg11[%mul3A_95] : memref<10496xi32, #tpu.memory_space<vmem>> -> memref<128xi32, #tpu.memory_space<vmem>>
      %dma_start3A_99 = arith.constant 0 : i32
      %dma_start3A_100 = tpu.memref_slice %arg5[%dma_start3A_99] : memref<104857600xi32, #tpu.memory_space<hbm>> -> memref<104857600xi32, #tpu.memory_space<hbm>>
      tpu.enqueue_indirect_dma source(%dma_start3A_97 : memref<128xi32, #tpu.memory_space<vmem>>) target(%dma_start3A_100 : memref<104857600xi32, #tpu.memory_space<hbm>>) offsets(%dma_start3A_98 : memref<128xi32, #tpu.memory_space<vmem>>) semaphore(%arg14 : memref<!tpu.dma_semaphore, #tpu.memory_space<semaphore_mem>>)
      %while3A_101 = arith.constant 0 : i32
      scf.yield %while3A_101 : i32
    }
    %while3A_78 = arith.constant 1 : i32
    %while3A_79 = scf.for %while3A_92 = %while3A_75 to %while3A_71 step %while3A_78 iter_args(%while3A_93 = %while3A_77) -> (i32)  : i32 {
      %mul3A_94 = arith.constant 128 : i32
      %mul3A_95 = arith.muli %while3A_92, %mul3A_94 : i32
      %dma_start3A = arith.constant 0 : i32
      %dma_start3A_96 = tpu.memref_slice %arg12[%while3A_92, %dma_start3A] : memref<82x128xi32, #tpu.memory_space<vmem>> -> memref<1x128xi32, #tpu.memory_space<vmem>>
      %dma_start3A_97 = tpu.memref_squeeze %dma_start3A_96 : memref<1x128xi32, #tpu.memory_space<vmem>> -> memref<128xi32, #tpu.memory_space<vmem>>
      %dma_start3A_98 = tpu.memref_slice %arg11[%mul3A_95] : memref<10496xi32, #tpu.memory_space<vmem>> -> memref<128xi32, #tpu.memory_space<vmem>>
      %dma_start3A_99 = arith.constant 0 : i32
      %dma_start3A_100 = tpu.memref_slice %arg5[%dma_start3A_99] : memref<104857600xi32, #tpu.memory_space<hbm>> -> memref<104857600xi32, #tpu.memory_space<hbm>>
      tpu.enqueue_indirect_dma source(%dma_start3A_97 : memref<128xi32, #tpu.memory_space<vmem>>) target(%dma_start3A_100 : memref<104857600xi32, #tpu.memory_space<hbm>>) offsets(%dma_start3A_98 : memref<128xi32, #tpu.memory_space<vmem>>) semaphore(%arg14 : memref<!tpu.dma_semaphore, #tpu.memory_space<semaphore_mem>>)
      %while3A_101 = arith.constant 0 : i32
      scf.yield %while3A_101 : i32
    }
    %while3A_80 = arith.constant 0 : i32
    %while3A_81 = arith.constant 0 : i32
    %while3A_82 = arith.subi %select_n3A, %while3A_80 : i32
    %while3A_83 = arith.addi %while3A_80, %while3A_82 : i32
    %while3A_84 = arith.constant 1 : i32
    %while3A_85 = arith.divsi %while3A_82, %while3A_84 : i32
    %while3A_86 = arith.muli %while3A_85, %while3A_84 : i32
    %while3A_87 = arith.addi %while3A_80, %while3A_86 : i32
    %while3A_88 = arith.constant 1 : i32
    %while3A_89 = scf.for %while3A_92 = %while3A_80 to %while3A_87 step %while3A_88 iter_args(%while3A_93 = %while3A_81) -> (i32)  : i32 {
      %mul3A_94 = arith.constant 128 : i32
      %mul3A_95 = arith.muli %while3A_92, %mul3A_94 : i32
      %dma_wait3A = arith.constant 0 : i32
      %dma_wait3A_96 = tpu.memref_slice %arg12[%while3A_92, %dma_wait3A] : memref<82x128xi32, #tpu.memory_space<vmem>> -> memref<1x128xi32, #tpu.memory_space<vmem>>
      %dma_wait3A_97 = tpu.memref_squeeze %dma_wait3A_96 : memref<1x128xi32, #tpu.memory_space<vmem>> -> memref<128xi32, #tpu.memory_space<vmem>>
      %dma_wait3A_98 = tpu.memref_slice %arg11[%mul3A_95] : memref<10496xi32, #tpu.memory_space<vmem>> -> memref<128xi32, #tpu.memory_space<vmem>>
      %dma_wait3A_99 = arith.constant 0 : i32
      %dma_wait3A_100 = tpu.memref_slice %arg5[%dma_wait3A_99] : memref<104857600xi32, #tpu.memory_space<hbm>> -> memref<104857600xi32, #tpu.memory_space<hbm>>
      tpu.wait_indirect_dma semaphore(%arg14 : memref<!tpu.dma_semaphore, #tpu.memory_space<semaphore_mem>>) src(%dma_wait3A_97 : memref<128xi32, #tpu.memory_space<vmem>>) dst(%dma_wait3A_100 : memref<104857600xi32, #tpu.memory_space<hbm>>)
      %while3A_101 = arith.constant 0 : i32
      scf.yield %while3A_101 : i32
    }
    %while3A_90 = arith.constant 1 : i32
    %while3A_91 = scf.for %while3A_92 = %while3A_87 to %while3A_83 step %while3A_90 iter_args(%while3A_93 = %while3A_89) -> (i32)  : i32 {
      %mul3A_94 = arith.constant 128 : i32
      %mul3A_95 = arith.muli %while3A_92, %mul3A_94 : i32
      %dma_wait3A = arith.constant 0 : i32
      %dma_wait3A_96 = tpu.memref_slice %arg12[%while3A_92, %dma_wait3A] : memref<82x128xi32, #tpu.memory_space<vmem>> -> memref<1x128xi32, #tpu.memory_space<vmem>>
      %dma_wait3A_97 = tpu.memref_squeeze %dma_wait3A_96 : memref<1x128xi32, #tpu.memory_space<vmem>> -> memref<128xi32, #tpu.memory_space<vmem>>
      %dma_wait3A_98 = tpu.memref_slice %arg11[%mul3A_95] : memref<10496xi32, #tpu.memory_space<vmem>> -> memref<128xi32, #tpu.memory_space<vmem>>
      %dma_wait3A_99 = arith.constant 0 : i32
      %dma_wait3A_100 = tpu.memref_slice %arg5[%dma_wait3A_99] : memref<104857600xi32, #tpu.memory_space<hbm>> -> memref<104857600xi32, #tpu.memory_space<hbm>>
      tpu.wait_indirect_dma semaphore(%arg14 : memref<!tpu.dma_semaphore, #tpu.memory_space<semaphore_mem>>) src(%dma_wait3A_97 : memref<128xi32, #tpu.memory_space<vmem>>) dst(%dma_wait3A_100 : memref<104857600xi32, #tpu.memory_space<hbm>>)
      %while3A_101 = arith.constant 0 : i32
      scf.yield %while3A_101 : i32
    }
    return
  }
}

#map = affine_map<(d0, d1) -> (0)>
#map1 = affine_map<(d0, d1) -> (0, 0)>
module attributes {stable_mosaic.version = 14 : i64} {
  func.func @_compute_body(%arg0: i32, %arg1: i32, %arg2: memref<104857600xi32, #tpu.memory_space<hbm>>, %arg3: memref<32x10496xi32, #tpu.memory_space<hbm>>, %arg4: memref<32x16xi32, #tpu.memory_space<hbm>>, %arg5: memref<10240x128xf32, #tpu.memory_space<hbm>>, %arg6: memref<10240xi32, #tpu.memory_space<hbm>>, %arg7: memref<10240xi32, #tpu.memory_space<hbm>>, %arg8: memref<32x16xf32, #tpu.memory_space<hbm>>, %arg9: memref<10496xi32, #tpu.memory_space<vmem>>, %arg10: memref<10496xi32, #tpu.memory_space<vmem>>, %arg11: memref<10496xi32, #tpu.memory_space<vmem>>, %arg12: memref<10240xi32, #tpu.memory_space<vmem>>, %arg13: memref<10240xi32, #tpu.memory_space<vmem>>, %arg14: memref<10496xi32, #tpu.memory_space<vmem>>, %arg15: memref<128x128xf32, #tpu.memory_space<vmem>>, %arg16: memref<128x128xf32, #tpu.memory_space<vmem>>, %arg17: memref<128x128xf32, #tpu.memory_space<vmem>>, %arg18: memref<128x128xf32, #tpu.memory_space<vmem>>, %arg19: memref<16xf32, #tpu.memory_space<vmem>>, %arg20: memref<16xf32, #tpu.memory_space<vmem>>, %arg21: memref<16xf32, #tpu.memory_space<vmem>>, %arg22: memref<16xf32, #tpu.memory_space<vmem>>, %arg23: memref<16xi32, #tpu.memory_space<vmem>>, %arg24: memref<!tpu.dma_semaphore, #tpu.memory_space<semaphore_mem>>, %arg25: memref<!tpu.dma_semaphore, #tpu.memory_space<semaphore_mem>>, %arg26: memref<!tpu.dma_semaphore, #tpu.memory_space<semaphore_mem>>) attributes {dimension_semantics = [#tpu.dimension_semantics<core_parallel>, #tpu.dimension_semantics<subcore_parallel>], iteration_bounds = array<i64: 2, 16>, scalar_prefetch = 0 : i64, scratch_operands = 18 : i64, tpu.core_type = #tpu.core_type<sc_vector_subcore>, window_params = [{transform_indices = #map}, {transform_indices = #map1}, {transform_indices = #map1}, {transform_indices = #map1}, {transform_indices = #map}, {transform_indices = #map}, {transform_indices = #map1}]} {
    %mul3A = arith.constant 16 : i32
    %mul3A_0 = arith.muli %arg0, %mul3A : i32
    %add3A = arith.addi %mul3A_0, %arg1 : i32
    "tpu.region"() ({
      %run_scoped3A = tpu.sem_alloc : memref<!tpu.dma_semaphore, #tpu.memory_space<semaphore_mem>>
      %dma_start3A = arith.constant 0 : i32
      %dma_start3A_143 = tpu.memref_slice %arg4[%add3A, %dma_start3A] : memref<32x16xi32, #tpu.memory_space<hbm>> -> memref<1x16xi32, #tpu.memory_space<hbm>>
      %dma_start3A_144 = tpu.memref_squeeze %dma_start3A_143 : memref<1x16xi32, #tpu.memory_space<hbm>> -> memref<16xi32, #tpu.memory_space<hbm>>
      %dma_start3A_145 = arith.constant 0 : i32
      %dma_start3A_146 = tpu.memref_slice %arg4[%add3A, %dma_start3A_145] : memref<32x16xi32, #tpu.memory_space<hbm>> -> memref<1x16xi32, #tpu.memory_space<hbm>>
      %dma_start3A_147 = tpu.memref_squeeze %dma_start3A_146 : memref<1x16xi32, #tpu.memory_space<hbm>> -> memref<16xi32, #tpu.memory_space<hbm>>
      tpu.enqueue_dma source(%dma_start3A_147 : memref<16xi32, #tpu.memory_space<hbm>>) target(%arg23 : memref<16xi32, #tpu.memory_space<vmem>>) target_semaphore(%run_scoped3A : memref<!tpu.dma_semaphore, #tpu.memory_space<semaphore_mem>>)
      %dma_wait3A = arith.constant 0 : i32
      %dma_wait3A_148 = tpu.memref_slice %arg4[%add3A, %dma_wait3A] : memref<32x16xi32, #tpu.memory_space<hbm>> -> memref<1x16xi32, #tpu.memory_space<hbm>>
      %dma_wait3A_149 = tpu.memref_squeeze %dma_wait3A_148 : memref<1x16xi32, #tpu.memory_space<hbm>> -> memref<16xi32, #tpu.memory_space<hbm>>
      %dma_wait3A_150 = arith.constant 0 : i32
      %dma_wait3A_151 = tpu.memref_slice %arg4[%add3A, %dma_wait3A_150] : memref<32x16xi32, #tpu.memory_space<hbm>> -> memref<1x16xi32, #tpu.memory_space<hbm>>
      %dma_wait3A_152 = tpu.memref_squeeze %dma_wait3A_151 : memref<1x16xi32, #tpu.memory_space<hbm>> -> memref<16xi32, #tpu.memory_space<hbm>>
      tpu.wait_dma2 semaphore(%run_scoped3A : memref<!tpu.dma_semaphore, #tpu.memory_space<semaphore_mem>>) src(%dma_wait3A_152 : memref<16xi32, #tpu.memory_space<hbm>>) dst(%arg23 : memref<16xi32, #tpu.memory_space<vmem>>)
      tpu.yield
    }) : () -> ()
    %get3A = arith.constant 0 : index
    %get3A_1 = tpu.vector_load %arg23[%get3A] {strides = array<i32>} : memref<16xi32, #tpu.memory_space<vmem>>, vector<16xi32>,
    %slice3A = vector.extract_strided_slice %get3A_1 {offsets = [0], sizes = [1], strides = [1]} : vector<16xi32> to vector<1xi32>
    %squeeze3A = vector.extract %slice3A[0] : i32 from vector<1xi32>
    "tpu.region"() ({
      %run_scoped3A = tpu.sem_alloc : memref<!tpu.dma_semaphore, #tpu.memory_space<semaphore_mem>>
      %dma_start3A = arith.constant 0 : i32
      %dma_start3A_143 = tpu.memref_slice %arg3[%add3A, %dma_start3A] : memref<32x10496xi32, #tpu.memory_space<hbm>> -> memref<1x10496xi32, #tpu.memory_space<hbm>>
      %dma_start3A_144 = tpu.memref_squeeze %dma_start3A_143 : memref<1x10496xi32, #tpu.memory_space<hbm>> -> memref<10496xi32, #tpu.memory_space<hbm>>
      %dma_start3A_145 = arith.constant 0 : i32
      %dma_start3A_146 = tpu.memref_slice %arg3[%add3A, %dma_start3A_145] : memref<32x10496xi32, #tpu.memory_space<hbm>> -> memref<1x10496xi32, #tpu.memory_space<hbm>>
      %dma_start3A_147 = tpu.memref_squeeze %dma_start3A_146 : memref<1x10496xi32, #tpu.memory_space<hbm>> -> memref<10496xi32, #tpu.memory_space<hbm>>
      tpu.enqueue_dma source(%dma_start3A_147 : memref<10496xi32, #tpu.memory_space<hbm>>) target(%arg9 : memref<10496xi32, #tpu.memory_space<vmem>>) target_semaphore(%run_scoped3A : memref<!tpu.dma_semaphore, #tpu.memory_space<semaphore_mem>>)
      %dma_wait3A = arith.constant 0 : i32
      %dma_wait3A_148 = tpu.memref_slice %arg3[%add3A, %dma_wait3A] : memref<32x10496xi32, #tpu.memory_space<hbm>> -> memref<1x10496xi32, #tpu.memory_space<hbm>>
      %dma_wait3A_149 = tpu.memref_squeeze %dma_wait3A_148 : memref<1x10496xi32, #tpu.memory_space<hbm>> -> memref<10496xi32, #tpu.memory_space<hbm>>
      %dma_wait3A_150 = arith.constant 0 : i32
      %dma_wait3A_151 = tpu.memref_slice %arg3[%add3A, %dma_wait3A_150] : memref<32x10496xi32, #tpu.memory_space<hbm>> -> memref<1x10496xi32, #tpu.memory_space<hbm>>
      %dma_wait3A_152 = tpu.memref_squeeze %dma_wait3A_151 : memref<1x10496xi32, #tpu.memory_space<hbm>> -> memref<10496xi32, #tpu.memory_space<hbm>>
      tpu.wait_dma2 semaphore(%run_scoped3A : memref<!tpu.dma_semaphore, #tpu.memory_space<semaphore_mem>>) src(%dma_wait3A_152 : memref<10496xi32, #tpu.memory_space<hbm>>) dst(%arg9 : memref<10496xi32, #tpu.memory_space<vmem>>)
      tpu.yield
    }) : () -> ()
    "tpu.region"() ({
      %run_scoped3A = tpu.sem_alloc : memref<!tpu.dma_semaphore, #tpu.memory_space<semaphore_mem>>
      tpu.enqueue_dma source(%arg6 : memref<10240xi32, #tpu.memory_space<hbm>>) target(%arg12 : memref<10240xi32, #tpu.memory_space<vmem>>) target_semaphore(%run_scoped3A : memref<!tpu.dma_semaphore, #tpu.memory_space<semaphore_mem>>)
      tpu.wait_dma2 semaphore(%run_scoped3A : memref<!tpu.dma_semaphore, #tpu.memory_space<semaphore_mem>>) src(%arg6 : memref<10240xi32, #tpu.memory_space<hbm>>) dst(%arg12 : memref<10240xi32, #tpu.memory_space<vmem>>)
      tpu.yield
    }) : () -> ()
    "tpu.region"() ({
      %run_scoped3A = tpu.sem_alloc : memref<!tpu.dma_semaphore, #tpu.memory_space<semaphore_mem>>
      tpu.enqueue_dma source(%arg7 : memref<10240xi32, #tpu.memory_space<hbm>>) target(%arg13 : memref<10240xi32, #tpu.memory_space<vmem>>) target_semaphore(%run_scoped3A : memref<!tpu.dma_semaphore, #tpu.memory_space<semaphore_mem>>)
      tpu.wait_dma2 semaphore(%run_scoped3A : memref<!tpu.dma_semaphore, #tpu.memory_space<semaphore_mem>>) src(%arg7 : memref<10240xi32, #tpu.memory_space<hbm>>) dst(%arg13 : memref<10240xi32, #tpu.memory_space<vmem>>)
      tpu.yield
    }) : () -> ()
    %add3A_2 = arith.constant 127 : i32
    %add3A_3 = arith.addi %squeeze3A, %add3A_2 : i32
    %jit3A = arith.constant 128 : i32
    %div3A = arith.divsi %add3A_3, %jit3A : i32
    %sign3A = arith.constant 0 : i32
    %sign3A_4 = arith.cmpi sgt, %add3A_3, %sign3A : i32
    %sign3A_5 = arith.extui %sign3A_4 : i1 to i32
    %sign3A_6 = arith.constant 0 : i32
    %sign3A_7 = arith.cmpi slt, %add3A_3, %sign3A_6 : i32
    %sign3A_8 = arith.extui %sign3A_7 : i1 to i32
    %sign3A_9 = arith.subi %sign3A_5, %sign3A_8 : i32
    %sign3A_10 = arith.constant 0 : i32
    %sign3A_11 = arith.cmpi sgt, %jit3A, %sign3A_10 : i32
    %sign3A_12 = arith.extui %sign3A_11 : i1 to i32
    %sign3A_13 = arith.constant 0 : i32
    %sign3A_14 = arith.cmpi slt, %jit3A, %sign3A_13 : i32
    %sign3A_15 = arith.extui %sign3A_14 : i1 to i32
    %sign3A_16 = arith.subi %sign3A_12, %sign3A_15 : i32
    %ne3A = arith.cmpi ne, %sign3A_9, %sign3A_16 : i32
    %rem3A = arith.remsi %add3A_3, %jit3A : i32
    %ne3A_17 = arith.constant 0 : i32
    %ne3A_18 = arith.cmpi ne, %rem3A, %ne3A_17 : i32
    %and3A = arith.andi %ne3A, %ne3A_18 : i1
    %sub3A = arith.constant 1 : i32
    %sub3A_19 = arith.subi %div3A, %sub3A : i32
    %select_n3A = arith.select %and3A, %sub3A_19, %div3A : i32
    %iota3A = tpu.iota {dimensions = array<i32: 0>} : vector<16xi32>
    %mul3A_20 = arith.constant 8 : i32
    %mul3A_21 = arith.muli %select_n3A, %mul3A_20 : i32
    %while3A = arith.constant 0 : i32
    %while3A_22 = arith.constant 0 : i32
    %while3A_23 = arith.subi %mul3A_21, %while3A : i32
    %while3A_24 = arith.addi %while3A, %while3A_23 : i32
    %while3A_25 = arith.constant 1 : i32
    %while3A_26 = arith.divsi %while3A_23, %while3A_25 : i32
    %while3A_27 = arith.muli %while3A_26, %while3A_25 : i32
    %while3A_28 = arith.addi %while3A, %while3A_27 : i32
    %while3A_29 = arith.constant 1 : i32
    %while3A_30 = scf.for %while3A_143 = %while3A to %while3A_28 step %while3A_29 iter_args(%while3A_144 = %while3A_22) -> (i32)  : i32 {
      %mul3A_145 = arith.constant 16 : i32
      %mul3A_146 = arith.muli %while3A_143, %mul3A_145 : i32
      %get3A_147 = arith.index_cast %mul3A_146 : i32 to index
      %get3A_148 = tpu.vector_load %arg9[%get3A_147] {strides = array<i32>} : memref<10496xi32, #tpu.memory_space<vmem>>, vector<16xi32>,
      %jit3A_149 = arith.constant 10240 : i32
      %div3A_150 = vector.broadcast %jit3A_149 : i32 to vector<16xi32>
      %div3A_151 = arith.divsi %get3A_148, %div3A_150 : vector<16xi32>
      %sign3A_152 = arith.constant 0 : i32
      %sign3A_153 = vector.broadcast %sign3A_152 : i32 to vector<16xi32>
      %sign3A_154 = arith.cmpi sgt, %get3A_148, %sign3A_153 : vector<16xi32>
      %sign3A_155 = arith.extui %sign3A_154 : vector<16xi1> to vector<16xi32>
      %sign3A_156 = arith.constant 0 : i32
      %sign3A_157 = vector.broadcast %sign3A_156 : i32 to vector<16xi32>
      %sign3A_158 = arith.cmpi slt, %get3A_148, %sign3A_157 : vector<16xi32>
      %sign3A_159 = arith.extui %sign3A_158 : vector<16xi1> to vector<16xi32>
      %sign3A_160 = arith.subi %sign3A_155, %sign3A_159 : vector<16xi32>
      %sign3A_161 = arith.constant 0 : i32
      %sign3A_162 = arith.cmpi sgt, %jit3A_149, %sign3A_161 : i32
      %sign3A_163 = arith.extui %sign3A_162 : i1 to i32
      %sign3A_164 = arith.constant 0 : i32
      %sign3A_165 = arith.cmpi slt, %jit3A_149, %sign3A_164 : i32
      %sign3A_166 = arith.extui %sign3A_165 : i1 to i32
      %sign3A_167 = arith.subi %sign3A_163, %sign3A_166 : i32
      %ne3A_168 = vector.broadcast %sign3A_167 : i32 to vector<16xi32>
      %ne3A_169 = arith.cmpi ne, %sign3A_160, %ne3A_168 : vector<16xi32>
      %rem3A_170 = vector.broadcast %jit3A_149 : i32 to vector<16xi32>
      %rem3A_171 = arith.remsi %get3A_148, %rem3A_170 : vector<16xi32>
      %ne3A_172 = arith.constant 0 : i32
      %ne3A_173 = vector.broadcast %ne3A_172 : i32 to vector<16xi32>
      %ne3A_174 = arith.cmpi ne, %rem3A_171, %ne3A_173 : vector<16xi32>
      %and3A_175 = arith.andi %ne3A_169, %ne3A_174 : vector<16xi1>
      %sub3A_176 = arith.constant 1 : i32
      %sub3A_177 = vector.broadcast %sub3A_176 : i32 to vector<16xi32>
      %sub3A_178 = arith.subi %div3A_151, %sub3A_177 : vector<16xi32>
      %select_n3A_179 = arith.select %and3A_175, %sub3A_178, %div3A_151 : vector<16xi1>, vector<16xi32>
      %mul3A_180 = arith.constant 10240 : i32
      %mul3A_181 = vector.broadcast %mul3A_180 : i32 to vector<16xi32>
      %mul3A_182 = arith.muli %select_n3A_179, %mul3A_181 : vector<16xi32>
      %sub3A_183 = arith.subi %get3A_148, %mul3A_182 : vector<16xi32>
      %mul3A_184 = arith.constant 16 : i32
      %mul3A_185 = arith.muli %while3A_143, %mul3A_184 : i32
      %swap3A_186 = arith.index_cast %mul3A_185 : i32 to index
      %swap3A_187 = tpu.vector_load %arg10[%swap3A_186] {strides = array<i32>} : memref<10496xi32, #tpu.memory_space<vmem>>, vector<16xi32>,
      tpu.vector_store %arg10[%swap3A_186], %sub3A_183 {strides = array<i32>} : memref<10496xi32, #tpu.memory_space<vmem>>, vector<16xi32>,
      %mul3A_188 = arith.constant 16 : i32
      %mul3A_189 = arith.muli %while3A_143, %mul3A_188 : i32
      %swap3A_190 = arith.index_cast %mul3A_189 : i32 to index
      %swap3A_191 = tpu.vector_load %arg11[%swap3A_190] {strides = array<i32>} : memref<10496xi32, #tpu.memory_space<vmem>>, vector<16xi32>,
      tpu.vector_store %arg11[%swap3A_190], %select_n3A_179 {strides = array<i32>} : memref<10496xi32, #tpu.memory_space<vmem>>, vector<16xi32>,
      %while3A_192 = arith.constant 0 : i32
      scf.yield %while3A_192 : i32
    }
    %while3A_31 = arith.constant 1 : i32
    %while3A_32 = scf.for %while3A_143 = %while3A_28 to %while3A_24 step %while3A_31 iter_args(%while3A_144 = %while3A_30) -> (i32)  : i32 {
      %mul3A_145 = arith.constant 16 : i32
      %mul3A_146 = arith.muli %while3A_143, %mul3A_145 : i32
      %get3A_147 = arith.index_cast %mul3A_146 : i32 to index
      %get3A_148 = tpu.vector_load %arg9[%get3A_147] {strides = array<i32>} : memref<10496xi32, #tpu.memory_space<vmem>>, vector<16xi32>,
      %jit3A_149 = arith.constant 10240 : i32
      %div3A_150 = vector.broadcast %jit3A_149 : i32 to vector<16xi32>
      %div3A_151 = arith.divsi %get3A_148, %div3A_150 : vector<16xi32>
      %sign3A_152 = arith.constant 0 : i32
      %sign3A_153 = vector.broadcast %sign3A_152 : i32 to vector<16xi32>
      %sign3A_154 = arith.cmpi sgt, %get3A_148, %sign3A_153 : vector<16xi32>
      %sign3A_155 = arith.extui %sign3A_154 : vector<16xi1> to vector<16xi32>
      %sign3A_156 = arith.constant 0 : i32
      %sign3A_157 = vector.broadcast %sign3A_156 : i32 to vector<16xi32>
      %sign3A_158 = arith.cmpi slt, %get3A_148, %sign3A_157 : vector<16xi32>
      %sign3A_159 = arith.extui %sign3A_158 : vector<16xi1> to vector<16xi32>
      %sign3A_160 = arith.subi %sign3A_155, %sign3A_159 : vector<16xi32>
      %sign3A_161 = arith.constant 0 : i32
      %sign3A_162 = arith.cmpi sgt, %jit3A_149, %sign3A_161 : i32
      %sign3A_163 = arith.extui %sign3A_162 : i1 to i32
      %sign3A_164 = arith.constant 0 : i32
      %sign3A_165 = arith.cmpi slt, %jit3A_149, %sign3A_164 : i32
      %sign3A_166 = arith.extui %sign3A_165 : i1 to i32
      %sign3A_167 = arith.subi %sign3A_163, %sign3A_166 : i32
      %ne3A_168 = vector.broadcast %sign3A_167 : i32 to vector<16xi32>
      %ne3A_169 = arith.cmpi ne, %sign3A_160, %ne3A_168 : vector<16xi32>
      %rem3A_170 = vector.broadcast %jit3A_149 : i32 to vector<16xi32>
      %rem3A_171 = arith.remsi %get3A_148, %rem3A_170 : vector<16xi32>
      %ne3A_172 = arith.constant 0 : i32
      %ne3A_173 = vector.broadcast %ne3A_172 : i32 to vector<16xi32>
      %ne3A_174 = arith.cmpi ne, %rem3A_171, %ne3A_173 : vector<16xi32>
      %and3A_175 = arith.andi %ne3A_169, %ne3A_174 : vector<16xi1>
      %sub3A_176 = arith.constant 1 : i32
      %sub3A_177 = vector.broadcast %sub3A_176 : i32 to vector<16xi32>
      %sub3A_178 = arith.subi %div3A_151, %sub3A_177 : vector<16xi32>
      %select_n3A_179 = arith.select %and3A_175, %sub3A_178, %div3A_151 : vector<16xi1>, vector<16xi32>
      %mul3A_180 = arith.constant 10240 : i32
      %mul3A_181 = vector.broadcast %mul3A_180 : i32 to vector<16xi32>
      %mul3A_182 = arith.muli %select_n3A_179, %mul3A_181 : vector<16xi32>
      %sub3A_183 = arith.subi %get3A_148, %mul3A_182 : vector<16xi32>
      %mul3A_184 = arith.constant 16 : i32
      %mul3A_185 = arith.muli %while3A_143, %mul3A_184 : i32
      %swap3A_186 = arith.index_cast %mul3A_185 : i32 to index
      %swap3A_187 = tpu.vector_load %arg10[%swap3A_186] {strides = array<i32>} : memref<10496xi32, #tpu.memory_space<vmem>>, vector<16xi32>,
      tpu.vector_store %arg10[%swap3A_186], %sub3A_183 {strides = array<i32>} : memref<10496xi32, #tpu.memory_space<vmem>>, vector<16xi32>,
      %mul3A_188 = arith.constant 16 : i32
      %mul3A_189 = arith.muli %while3A_143, %mul3A_188 : i32
      %swap3A_190 = arith.index_cast %mul3A_189 : i32 to index
      %swap3A_191 = tpu.vector_load %arg11[%swap3A_190] {strides = array<i32>} : memref<10496xi32, #tpu.memory_space<vmem>>, vector<16xi32>,
      tpu.vector_store %arg11[%swap3A_190], %select_n3A_179 {strides = array<i32>} : memref<10496xi32, #tpu.memory_space<vmem>>, vector<16xi32>,
      %while3A_192 = arith.constant 0 : i32
      scf.yield %while3A_192 : i32
    }
    %broadcast_in_dim3A = arith.constant 0.000000e+00 : f32
    %broadcast_in_dim3A_33 = vector.broadcast %broadcast_in_dim3A : f32 to vector<16xf32>
    %swap3A = arith.constant 0 : index
    %swap3A_34 = tpu.vector_load %arg19[%swap3A] {strides = array<i32>} : memref<16xf32, #tpu.memory_space<vmem>>, vector<16xf32>,
    tpu.vector_store %arg19[%swap3A], %broadcast_in_dim3A_33 {strides = array<i32>} : memref<16xf32, #tpu.memory_space<vmem>>, vector<16xf32>,
    %broadcast_in_dim3A_35 = arith.constant 0.000000e+00 : f32
    %broadcast_in_dim3A_36 = vector.broadcast %broadcast_in_dim3A_35 : f32 to vector<16xf32>
    %swap3A_37 = arith.constant 0 : index
    %swap3A_38 = tpu.vector_load %arg20[%swap3A_37] {strides = array<i32>} : memref<16xf32, #tpu.memory_space<vmem>>, vector<16xf32>,
    tpu.vector_store %arg20[%swap3A_37], %broadcast_in_dim3A_36 {strides = array<i32>} : memref<16xf32, #tpu.memory_space<vmem>>, vector<16xf32>,
    %broadcast_in_dim3A_39 = arith.constant 0.000000e+00 : f32
    %broadcast_in_dim3A_40 = vector.broadcast %broadcast_in_dim3A_39 : f32 to vector<16xf32>
    %swap3A_41 = arith.constant 0 : index
    %swap3A_42 = tpu.vector_load %arg21[%swap3A_41] {strides = array<i32>} : memref<16xf32, #tpu.memory_space<vmem>>, vector<16xf32>,
    tpu.vector_store %arg21[%swap3A_41], %broadcast_in_dim3A_40 {strides = array<i32>} : memref<16xf32, #tpu.memory_space<vmem>>, vector<16xf32>,
    %while3A_43 = arith.constant 0 : i32
    %while3A_44 = arith.constant 0 : i32
    %while3A_45 = arith.subi %select_n3A, %while3A_43 : i32
    %while3A_46 = arith.addi %while3A_43, %while3A_45 : i32
    %while3A_47 = arith.constant 1 : i32
    %while3A_48 = arith.divsi %while3A_45, %while3A_47 : i32
    %while3A_49 = arith.muli %while3A_48, %while3A_47 : i32
    %while3A_50 = arith.addi %while3A_43, %while3A_49 : i32
    %while3A_51 = arith.constant 1 : i32
    %while3A_52 = scf.for %while3A_143 = %while3A_43 to %while3A_50 step %while3A_51 iter_args(%while3A_144 = %while3A_44) -> (i32)  : i32 {
      %mul3A_145 = arith.constant 128 : i32
      %mul3A_146 = arith.muli %while3A_143, %mul3A_145 : i32
      %mul3A_147 = arith.constant 128 : i32
      %mul3A_148 = arith.muli %while3A_143, %mul3A_147 : i32
      %dma_start3A = tpu.memref_slice %arg14[%mul3A_148] : memref<10496xi32, #tpu.memory_space<vmem>> -> memref<128xi32, #tpu.memory_space<vmem>>
      %dma_start3A_149 = tpu.memref_slice %arg9[%mul3A_146] : memref<10496xi32, #tpu.memory_space<vmem>> -> memref<128xi32, #tpu.memory_space<vmem>>
      %dma_start3A_150 = arith.constant 0 : i32
      %dma_start3A_151 = tpu.memref_slice %arg2[%dma_start3A_150] : memref<104857600xi32, #tpu.memory_space<hbm>> -> memref<104857600xi32, #tpu.memory_space<hbm>>
      tpu.enqueue_indirect_dma source(%dma_start3A_151 : memref<104857600xi32, #tpu.memory_space<hbm>>) target(%dma_start3A : memref<128xi32, #tpu.memory_space<vmem>>) offsets(%dma_start3A_149 : memref<128xi32, #tpu.memory_space<vmem>>) semaphore(%arg26 : memref<!tpu.dma_semaphore, #tpu.memory_space<semaphore_mem>>)
      %while3A_152 = arith.constant 0 : i32
      scf.yield %while3A_152 : i32
    }
    %while3A_53 = arith.constant 1 : i32
    %while3A_54 = scf.for %while3A_143 = %while3A_50 to %while3A_46 step %while3A_53 iter_args(%while3A_144 = %while3A_52) -> (i32)  : i32 {
      %mul3A_145 = arith.constant 128 : i32
      %mul3A_146 = arith.muli %while3A_143, %mul3A_145 : i32
      %mul3A_147 = arith.constant 128 : i32
      %mul3A_148 = arith.muli %while3A_143, %mul3A_147 : i32
      %dma_start3A = tpu.memref_slice %arg14[%mul3A_148] : memref<10496xi32, #tpu.memory_space<vmem>> -> memref<128xi32, #tpu.memory_space<vmem>>
      %dma_start3A_149 = tpu.memref_slice %arg9[%mul3A_146] : memref<10496xi32, #tpu.memory_space<vmem>> -> memref<128xi32, #tpu.memory_space<vmem>>
      %dma_start3A_150 = arith.constant 0 : i32
      %dma_start3A_151 = tpu.memref_slice %arg2[%dma_start3A_150] : memref<104857600xi32, #tpu.memory_space<hbm>> -> memref<104857600xi32, #tpu.memory_space<hbm>>
      tpu.enqueue_indirect_dma source(%dma_start3A_151 : memref<104857600xi32, #tpu.memory_space<hbm>>) target(%dma_start3A : memref<128xi32, #tpu.memory_space<vmem>>) offsets(%dma_start3A_149 : memref<128xi32, #tpu.memory_space<vmem>>) semaphore(%arg26 : memref<!tpu.dma_semaphore, #tpu.memory_space<semaphore_mem>>)
      %while3A_152 = arith.constant 0 : i32
      scf.yield %while3A_152 : i32
    }
    %gt3A = arith.constant 0 : i32
    %gt3A_55 = arith.cmpi sgt, %select_n3A, %gt3A : i32
    %convert_element_type3A = arith.extui %gt3A_55 : i1 to i32
    %cond3A = arith.constant 0 : i32
    %cond3A_56 = arith.cmpi ne, %convert_element_type3A, %cond3A : i32
    scf.if %cond3A_56 {
      %dma_start3A = arith.constant 0 : i32
      %dma_start3A_143 = tpu.memref_slice %arg10[%dma_start3A] : memref<10496xi32, #tpu.memory_space<vmem>> -> memref<128xi32, #tpu.memory_space<vmem>>
      %dma_start3A_144 = arith.constant 0 : i32
      %dma_start3A_145 = arith.constant 0 : i32
      %dma_start3A_146 = tpu.memref_slice %arg5[%dma_start3A_144, %dma_start3A_145] : memref<10240x128xf32, #tpu.memory_space<hbm>> -> memref<10240x128xf32, #tpu.memory_space<hbm>>
      tpu.enqueue_indirect_dma source(%dma_start3A_146 : memref<10240x128xf32, #tpu.memory_space<hbm>>) target(%arg15 : memref<128x128xf32, #tpu.memory_space<vmem>>) offsets(%dma_start3A_143 : memref<128xi32, #tpu.memory_space<vmem>>) semaphore(%arg24 : memref<!tpu.dma_semaphore, #tpu.memory_space<semaphore_mem>>)
      %dma_start3A_147 = arith.constant 0 : i32
      %dma_start3A_148 = tpu.memref_slice %arg11[%dma_start3A_147] : memref<10496xi32, #tpu.memory_space<vmem>> -> memref<128xi32, #tpu.memory_space<vmem>>
      %dma_start3A_149 = arith.constant 0 : i32
      %dma_start3A_150 = arith.constant 0 : i32
      %dma_start3A_151 = tpu.memref_slice %arg5[%dma_start3A_149, %dma_start3A_150] : memref<10240x128xf32, #tpu.memory_space<hbm>> -> memref<10240x128xf32, #tpu.memory_space<hbm>>
      tpu.enqueue_indirect_dma source(%dma_start3A_151 : memref<10240x128xf32, #tpu.memory_space<hbm>>) target(%arg16 : memref<128x128xf32, #tpu.memory_space<vmem>>) offsets(%dma_start3A_148 : memref<128xi32, #tpu.memory_space<vmem>>) semaphore(%arg24 : memref<!tpu.dma_semaphore, #tpu.memory_space<semaphore_mem>>)
    } else {
    }
    %while3A_57 = arith.constant 0 : i32
    %while3A_58 = arith.constant 0 : i32
    %while3A_59 = arith.subi %select_n3A, %while3A_57 : i32
    %while3A_60 = arith.addi %while3A_57, %while3A_59 : i32
    %while3A_61 = arith.constant 1 : i32
    %while3A_62 = arith.divsi %while3A_59, %while3A_61 : i32
    %while3A_63 = arith.muli %while3A_62, %while3A_61 : i32
    %while3A_64 = arith.addi %while3A_57, %while3A_63 : i32
    %while3A_65 = arith.constant 1 : i32
    %while3A_66 = scf.for %while3A_143 = %while3A_57 to %while3A_64 step %while3A_65 iter_args(%while3A_144 = %while3A_58) -> (i32)  : i32 {
      %mul3A_145 = arith.constant 128 : i32
      %mul3A_146 = arith.muli %while3A_143, %mul3A_145 : i32
      %mul3A_147 = arith.constant 128 : i32
      %mul3A_148 = arith.muli %while3A_143, %mul3A_147 : i32
      %dma_wait3A = tpu.memref_slice %arg14[%mul3A_148] : memref<10496xi32, #tpu.memory_space<vmem>> -> memref<128xi32, #tpu.memory_space<vmem>>
      %dma_wait3A_149 = tpu.memref_slice %arg9[%mul3A_146] : memref<10496xi32, #tpu.memory_space<vmem>> -> memref<128xi32, #tpu.memory_space<vmem>>
      %dma_wait3A_150 = arith.constant 0 : i32
      %dma_wait3A_151 = tpu.memref_slice %arg2[%dma_wait3A_150] : memref<104857600xi32, #tpu.memory_space<hbm>> -> memref<104857600xi32, #tpu.memory_space<hbm>>
      tpu.wait_indirect_dma semaphore(%arg26 : memref<!tpu.dma_semaphore, #tpu.memory_space<semaphore_mem>>) src(%dma_wait3A_151 : memref<104857600xi32, #tpu.memory_space<hbm>>) dst(%dma_wait3A : memref<128xi32, #tpu.memory_space<vmem>>)
      %while3A_152 = arith.constant 0 : i32
      scf.yield %while3A_152 : i32
    }
    %while3A_67 = arith.constant 1 : i32
    %while3A_68 = scf.for %while3A_143 = %while3A_64 to %while3A_60 step %while3A_67 iter_args(%while3A_144 = %while3A_66) -> (i32)  : i32 {
      %mul3A_145 = arith.constant 128 : i32
      %mul3A_146 = arith.muli %while3A_143, %mul3A_145 : i32
      %mul3A_147 = arith.constant 128 : i32
      %mul3A_148 = arith.muli %while3A_143, %mul3A_147 : i32
      %dma_wait3A = tpu.memref_slice %arg14[%mul3A_148] : memref<10496xi32, #tpu.memory_space<vmem>> -> memref<128xi32, #tpu.memory_space<vmem>>
      %dma_wait3A_149 = tpu.memref_slice %arg9[%mul3A_146] : memref<10496xi32, #tpu.memory_space<vmem>> -> memref<128xi32, #tpu.memory_space<vmem>>
      %dma_wait3A_150 = arith.constant 0 : i32
      %dma_wait3A_151 = tpu.memref_slice %arg2[%dma_wait3A_150] : memref<104857600xi32, #tpu.memory_space<hbm>> -> memref<104857600xi32, #tpu.memory_space<hbm>>
      tpu.wait_indirect_dma semaphore(%arg26 : memref<!tpu.dma_semaphore, #tpu.memory_space<semaphore_mem>>) src(%dma_wait3A_151 : memref<104857600xi32, #tpu.memory_space<hbm>>) dst(%dma_wait3A : memref<128xi32, #tpu.memory_space<vmem>>)
      %while3A_152 = arith.constant 0 : i32
      scf.yield %while3A_152 : i32
    }
    %add3A_69 = arith.constant 1 : i32
    %add3A_70 = arith.addi %select_n3A, %add3A_69 : i32
    %jit3A_71 = arith.constant 2 : i32
    %div3A_72 = arith.divsi %add3A_70, %jit3A_71 : i32
    %sign3A_73 = arith.constant 0 : i32
    %sign3A_74 = arith.cmpi sgt, %add3A_70, %sign3A_73 : i32
    %sign3A_75 = arith.extui %sign3A_74 : i1 to i32
    %sign3A_76 = arith.constant 0 : i32
    %sign3A_77 = arith.cmpi slt, %add3A_70, %sign3A_76 : i32
    %sign3A_78 = arith.extui %sign3A_77 : i1 to i32
    %sign3A_79 = arith.subi %sign3A_75, %sign3A_78 : i32
    %sign3A_80 = arith.constant 0 : i32
    %sign3A_81 = arith.cmpi sgt, %jit3A_71, %sign3A_80 : i32
    %sign3A_82 = arith.extui %sign3A_81 : i1 to i32
    %sign3A_83 = arith.constant 0 : i32
    %sign3A_84 = arith.cmpi slt, %jit3A_71, %sign3A_83 : i32
    %sign3A_85 = arith.extui %sign3A_84 : i1 to i32
    %sign3A_86 = arith.subi %sign3A_82, %sign3A_85 : i32
    %ne3A_87 = arith.cmpi ne, %sign3A_79, %sign3A_86 : i32
    %rem3A_88 = arith.remsi %add3A_70, %jit3A_71 : i32
    %ne3A_89 = arith.constant 0 : i32
    %ne3A_90 = arith.cmpi ne, %rem3A_88, %ne3A_89 : i32
    %and3A_91 = arith.andi %ne3A_87, %ne3A_90 : i1
    %sub3A_92 = arith.constant 1 : i32
    %sub3A_93 = arith.subi %div3A_72, %sub3A_92 : i32
    %select_n3A_94 = arith.select %and3A_91, %sub3A_93, %div3A_72 : i32
    %while3A_95 = arith.constant 0 : i32
    %while3A_96 = arith.constant 0 : i32
    %while3A_97 = arith.subi %select_n3A_94, %while3A_95 : i32
    %while3A_98 = arith.addi %while3A_95, %while3A_97 : i32
    %while3A_99 = arith.constant 1 : i32
    %while3A_100 = arith.divsi %while3A_97, %while3A_99 : i32
    %while3A_101 = arith.muli %while3A_100, %while3A_99 : i32
    %while3A_102 = arith.addi %while3A_95, %while3A_101 : i32
    %while3A_103 = arith.constant 1 : i32
    %while3A_104 = scf.for %while3A_143 = %while3A_95 to %while3A_102 step %while3A_103 iter_args(%while3A_144 = %while3A_96) -> (i32)  : i32 {
      %mul3A_145 = arith.constant 2 : i32
      %mul3A_146 = arith.muli %while3A_143, %mul3A_145 : i32
      %add3A_147 = arith.constant 1 : i32
      %add3A_148 = arith.addi %mul3A_146, %add3A_147 : i32
      %lt3A = arith.cmpi slt, %mul3A_146, %select_n3A : i32
      %convert_element_type3A_149 = arith.extui %lt3A : i1 to i32
      %cond3A_150 = arith.constant 0 : i32
      %cond3A_151 = arith.cmpi ne, %convert_element_type3A_149, %cond3A_150 : i32
      scf.if %cond3A_151 {
        %mul3A_157 = arith.constant 128 : i32
        %mul3A_158 = arith.muli %mul3A_146, %mul3A_157 : i32
        %dma_wait3A = tpu.memref_slice %arg10[%mul3A_158] : memref<10496xi32, #tpu.memory_space<vmem>> -> memref<128xi32, #tpu.memory_space<vmem>>
        %dma_wait3A_159 = arith.constant 0 : i32
        %dma_wait3A_160 = arith.constant 0 : i32
        %dma_wait3A_161 = tpu.memref_slice %arg5[%dma_wait3A_159, %dma_wait3A_160] : memref<10240x128xf32, #tpu.memory_space<hbm>> -> memref<10240x128xf32, #tpu.memory_space<hbm>>
        tpu.wait_indirect_dma semaphore(%arg24 : memref<!tpu.dma_semaphore, #tpu.memory_space<semaphore_mem>>) src(%dma_wait3A_161 : memref<10240x128xf32, #tpu.memory_space<hbm>>) dst(%arg15 : memref<128x128xf32, #tpu.memory_space<vmem>>)
        %mul3A_162 = arith.constant 128 : i32
        %mul3A_163 = arith.muli %mul3A_146, %mul3A_162 : i32
        %dma_wait3A_164 = tpu.memref_slice %arg11[%mul3A_163] : memref<10496xi32, #tpu.memory_space<vmem>> -> memref<128xi32, #tpu.memory_space<vmem>>
        %dma_wait3A_165 = arith.constant 0 : i32
        %dma_wait3A_166 = arith.constant 0 : i32
        %dma_wait3A_167 = tpu.memref_slice %arg5[%dma_wait3A_165, %dma_wait3A_166] : memref<10240x128xf32, #tpu.memory_space<hbm>> -> memref<10240x128xf32, #tpu.memory_space<hbm>>
        tpu.wait_indirect_dma semaphore(%arg24 : memref<!tpu.dma_semaphore, #tpu.memory_space<semaphore_mem>>) src(%dma_wait3A_167 : memref<10240x128xf32, #tpu.memory_space<hbm>>) dst(%arg16 : memref<128x128xf32, #tpu.memory_space<vmem>>)
        %lt3A_168 = arith.cmpi slt, %add3A_148, %select_n3A : i32
        %convert_element_type3A_169 = arith.extui %lt3A_168 : i1 to i32
        %cond3A_170 = arith.constant 0 : i32
        %cond3A_171 = arith.cmpi ne, %convert_element_type3A_169, %cond3A_170 : i32
        scf.if %cond3A_171 {
          %mul3A_183 = arith.constant 128 : i32
          %mul3A_184 = arith.muli %add3A_148, %mul3A_183 : i32
          %dma_start3A = tpu.memref_slice %arg10[%mul3A_184] : memref<10496xi32, #tpu.memory_space<vmem>> -> memref<128xi32, #tpu.memory_space<vmem>>
          %dma_start3A_185 = arith.constant 0 : i32
          %dma_start3A_186 = arith.constant 0 : i32
          %dma_start3A_187 = tpu.memref_slice %arg5[%dma_start3A_185, %dma_start3A_186] : memref<10240x128xf32, #tpu.memory_space<hbm>> -> memref<10240x128xf32, #tpu.memory_space<hbm>>
          tpu.enqueue_indirect_dma source(%dma_start3A_187 : memref<10240x128xf32, #tpu.memory_space<hbm>>) target(%arg17 : memref<128x128xf32, #tpu.memory_space<vmem>>) offsets(%dma_start3A : memref<128xi32, #tpu.memory_space<vmem>>) semaphore(%arg25 : memref<!tpu.dma_semaphore, #tpu.memory_space<semaphore_mem>>)
          %mul3A_188 = arith.constant 128 : i32
          %mul3A_189 = arith.muli %add3A_148, %mul3A_188 : i32
          %dma_start3A_190 = tpu.memref_slice %arg11[%mul3A_189] : memref<10496xi32, #tpu.memory_space<vmem>> -> memref<128xi32, #tpu.memory_space<vmem>>
          %dma_start3A_191 = arith.constant 0 : i32
          %dma_start3A_192 = arith.constant 0 : i32
          %dma_start3A_193 = tpu.memref_slice %arg5[%dma_start3A_191, %dma_start3A_192] : memref<10240x128xf32, #tpu.memory_space<hbm>> -> memref<10240x128xf32, #tpu.memory_space<hbm>>
          tpu.enqueue_indirect_dma source(%dma_start3A_193 : memref<10240x128xf32, #tpu.memory_space<hbm>>) target(%arg18 : memref<128x128xf32, #tpu.memory_space<vmem>>) offsets(%dma_start3A_190 : memref<128xi32, #tpu.memory_space<vmem>>) semaphore(%arg25 : memref<!tpu.dma_semaphore, #tpu.memory_space<semaphore_mem>>)
        } else {
        }
        %mul3A_172 = arith.constant 128 : i32
        %mul3A_173 = arith.muli %mul3A_146, %mul3A_172 : i32
        %mul3A_174 = arith.constant 10496 : i32
        %mul3A_175 = arith.muli %add3A, %mul3A_174 : i32
        %add3A_176 = arith.addi %mul3A_175, %mul3A_173 : i32
        %scan3A = arith.constant 0 : i32
        %scan3A_177 = arith.constant 0 : i32
        %scan3A_178 = arith.constant 8 : i32
        %scan3A_179 = arith.addi %scan3A_177, %scan3A_178 : i32
        %scan3A_180 = arith.constant 1 : i32
        %scan3A_181 = scf.for %scan3A_183 = %scan3A_177 to %scan3A_179 step %scan3A_180 iter_args(%scan3A_184 = %scan3A) -> (i32)  : i32 {
          %mul3A_185 = arith.constant 16 : i32
          %mul3A_186 = arith.muli %scan3A_183, %mul3A_185 : i32
          %add3A_187 = arith.addi %mul3A_173, %mul3A_186 : i32
          %get3A_188 = arith.index_cast %add3A_187 : i32 to index
          %get3A_189 = tpu.vector_load %arg10[%get3A_188] {strides = array<i32>} : memref<10496xi32, #tpu.memory_space<vmem>>, vector<16xi32>,
          %add3A_190 = arith.addi %mul3A_173, %mul3A_186 : i32
          %get3A_191 = arith.index_cast %add3A_190 : i32 to index
          %get3A_192 = tpu.vector_load %arg11[%get3A_191] {strides = array<i32>} : memref<10496xi32, #tpu.memory_space<vmem>>, vector<16xi32>,
          %add3A_193 = arith.addi %mul3A_173, %mul3A_186 : i32
          %get3A_194 = arith.index_cast %add3A_193 : i32 to index
          %get3A_195 = tpu.vector_load %arg14[%get3A_194] {strides = array<i32>} : memref<10496xi32, #tpu.memory_space<vmem>>, vector<16xi32>,
          %add3A_196 = arith.addi %add3A_176, %mul3A_186 : i32
          %add3A_197 = vector.broadcast %add3A_196 : i32 to vector<16xi32>
          %add3A_198 = arith.addi %add3A_197, %iota3A : vector<16xi32>
          %add3A_199 = arith.addi %mul3A_173, %mul3A_186 : i32
          %add3A_200 = vector.broadcast %add3A_199 : i32 to vector<16xi32>
          %add3A_201 = arith.addi %add3A_200, %iota3A : vector<16xi32>
          %lt3A_202 = vector.broadcast %squeeze3A : i32 to vector<16xi32>
          %lt3A_203 = arith.cmpi slt, %add3A_201, %lt3A_202 : vector<16xi32>
          %eq3A_204 = arith.cmpi eq, %get3A_195, %add3A_198 : vector<16xi32>
          %and3A_205 = arith.andi %lt3A_203, %eq3A_204 : vector<16xi1>
          %add3A_206 = vector.broadcast %mul3A_186 : i32 to vector<16xi32>
          %add3A_207 = arith.addi %add3A_206, %iota3A : vector<16xi32>
          %broadcast_in_dim3A_208 = arith.constant 0.000000e+00 : f32
          %broadcast_in_dim3A_209 = vector.broadcast %broadcast_in_dim3A_208 : f32 to vector<16xf32>
          %broadcast_in_dim3A_210 = arith.constant 0.000000e+00 : f32
          %broadcast_in_dim3A_211 = vector.broadcast %broadcast_in_dim3A_210 : f32 to vector<16xf32>
          %broadcast_in_dim3A_212 = arith.constant 0.000000e+00 : f32
          %broadcast_in_dim3A_213 = vector.broadcast %broadcast_in_dim3A_212 : f32 to vector<16xf32>
          %broadcast_in_dim3A_214 = arith.constant 0.000000e+00 : f32
          %broadcast_in_dim3A_215 = vector.broadcast %broadcast_in_dim3A_214 : f32 to vector<16xf32>
          %broadcast_in_dim3A_216 = arith.constant 0 : i32
          %broadcast_in_dim3A_217 = vector.broadcast %broadcast_in_dim3A_216 : i32 to vector<16xi32>
          %gather3A = tpu.vector_load_idx %arg15[%add3A_207, %broadcast_in_dim3A_217] : memref<128x128xf32, #tpu.memory_space<vmem>>[vector<16xi32>, vector<16xi32>], vector<16xf32>,
          %gather3A_218 = tpu.vector_load_idx %arg16[%add3A_207, %broadcast_in_dim3A_217] : memref<128x128xf32, #tpu.memory_space<vmem>>[vector<16xi32>, vector<16xi32>], vector<16xf32>,
          %bitcast3A = vector.bitcast %gather3A : vector<16xf32> to vector<16xi32>
          %add3A_219 = arith.constant 32767 : i32
          %add3A_220 = vector.broadcast %add3A_219 : i32 to vector<16xi32>
          %add3A_221 = arith.addi %bitcast3A, %add3A_220 : vector<16xi32>
          %shift_right_arithmetic3A = arith.constant 16 : i32
          %shift_right_arithmetic3A_222 = vector.broadcast %shift_right_arithmetic3A : i32 to vector<16xi32>
          %shift_right_arithmetic3A_223 = arith.shrsi %bitcast3A, %shift_right_arithmetic3A_222 : vector<16xi32>
          %and3A_224 = arith.constant 1 : i32
          %and3A_225 = vector.broadcast %and3A_224 : i32 to vector<16xi32>
          %and3A_226 = arith.andi %shift_right_arithmetic3A_223, %and3A_225 : vector<16xi32>
          %add3A_227 = arith.addi %add3A_221, %and3A_226 : vector<16xi32>
          %and3A_228 = arith.constant -65536 : i32
          %and3A_229 = vector.broadcast %and3A_228 : i32 to vector<16xi32>
          %and3A_230 = arith.andi %add3A_227, %and3A_229 : vector<16xi32>
          %bitcast3A_231 = vector.bitcast %and3A_230 : vector<16xi32> to vector<16xf32>
          %bitcast3A_232 = vector.bitcast %gather3A_218 : vector<16xf32> to vector<16xi32>
          %add3A_233 = arith.constant 32767 : i32
          %add3A_234 = vector.broadcast %add3A_233 : i32 to vector<16xi32>
          %add3A_235 = arith.addi %bitcast3A_232, %add3A_234 : vector<16xi32>
          %shift_right_arithmetic3A_236 = arith.constant 16 : i32
          %shift_right_arithmetic3A_237 = vector.broadcast %shift_right_arithmetic3A_236 : i32 to vector<16xi32>
          %shift_right_arithmetic3A_238 = arith.shrsi %bitcast3A_232, %shift_right_arithmetic3A_237 : vector<16xi32>
          %and3A_239 = arith.constant 1 : i32
          %and3A_240 = vector.broadcast %and3A_239 : i32 to vector<16xi32>
          %and3A_241 = arith.andi %shift_right_arithmetic3A_238, %and3A_240 : vector<16xi32>
          %add3A_242 = arith.addi %add3A_235, %and3A_241 : vector<16xi32>
          %and3A_243 = arith.constant -65536 : i32
          %and3A_244 = vector.broadcast %and3A_243 : i32 to vector<16xi32>
          %and3A_245 = arith.andi %add3A_242, %and3A_244 : vector<16xi32>
          %bitcast3A_246 = vector.bitcast %and3A_245 : vector<16xi32> to vector<16xf32>
          %mul3A_247 = arith.mulf %bitcast3A_231, %bitcast3A_246 : vector<16xf32>
          %add3A_248 = arith.addf %broadcast_in_dim3A_209, %mul3A_247 : vector<16xf32>
          %mul3A_249 = arith.mulf %gather3A, %gather3A_218 : vector<16xf32>
          %add3A_250 = arith.addf %broadcast_in_dim3A_211, %mul3A_249 : vector<16xf32>
          %mul3A_251 = arith.mulf %gather3A, %gather3A : vector<16xf32>
          %add3A_252 = arith.addf %broadcast_in_dim3A_213, %mul3A_251 : vector<16xf32>
          %mul3A_253 = arith.mulf %gather3A_218, %gather3A_218 : vector<16xf32>
          %add3A_254 = arith.addf %broadcast_in_dim3A_215, %mul3A_253 : vector<16xf32>
          %broadcast_in_dim3A_255 = arith.constant 1 : i32
          %broadcast_in_dim3A_256 = vector.broadcast %broadcast_in_dim3A_255 : i32 to vector<16xi32>
          %gather3A_257 = tpu.vector_load_idx %arg15[%add3A_207, %broadcast_in_dim3A_256] : memref<128x128xf32, #tpu.memory_space<vmem>>[vector<16xi32>, vector<16xi32>], vector<16xf32>,
          %gather3A_258 = tpu.vector_load_idx %arg16[%add3A_207, %broadcast_in_dim3A_256] : memref<128x128xf32, #tpu.memory_space<vmem>>[vector<16xi32>, vector<16xi32>], vector<16xf32>,
          %bitcast3A_259 = vector.bitcast %gather3A_257 : vector<16xf32> to vector<16xi32>
          %add3A_260 = arith.constant 32767 : i32
          %add3A_261 = vector.broadcast %add3A_260 : i32 to vector<16xi32>
          %add3A_262 = arith.addi %bitcast3A_259, %add3A_261 : vector<16xi32>
          %shift_right_arithmetic3A_263 = arith.constant 16 : i32
          %shift_right_arithmetic3A_264 = vector.broadcast %shift_right_arithmetic3A_263 : i32 to vector<16xi32>
          %shift_right_arithmetic3A_265 = arith.shrsi %bitcast3A_259, %shift_right_arithmetic3A_264 : vector<16xi32>
          %and3A_266 = arith.constant 1 : i32
          %and3A_267 = vector.broadcast %and3A_266 : i32 to vector<16xi32>
          %and3A_268 = arith.andi %shift_right_arithmetic3A_265, %and3A_267 : vector<16xi32>
          %add3A_269 = arith.addi %add3A_262, %and3A_268 : vector<16xi32>
          %and3A_270 = arith.constant -65536 : i32
          %and3A_271 = vector.broadcast %and3A_270 : i32 to vector<16xi32>
          %and3A_272 = arith.andi %add3A_269, %and3A_271 : vector<16xi32>
          %bitcast3A_273 = vector.bitcast %and3A_272 : vector<16xi32> to vector<16xf32>
          %bitcast3A_274 = vector.bitcast %gather3A_258 : vector<16xf32> to vector<16xi32>
          %add3A_275 = arith.constant 32767 : i32
          %add3A_276 = vector.broadcast %add3A_275 : i32 to vector<16xi32>
          %add3A_277 = arith.addi %bitcast3A_274, %add3A_276 : vector<16xi32>
          %shift_right_arithmetic3A_278 = arith.constant 16 : i32
          %shift_right_arithmetic3A_279 = vector.broadcast %shift_right_arithmetic3A_278 : i32 to vector<16xi32>
          %shift_right_arithmetic3A_280 = arith.shrsi %bitcast3A_274, %shift_right_arithmetic3A_279 : vector<16xi32>
          %and3A_281 = arith.constant 1 : i32
          %and3A_282 = vector.broadcast %and3A_281 : i32 to vector<16xi32>
          %and3A_283 = arith.andi %shift_right_arithmetic3A_280, %and3A_282 : vector<16xi32>
          %add3A_284 = arith.addi %add3A_277, %and3A_283 : vector<16xi32>
          %and3A_285 = arith.constant -65536 : i32
          %and3A_286 = vector.broadcast %and3A_285 : i32 to vector<16xi32>
          %and3A_287 = arith.andi %add3A_284, %and3A_286 : vector<16xi32>
          %bitcast3A_288 = vector.bitcast %and3A_287 : vector<16xi32> to vector<16xf32>
          %mul3A_289 = arith.mulf %bitcast3A_273, %bitcast3A_288 : vector<16xf32>
          %add3A_290 = arith.addf %add3A_248, %mul3A_289 : vector<16xf32>
          %mul3A_291 = arith.mulf %gather3A_257, %gather3A_258 : vector<16xf32>
          %add3A_292 = arith.addf %add3A_250, %mul3A_291 : vector<16xf32>
          %mul3A_293 = arith.mulf %gather3A_257, %gather3A_257 : vector<16xf32>
          %add3A_294 = arith.addf %add3A_252, %mul3A_293 : vector<16xf32>
          %mul3A_295 = arith.mulf %gather3A_258, %gather3A_258 : vector<16xf32>
          %add3A_296 = arith.addf %add3A_254, %mul3A_295 : vector<16xf32>
          %broadcast_in_dim3A_297 = arith.constant 2 : i32
          %broadcast_in_dim3A_298 = vector.broadcast %broadcast_in_dim3A_297 : i32 to vector<16xi32>
          %gather3A_299 = tpu.vector_load_idx %arg15[%add3A_207, %broadcast_in_dim3A_298] : memref<128x128xf32, #tpu.memory_space<vmem>>[vector<16xi32>, vector<16xi32>], vector<16xf32>,
          %gather3A_300 = tpu.vector_load_idx %arg16[%add3A_207, %broadcast_in_dim3A_298] : memref<128x128xf32, #tpu.memory_space<vmem>>[vector<16xi32>, vector<16xi32>], vector<16xf32>,
          %bitcast3A_301 = vector.bitcast %gather3A_299 : vector<16xf32> to vector<16xi32>
          %add3A_302 = arith.constant 32767 : i32
          %add3A_303 = vector.broadcast %add3A_302 : i32 to vector<16xi32>
          %add3A_304 = arith.addi %bitcast3A_301, %add3A_303 : vector<16xi32>
          %shift_right_arithmetic3A_305 = arith.constant 16 : i32
          %shift_right_arithmetic3A_306 = vector.broadcast %shift_right_arithmetic3A_305 : i32 to vector<16xi32>
          %shift_right_arithmetic3A_307 = arith.shrsi %bitcast3A_301, %shift_right_arithmetic3A_306 : vector<16xi32>
          %and3A_308 = arith.constant 1 : i32
          %and3A_309 = vector.broadcast %and3A_308 : i32 to vector<16xi32>
          %and3A_310 = arith.andi %shift_right_arithmetic3A_307, %and3A_309 : vector<16xi32>
          %add3A_311 = arith.addi %add3A_304, %and3A_310 : vector<16xi32>
          %and3A_312 = arith.constant -65536 : i32
          %and3A_313 = vector.broadcast %and3A_312 : i32 to vector<16xi32>
          %and3A_314 = arith.andi %add3A_311, %and3A_313 : vector<16xi32>
          %bitcast3A_315 = vector.bitcast %and3A_314 : vector<16xi32> to vector<16xf32>
          %bitcast3A_316 = vector.bitcast %gather3A_300 : vector<16xf32> to vector<16xi32>
          %add3A_317 = arith.constant 32767 : i32
          %add3A_318 = vector.broadcast %add3A_317 : i32 to vector<16xi32>
          %add3A_319 = arith.addi %bitcast3A_316, %add3A_318 : vector<16xi32>
          %shift_right_arithmetic3A_320 = arith.constant 16 : i32
          %shift_right_arithmetic3A_321 = vector.broadcast %shift_right_arithmetic3A_320 : i32 to vector<16xi32>
          %shift_right_arithmetic3A_322 = arith.shrsi %bitcast3A_316, %shift_right_arithmetic3A_321 : vector<16xi32>
          %and3A_323 = arith.constant 1 : i32
          %and3A_324 = vector.broadcast %and3A_323 : i32 to vector<16xi32>
          %and3A_325 = arith.andi %shift_right_arithmetic3A_322, %and3A_324 : vector<16xi32>
          %add3A_326 = arith.addi %add3A_319, %and3A_325 : vector<16xi32>
          %and3A_327 = arith.constant -65536 : i32
          %and3A_328 = vector.broadcast %and3A_327 : i32 to vector<16xi32>
          %and3A_329 = arith.andi %add3A_326, %and3A_328 : vector<16xi32>
          %bitcast3A_330 = vector.bitcast %and3A_329 : vector<16xi32> to vector<16xf32>
          %mul3A_331 = arith.mulf %bitcast3A_315, %bitcast3A_330 : vector<16xf32>
          %add3A_332 = arith.addf %add3A_290, %mul3A_331 : vector<16xf32>
          %mul3A_333 = arith.mulf %gather3A_299, %gather3A_300 : vector<16xf32>
          %add3A_334 = arith.addf %add3A_292, %mul3A_333 : vector<16xf32>
          %mul3A_335 = arith.mulf %gather3A_299, %gather3A_299 : vector<16xf32>
          %add3A_336 = arith.addf %add3A_294, %mul3A_335 : vector<16xf32>
          %mul3A_337 = arith.mulf %gather3A_300, %gather3A_300 : vector<16xf32>
          %add3A_338 = arith.addf %add3A_296, %mul3A_337 : vector<16xf32>
          %broadcast_in_dim3A_339 = arith.constant 3 : i32
          %broadcast_in_dim3A_340 = vector.broadcast %broadcast_in_dim3A_339 : i32 to vector<16xi32>
          %gather3A_341 = tpu.vector_load_idx %arg15[%add3A_207, %broadcast_in_dim3A_340] : memref<128x128xf32, #tpu.memory_space<vmem>>[vector<16xi32>, vector<16xi32>], vector<16xf32>,
          %gather3A_342 = tpu.vector_load_idx %arg16[%add3A_207, %broadcast_in_dim3A_340] : memref<128x128xf32, #tpu.memory_space<vmem>>[vector<16xi32>, vector<16xi32>], vector<16xf32>,
          %bitcast3A_343 = vector.bitcast %gather3A_341 : vector<16xf32> to vector<16xi32>
          %add3A_344 = arith.constant 32767 : i32
          %add3A_345 = vector.broadcast %add3A_344 : i32 to vector<16xi32>
          %add3A_346 = arith.addi %bitcast3A_343, %add3A_345 : vector<16xi32>
          %shift_right_arithmetic3A_347 = arith.constant 16 : i32
          %shift_right_arithmetic3A_348 = vector.broadcast %shift_right_arithmetic3A_347 : i32 to vector<16xi32>
          %shift_right_arithmetic3A_349 = arith.shrsi %bitcast3A_343, %shift_right_arithmetic3A_348 : vector<16xi32>
          %and3A_350 = arith.constant 1 : i32
          %and3A_351 = vector.broadcast %and3A_350 : i32 to vector<16xi32>
          %and3A_352 = arith.andi %shift_right_arithmetic3A_349, %and3A_351 : vector<16xi32>
          %add3A_353 = arith.addi %add3A_346, %and3A_352 : vector<16xi32>
          %and3A_354 = arith.constant -65536 : i32
          %and3A_355 = vector.broadcast %and3A_354 : i32 to vector<16xi32>
          %and3A_356 = arith.andi %add3A_353, %and3A_355 : vector<16xi32>
          %bitcast3A_357 = vector.bitcast %and3A_356 : vector<16xi32> to vector<16xf32>
          %bitcast3A_358 = vector.bitcast %gather3A_342 : vector<16xf32> to vector<16xi32>
          %add3A_359 = arith.constant 32767 : i32
          %add3A_360 = vector.broadcast %add3A_359 : i32 to vector<16xi32>
          %add3A_361 = arith.addi %bitcast3A_358, %add3A_360 : vector<16xi32>
          %shift_right_arithmetic3A_362 = arith.constant 16 : i32
          %shift_right_arithmetic3A_363 = vector.broadcast %shift_right_arithmetic3A_362 : i32 to vector<16xi32>
          %shift_right_arithmetic3A_364 = arith.shrsi %bitcast3A_358, %shift_right_arithmetic3A_363 : vector<16xi32>
          %and3A_365 = arith.constant 1 : i32
          %and3A_366 = vector.broadcast %and3A_365 : i32 to vector<16xi32>
          %and3A_367 = arith.andi %shift_right_arithmetic3A_364, %and3A_366 : vector<16xi32>
          %add3A_368 = arith.addi %add3A_361, %and3A_367 : vector<16xi32>
          %and3A_369 = arith.constant -65536 : i32
          %and3A_370 = vector.broadcast %and3A_369 : i32 to vector<16xi32>
          %and3A_371 = arith.andi %add3A_368, %and3A_370 : vector<16xi32>
          %bitcast3A_372 = vector.bitcast %and3A_371 : vector<16xi32> to vector<16xf32>
          %mul3A_373 = arith.mulf %bitcast3A_357, %bitcast3A_372 : vector<16xf32>
          %add3A_374 = arith.addf %add3A_332, %mul3A_373 : vector<16xf32>
          %mul3A_375 = arith.mulf %gather3A_341, %gather3A_342 : vector<16xf32>
          %add3A_376 = arith.addf %add3A_334, %mul3A_375 : vector<16xf32>
          %mul3A_377 = arith.mulf %gather3A_341, %gather3A_341 : vector<16xf32>
          %add3A_378 = arith.addf %add3A_336, %mul3A_377 : vector<16xf32>
          %mul3A_379 = arith.mulf %gather3A_342, %gather3A_342 : vector<16xf32>
          %add3A_380 = arith.addf %add3A_338, %mul3A_379 : vector<16xf32>
          %broadcast_in_dim3A_381 = arith.constant 4 : i32
          %broadcast_in_dim3A_382 = vector.broadcast %broadcast_in_dim3A_381 : i32 to vector<16xi32>
          %gather3A_383 = tpu.vector_load_idx %arg15[%add3A_207, %broadcast_in_dim3A_382] : memref<128x128xf32, #tpu.memory_space<vmem>>[vector<16xi32>, vector<16xi32>], vector<16xf32>,
          %gather3A_384 = tpu.vector_load_idx %arg16[%add3A_207, %broadcast_in_dim3A_382] : memref<128x128xf32, #tpu.memory_space<vmem>>[vector<16xi32>, vector<16xi32>], vector<16xf32>,
          %bitcast3A_385 = vector.bitcast %gather3A_383 : vector<16xf32> to vector<16xi32>
          %add3A_386 = arith.constant 32767 : i32
          %add3A_387 = vector.broadcast %add3A_386 : i32 to vector<16xi32>
          %add3A_388 = arith.addi %bitcast3A_385, %add3A_387 : vector<16xi32>
          %shift_right_arithmetic3A_389 = arith.constant 16 : i32
          %shift_right_arithmetic3A_390 = vector.broadcast %shift_right_arithmetic3A_389 : i32 to vector<16xi32>
          %shift_right_arithmetic3A_391 = arith.shrsi %bitcast3A_385, %shift_right_arithmetic3A_390 : vector<16xi32>
          %and3A_392 = arith.constant 1 : i32
          %and3A_393 = vector.broadcast %and3A_392 : i32 to vector<16xi32>
          %and3A_394 = arith.andi %shift_right_arithmetic3A_391, %and3A_393 : vector<16xi32>
          %add3A_395 = arith.addi %add3A_388, %and3A_394 : vector<16xi32>
          %and3A_396 = arith.constant -65536 : i32
          %and3A_397 = vector.broadcast %and3A_396 : i32 to vector<16xi32>
          %and3A_398 = arith.andi %add3A_395, %and3A_397 : vector<16xi32>
          %bitcast3A_399 = vector.bitcast %and3A_398 : vector<16xi32> to vector<16xf32>
          %bitcast3A_400 = vector.bitcast %gather3A_384 : vector<16xf32> to vector<16xi32>
          %add3A_401 = arith.constant 32767 : i32
          %add3A_402 = vector.broadcast %add3A_401 : i32 to vector<16xi32>
          %add3A_403 = arith.addi %bitcast3A_400, %add3A_402 : vector<16xi32>
          %shift_right_arithmetic3A_404 = arith.constant 16 : i32
          %shift_right_arithmetic3A_405 = vector.broadcast %shift_right_arithmetic3A_404 : i32 to vector<16xi32>
          %shift_right_arithmetic3A_406 = arith.shrsi %bitcast3A_400, %shift_right_arithmetic3A_405 : vector<16xi32>
          %and3A_407 = arith.constant 1 : i32
          %and3A_408 = vector.broadcast %and3A_407 : i32 to vector<16xi32>
          %and3A_409 = arith.andi %shift_right_arithmetic3A_406, %and3A_408 : vector<16xi32>
          %add3A_410 = arith.addi %add3A_403, %and3A_409 : vector<16xi32>
          %and3A_411 = arith.constant -65536 : i32
          %and3A_412 = vector.broadcast %and3A_411 : i32 to vector<16xi32>
          %and3A_413 = arith.andi %add3A_410, %and3A_412 : vector<16xi32>
          %bitcast3A_414 = vector.bitcast %and3A_413 : vector<16xi32> to vector<16xf32>
          %mul3A_415 = arith.mulf %bitcast3A_399, %bitcast3A_414 : vector<16xf32>
          %add3A_416 = arith.addf %add3A_374, %mul3A_415 : vector<16xf32>
          %mul3A_417 = arith.mulf %gather3A_383, %gather3A_384 : vector<16xf32>
          %add3A_418 = arith.addf %add3A_376, %mul3A_417 : vector<16xf32>
          %mul3A_419 = arith.mulf %gather3A_383, %gather3A_383 : vector<16xf32>
          %add3A_420 = arith.addf %add3A_378, %mul3A_419 : vector<16xf32>
          %mul3A_421 = arith.mulf %gather3A_384, %gather3A_384 : vector<16xf32>
          %add3A_422 = arith.addf %add3A_380, %mul3A_421 : vector<16xf32>
          %broadcast_in_dim3A_423 = arith.constant 5 : i32
          %broadcast_in_dim3A_424 = vector.broadcast %broadcast_in_dim3A_423 : i32 to vector<16xi32>
          %gather3A_425 = tpu.vector_load_idx %arg15[%add3A_207, %broadcast_in_dim3A_424] : memref<128x128xf32, #tpu.memory_space<vmem>>[vector<16xi32>, vector<16xi32>], vector<16xf32>,
          %gather3A_426 = tpu.vector_load_idx %arg16[%add3A_207, %broadcast_in_dim3A_424] : memref<128x128xf32, #tpu.memory_space<vmem>>[vector<16xi32>, vector<16xi32>], vector<16xf32>,
          %bitcast3A_427 = vector.bitcast %gather3A_425 : vector<16xf32> to vector<16xi32>
          %add3A_428 = arith.constant 32767 : i32
          %add3A_429 = vector.broadcast %add3A_428 : i32 to vector<16xi32>
          %add3A_430 = arith.addi %bitcast3A_427, %add3A_429 : vector<16xi32>
          %shift_right_arithmetic3A_431 = arith.constant 16 : i32
          %shift_right_arithmetic3A_432 = vector.broadcast %shift_right_arithmetic3A_431 : i32 to vector<16xi32>
          %shift_right_arithmetic3A_433 = arith.shrsi %bitcast3A_427, %shift_right_arithmetic3A_432 : vector<16xi32>
          %and3A_434 = arith.constant 1 : i32
          %and3A_435 = vector.broadcast %and3A_434 : i32 to vector<16xi32>
          %and3A_436 = arith.andi %shift_right_arithmetic3A_433, %and3A_435 : vector<16xi32>
          %add3A_437 = arith.addi %add3A_430, %and3A_436 : vector<16xi32>
          %and3A_438 = arith.constant -65536 : i32
          %and3A_439 = vector.broadcast %and3A_438 : i32 to vector<16xi32>
          %and3A_440 = arith.andi %add3A_437, %and3A_439 : vector<16xi32>
          %bitcast3A_441 = vector.bitcast %and3A_440 : vector<16xi32> to vector<16xf32>
          %bitcast3A_442 = vector.bitcast %gather3A_426 : vector<16xf32> to vector<16xi32>
          %add3A_443 = arith.constant 32767 : i32
          %add3A_444 = vector.broadcast %add3A_443 : i32 to vector<16xi32>
          %add3A_445 = arith.addi %bitcast3A_442, %add3A_444 : vector<16xi32>
          %shift_right_arithmetic3A_446 = arith.constant 16 : i32
          %shift_right_arithmetic3A_447 = vector.broadcast %shift_right_arithmetic3A_446 : i32 to vector<16xi32>
          %shift_right_arithmetic3A_448 = arith.shrsi %bitcast3A_442, %shift_right_arithmetic3A_447 : vector<16xi32>
          %and3A_449 = arith.constant 1 : i32
          %and3A_450 = vector.broadcast %and3A_449 : i32 to vector<16xi32>
          %and3A_451 = arith.andi %shift_right_arithmetic3A_448, %and3A_450 : vector<16xi32>
          %add3A_452 = arith.addi %add3A_445, %and3A_451 : vector<16xi32>
          %and3A_453 = arith.constant -65536 : i32
          %and3A_454 = vector.broadcast %and3A_453 : i32 to vector<16xi32>
          %and3A_455 = arith.andi %add3A_452, %and3A_454 : vector<16xi32>
          %bitcast3A_456 = vector.bitcast %and3A_455 : vector<16xi32> to vector<16xf32>
          %mul3A_457 = arith.mulf %bitcast3A_441, %bitcast3A_456 : vector<16xf32>
          %add3A_458 = arith.addf %add3A_416, %mul3A_457 : vector<16xf32>
          %mul3A_459 = arith.mulf %gather3A_425, %gather3A_426 : vector<16xf32>
          %add3A_460 = arith.addf %add3A_418, %mul3A_459 : vector<16xf32>
          %mul3A_461 = arith.mulf %gather3A_425, %gather3A_425 : vector<16xf32>
          %add3A_462 = arith.addf %add3A_420, %mul3A_461 : vector<16xf32>
          %mul3A_463 = arith.mulf %gather3A_426, %gather3A_426 : vector<16xf32>
          %add3A_464 = arith.addf %add3A_422, %mul3A_463 : vector<16xf32>
          %broadcast_in_dim3A_465 = arith.constant 6 : i32
          %broadcast_in_dim3A_466 = vector.broadcast %broadcast_in_dim3A_465 : i32 to vector<16xi32>
          %gather3A_467 = tpu.vector_load_idx %arg15[%add3A_207, %broadcast_in_dim3A_466] : memref<128x128xf32, #tpu.memory_space<vmem>>[vector<16xi32>, vector<16xi32>], vector<16xf32>,
          %gather3A_468 = tpu.vector_load_idx %arg16[%add3A_207, %broadcast_in_dim3A_466] : memref<128x128xf32, #tpu.memory_space<vmem>>[vector<16xi32>, vector<16xi32>], vector<16xf32>,
          %bitcast3A_469 = vector.bitcast %gather3A_467 : vector<16xf32> to vector<16xi32>
          %add3A_470 = arith.constant 32767 : i32
          %add3A_471 = vector.broadcast %add3A_470 : i32 to vector<16xi32>
          %add3A_472 = arith.addi %bitcast3A_469, %add3A_471 : vector<16xi32>
          %shift_right_arithmetic3A_473 = arith.constant 16 : i32
          %shift_right_arithmetic3A_474 = vector.broadcast %shift_right_arithmetic3A_473 : i32 to vector<16xi32>
          %shift_right_arithmetic3A_475 = arith.shrsi %bitcast3A_469, %shift_right_arithmetic3A_474 : vector<16xi32>
          %and3A_476 = arith.constant 1 : i32
          %and3A_477 = vector.broadcast %and3A_476 : i32 to vector<16xi32>
          %and3A_478 = arith.andi %shift_right_arithmetic3A_475, %and3A_477 : vector<16xi32>
          %add3A_479 = arith.addi %add3A_472, %and3A_478 : vector<16xi32>
          %and3A_480 = arith.constant -65536 : i32
          %and3A_481 = vector.broadcast %and3A_480 : i32 to vector<16xi32>
          %and3A_482 = arith.andi %add3A_479, %and3A_481 : vector<16xi32>
          %bitcast3A_483 = vector.bitcast %and3A_482 : vector<16xi32> to vector<16xf32>
          %bitcast3A_484 = vector.bitcast %gather3A_468 : vector<16xf32> to vector<16xi32>
          %add3A_485 = arith.constant 32767 : i32
          %add3A_486 = vector.broadcast %add3A_485 : i32 to vector<16xi32>
          %add3A_487 = arith.addi %bitcast3A_484, %add3A_486 : vector<16xi32>
          %shift_right_arithmetic3A_488 = arith.constant 16 : i32
          %shift_right_arithmetic3A_489 = vector.broadcast %shift_right_arithmetic3A_488 : i32 to vector<16xi32>
          %shift_right_arithmetic3A_490 = arith.shrsi %bitcast3A_484, %shift_right_arithmetic3A_489 : vector<16xi32>
          %and3A_491 = arith.constant 1 : i32
          %and3A_492 = vector.broadcast %and3A_491 : i32 to vector<16xi32>
          %and3A_493 = arith.andi %shift_right_arithmetic3A_490, %and3A_492 : vector<16xi32>
          %add3A_494 = arith.addi %add3A_487, %and3A_493 : vector<16xi32>
          %and3A_495 = arith.constant -65536 : i32
          %and3A_496 = vector.broadcast %and3A_495 : i32 to vector<16xi32>
          %and3A_497 = arith.andi %add3A_494, %and3A_496 : vector<16xi32>
          %bitcast3A_498 = vector.bitcast %and3A_497 : vector<16xi32> to vector<16xf32>
          %mul3A_499 = arith.mulf %bitcast3A_483, %bitcast3A_498 : vector<16xf32>
          %add3A_500 = arith.addf %add3A_458, %mul3A_499 : vector<16xf32>
          %mul3A_501 = arith.mulf %gather3A_467, %gather3A_468 : vector<16xf32>
          %add3A_502 = arith.addf %add3A_460, %mul3A_501 : vector<16xf32>
          %mul3A_503 = arith.mulf %gather3A_467, %gather3A_467 : vector<16xf32>
          %add3A_504 = arith.addf %add3A_462, %mul3A_503 : vector<16xf32>
          %mul3A_505 = arith.mulf %gather3A_468, %gather3A_468 : vector<16xf32>
          %add3A_506 = arith.addf %add3A_464, %mul3A_505 : vector<16xf32>
          %broadcast_in_dim3A_507 = arith.constant 7 : i32
          %broadcast_in_dim3A_508 = vector.broadcast %broadcast_in_dim3A_507 : i32 to vector<16xi32>
          %gather3A_509 = tpu.vector_load_idx %arg15[%add3A_207, %broadcast_in_dim3A_508] : memref<128x128xf32, #tpu.memory_space<vmem>>[vector<16xi32>, vector<16xi32>], vector<16xf32>,
          %gather3A_510 = tpu.vector_load_idx %arg16[%add3A_207, %broadcast_in_dim3A_508] : memref<128x128xf32, #tpu.memory_space<vmem>>[vector<16xi32>, vector<16xi32>], vector<16xf32>,
          %bitcast3A_511 = vector.bitcast %gather3A_509 : vector<16xf32> to vector<16xi32>
          %add3A_512 = arith.constant 32767 : i32
          %add3A_513 = vector.broadcast %add3A_512 : i32 to vector<16xi32>
          %add3A_514 = arith.addi %bitcast3A_511, %add3A_513 : vector<16xi32>
          %shift_right_arithmetic3A_515 = arith.constant 16 : i32
          %shift_right_arithmetic3A_516 = vector.broadcast %shift_right_arithmetic3A_515 : i32 to vector<16xi32>
          %shift_right_arithmetic3A_517 = arith.shrsi %bitcast3A_511, %shift_right_arithmetic3A_516 : vector<16xi32>
          %and3A_518 = arith.constant 1 : i32
          %and3A_519 = vector.broadcast %and3A_518 : i32 to vector<16xi32>
          %and3A_520 = arith.andi %shift_right_arithmetic3A_517, %and3A_519 : vector<16xi32>
          %add3A_521 = arith.addi %add3A_514, %and3A_520 : vector<16xi32>
          %and3A_522 = arith.constant -65536 : i32
          %and3A_523 = vector.broadcast %and3A_522 : i32 to vector<16xi32>
          %and3A_524 = arith.andi %add3A_521, %and3A_523 : vector<16xi32>
          %bitcast3A_525 = vector.bitcast %and3A_524 : vector<16xi32> to vector<16xf32>
          %bitcast3A_526 = vector.bitcast %gather3A_510 : vector<16xf32> to vector<16xi32>
          %add3A_527 = arith.constant 32767 : i32
          %add3A_528 = vector.broadcast %add3A_527 : i32 to vector<16xi32>
          %add3A_529 = arith.addi %bitcast3A_526, %add3A_528 : vector<16xi32>
          %shift_right_arithmetic3A_530 = arith.constant 16 : i32
          %shift_right_arithmetic3A_531 = vector.broadcast %shift_right_arithmetic3A_530 : i32 to vector<16xi32>
          %shift_right_arithmetic3A_532 = arith.shrsi %bitcast3A_526, %shift_right_arithmetic3A_531 : vector<16xi32>
          %and3A_533 = arith.constant 1 : i32
          %and3A_534 = vector.broadcast %and3A_533 : i32 to vector<16xi32>
          %and3A_535 = arith.andi %shift_right_arithmetic3A_532, %and3A_534 : vector<16xi32>
          %add3A_536 = arith.addi %add3A_529, %and3A_535 : vector<16xi32>
          %and3A_537 = arith.constant -65536 : i32
          %and3A_538 = vector.broadcast %and3A_537 : i32 to vector<16xi32>
          %and3A_539 = arith.andi %add3A_536, %and3A_538 : vector<16xi32>
          %bitcast3A_540 = vector.bitcast %and3A_539 : vector<16xi32> to vector<16xf32>
          %mul3A_541 = arith.mulf %bitcast3A_525, %bitcast3A_540 : vector<16xf32>
          %add3A_542 = arith.addf %add3A_500, %mul3A_541 : vector<16xf32>
          %mul3A_543 = arith.mulf %gather3A_509, %gather3A_510 : vector<16xf32>
          %add3A_544 = arith.addf %add3A_502, %mul3A_543 : vector<16xf32>
          %mul3A_545 = arith.mulf %gather3A_509, %gather3A_509 : vector<16xf32>
          %add3A_546 = arith.addf %add3A_504, %mul3A_545 : vector<16xf32>
          %mul3A_547 = arith.mulf %gather3A_510, %gather3A_510 : vector<16xf32>
          %add3A_548 = arith.addf %add3A_506, %mul3A_547 : vector<16xf32>
          %broadcast_in_dim3A_549 = arith.constant 8 : i32
          %broadcast_in_dim3A_550 = vector.broadcast %broadcast_in_dim3A_549 : i32 to vector<16xi32>
          %gather3A_551 = tpu.vector_load_idx %arg15[%add3A_207, %broadcast_in_dim3A_550] : memref<128x128xf32, #tpu.memory_space<vmem>>[vector<16xi32>, vector<16xi32>], vector<16xf32>,
          %gather3A_552 = tpu.vector_load_idx %arg16[%add3A_207, %broadcast_in_dim3A_550] : memref<128x128xf32, #tpu.memory_space<vmem>>[vector<16xi32>, vector<16xi32>], vector<16xf32>,
          %bitcast3A_553 = vector.bitcast %gather3A_551 : vector<16xf32> to vector<16xi32>
          %add3A_554 = arith.constant 32767 : i32
          %add3A_555 = vector.broadcast %add3A_554 : i32 to vector<16xi32>
          %add3A_556 = arith.addi %bitcast3A_553, %add3A_555 : vector<16xi32>
          %shift_right_arithmetic3A_557 = arith.constant 16 : i32
          %shift_right_arithmetic3A_558 = vector.broadcast %shift_right_arithmetic3A_557 : i32 to vector<16xi32>
          %shift_right_arithmetic3A_559 = arith.shrsi %bitcast3A_553, %shift_right_arithmetic3A_558 : vector<16xi32>
          %and3A_560 = arith.constant 1 : i32
          %and3A_561 = vector.broadcast %and3A_560 : i32 to vector<16xi32>
          %and3A_562 = arith.andi %shift_right_arithmetic3A_559, %and3A_561 : vector<16xi32>
          %add3A_563 = arith.addi %add3A_556, %and3A_562 : vector<16xi32>
          %and3A_564 = arith.constant -65536 : i32
          %and3A_565 = vector.broadcast %and3A_564 : i32 to vector<16xi32>
          %and3A_566 = arith.andi %add3A_563, %and3A_565 : vector<16xi32>
          %bitcast3A_567 = vector.bitcast %and3A_566 : vector<16xi32> to vector<16xf32>
          %bitcast3A_568 = vector.bitcast %gather3A_552 : vector<16xf32> to vector<16xi32>
          %add3A_569 = arith.constant 32767 : i32
          %add3A_570 = vector.broadcast %add3A_569 : i32 to vector<16xi32>
          %add3A_571 = arith.addi %bitcast3A_568, %add3A_570 : vector<16xi32>
          %shift_right_arithmetic3A_572 = arith.constant 16 : i32
          %shift_right_arithmetic3A_573 = vector.broadcast %shift_right_arithmetic3A_572 : i32 to vector<16xi32>
          %shift_right_arithmetic3A_574 = arith.shrsi %bitcast3A_568, %shift_right_arithmetic3A_573 : vector<16xi32>
          %and3A_575 = arith.constant 1 : i32
          %and3A_576 = vector.broadcast %and3A_575 : i32 to vector<16xi32>
          %and3A_577 = arith.andi %shift_right_arithmetic3A_574, %and3A_576 : vector<16xi32>
          %add3A_578 = arith.addi %add3A_571, %and3A_577 : vector<16xi32>
          %and3A_579 = arith.constant -65536 : i32
          %and3A_580 = vector.broadcast %and3A_579 : i32 to vector<16xi32>
          %and3A_581 = arith.andi %add3A_578, %and3A_580 : vector<16xi32>
          %bitcast3A_582 = vector.bitcast %and3A_581 : vector<16xi32> to vector<16xf32>
          %mul3A_583 = arith.mulf %bitcast3A_567, %bitcast3A_582 : vector<16xf32>
          %add3A_584 = arith.addf %add3A_542, %mul3A_583 : vector<16xf32>
          %mul3A_585 = arith.mulf %gather3A_551, %gather3A_552 : vector<16xf32>
          %add3A_586 = arith.addf %add3A_544, %mul3A_585 : vector<16xf32>
          %mul3A_587 = arith.mulf %gather3A_551, %gather3A_551 : vector<16xf32>
          %add3A_588 = arith.addf %add3A_546, %mul3A_587 : vector<16xf32>
          %mul3A_589 = arith.mulf %gather3A_552, %gather3A_552 : vector<16xf32>
          %add3A_590 = arith.addf %add3A_548, %mul3A_589 : vector<16xf32>
          %broadcast_in_dim3A_591 = arith.constant 9 : i32
          %broadcast_in_dim3A_592 = vector.broadcast %broadcast_in_dim3A_591 : i32 to vector<16xi32>
          %gather3A_593 = tpu.vector_load_idx %arg15[%add3A_207, %broadcast_in_dim3A_592] : memref<128x128xf32, #tpu.memory_space<vmem>>[vector<16xi32>, vector<16xi32>], vector<16xf32>,
          %gather3A_594 = tpu.vector_load_idx %arg16[%add3A_207, %broadcast_in_dim3A_592] : memref<128x128xf32, #tpu.memory_space<vmem>>[vector<16xi32>, vector<16xi32>], vector<16xf32>,
          %bitcast3A_595 = vector.bitcast %gather3A_593 : vector<16xf32> to vector<16xi32>
          %add3A_596 = arith.constant 32767 : i32
          %add3A_597 = vector.broadcast %add3A_596 : i32 to vector<16xi32>
          %add3A_598 = arith.addi %bitcast3A_595, %add3A_597 : vector<16xi32>
          %shift_right_arithmetic3A_599 = arith.constant 16 : i32
          %shift_right_arithmetic3A_600 = vector.broadcast %shift_right_arithmetic3A_599 : i32 to vector<16xi32>
          %shift_right_arithmetic3A_601 = arith.shrsi %bitcast3A_595, %shift_right_arithmetic3A_600 : vector<16xi32>
          %and3A_602 = arith.constant 1 : i32
          %and3A_603 = vector.broadcast %and3A_602 : i32 to vector<16xi32>
          %and3A_604 = arith.andi %shift_right_arithmetic3A_601, %and3A_603 : vector<16xi32>
          %add3A_605 = arith.addi %add3A_598, %and3A_604 : vector<16xi32>
          %and3A_606 = arith.constant -65536 : i32
          %and3A_607 = vector.broadcast %and3A_606 : i32 to vector<16xi32>
          %and3A_608 = arith.andi %add3A_605, %and3A_607 : vector<16xi32>
          %bitcast3A_609 = vector.bitcast %and3A_608 : vector<16xi32> to vector<16xf32>
          %bitcast3A_610 = vector.bitcast %gather3A_594 : vector<16xf32> to vector<16xi32>
          %add3A_611 = arith.constant 32767 : i32
          %add3A_612 = vector.broadcast %add3A_611 : i32 to vector<16xi32>
          %add3A_613 = arith.addi %bitcast3A_610, %add3A_612 : vector<16xi32>
          %shift_right_arithmetic3A_614 = arith.constant 16 : i32
          %shift_right_arithmetic3A_615 = vector.broadcast %shift_right_arithmetic3A_614 : i32 to vector<16xi32>
          %shift_right_arithmetic3A_616 = arith.shrsi %bitcast3A_610, %shift_right_arithmetic3A_615 : vector<16xi32>
          %and3A_617 = arith.constant 1 : i32
          %and3A_618 = vector.broadcast %and3A_617 : i32 to vector<16xi32>
          %and3A_619 = arith.andi %shift_right_arithmetic3A_616, %and3A_618 : vector<16xi32>
          %add3A_620 = arith.addi %add3A_613, %and3A_619 : vector<16xi32>
          %and3A_621 = arith.constant -65536 : i32
          %and3A_622 = vector.broadcast %and3A_621 : i32 to vector<16xi32>
          %and3A_623 = arith.andi %add3A_620, %and3A_622 : vector<16xi32>
          %bitcast3A_624 = vector.bitcast %and3A_623 : vector<16xi32> to vector<16xf32>
          %mul3A_625 = arith.mulf %bitcast3A_609, %bitcast3A_624 : vector<16xf32>
          %add3A_626 = arith.addf %add3A_584, %mul3A_625 : vector<16xf32>
          %mul3A_627 = arith.mulf %gather3A_593, %gather3A_594 : vector<16xf32>
          %add3A_628 = arith.addf %add3A_586, %mul3A_627 : vector<16xf32>
          %mul3A_629 = arith.mulf %gather3A_593, %gather3A_593 : vector<16xf32>
          %add3A_630 = arith.addf %add3A_588, %mul3A_629 : vector<16xf32>
          %mul3A_631 = arith.mulf %gather3A_594, %gather3A_594 : vector<16xf32>
          %add3A_632 = arith.addf %add3A_590, %mul3A_631 : vector<16xf32>
          %broadcast_in_dim3A_633 = arith.constant 10 : i32
          %broadcast_in_dim3A_634 = vector.broadcast %broadcast_in_dim3A_633 : i32 to vector<16xi32>
          %gather3A_635 = tpu.vector_load_idx %arg15[%add3A_207, %broadcast_in_dim3A_634] : memref<128x128xf32, #tpu.memory_space<vmem>>[vector<16xi32>, vector<16xi32>], vector<16xf32>,
          %gather3A_636 = tpu.vector_load_idx %arg16[%add3A_207, %broadcast_in_dim3A_634] : memref<128x128xf32, #tpu.memory_space<vmem>>[vector<16xi32>, vector<16xi32>], vector<16xf32>,
          %bitcast3A_637 = vector.bitcast %gather3A_635 : vector<16xf32> to vector<16xi32>
          %add3A_638 = arith.constant 32767 : i32
          %add3A_639 = vector.broadcast %add3A_638 : i32 to vector<16xi32>
          %add3A_640 = arith.addi %bitcast3A_637, %add3A_639 : vector<16xi32>
          %shift_right_arithmetic3A_641 = arith.constant 16 : i32
          %shift_right_arithmetic3A_642 = vector.broadcast %shift_right_arithmetic3A_641 : i32 to vector<16xi32>
          %shift_right_arithmetic3A_643 = arith.shrsi %bitcast3A_637, %shift_right_arithmetic3A_642 : vector<16xi32>
          %and3A_644 = arith.constant 1 : i32
          %and3A_645 = vector.broadcast %and3A_644 : i32 to vector<16xi32>
          %and3A_646 = arith.andi %shift_right_arithmetic3A_643, %and3A_645 : vector<16xi32>
          %add3A_647 = arith.addi %add3A_640, %and3A_646 : vector<16xi32>
          %and3A_648 = arith.constant -65536 : i32
          %and3A_649 = vector.broadcast %and3A_648 : i32 to vector<16xi32>
          %and3A_650 = arith.andi %add3A_647, %and3A_649 : vector<16xi32>
          %bitcast3A_651 = vector.bitcast %and3A_650 : vector<16xi32> to vector<16xf32>
          %bitcast3A_652 = vector.bitcast %gather3A_636 : vector<16xf32> to vector<16xi32>
          %add3A_653 = arith.constant 32767 : i32
          %add3A_654 = vector.broadcast %add3A_653 : i32 to vector<16xi32>
          %add3A_655 = arith.addi %bitcast3A_652, %add3A_654 : vector<16xi32>
          %shift_right_arithmetic3A_656 = arith.constant 16 : i32
          %shift_right_arithmetic3A_657 = vector.broadcast %shift_right_arithmetic3A_656 : i32 to vector<16xi32>
          %shift_right_arithmetic3A_658 = arith.shrsi %bitcast3A_652, %shift_right_arithmetic3A_657 : vector<16xi32>
          %and3A_659 = arith.constant 1 : i32
          %and3A_660 = vector.broadcast %and3A_659 : i32 to vector<16xi32>
          %and3A_661 = arith.andi %shift_right_arithmetic3A_658, %and3A_660 : vector<16xi32>
          %add3A_662 = arith.addi %add3A_655, %and3A_661 : vector<16xi32>
          %and3A_663 = arith.constant -65536 : i32
          %and3A_664 = vector.broadcast %and3A_663 : i32 to vector<16xi32>
          %and3A_665 = arith.andi %add3A_662, %and3A_664 : vector<16xi32>
          %bitcast3A_666 = vector.bitcast %and3A_665 : vector<16xi32> to vector<16xf32>
          %mul3A_667 = arith.mulf %bitcast3A_651, %bitcast3A_666 : vector<16xf32>
          %add3A_668 = arith.addf %add3A_626, %mul3A_667 : vector<16xf32>
          %mul3A_669 = arith.mulf %gather3A_635, %gather3A_636 : vector<16xf32>
          %add3A_670 = arith.addf %add3A_628, %mul3A_669 : vector<16xf32>
          %mul3A_671 = arith.mulf %gather3A_635, %gather3A_635 : vector<16xf32>
          %add3A_672 = arith.addf %add3A_630, %mul3A_671 : vector<16xf32>
          %mul3A_673 = arith.mulf %gather3A_636, %gather3A_636 : vector<16xf32>
          %add3A_674 = arith.addf %add3A_632, %mul3A_673 : vector<16xf32>
          %broadcast_in_dim3A_675 = arith.constant 11 : i32
          %broadcast_in_dim3A_676 = vector.broadcast %broadcast_in_dim3A_675 : i32 to vector<16xi32>
          %gather3A_677 = tpu.vector_load_idx %arg15[%add3A_207, %broadcast_in_dim3A_676] : memref<128x128xf32, #tpu.memory_space<vmem>>[vector<16xi32>, vector<16xi32>], vector<16xf32>,
          %gather3A_678 = tpu.vector_load_idx %arg16[%add3A_207, %broadcast_in_dim3A_676] : memref<128x128xf32, #tpu.memory_space<vmem>>[vector<16xi32>, vector<16xi32>], vector<16xf32>,
          %bitcast3A_679 = vector.bitcast %gather3A_677 : vector<16xf32> to vector<16xi32>
          %add3A_680 = arith.constant 32767 : i32
          %add3A_681 = vector.broadcast %add3A_680 : i32 to vector<16xi32>
          %add3A_682 = arith.addi %bitcast3A_679, %add3A_681 : vector<16xi32>
          %shift_right_arithmetic3A_683 = arith.constant 16 : i32
          %shift_right_arithmetic3A_684 = vector.broadcast %shift_right_arithmetic3A_683 : i32 to vector<16xi32>
          %shift_right_arithmetic3A_685 = arith.shrsi %bitcast3A_679, %shift_right_arithmetic3A_684 : vector<16xi32>
          %and3A_686 = arith.constant 1 : i32
          %and3A_687 = vector.broadcast %and3A_686 : i32 to vector<16xi32>
          %and3A_688 = arith.andi %shift_right_arithmetic3A_685, %and3A_687 : vector<16xi32>
          %add3A_689 = arith.addi %add3A_682, %and3A_688 : vector<16xi32>
          %and3A_690 = arith.constant -65536 : i32
          %and3A_691 = vector.broadcast %and3A_690 : i32 to vector<16xi32>
          %and3A_692 = arith.andi %add3A_689, %and3A_691 : vector<16xi32>
          %bitcast3A_693 = vector.bitcast %and3A_692 : vector<16xi32> to vector<16xf32>
          %bitcast3A_694 = vector.bitcast %gather3A_678 : vector<16xf32> to vector<16xi32>
          %add3A_695 = arith.constant 32767 : i32
          %add3A_696 = vector.broadcast %add3A_695 : i32 to vector<16xi32>
          %add3A_697 = arith.addi %bitcast3A_694, %add3A_696 : vector<16xi32>
          %shift_right_arithmetic3A_698 = arith.constant 16 : i32
          %shift_right_arithmetic3A_699 = vector.broadcast %shift_right_arithmetic3A_698 : i32 to vector<16xi32>
          %shift_right_arithmetic3A_700 = arith.shrsi %bitcast3A_694, %shift_right_arithmetic3A_699 : vector<16xi32>
          %and3A_701 = arith.constant 1 : i32
          %and3A_702 = vector.broadcast %and3A_701 : i32 to vector<16xi32>
          %and3A_703 = arith.andi %shift_right_arithmetic3A_700, %and3A_702 : vector<16xi32>
          %add3A_704 = arith.addi %add3A_697, %and3A_703 : vector<16xi32>
          %and3A_705 = arith.constant -65536 : i32
          %and3A_706 = vector.broadcast %and3A_705 : i32 to vector<16xi32>
          %and3A_707 = arith.andi %add3A_704, %and3A_706 : vector<16xi32>
          %bitcast3A_708 = vector.bitcast %and3A_707 : vector<16xi32> to vector<16xf32>
          %mul3A_709 = arith.mulf %bitcast3A_693, %bitcast3A_708 : vector<16xf32>
          %add3A_710 = arith.addf %add3A_668, %mul3A_709 : vector<16xf32>
          %mul3A_711 = arith.mulf %gather3A_677, %gather3A_678 : vector<16xf32>
          %add3A_712 = arith.addf %add3A_670, %mul3A_711 : vector<16xf32>
          %mul3A_713 = arith.mulf %gather3A_677, %gather3A_677 : vector<16xf32>
          %add3A_714 = arith.addf %add3A_672, %mul3A_713 : vector<16xf32>
          %mul3A_715 = arith.mulf %gather3A_678, %gather3A_678 : vector<16xf32>
          %add3A_716 = arith.addf %add3A_674, %mul3A_715 : vector<16xf32>
          %broadcast_in_dim3A_717 = arith.constant 12 : i32
          %broadcast_in_dim3A_718 = vector.broadcast %broadcast_in_dim3A_717 : i32 to vector<16xi32>
          %gather3A_719 = tpu.vector_load_idx %arg15[%add3A_207, %broadcast_in_dim3A_718] : memref<128x128xf32, #tpu.memory_space<vmem>>[vector<16xi32>, vector<16xi32>], vector<16xf32>,
          %gather3A_720 = tpu.vector_load_idx %arg16[%add3A_207, %broadcast_in_dim3A_718] : memref<128x128xf32, #tpu.memory_space<vmem>>[vector<16xi32>, vector<16xi32>], vector<16xf32>,
          %bitcast3A_721 = vector.bitcast %gather3A_719 : vector<16xf32> to vector<16xi32>
          %add3A_722 = arith.constant 32767 : i32
          %add3A_723 = vector.broadcast %add3A_722 : i32 to vector<16xi32>
          %add3A_724 = arith.addi %bitcast3A_721, %add3A_723 : vector<16xi32>
          %shift_right_arithmetic3A_725 = arith.constant 16 : i32
          %shift_right_arithmetic3A_726 = vector.broadcast %shift_right_arithmetic3A_725 : i32 to vector<16xi32>
          %shift_right_arithmetic3A_727 = arith.shrsi %bitcast3A_721, %shift_right_arithmetic3A_726 : vector<16xi32>
          %and3A_728 = arith.constant 1 : i32
          %and3A_729 = vector.broadcast %and3A_728 : i32 to vector<16xi32>
          %and3A_730 = arith.andi %shift_right_arithmetic3A_727, %and3A_729 : vector<16xi32>
          %add3A_731 = arith.addi %add3A_724, %and3A_730 : vector<16xi32>
          %and3A_732 = arith.constant -65536 : i32
          %and3A_733 = vector.broadcast %and3A_732 : i32 to vector<16xi32>
          %and3A_734 = arith.andi %add3A_731, %and3A_733 : vector<16xi32>
          %bitcast3A_735 = vector.bitcast %and3A_734 : vector<16xi32> to vector<16xf32>
          %bitcast3A_736 = vector.bitcast %gather3A_720 : vector<16xf32> to vector<16xi32>
          %add3A_737 = arith.constant 32767 : i32
          %add3A_738 = vector.broadcast %add3A_737 : i32 to vector<16xi32>
          %add3A_739 = arith.addi %bitcast3A_736, %add3A_738 : vector<16xi32>
          %shift_right_arithmetic3A_740 = arith.constant 16 : i32
          %shift_right_arithmetic3A_741 = vector.broadcast %shift_right_arithmetic3A_740 : i32 to vector<16xi32>
          %shift_right_arithmetic3A_742 = arith.shrsi %bitcast3A_736, %shift_right_arithmetic3A_741 : vector<16xi32>
          %and3A_743 = arith.constant 1 : i32
          %and3A_744 = vector.broadcast %and3A_743 : i32 to vector<16xi32>
          %and3A_745 = arith.andi %shift_right_arithmetic3A_742, %and3A_744 : vector<16xi32>
          %add3A_746 = arith.addi %add3A_739, %and3A_745 : vector<16xi32>
          %and3A_747 = arith.constant -65536 : i32
          %and3A_748 = vector.broadcast %and3A_747 : i32 to vector<16xi32>
          %and3A_749 = arith.andi %add3A_746, %and3A_748 : vector<16xi32>
          %bitcast3A_750 = vector.bitcast %and3A_749 : vector<16xi32> to vector<16xf32>
          %mul3A_751 = arith.mulf %bitcast3A_735, %bitcast3A_750 : vector<16xf32>
          %add3A_752 = arith.addf %add3A_710, %mul3A_751 : vector<16xf32>
          %mul3A_753 = arith.mulf %gather3A_719, %gather3A_720 : vector<16xf32>
          %add3A_754 = arith.addf %add3A_712, %mul3A_753 : vector<16xf32>
          %mul3A_755 = arith.mulf %gather3A_719, %gather3A_719 : vector<16xf32>
          %add3A_756 = arith.addf %add3A_714, %mul3A_755 : vector<16xf32>
          %mul3A_757 = arith.mulf %gather3A_720, %gather3A_720 : vector<16xf32>
          %add3A_758 = arith.addf %add3A_716, %mul3A_757 : vector<16xf32>
          %broadcast_in_dim3A_759 = arith.constant 13 : i32
          %broadcast_in_dim3A_760 = vector.broadcast %broadcast_in_dim3A_759 : i32 to vector<16xi32>
          %gather3A_761 = tpu.vector_load_idx %arg15[%add3A_207, %broadcast_in_dim3A_760] : memref<128x128xf32, #tpu.memory_space<vmem>>[vector<16xi32>, vector<16xi32>], vector<16xf32>,
          %gather3A_762 = tpu.vector_load_idx %arg16[%add3A_207, %broadcast_in_dim3A_760] : memref<128x128xf32, #tpu.memory_space<vmem>>[vector<16xi32>, vector<16xi32>], vector<16xf32>,
          %bitcast3A_763 = vector.bitcast %gather3A_761 : vector<16xf32> to vector<16xi32>
          %add3A_764 = arith.constant 32767 : i32
          %add3A_765 = vector.broadcast %add3A_764 : i32 to vector<16xi32>
          %add3A_766 = arith.addi %bitcast3A_763, %add3A_765 : vector<16xi32>
          %shift_right_arithmetic3A_767 = arith.constant 16 : i32
          %shift_right_arithmetic3A_768 = vector.broadcast %shift_right_arithmetic3A_767 : i32 to vector<16xi32>
          %shift_right_arithmetic3A_769 = arith.shrsi %bitcast3A_763, %shift_right_arithmetic3A_768 : vector<16xi32>
          %and3A_770 = arith.constant 1 : i32
          %and3A_771 = vector.broadcast %and3A_770 : i32 to vector<16xi32>
          %and3A_772 = arith.andi %shift_right_arithmetic3A_769, %and3A_771 : vector<16xi32>
          %add3A_773 = arith.addi %add3A_766, %and3A_772 : vector<16xi32>
          %and3A_774 = arith.constant -65536 : i32
          %and3A_775 = vector.broadcast %and3A_774 : i32 to vector<16xi32>
          %and3A_776 = arith.andi %add3A_773, %and3A_775 : vector<16xi32>
          %bitcast3A_777 = vector.bitcast %and3A_776 : vector<16xi32> to vector<16xf32>
          %bitcast3A_778 = vector.bitcast %gather3A_762 : vector<16xf32> to vector<16xi32>
          %add3A_779 = arith.constant 32767 : i32
          %add3A_780 = vector.broadcast %add3A_779 : i32 to vector<16xi32>
          %add3A_781 = arith.addi %bitcast3A_778, %add3A_780 : vector<16xi32>
          %shift_right_arithmetic3A_782 = arith.constant 16 : i32
          %shift_right_arithmetic3A_783 = vector.broadcast %shift_right_arithmetic3A_782 : i32 to vector<16xi32>
          %shift_right_arithmetic3A_784 = arith.shrsi %bitcast3A_778, %shift_right_arithmetic3A_783 : vector<16xi32>
          %and3A_785 = arith.constant 1 : i32
          %and3A_786 = vector.broadcast %and3A_785 : i32 to vector<16xi32>
          %and3A_787 = arith.andi %shift_right_arithmetic3A_784, %and3A_786 : vector<16xi32>
          %add3A_788 = arith.addi %add3A_781, %and3A_787 : vector<16xi32>
          %and3A_789 = arith.constant -65536 : i32
          %and3A_790 = vector.broadcast %and3A_789 : i32 to vector<16xi32>
          %and3A_791 = arith.andi %add3A_788, %and3A_790 : vector<16xi32>
          %bitcast3A_792 = vector.bitcast %and3A_791 : vector<16xi32> to vector<16xf32>
          %mul3A_793 = arith.mulf %bitcast3A_777, %bitcast3A_792 : vector<16xf32>
          %add3A_794 = arith.addf %add3A_752, %mul3A_793 : vector<16xf32>
          %mul3A_795 = arith.mulf %gather3A_761, %gather3A_762 : vector<16xf32>
          %add3A_796 = arith.addf %add3A_754, %mul3A_795 : vector<16xf32>
          %mul3A_797 = arith.mulf %gather3A_761, %gather3A_761 : vector<16xf32>
          %add3A_798 = arith.addf %add3A_756, %mul3A_797 : vector<16xf32>
          %mul3A_799 = arith.mulf %gather3A_762, %gather3A_762 : vector<16xf32>
          %add3A_800 = arith.addf %add3A_758, %mul3A_799 : vector<16xf32>
          %broadcast_in_dim3A_801 = arith.constant 14 : i32
          %broadcast_in_dim3A_802 = vector.broadcast %broadcast_in_dim3A_801 : i32 to vector<16xi32>
          %gather3A_803 = tpu.vector_load_idx %arg15[%add3A_207, %broadcast_in_dim3A_802] : memref<128x128xf32, #tpu.memory_space<vmem>>[vector<16xi32>, vector<16xi32>], vector<16xf32>,
          %gather3A_804 = tpu.vector_load_idx %arg16[%add3A_207, %broadcast_in_dim3A_802] : memref<128x128xf32, #tpu.memory_space<vmem>>[vector<16xi32>, vector<16xi32>], vector<16xf32>,
          %bitcast3A_805 = vector.bitcast %gather3A_803 : vector<16xf32> to vector<16xi32>
          %add3A_806 = arith.constant 32767 : i32
          %add3A_807 = vector.broadcast %add3A_806 : i32 to vector<16xi32>
          %add3A_808 = arith.addi %bitcast3A_805, %add3A_807 : vector<16xi32>
          %shift_right_arithmetic3A_809 = arith.constant 16 : i32
          %shift_right_arithmetic3A_810 = vector.broadcast %shift_right_arithmetic3A_809 : i32 to vector<16xi32>
          %shift_right_arithmetic3A_811 = arith.shrsi %bitcast3A_805, %shift_right_arithmetic3A_810 : vector<16xi32>
          %and3A_812 = arith.constant 1 : i32
          %and3A_813 = vector.broadcast %and3A_812 : i32 to vector<16xi32>
          %and3A_814 = arith.andi %shift_right_arithmetic3A_811, %and3A_813 : vector<16xi32>
          %add3A_815 = arith.addi %add3A_808, %and3A_814 : vector<16xi32>
          %and3A_816 = arith.constant -65536 : i32
          %and3A_817 = vector.broadcast %and3A_816 : i32 to vector<16xi32>
          %and3A_818 = arith.andi %add3A_815, %and3A_817 : vector<16xi32>
          %bitcast3A_819 = vector.bitcast %and3A_818 : vector<16xi32> to vector<16xf32>
          %bitcast3A_820 = vector.bitcast %gather3A_804 : vector<16xf32> to vector<16xi32>
          %add3A_821 = arith.constant 32767 : i32
          %add3A_822 = vector.broadcast %add3A_821 : i32 to vector<16xi32>
          %add3A_823 = arith.addi %bitcast3A_820, %add3A_822 : vector<16xi32>
          %shift_right_arithmetic3A_824 = arith.constant 16 : i32
          %shift_right_arithmetic3A_825 = vector.broadcast %shift_right_arithmetic3A_824 : i32 to vector<16xi32>
          %shift_right_arithmetic3A_826 = arith.shrsi %bitcast3A_820, %shift_right_arithmetic3A_825 : vector<16xi32>
          %and3A_827 = arith.constant 1 : i32
          %and3A_828 = vector.broadcast %and3A_827 : i32 to vector<16xi32>
          %and3A_829 = arith.andi %shift_right_arithmetic3A_826, %and3A_828 : vector<16xi32>
          %add3A_830 = arith.addi %add3A_823, %and3A_829 : vector<16xi32>
          %and3A_831 = arith.constant -65536 : i32
          %and3A_832 = vector.broadcast %and3A_831 : i32 to vector<16xi32>
          %and3A_833 = arith.andi %add3A_830, %and3A_832 : vector<16xi32>
          %bitcast3A_834 = vector.bitcast %and3A_833 : vector<16xi32> to vector<16xf32>
          %mul3A_835 = arith.mulf %bitcast3A_819, %bitcast3A_834 : vector<16xf32>
          %add3A_836 = arith.addf %add3A_794, %mul3A_835 : vector<16xf32>
          %mul3A_837 = arith.mulf %gather3A_803, %gather3A_804 : vector<16xf32>
          %add3A_838 = arith.addf %add3A_796, %mul3A_837 : vector<16xf32>
          %mul3A_839 = arith.mulf %gather3A_803, %gather3A_803 : vector<16xf32>
          %add3A_840 = arith.addf %add3A_798, %mul3A_839 : vector<16xf32>
          %mul3A_841 = arith.mulf %gather3A_804, %gather3A_804 : vector<16xf32>
          %add3A_842 = arith.addf %add3A_800, %mul3A_841 : vector<16xf32>
          %broadcast_in_dim3A_843 = arith.constant 15 : i32
          %broadcast_in_dim3A_844 = vector.broadcast %broadcast_in_dim3A_843 : i32 to vector<16xi32>
          %gather3A_845 = tpu.vector_load_idx %arg15[%add3A_207, %broadcast_in_dim3A_844] : memref<128x128xf32, #tpu.memory_space<vmem>>[vector<16xi32>, vector<16xi32>], vector<16xf32>,
          %gather3A_846 = tpu.vector_load_idx %arg16[%add3A_207, %broadcast_in_dim3A_844] : memref<128x128xf32, #tpu.memory_space<vmem>>[vector<16xi32>, vector<16xi32>], vector<16xf32>,
          %bitcast3A_847 = vector.bitcast %gather3A_845 : vector<16xf32> to vector<16xi32>
          %add3A_848 = arith.constant 32767 : i32
          %add3A_849 = vector.broadcast %add3A_848 : i32 to vector<16xi32>
          %add3A_850 = arith.addi %bitcast3A_847, %add3A_849 : vector<16xi32>
          %shift_right_arithmetic3A_851 = arith.constant 16 : i32
          %shift_right_arithmetic3A_852 = vector.broadcast %shift_right_arithmetic3A_851 : i32 to vector<16xi32>
          %shift_right_arithmetic3A_853 = arith.shrsi %bitcast3A_847, %shift_right_arithmetic3A_852 : vector<16xi32>
          %and3A_854 = arith.constant 1 : i32
          %and3A_855 = vector.broadcast %and3A_854 : i32 to vector<16xi32>
          %and3A_856 = arith.andi %shift_right_arithmetic3A_853, %and3A_855 : vector<16xi32>
          %add3A_857 = arith.addi %add3A_850, %and3A_856 : vector<16xi32>
          %and3A_858 = arith.constant -65536 : i32
          %and3A_859 = vector.broadcast %and3A_858 : i32 to vector<16xi32>
          %and3A_860 = arith.andi %add3A_857, %and3A_859 : vector<16xi32>
          %bitcast3A_861 = vector.bitcast %and3A_860 : vector<16xi32> to vector<16xf32>
          %bitcast3A_862 = vector.bitcast %gather3A_846 : vector<16xf32> to vector<16xi32>
          %add3A_863 = arith.constant 32767 : i32
          %add3A_864 = vector.broadcast %add3A_863 : i32 to vector<16xi32>
          %add3A_865 = arith.addi %bitcast3A_862, %add3A_864 : vector<16xi32>
          %shift_right_arithmetic3A_866 = arith.constant 16 : i32
          %shift_right_arithmetic3A_867 = vector.broadcast %shift_right_arithmetic3A_866 : i32 to vector<16xi32>
          %shift_right_arithmetic3A_868 = arith.shrsi %bitcast3A_862, %shift_right_arithmetic3A_867 : vector<16xi32>
          %and3A_869 = arith.constant 1 : i32
          %and3A_870 = vector.broadcast %and3A_869 : i32 to vector<16xi32>
          %and3A_871 = arith.andi %shift_right_arithmetic3A_868, %and3A_870 : vector<16xi32>
          %add3A_872 = arith.addi %add3A_865, %and3A_871 : vector<16xi32>
          %and3A_873 = arith.constant -65536 : i32
          %and3A_874 = vector.broadcast %and3A_873 : i32 to vector<16xi32>
          %and3A_875 = arith.andi %add3A_872, %and3A_874 : vector<16xi32>
          %bitcast3A_876 = vector.bitcast %and3A_875 : vector<16xi32> to vector<16xf32>
          %mul3A_877 = arith.mulf %bitcast3A_861, %bitcast3A_876 : vector<16xf32>
          %add3A_878 = arith.addf %add3A_836, %mul3A_877 : vector<16xf32>
          %mul3A_879 = arith.mulf %gather3A_845, %gather3A_846 : vector<16xf32>
          %add3A_880 = arith.addf %add3A_838, %mul3A_879 : vector<16xf32>
          %mul3A_881 = arith.mulf %gather3A_845, %gather3A_845 : vector<16xf32>
          %add3A_882 = arith.addf %add3A_840, %mul3A_881 : vector<16xf32>
          %mul3A_883 = arith.mulf %gather3A_846, %gather3A_846 : vector<16xf32>
          %add3A_884 = arith.addf %add3A_842, %mul3A_883 : vector<16xf32>
          %add3A_885 = arith.addf %add3A_882, %add3A_884 : vector<16xf32>
          %mul3A_886 = arith.constant 2.000000e+00 : f32
          %mul3A_887 = vector.broadcast %mul3A_886 : f32 to vector<16xf32>
          %mul3A_888 = arith.mulf %mul3A_887, %add3A_878 : vector<16xf32>
          %sub3A_889 = arith.subf %add3A_885, %mul3A_888 : vector<16xf32>
          %max3A = arith.constant 0.000000e+00 : f32
          %max3A_890 = vector.broadcast %max3A : f32 to vector<16xf32>
          %max3A_891 = arith.maximumf %sub3A_889, %max3A_890 : vector<16xf32>
          %add3A_892 = arith.addf %add3A_882, %add3A_884 : vector<16xf32>
          %mul3A_893 = arith.constant 2.000000e+00 : f32
          %mul3A_894 = vector.broadcast %mul3A_893 : f32 to vector<16xf32>
          %mul3A_895 = arith.mulf %mul3A_894, %add3A_880 : vector<16xf32>
          %sub3A_896 = arith.subf %add3A_892, %mul3A_895 : vector<16xf32>
          %max3A_897 = arith.constant 0.000000e+00 : f32
          %max3A_898 = vector.broadcast %max3A_897 : f32 to vector<16xf32>
          %max3A_899 = arith.maximumf %sub3A_896, %max3A_898 : vector<16xf32>
          %bitcast3A_900 = vector.bitcast %max3A_899 : vector<16xf32> to vector<16xi32>
          %shift_right_arithmetic3A_901 = arith.constant 1 : i32
          %shift_right_arithmetic3A_902 = vector.broadcast %shift_right_arithmetic3A_901 : i32 to vector<16xi32>
          %shift_right_arithmetic3A_903 = arith.shrsi %bitcast3A_900, %shift_right_arithmetic3A_902 : vector<16xi32>
          %sub3A_904 = arith.constant 1597463007 : i32
          %sub3A_905 = vector.broadcast %sub3A_904 : i32 to vector<16xi32>
          %sub3A_906 = arith.subi %sub3A_905, %shift_right_arithmetic3A_903 : vector<16xi32>
          %bitcast3A_907 = vector.bitcast %sub3A_906 : vector<16xi32> to vector<16xf32>
          %mul3A_908 = arith.constant 5.000000e-01 : f32
          %mul3A_909 = vector.broadcast %mul3A_908 : f32 to vector<16xf32>
          %mul3A_910 = arith.mulf %mul3A_909, %max3A_899 : vector<16xf32>
          %mul3A_911 = arith.mulf %mul3A_910, %bitcast3A_907 : vector<16xf32>
          %mul3A_912 = arith.mulf %mul3A_911, %bitcast3A_907 : vector<16xf32>
          %sub3A_913 = arith.constant 1.500000e+00 : f32
          %sub3A_914 = vector.broadcast %sub3A_913 : f32 to vector<16xf32>
          %sub3A_915 = arith.subf %sub3A_914, %mul3A_912 : vector<16xf32>
          %mul3A_916 = arith.mulf %bitcast3A_907, %sub3A_915 : vector<16xf32>
          %mul3A_917 = arith.mulf %mul3A_910, %mul3A_916 : vector<16xf32>
          %mul3A_918 = arith.mulf %mul3A_917, %mul3A_916 : vector<16xf32>
          %sub3A_919 = arith.constant 1.500000e+00 : f32
          %sub3A_920 = vector.broadcast %sub3A_919 : f32 to vector<16xf32>
          %sub3A_921 = arith.subf %sub3A_920, %mul3A_918 : vector<16xf32>
          %mul3A_922 = arith.mulf %mul3A_916, %sub3A_921 : vector<16xf32>
          %mul3A_923 = arith.mulf %mul3A_910, %mul3A_922 : vector<16xf32>
          %mul3A_924 = arith.mulf %mul3A_923, %mul3A_922 : vector<16xf32>
          %sub3A_925 = arith.constant 1.500000e+00 : f32
          %sub3A_926 = vector.broadcast %sub3A_925 : f32 to vector<16xf32>
          %sub3A_927 = arith.subf %sub3A_926, %mul3A_924 : vector<16xf32>
          %mul3A_928 = arith.mulf %mul3A_922, %sub3A_927 : vector<16xf32>
          %gt3A_929 = arith.constant 0.000000e+00 : f32
          %gt3A_930 = vector.broadcast %gt3A_929 : f32 to vector<16xf32>
          %gt3A_931 = arith.cmpf ogt, %max3A_899, %gt3A_930 : vector<16xf32>
          %mul3A_932 = arith.mulf %max3A_899, %mul3A_928 : vector<16xf32>
          %jit3A_933 = arith.constant 0.000000e+00 : f32
          %broadcast_in_dim3A_934 = vector.broadcast %jit3A_933 : f32 to vector<16xf32>
          %select_n3A_935 = arith.select %gt3A_931, %mul3A_932, %broadcast_in_dim3A_934 : vector<16xi1>, vector<16xf32>
          %gather3A_936 = tpu.vector_load_idx %arg13[%get3A_189] : memref<10240xi32, #tpu.memory_space<vmem>>[vector<16xi32>], vector<16xi32>,
          %gather3A_937 = tpu.vector_load_idx %arg13[%get3A_192] : memref<10240xi32, #tpu.memory_space<vmem>>[vector<16xi32>], vector<16xi32>,
          %gather3A_938 = tpu.vector_load_idx %arg12[%get3A_189] : memref<10240xi32, #tpu.memory_space<vmem>>[vector<16xi32>], vector<16xi32>,
          %gather3A_939 = tpu.vector_load_idx %arg12[%get3A_192] : memref<10240xi32, #tpu.memory_space<vmem>>[vector<16xi32>], vector<16xi32>,
          %eq3A_940 = arith.cmpi eq, %gather3A_936, %gather3A_937 : vector<16xi32>
          %le3A = arith.constant 1.000000e+00 : f32
          %le3A_941 = vector.broadcast %le3A : f32 to vector<16xf32>
          %le3A_942 = arith.cmpf ole, %max3A_891, %le3A_941 : vector<16xf32>
          %and3A_943 = arith.andi %eq3A_940, %le3A_942 : vector<16xi1>
          %ne3A_944 = arith.cmpi ne, %get3A_189, %get3A_192 : vector<16xi32>
          %and3A_945 = arith.andi %and3A_943, %ne3A_944 : vector<16xi1>
          %eq3A_946 = arith.cmpi eq, %gather3A_938, %gather3A_939 : vector<16xi32>
          %gt3A_947 = arith.constant 0 : i32
          %gt3A_948 = vector.broadcast %gt3A_947 : i32 to vector<16xi32>
          %gt3A_949 = arith.cmpi sgt, %gather3A_938, %gt3A_948 : vector<16xi32>
          %and3A_950 = arith.andi %eq3A_946, %gt3A_949 : vector<16xi1>
          %not3A = arith.constant dense<true> : vector<16xi1>
          %not3A_951 = arith.xori %and3A_945, %not3A : vector<16xi1>
          %and3A_952 = arith.andi %and3A_205, %not3A_951 : vector<16xi1>
          %and3A_953 = arith.andi %and3A_952, %and3A_950 : vector<16xi1>
          %not3A_954 = arith.constant dense<true> : vector<16xi1>
          %not3A_955 = arith.xori %and3A_950, %not3A_954 : vector<16xi1>
          %and3A_956 = arith.andi %and3A_952, %not3A_955 : vector<16xi1>
          %get3A_957 = arith.constant 0 : index
          %get3A_958 = tpu.vector_load %arg19[%get3A_957] {strides = array<i32>} : memref<16xf32, #tpu.memory_space<vmem>>, vector<16xf32>,
          %jit3A_959 = arith.constant 0.000000e+00 : f32
          %broadcast_in_dim3A_960 = vector.broadcast %jit3A_959 : f32 to vector<16xf32>
          %select_n3A_961 = arith.select %and3A_953, %select_n3A_935, %broadcast_in_dim3A_960 : vector<16xi1>, vector<16xf32>
          %add3A_962 = arith.addf %get3A_958, %select_n3A_961 : vector<16xf32>
          %swap3A_963 = arith.constant 0 : index
          %swap3A_964 = tpu.vector_load %arg19[%swap3A_963] {strides = array<i32>} : memref<16xf32, #tpu.memory_space<vmem>>, vector<16xf32>,
          tpu.vector_store %arg19[%swap3A_963], %add3A_962 {strides = array<i32>} : memref<16xf32, #tpu.memory_space<vmem>>, vector<16xf32>,
          %get3A_965 = arith.constant 0 : index
          %get3A_966 = tpu.vector_load %arg20[%get3A_965] {strides = array<i32>} : memref<16xf32, #tpu.memory_space<vmem>>, vector<16xf32>,
          %jit3A_967 = arith.constant 1.000000e+00 : f32
          %jit3A_968 = arith.constant 0.000000e+00 : f32
          %broadcast_in_dim3A_969 = vector.broadcast %jit3A_967 : f32 to vector<16xf32>
          %broadcast_in_dim3A_970 = vector.broadcast %jit3A_968 : f32 to vector<16xf32>
          %select_n3A_971 = arith.select %and3A_953, %broadcast_in_dim3A_969, %broadcast_in_dim3A_970 : vector<16xi1>, vector<16xf32>
          %add3A_972 = arith.addf %get3A_966, %select_n3A_971 : vector<16xf32>
          %swap3A_973 = arith.constant 0 : index
          %swap3A_974 = tpu.vector_load %arg20[%swap3A_973] {strides = array<i32>} : memref<16xf32, #tpu.memory_space<vmem>>, vector<16xf32>,
          tpu.vector_store %arg20[%swap3A_973], %add3A_972 {strides = array<i32>} : memref<16xf32, #tpu.memory_space<vmem>>, vector<16xf32>,
          %get3A_975 = arith.constant 0 : index
          %get3A_976 = tpu.vector_load %arg21[%get3A_975] {strides = array<i32>} : memref<16xf32, #tpu.memory_space<vmem>>, vector<16xf32>,
          %sub3A_977 = arith.constant 1.000000e+00 : f32
          %sub3A_978 = vector.broadcast %sub3A_977 : f32 to vector<16xf32>
          %sub3A_979 = arith.subf %sub3A_978, %select_n3A_935 : vector<16xf32>
          %max3A_980 = arith.constant 0.000000e+00 : f32
          %max3A_981 = vector.broadcast %max3A_980 : f32 to vector<16xf32>
          %max3A_982 = arith.maximumf %sub3A_979, %max3A_981 : vector<16xf32>
          %jit3A_983 = arith.constant 0.000000e+00 : f32
          %broadcast_in_dim3A_984 = vector.broadcast %jit3A_983 : f32 to vector<16xf32>
          %select_n3A_985 = arith.select %and3A_956, %max3A_982, %broadcast_in_dim3A_984 : vector<16xi1>, vector<16xf32>
          %add3A_986 = arith.addf %get3A_976, %select_n3A_985 : vector<16xf32>
          %swap3A_987 = arith.constant 0 : index
          %swap3A_988 = tpu.vector_load %arg21[%swap3A_987] {strides = array<i32>} : memref<16xf32, #tpu.memory_space<vmem>>, vector<16xf32>,
          tpu.vector_store %arg21[%swap3A_987], %add3A_986 {strides = array<i32>} : memref<16xf32, #tpu.memory_space<vmem>>, vector<16xf32>,
          %scan3A_989 = arith.constant 0 : i32
          scf.yield %scan3A_989 : i32
        }
        %scan3A_182 = arith.constant 8 : i32
      } else {
      }
      %lt3A_152 = arith.cmpi slt, %add3A_148, %select_n3A : i32
      %convert_element_type3A_153 = arith.extui %lt3A_152 : i1 to i32
      %cond3A_154 = arith.constant 0 : i32
      %cond3A_155 = arith.cmpi ne, %convert_element_type3A_153, %cond3A_154 : i32
      scf.if %cond3A_155 {
        %mul3A_157 = arith.constant 128 : i32
        %mul3A_158 = arith.muli %add3A_148, %mul3A_157 : i32
        %dma_wait3A = tpu.memref_slice %arg10[%mul3A_158] : memref<10496xi32, #tpu.memory_space<vmem>> -> memref<128xi32, #tpu.memory_space<vmem>>
        %dma_wait3A_159 = arith.constant 0 : i32
        %dma_wait3A_160 = arith.constant 0 : i32
        %dma_wait3A_161 = tpu.memref_slice %arg5[%dma_wait3A_159, %dma_wait3A_160] : memref<10240x128xf32, #tpu.memory_space<hbm>> -> memref<10240x128xf32, #tpu.memory_space<hbm>>
        tpu.wait_indirect_dma semaphore(%arg25 : memref<!tpu.dma_semaphore, #tpu.memory_space<semaphore_mem>>) src(%dma_wait3A_161 : memref<10240x128xf32, #tpu.memory_space<hbm>>) dst(%arg17 : memref<128x128xf32, #tpu.memory_space<vmem>>)
        %mul3A_162 = arith.constant 128 : i32
        %mul3A_163 = arith.muli %add3A_148, %mul3A_162 : i32
        %dma_wait3A_164 = tpu.memref_slice %arg11[%mul3A_163] : memref<10496xi32, #tpu.memory_space<vmem>> -> memref<128xi32, #tpu.memory_space<vmem>>
        %dma_wait3A_165 = arith.constant 0 : i32
        %dma_wait3A_166 = arith.constant 0 : i32
        %dma_wait3A_167 = tpu.memref_slice %arg5[%dma_wait3A_165, %dma_wait3A_166] : memref<10240x128xf32, #tpu.memory_space<hbm>> -> memref<10240x128xf32, #tpu.memory_space<hbm>>
        tpu.wait_indirect_dma semaphore(%arg25 : memref<!tpu.dma_semaphore, #tpu.memory_space<semaphore_mem>>) src(%dma_wait3A_167 : memref<10240x128xf32, #tpu.memory_space<hbm>>) dst(%arg18 : memref<128x128xf32, #tpu.memory_space<vmem>>)
        %add3A_168 = arith.constant 1 : i32
        %add3A_169 = arith.addi %add3A_148, %add3A_168 : i32
        %lt3A_170 = arith.cmpi slt, %add3A_169, %select_n3A : i32
        %convert_element_type3A_171 = arith.extui %lt3A_170 : i1 to i32
        %cond3A_172 = arith.constant 0 : i32
        %cond3A_173 = arith.cmpi ne, %convert_element_type3A_171, %cond3A_172 : i32
        scf.if %cond3A_173 {
          %add3A_185 = arith.constant 1 : i32
          %add3A_186 = arith.addi %add3A_148, %add3A_185 : i32
          %mul3A_187 = arith.constant 128 : i32
          %mul3A_188 = arith.muli %add3A_186, %mul3A_187 : i32
          %dma_start3A = tpu.memref_slice %arg10[%mul3A_188] : memref<10496xi32, #tpu.memory_space<vmem>> -> memref<128xi32, #tpu.memory_space<vmem>>
          %dma_start3A_189 = arith.constant 0 : i32
          %dma_start3A_190 = arith.constant 0 : i32
          %dma_start3A_191 = tpu.memref_slice %arg5[%dma_start3A_189, %dma_start3A_190] : memref<10240x128xf32, #tpu.memory_space<hbm>> -> memref<10240x128xf32, #tpu.memory_space<hbm>>
          tpu.enqueue_indirect_dma source(%dma_start3A_191 : memref<10240x128xf32, #tpu.memory_space<hbm>>) target(%arg15 : memref<128x128xf32, #tpu.memory_space<vmem>>) offsets(%dma_start3A : memref<128xi32, #tpu.memory_space<vmem>>) semaphore(%arg24 : memref<!tpu.dma_semaphore, #tpu.memory_space<semaphore_mem>>)
          %mul3A_192 = arith.constant 128 : i32
          %mul3A_193 = arith.muli %add3A_186, %mul3A_192 : i32
          %dma_start3A_194 = tpu.memref_slice %arg11[%mul3A_193] : memref<10496xi32, #tpu.memory_space<vmem>> -> memref<128xi32, #tpu.memory_space<vmem>>
          %dma_start3A_195 = arith.constant 0 : i32
          %dma_start3A_196 = arith.constant 0 : i32
          %dma_start3A_197 = tpu.memref_slice %arg5[%dma_start3A_195, %dma_start3A_196] : memref<10240x128xf32, #tpu.memory_space<hbm>> -> memref<10240x128xf32, #tpu.memory_space<hbm>>
          tpu.enqueue_indirect_dma source(%dma_start3A_197 : memref<10240x128xf32, #tpu.memory_space<hbm>>) target(%arg16 : memref<128x128xf32, #tpu.memory_space<vmem>>) offsets(%dma_start3A_194 : memref<128xi32, #tpu.memory_space<vmem>>) semaphore(%arg24 : memref<!tpu.dma_semaphore, #tpu.memory_space<semaphore_mem>>)
        } else {
        }
        %mul3A_174 = arith.constant 128 : i32
        %mul3A_175 = arith.muli %add3A_148, %mul3A_174 : i32
        %mul3A_176 = arith.constant 10496 : i32
        %mul3A_177 = arith.muli %add3A, %mul3A_176 : i32
        %add3A_178 = arith.addi %mul3A_177, %mul3A_175 : i32
        %scan3A = arith.constant 0 : i32
        %scan3A_179 = arith.constant 0 : i32
        %scan3A_180 = arith.constant 8 : i32
        %scan3A_181 = arith.addi %scan3A_179, %scan3A_180 : i32
        %scan3A_182 = arith.constant 1 : i32
        %scan3A_183 = scf.for %scan3A_185 = %scan3A_179 to %scan3A_181 step %scan3A_182 iter_args(%scan3A_186 = %scan3A) -> (i32)  : i32 {
          %mul3A_187 = arith.constant 16 : i32
          %mul3A_188 = arith.muli %scan3A_185, %mul3A_187 : i32
          %add3A_189 = arith.addi %mul3A_175, %mul3A_188 : i32
          %get3A_190 = arith.index_cast %add3A_189 : i32 to index
          %get3A_191 = tpu.vector_load %arg10[%get3A_190] {strides = array<i32>} : memref<10496xi32, #tpu.memory_space<vmem>>, vector<16xi32>,
          %add3A_192 = arith.addi %mul3A_175, %mul3A_188 : i32
          %get3A_193 = arith.index_cast %add3A_192 : i32 to index
          %get3A_194 = tpu.vector_load %arg11[%get3A_193] {strides = array<i32>} : memref<10496xi32, #tpu.memory_space<vmem>>, vector<16xi32>,
          %add3A_195 = arith.addi %mul3A_175, %mul3A_188 : i32
          %get3A_196 = arith.index_cast %add3A_195 : i32 to index
          %get3A_197 = tpu.vector_load %arg14[%get3A_196] {strides = array<i32>} : memref<10496xi32, #tpu.memory_space<vmem>>, vector<16xi32>,
          %add3A_198 = arith.addi %add3A_178, %mul3A_188 : i32
          %add3A_199 = vector.broadcast %add3A_198 : i32 to vector<16xi32>
          %add3A_200 = arith.addi %add3A_199, %iota3A : vector<16xi32>
          %add3A_201 = arith.addi %mul3A_175, %mul3A_188 : i32
          %add3A_202 = vector.broadcast %add3A_201 : i32 to vector<16xi32>
          %add3A_203 = arith.addi %add3A_202, %iota3A : vector<16xi32>
          %lt3A_204 = vector.broadcast %squeeze3A : i32 to vector<16xi32>
          %lt3A_205 = arith.cmpi slt, %add3A_203, %lt3A_204 : vector<16xi32>
          %eq3A_206 = arith.cmpi eq, %get3A_197, %add3A_200 : vector<16xi32>
          %and3A_207 = arith.andi %lt3A_205, %eq3A_206 : vector<16xi1>
          %add3A_208 = vector.broadcast %mul3A_188 : i32 to vector<16xi32>
          %add3A_209 = arith.addi %add3A_208, %iota3A : vector<16xi32>
          %broadcast_in_dim3A_210 = arith.constant 0.000000e+00 : f32
          %broadcast_in_dim3A_211 = vector.broadcast %broadcast_in_dim3A_210 : f32 to vector<16xf32>
          %broadcast_in_dim3A_212 = arith.constant 0.000000e+00 : f32
          %broadcast_in_dim3A_213 = vector.broadcast %broadcast_in_dim3A_212 : f32 to vector<16xf32>
          %broadcast_in_dim3A_214 = arith.constant 0.000000e+00 : f32
          %broadcast_in_dim3A_215 = vector.broadcast %broadcast_in_dim3A_214 : f32 to vector<16xf32>
          %broadcast_in_dim3A_216 = arith.constant 0.000000e+00 : f32
          %broadcast_in_dim3A_217 = vector.broadcast %broadcast_in_dim3A_216 : f32 to vector<16xf32>
          %broadcast_in_dim3A_218 = arith.constant 0 : i32
          %broadcast_in_dim3A_219 = vector.broadcast %broadcast_in_dim3A_218 : i32 to vector<16xi32>
          %gather3A = tpu.vector_load_idx %arg17[%add3A_209, %broadcast_in_dim3A_219] : memref<128x128xf32, #tpu.memory_space<vmem>>[vector<16xi32>, vector<16xi32>], vector<16xf32>,
          %gather3A_220 = tpu.vector_load_idx %arg18[%add3A_209, %broadcast_in_dim3A_219] : memref<128x128xf32, #tpu.memory_space<vmem>>[vector<16xi32>, vector<16xi32>], vector<16xf32>,
          %bitcast3A = vector.bitcast %gather3A : vector<16xf32> to vector<16xi32>
          %add3A_221 = arith.constant 32767 : i32
          %add3A_222 = vector.broadcast %add3A_221 : i32 to vector<16xi32>
          %add3A_223 = arith.addi %bitcast3A, %add3A_222 : vector<16xi32>
          %shift_right_arithmetic3A = arith.constant 16 : i32
          %shift_right_arithmetic3A_224 = vector.broadcast %shift_right_arithmetic3A : i32 to vector<16xi32>
          %shift_right_arithmetic3A_225 = arith.shrsi %bitcast3A, %shift_right_arithmetic3A_224 : vector<16xi32>
          %and3A_226 = arith.constant 1 : i32
          %and3A_227 = vector.broadcast %and3A_226 : i32 to vector<16xi32>
          %and3A_228 = arith.andi %shift_right_arithmetic3A_225, %and3A_227 : vector<16xi32>
          %add3A_229 = arith.addi %add3A_223, %and3A_228 : vector<16xi32>
          %and3A_230 = arith.constant -65536 : i32
          %and3A_231 = vector.broadcast %and3A_230 : i32 to vector<16xi32>
          %and3A_232 = arith.andi %add3A_229, %and3A_231 : vector<16xi32>
          %bitcast3A_233 = vector.bitcast %and3A_232 : vector<16xi32> to vector<16xf32>
          %bitcast3A_234 = vector.bitcast %gather3A_220 : vector<16xf32> to vector<16xi32>
          %add3A_235 = arith.constant 32767 : i32
          %add3A_236 = vector.broadcast %add3A_235 : i32 to vector<16xi32>
          %add3A_237 = arith.addi %bitcast3A_234, %add3A_236 : vector<16xi32>
          %shift_right_arithmetic3A_238 = arith.constant 16 : i32
          %shift_right_arithmetic3A_239 = vector.broadcast %shift_right_arithmetic3A_238 : i32 to vector<16xi32>
          %shift_right_arithmetic3A_240 = arith.shrsi %bitcast3A_234, %shift_right_arithmetic3A_239 : vector<16xi32>
          %and3A_241 = arith.constant 1 : i32
          %and3A_242 = vector.broadcast %and3A_241 : i32 to vector<16xi32>
          %and3A_243 = arith.andi %shift_right_arithmetic3A_240, %and3A_242 : vector<16xi32>
          %add3A_244 = arith.addi %add3A_237, %and3A_243 : vector<16xi32>
          %and3A_245 = arith.constant -65536 : i32
          %and3A_246 = vector.broadcast %and3A_245 : i32 to vector<16xi32>
          %and3A_247 = arith.andi %add3A_244, %and3A_246 : vector<16xi32>
          %bitcast3A_248 = vector.bitcast %and3A_247 : vector<16xi32> to vector<16xf32>
          %mul3A_249 = arith.mulf %bitcast3A_233, %bitcast3A_248 : vector<16xf32>
          %add3A_250 = arith.addf %broadcast_in_dim3A_211, %mul3A_249 : vector<16xf32>
          %mul3A_251 = arith.mulf %gather3A, %gather3A_220 : vector<16xf32>
          %add3A_252 = arith.addf %broadcast_in_dim3A_213, %mul3A_251 : vector<16xf32>
          %mul3A_253 = arith.mulf %gather3A, %gather3A : vector<16xf32>
          %add3A_254 = arith.addf %broadcast_in_dim3A_215, %mul3A_253 : vector<16xf32>
          %mul3A_255 = arith.mulf %gather3A_220, %gather3A_220 : vector<16xf32>
          %add3A_256 = arith.addf %broadcast_in_dim3A_217, %mul3A_255 : vector<16xf32>
          %broadcast_in_dim3A_257 = arith.constant 1 : i32
          %broadcast_in_dim3A_258 = vector.broadcast %broadcast_in_dim3A_257 : i32 to vector<16xi32>
          %gather3A_259 = tpu.vector_load_idx %arg17[%add3A_209, %broadcast_in_dim3A_258] : memref<128x128xf32, #tpu.memory_space<vmem>>[vector<16xi32>, vector<16xi32>], vector<16xf32>,
          %gather3A_260 = tpu.vector_load_idx %arg18[%add3A_209, %broadcast_in_dim3A_258] : memref<128x128xf32, #tpu.memory_space<vmem>>[vector<16xi32>, vector<16xi32>], vector<16xf32>,
          %bitcast3A_261 = vector.bitcast %gather3A_259 : vector<16xf32> to vector<16xi32>
          %add3A_262 = arith.constant 32767 : i32
          %add3A_263 = vector.broadcast %add3A_262 : i32 to vector<16xi32>
          %add3A_264 = arith.addi %bitcast3A_261, %add3A_263 : vector<16xi32>
          %shift_right_arithmetic3A_265 = arith.constant 16 : i32
          %shift_right_arithmetic3A_266 = vector.broadcast %shift_right_arithmetic3A_265 : i32 to vector<16xi32>
          %shift_right_arithmetic3A_267 = arith.shrsi %bitcast3A_261, %shift_right_arithmetic3A_266 : vector<16xi32>
          %and3A_268 = arith.constant 1 : i32
          %and3A_269 = vector.broadcast %and3A_268 : i32 to vector<16xi32>
          %and3A_270 = arith.andi %shift_right_arithmetic3A_267, %and3A_269 : vector<16xi32>
          %add3A_271 = arith.addi %add3A_264, %and3A_270 : vector<16xi32>
          %and3A_272 = arith.constant -65536 : i32
          %and3A_273 = vector.broadcast %and3A_272 : i32 to vector<16xi32>
          %and3A_274 = arith.andi %add3A_271, %and3A_273 : vector<16xi32>
          %bitcast3A_275 = vector.bitcast %and3A_274 : vector<16xi32> to vector<16xf32>
          %bitcast3A_276 = vector.bitcast %gather3A_260 : vector<16xf32> to vector<16xi32>
          %add3A_277 = arith.constant 32767 : i32
          %add3A_278 = vector.broadcast %add3A_277 : i32 to vector<16xi32>
          %add3A_279 = arith.addi %bitcast3A_276, %add3A_278 : vector<16xi32>
          %shift_right_arithmetic3A_280 = arith.constant 16 : i32
          %shift_right_arithmetic3A_281 = vector.broadcast %shift_right_arithmetic3A_280 : i32 to vector<16xi32>
          %shift_right_arithmetic3A_282 = arith.shrsi %bitcast3A_276, %shift_right_arithmetic3A_281 : vector<16xi32>
          %and3A_283 = arith.constant 1 : i32
          %and3A_284 = vector.broadcast %and3A_283 : i32 to vector<16xi32>
          %and3A_285 = arith.andi %shift_right_arithmetic3A_282, %and3A_284 : vector<16xi32>
          %add3A_286 = arith.addi %add3A_279, %and3A_285 : vector<16xi32>
          %and3A_287 = arith.constant -65536 : i32
          %and3A_288 = vector.broadcast %and3A_287 : i32 to vector<16xi32>
          %and3A_289 = arith.andi %add3A_286, %and3A_288 : vector<16xi32>
          %bitcast3A_290 = vector.bitcast %and3A_289 : vector<16xi32> to vector<16xf32>
          %mul3A_291 = arith.mulf %bitcast3A_275, %bitcast3A_290 : vector<16xf32>
          %add3A_292 = arith.addf %add3A_250, %mul3A_291 : vector<16xf32>
          %mul3A_293 = arith.mulf %gather3A_259, %gather3A_260 : vector<16xf32>
          %add3A_294 = arith.addf %add3A_252, %mul3A_293 : vector<16xf32>
          %mul3A_295 = arith.mulf %gather3A_259, %gather3A_259 : vector<16xf32>
          %add3A_296 = arith.addf %add3A_254, %mul3A_295 : vector<16xf32>
          %mul3A_297 = arith.mulf %gather3A_260, %gather3A_260 : vector<16xf32>
          %add3A_298 = arith.addf %add3A_256, %mul3A_297 : vector<16xf32>
          %broadcast_in_dim3A_299 = arith.constant 2 : i32
          %broadcast_in_dim3A_300 = vector.broadcast %broadcast_in_dim3A_299 : i32 to vector<16xi32>
          %gather3A_301 = tpu.vector_load_idx %arg17[%add3A_209, %broadcast_in_dim3A_300] : memref<128x128xf32, #tpu.memory_space<vmem>>[vector<16xi32>, vector<16xi32>], vector<16xf32>,
          %gather3A_302 = tpu.vector_load_idx %arg18[%add3A_209, %broadcast_in_dim3A_300] : memref<128x128xf32, #tpu.memory_space<vmem>>[vector<16xi32>, vector<16xi32>], vector<16xf32>,
          %bitcast3A_303 = vector.bitcast %gather3A_301 : vector<16xf32> to vector<16xi32>
          %add3A_304 = arith.constant 32767 : i32
          %add3A_305 = vector.broadcast %add3A_304 : i32 to vector<16xi32>
          %add3A_306 = arith.addi %bitcast3A_303, %add3A_305 : vector<16xi32>
          %shift_right_arithmetic3A_307 = arith.constant 16 : i32
          %shift_right_arithmetic3A_308 = vector.broadcast %shift_right_arithmetic3A_307 : i32 to vector<16xi32>
          %shift_right_arithmetic3A_309 = arith.shrsi %bitcast3A_303, %shift_right_arithmetic3A_308 : vector<16xi32>
          %and3A_310 = arith.constant 1 : i32
          %and3A_311 = vector.broadcast %and3A_310 : i32 to vector<16xi32>
          %and3A_312 = arith.andi %shift_right_arithmetic3A_309, %and3A_311 : vector<16xi32>
          %add3A_313 = arith.addi %add3A_306, %and3A_312 : vector<16xi32>
          %and3A_314 = arith.constant -65536 : i32
          %and3A_315 = vector.broadcast %and3A_314 : i32 to vector<16xi32>
          %and3A_316 = arith.andi %add3A_313, %and3A_315 : vector<16xi32>
          %bitcast3A_317 = vector.bitcast %and3A_316 : vector<16xi32> to vector<16xf32>
          %bitcast3A_318 = vector.bitcast %gather3A_302 : vector<16xf32> to vector<16xi32>
          %add3A_319 = arith.constant 32767 : i32
          %add3A_320 = vector.broadcast %add3A_319 : i32 to vector<16xi32>
          %add3A_321 = arith.addi %bitcast3A_318, %add3A_320 : vector<16xi32>
          %shift_right_arithmetic3A_322 = arith.constant 16 : i32
          %shift_right_arithmetic3A_323 = vector.broadcast %shift_right_arithmetic3A_322 : i32 to vector<16xi32>
          %shift_right_arithmetic3A_324 = arith.shrsi %bitcast3A_318, %shift_right_arithmetic3A_323 : vector<16xi32>
          %and3A_325 = arith.constant 1 : i32
          %and3A_326 = vector.broadcast %and3A_325 : i32 to vector<16xi32>
          %and3A_327 = arith.andi %shift_right_arithmetic3A_324, %and3A_326 : vector<16xi32>
          %add3A_328 = arith.addi %add3A_321, %and3A_327 : vector<16xi32>
          %and3A_329 = arith.constant -65536 : i32
          %and3A_330 = vector.broadcast %and3A_329 : i32 to vector<16xi32>
          %and3A_331 = arith.andi %add3A_328, %and3A_330 : vector<16xi32>
          %bitcast3A_332 = vector.bitcast %and3A_331 : vector<16xi32> to vector<16xf32>
          %mul3A_333 = arith.mulf %bitcast3A_317, %bitcast3A_332 : vector<16xf32>
          %add3A_334 = arith.addf %add3A_292, %mul3A_333 : vector<16xf32>
          %mul3A_335 = arith.mulf %gather3A_301, %gather3A_302 : vector<16xf32>
          %add3A_336 = arith.addf %add3A_294, %mul3A_335 : vector<16xf32>
          %mul3A_337 = arith.mulf %gather3A_301, %gather3A_301 : vector<16xf32>
          %add3A_338 = arith.addf %add3A_296, %mul3A_337 : vector<16xf32>
          %mul3A_339 = arith.mulf %gather3A_302, %gather3A_302 : vector<16xf32>
          %add3A_340 = arith.addf %add3A_298, %mul3A_339 : vector<16xf32>
          %broadcast_in_dim3A_341 = arith.constant 3 : i32
          %broadcast_in_dim3A_342 = vector.broadcast %broadcast_in_dim3A_341 : i32 to vector<16xi32>
          %gather3A_343 = tpu.vector_load_idx %arg17[%add3A_209, %broadcast_in_dim3A_342] : memref<128x128xf32, #tpu.memory_space<vmem>>[vector<16xi32>, vector<16xi32>], vector<16xf32>,
          %gather3A_344 = tpu.vector_load_idx %arg18[%add3A_209, %broadcast_in_dim3A_342] : memref<128x128xf32, #tpu.memory_space<vmem>>[vector<16xi32>, vector<16xi32>], vector<16xf32>,
          %bitcast3A_345 = vector.bitcast %gather3A_343 : vector<16xf32> to vector<16xi32>
          %add3A_346 = arith.constant 32767 : i32
          %add3A_347 = vector.broadcast %add3A_346 : i32 to vector<16xi32>
          %add3A_348 = arith.addi %bitcast3A_345, %add3A_347 : vector<16xi32>
          %shift_right_arithmetic3A_349 = arith.constant 16 : i32
          %shift_right_arithmetic3A_350 = vector.broadcast %shift_right_arithmetic3A_349 : i32 to vector<16xi32>
          %shift_right_arithmetic3A_351 = arith.shrsi %bitcast3A_345, %shift_right_arithmetic3A_350 : vector<16xi32>
          %and3A_352 = arith.constant 1 : i32
          %and3A_353 = vector.broadcast %and3A_352 : i32 to vector<16xi32>
          %and3A_354 = arith.andi %shift_right_arithmetic3A_351, %and3A_353 : vector<16xi32>
          %add3A_355 = arith.addi %add3A_348, %and3A_354 : vector<16xi32>
          %and3A_356 = arith.constant -65536 : i32
          %and3A_357 = vector.broadcast %and3A_356 : i32 to vector<16xi32>
          %and3A_358 = arith.andi %add3A_355, %and3A_357 : vector<16xi32>
          %bitcast3A_359 = vector.bitcast %and3A_358 : vector<16xi32> to vector<16xf32>
          %bitcast3A_360 = vector.bitcast %gather3A_344 : vector<16xf32> to vector<16xi32>
          %add3A_361 = arith.constant 32767 : i32
          %add3A_362 = vector.broadcast %add3A_361 : i32 to vector<16xi32>
          %add3A_363 = arith.addi %bitcast3A_360, %add3A_362 : vector<16xi32>
          %shift_right_arithmetic3A_364 = arith.constant 16 : i32
          %shift_right_arithmetic3A_365 = vector.broadcast %shift_right_arithmetic3A_364 : i32 to vector<16xi32>
          %shift_right_arithmetic3A_366 = arith.shrsi %bitcast3A_360, %shift_right_arithmetic3A_365 : vector<16xi32>
          %and3A_367 = arith.constant 1 : i32
          %and3A_368 = vector.broadcast %and3A_367 : i32 to vector<16xi32>
          %and3A_369 = arith.andi %shift_right_arithmetic3A_366, %and3A_368 : vector<16xi32>
          %add3A_370 = arith.addi %add3A_363, %and3A_369 : vector<16xi32>
          %and3A_371 = arith.constant -65536 : i32
          %and3A_372 = vector.broadcast %and3A_371 : i32 to vector<16xi32>
          %and3A_373 = arith.andi %add3A_370, %and3A_372 : vector<16xi32>
          %bitcast3A_374 = vector.bitcast %and3A_373 : vector<16xi32> to vector<16xf32>
          %mul3A_375 = arith.mulf %bitcast3A_359, %bitcast3A_374 : vector<16xf32>
          %add3A_376 = arith.addf %add3A_334, %mul3A_375 : vector<16xf32>
          %mul3A_377 = arith.mulf %gather3A_343, %gather3A_344 : vector<16xf32>
          %add3A_378 = arith.addf %add3A_336, %mul3A_377 : vector<16xf32>
          %mul3A_379 = arith.mulf %gather3A_343, %gather3A_343 : vector<16xf32>
          %add3A_380 = arith.addf %add3A_338, %mul3A_379 : vector<16xf32>
          %mul3A_381 = arith.mulf %gather3A_344, %gather3A_344 : vector<16xf32>
          %add3A_382 = arith.addf %add3A_340, %mul3A_381 : vector<16xf32>
          %broadcast_in_dim3A_383 = arith.constant 4 : i32
          %broadcast_in_dim3A_384 = vector.broadcast %broadcast_in_dim3A_383 : i32 to vector<16xi32>
          %gather3A_385 = tpu.vector_load_idx %arg17[%add3A_209, %broadcast_in_dim3A_384] : memref<128x128xf32, #tpu.memory_space<vmem>>[vector<16xi32>, vector<16xi32>], vector<16xf32>,
          %gather3A_386 = tpu.vector_load_idx %arg18[%add3A_209, %broadcast_in_dim3A_384] : memref<128x128xf32, #tpu.memory_space<vmem>>[vector<16xi32>, vector<16xi32>], vector<16xf32>,
          %bitcast3A_387 = vector.bitcast %gather3A_385 : vector<16xf32> to vector<16xi32>
          %add3A_388 = arith.constant 32767 : i32
          %add3A_389 = vector.broadcast %add3A_388 : i32 to vector<16xi32>
          %add3A_390 = arith.addi %bitcast3A_387, %add3A_389 : vector<16xi32>
          %shift_right_arithmetic3A_391 = arith.constant 16 : i32
          %shift_right_arithmetic3A_392 = vector.broadcast %shift_right_arithmetic3A_391 : i32 to vector<16xi32>
          %shift_right_arithmetic3A_393 = arith.shrsi %bitcast3A_387, %shift_right_arithmetic3A_392 : vector<16xi32>
          %and3A_394 = arith.constant 1 : i32
          %and3A_395 = vector.broadcast %and3A_394 : i32 to vector<16xi32>
          %and3A_396 = arith.andi %shift_right_arithmetic3A_393, %and3A_395 : vector<16xi32>
          %add3A_397 = arith.addi %add3A_390, %and3A_396 : vector<16xi32>
          %and3A_398 = arith.constant -65536 : i32
          %and3A_399 = vector.broadcast %and3A_398 : i32 to vector<16xi32>
          %and3A_400 = arith.andi %add3A_397, %and3A_399 : vector<16xi32>
          %bitcast3A_401 = vector.bitcast %and3A_400 : vector<16xi32> to vector<16xf32>
          %bitcast3A_402 = vector.bitcast %gather3A_386 : vector<16xf32> to vector<16xi32>
          %add3A_403 = arith.constant 32767 : i32
          %add3A_404 = vector.broadcast %add3A_403 : i32 to vector<16xi32>
          %add3A_405 = arith.addi %bitcast3A_402, %add3A_404 : vector<16xi32>
          %shift_right_arithmetic3A_406 = arith.constant 16 : i32
          %shift_right_arithmetic3A_407 = vector.broadcast %shift_right_arithmetic3A_406 : i32 to vector<16xi32>
          %shift_right_arithmetic3A_408 = arith.shrsi %bitcast3A_402, %shift_right_arithmetic3A_407 : vector<16xi32>
          %and3A_409 = arith.constant 1 : i32
          %and3A_410 = vector.broadcast %and3A_409 : i32 to vector<16xi32>
          %and3A_411 = arith.andi %shift_right_arithmetic3A_408, %and3A_410 : vector<16xi32>
          %add3A_412 = arith.addi %add3A_405, %and3A_411 : vector<16xi32>
          %and3A_413 = arith.constant -65536 : i32
          %and3A_414 = vector.broadcast %and3A_413 : i32 to vector<16xi32>
          %and3A_415 = arith.andi %add3A_412, %and3A_414 : vector<16xi32>
          %bitcast3A_416 = vector.bitcast %and3A_415 : vector<16xi32> to vector<16xf32>
          %mul3A_417 = arith.mulf %bitcast3A_401, %bitcast3A_416 : vector<16xf32>
          %add3A_418 = arith.addf %add3A_376, %mul3A_417 : vector<16xf32>
          %mul3A_419 = arith.mulf %gather3A_385, %gather3A_386 : vector<16xf32>
          %add3A_420 = arith.addf %add3A_378, %mul3A_419 : vector<16xf32>
          %mul3A_421 = arith.mulf %gather3A_385, %gather3A_385 : vector<16xf32>
          %add3A_422 = arith.addf %add3A_380, %mul3A_421 : vector<16xf32>
          %mul3A_423 = arith.mulf %gather3A_386, %gather3A_386 : vector<16xf32>
          %add3A_424 = arith.addf %add3A_382, %mul3A_423 : vector<16xf32>
          %broadcast_in_dim3A_425 = arith.constant 5 : i32
          %broadcast_in_dim3A_426 = vector.broadcast %broadcast_in_dim3A_425 : i32 to vector<16xi32>
          %gather3A_427 = tpu.vector_load_idx %arg17[%add3A_209, %broadcast_in_dim3A_426] : memref<128x128xf32, #tpu.memory_space<vmem>>[vector<16xi32>, vector<16xi32>], vector<16xf32>,
          %gather3A_428 = tpu.vector_load_idx %arg18[%add3A_209, %broadcast_in_dim3A_426] : memref<128x128xf32, #tpu.memory_space<vmem>>[vector<16xi32>, vector<16xi32>], vector<16xf32>,
          %bitcast3A_429 = vector.bitcast %gather3A_427 : vector<16xf32> to vector<16xi32>
          %add3A_430 = arith.constant 32767 : i32
          %add3A_431 = vector.broadcast %add3A_430 : i32 to vector<16xi32>
          %add3A_432 = arith.addi %bitcast3A_429, %add3A_431 : vector<16xi32>
          %shift_right_arithmetic3A_433 = arith.constant 16 : i32
          %shift_right_arithmetic3A_434 = vector.broadcast %shift_right_arithmetic3A_433 : i32 to vector<16xi32>
          %shift_right_arithmetic3A_435 = arith.shrsi %bitcast3A_429, %shift_right_arithmetic3A_434 : vector<16xi32>
          %and3A_436 = arith.constant 1 : i32
          %and3A_437 = vector.broadcast %and3A_436 : i32 to vector<16xi32>
          %and3A_438 = arith.andi %shift_right_arithmetic3A_435, %and3A_437 : vector<16xi32>
          %add3A_439 = arith.addi %add3A_432, %and3A_438 : vector<16xi32>
          %and3A_440 = arith.constant -65536 : i32
          %and3A_441 = vector.broadcast %and3A_440 : i32 to vector<16xi32>
          %and3A_442 = arith.andi %add3A_439, %and3A_441 : vector<16xi32>
          %bitcast3A_443 = vector.bitcast %and3A_442 : vector<16xi32> to vector<16xf32>
          %bitcast3A_444 = vector.bitcast %gather3A_428 : vector<16xf32> to vector<16xi32>
          %add3A_445 = arith.constant 32767 : i32
          %add3A_446 = vector.broadcast %add3A_445 : i32 to vector<16xi32>
          %add3A_447 = arith.addi %bitcast3A_444, %add3A_446 : vector<16xi32>
          %shift_right_arithmetic3A_448 = arith.constant 16 : i32
          %shift_right_arithmetic3A_449 = vector.broadcast %shift_right_arithmetic3A_448 : i32 to vector<16xi32>
          %shift_right_arithmetic3A_450 = arith.shrsi %bitcast3A_444, %shift_right_arithmetic3A_449 : vector<16xi32>
          %and3A_451 = arith.constant 1 : i32
          %and3A_452 = vector.broadcast %and3A_451 : i32 to vector<16xi32>
          %and3A_453 = arith.andi %shift_right_arithmetic3A_450, %and3A_452 : vector<16xi32>
          %add3A_454 = arith.addi %add3A_447, %and3A_453 : vector<16xi32>
          %and3A_455 = arith.constant -65536 : i32
          %and3A_456 = vector.broadcast %and3A_455 : i32 to vector<16xi32>
          %and3A_457 = arith.andi %add3A_454, %and3A_456 : vector<16xi32>
          %bitcast3A_458 = vector.bitcast %and3A_457 : vector<16xi32> to vector<16xf32>
          %mul3A_459 = arith.mulf %bitcast3A_443, %bitcast3A_458 : vector<16xf32>
          %add3A_460 = arith.addf %add3A_418, %mul3A_459 : vector<16xf32>
          %mul3A_461 = arith.mulf %gather3A_427, %gather3A_428 : vector<16xf32>
          %add3A_462 = arith.addf %add3A_420, %mul3A_461 : vector<16xf32>
          %mul3A_463 = arith.mulf %gather3A_427, %gather3A_427 : vector<16xf32>
          %add3A_464 = arith.addf %add3A_422, %mul3A_463 : vector<16xf32>
          %mul3A_465 = arith.mulf %gather3A_428, %gather3A_428 : vector<16xf32>
          %add3A_466 = arith.addf %add3A_424, %mul3A_465 : vector<16xf32>
          %broadcast_in_dim3A_467 = arith.constant 6 : i32
          %broadcast_in_dim3A_468 = vector.broadcast %broadcast_in_dim3A_467 : i32 to vector<16xi32>
          %gather3A_469 = tpu.vector_load_idx %arg17[%add3A_209, %broadcast_in_dim3A_468] : memref<128x128xf32, #tpu.memory_space<vmem>>[vector<16xi32>, vector<16xi32>], vector<16xf32>,
          %gather3A_470 = tpu.vector_load_idx %arg18[%add3A_209, %broadcast_in_dim3A_468] : memref<128x128xf32, #tpu.memory_space<vmem>>[vector<16xi32>, vector<16xi32>], vector<16xf32>,
          %bitcast3A_471 = vector.bitcast %gather3A_469 : vector<16xf32> to vector<16xi32>
          %add3A_472 = arith.constant 32767 : i32
          %add3A_473 = vector.broadcast %add3A_472 : i32 to vector<16xi32>
          %add3A_474 = arith.addi %bitcast3A_471, %add3A_473 : vector<16xi32>
          %shift_right_arithmetic3A_475 = arith.constant 16 : i32
          %shift_right_arithmetic3A_476 = vector.broadcast %shift_right_arithmetic3A_475 : i32 to vector<16xi32>
          %shift_right_arithmetic3A_477 = arith.shrsi %bitcast3A_471, %shift_right_arithmetic3A_476 : vector<16xi32>
          %and3A_478 = arith.constant 1 : i32
          %and3A_479 = vector.broadcast %and3A_478 : i32 to vector<16xi32>
          %and3A_480 = arith.andi %shift_right_arithmetic3A_477, %and3A_479 : vector<16xi32>
          %add3A_481 = arith.addi %add3A_474, %and3A_480 : vector<16xi32>
          %and3A_482 = arith.constant -65536 : i32
          %and3A_483 = vector.broadcast %and3A_482 : i32 to vector<16xi32>
          %and3A_484 = arith.andi %add3A_481, %and3A_483 : vector<16xi32>
          %bitcast3A_485 = vector.bitcast %and3A_484 : vector<16xi32> to vector<16xf32>
          %bitcast3A_486 = vector.bitcast %gather3A_470 : vector<16xf32> to vector<16xi32>
          %add3A_487 = arith.constant 32767 : i32
          %add3A_488 = vector.broadcast %add3A_487 : i32 to vector<16xi32>
          %add3A_489 = arith.addi %bitcast3A_486, %add3A_488 : vector<16xi32>
          %shift_right_arithmetic3A_490 = arith.constant 16 : i32
          %shift_right_arithmetic3A_491 = vector.broadcast %shift_right_arithmetic3A_490 : i32 to vector<16xi32>
          %shift_right_arithmetic3A_492 = arith.shrsi %bitcast3A_486, %shift_right_arithmetic3A_491 : vector<16xi32>
          %and3A_493 = arith.constant 1 : i32
          %and3A_494 = vector.broadcast %and3A_493 : i32 to vector<16xi32>
          %and3A_495 = arith.andi %shift_right_arithmetic3A_492, %and3A_494 : vector<16xi32>
          %add3A_496 = arith.addi %add3A_489, %and3A_495 : vector<16xi32>
          %and3A_497 = arith.constant -65536 : i32
          %and3A_498 = vector.broadcast %and3A_497 : i32 to vector<16xi32>
          %and3A_499 = arith.andi %add3A_496, %and3A_498 : vector<16xi32>
          %bitcast3A_500 = vector.bitcast %and3A_499 : vector<16xi32> to vector<16xf32>
          %mul3A_501 = arith.mulf %bitcast3A_485, %bitcast3A_500 : vector<16xf32>
          %add3A_502 = arith.addf %add3A_460, %mul3A_501 : vector<16xf32>
          %mul3A_503 = arith.mulf %gather3A_469, %gather3A_470 : vector<16xf32>
          %add3A_504 = arith.addf %add3A_462, %mul3A_503 : vector<16xf32>
          %mul3A_505 = arith.mulf %gather3A_469, %gather3A_469 : vector<16xf32>
          %add3A_506 = arith.addf %add3A_464, %mul3A_505 : vector<16xf32>
          %mul3A_507 = arith.mulf %gather3A_470, %gather3A_470 : vector<16xf32>
          %add3A_508 = arith.addf %add3A_466, %mul3A_507 : vector<16xf32>
          %broadcast_in_dim3A_509 = arith.constant 7 : i32
          %broadcast_in_dim3A_510 = vector.broadcast %broadcast_in_dim3A_509 : i32 to vector<16xi32>
          %gather3A_511 = tpu.vector_load_idx %arg17[%add3A_209, %broadcast_in_dim3A_510] : memref<128x128xf32, #tpu.memory_space<vmem>>[vector<16xi32>, vector<16xi32>], vector<16xf32>,
          %gather3A_512 = tpu.vector_load_idx %arg18[%add3A_209, %broadcast_in_dim3A_510] : memref<128x128xf32, #tpu.memory_space<vmem>>[vector<16xi32>, vector<16xi32>], vector<16xf32>,
          %bitcast3A_513 = vector.bitcast %gather3A_511 : vector<16xf32> to vector<16xi32>
          %add3A_514 = arith.constant 32767 : i32
          %add3A_515 = vector.broadcast %add3A_514 : i32 to vector<16xi32>
          %add3A_516 = arith.addi %bitcast3A_513, %add3A_515 : vector<16xi32>
          %shift_right_arithmetic3A_517 = arith.constant 16 : i32
          %shift_right_arithmetic3A_518 = vector.broadcast %shift_right_arithmetic3A_517 : i32 to vector<16xi32>
          %shift_right_arithmetic3A_519 = arith.shrsi %bitcast3A_513, %shift_right_arithmetic3A_518 : vector<16xi32>
          %and3A_520 = arith.constant 1 : i32
          %and3A_521 = vector.broadcast %and3A_520 : i32 to vector<16xi32>
          %and3A_522 = arith.andi %shift_right_arithmetic3A_519, %and3A_521 : vector<16xi32>
          %add3A_523 = arith.addi %add3A_516, %and3A_522 : vector<16xi32>
          %and3A_524 = arith.constant -65536 : i32
          %and3A_525 = vector.broadcast %and3A_524 : i32 to vector<16xi32>
          %and3A_526 = arith.andi %add3A_523, %and3A_525 : vector<16xi32>
          %bitcast3A_527 = vector.bitcast %and3A_526 : vector<16xi32> to vector<16xf32>
          %bitcast3A_528 = vector.bitcast %gather3A_512 : vector<16xf32> to vector<16xi32>
          %add3A_529 = arith.constant 32767 : i32
          %add3A_530 = vector.broadcast %add3A_529 : i32 to vector<16xi32>
          %add3A_531 = arith.addi %bitcast3A_528, %add3A_530 : vector<16xi32>
          %shift_right_arithmetic3A_532 = arith.constant 16 : i32
          %shift_right_arithmetic3A_533 = vector.broadcast %shift_right_arithmetic3A_532 : i32 to vector<16xi32>
          %shift_right_arithmetic3A_534 = arith.shrsi %bitcast3A_528, %shift_right_arithmetic3A_533 : vector<16xi32>
          %and3A_535 = arith.constant 1 : i32
          %and3A_536 = vector.broadcast %and3A_535 : i32 to vector<16xi32>
          %and3A_537 = arith.andi %shift_right_arithmetic3A_534, %and3A_536 : vector<16xi32>
          %add3A_538 = arith.addi %add3A_531, %and3A_537 : vector<16xi32>
          %and3A_539 = arith.constant -65536 : i32
          %and3A_540 = vector.broadcast %and3A_539 : i32 to vector<16xi32>
          %and3A_541 = arith.andi %add3A_538, %and3A_540 : vector<16xi32>
          %bitcast3A_542 = vector.bitcast %and3A_541 : vector<16xi32> to vector<16xf32>
          %mul3A_543 = arith.mulf %bitcast3A_527, %bitcast3A_542 : vector<16xf32>
          %add3A_544 = arith.addf %add3A_502, %mul3A_543 : vector<16xf32>
          %mul3A_545 = arith.mulf %gather3A_511, %gather3A_512 : vector<16xf32>
          %add3A_546 = arith.addf %add3A_504, %mul3A_545 : vector<16xf32>
          %mul3A_547 = arith.mulf %gather3A_511, %gather3A_511 : vector<16xf32>
          %add3A_548 = arith.addf %add3A_506, %mul3A_547 : vector<16xf32>
          %mul3A_549 = arith.mulf %gather3A_512, %gather3A_512 : vector<16xf32>
          %add3A_550 = arith.addf %add3A_508, %mul3A_549 : vector<16xf32>
          %broadcast_in_dim3A_551 = arith.constant 8 : i32
          %broadcast_in_dim3A_552 = vector.broadcast %broadcast_in_dim3A_551 : i32 to vector<16xi32>
          %gather3A_553 = tpu.vector_load_idx %arg17[%add3A_209, %broadcast_in_dim3A_552] : memref<128x128xf32, #tpu.memory_space<vmem>>[vector<16xi32>, vector<16xi32>], vector<16xf32>,
          %gather3A_554 = tpu.vector_load_idx %arg18[%add3A_209, %broadcast_in_dim3A_552] : memref<128x128xf32, #tpu.memory_space<vmem>>[vector<16xi32>, vector<16xi32>], vector<16xf32>,
          %bitcast3A_555 = vector.bitcast %gather3A_553 : vector<16xf32> to vector<16xi32>
          %add3A_556 = arith.constant 32767 : i32
          %add3A_557 = vector.broadcast %add3A_556 : i32 to vector<16xi32>
          %add3A_558 = arith.addi %bitcast3A_555, %add3A_557 : vector<16xi32>
          %shift_right_arithmetic3A_559 = arith.constant 16 : i32
          %shift_right_arithmetic3A_560 = vector.broadcast %shift_right_arithmetic3A_559 : i32 to vector<16xi32>
          %shift_right_arithmetic3A_561 = arith.shrsi %bitcast3A_555, %shift_right_arithmetic3A_560 : vector<16xi32>
          %and3A_562 = arith.constant 1 : i32
          %and3A_563 = vector.broadcast %and3A_562 : i32 to vector<16xi32>
          %and3A_564 = arith.andi %shift_right_arithmetic3A_561, %and3A_563 : vector<16xi32>
          %add3A_565 = arith.addi %add3A_558, %and3A_564 : vector<16xi32>
          %and3A_566 = arith.constant -65536 : i32
          %and3A_567 = vector.broadcast %and3A_566 : i32 to vector<16xi32>
          %and3A_568 = arith.andi %add3A_565, %and3A_567 : vector<16xi32>
          %bitcast3A_569 = vector.bitcast %and3A_568 : vector<16xi32> to vector<16xf32>
          %bitcast3A_570 = vector.bitcast %gather3A_554 : vector<16xf32> to vector<16xi32>
          %add3A_571 = arith.constant 32767 : i32
          %add3A_572 = vector.broadcast %add3A_571 : i32 to vector<16xi32>
          %add3A_573 = arith.addi %bitcast3A_570, %add3A_572 : vector<16xi32>
          %shift_right_arithmetic3A_574 = arith.constant 16 : i32
          %shift_right_arithmetic3A_575 = vector.broadcast %shift_right_arithmetic3A_574 : i32 to vector<16xi32>
          %shift_right_arithmetic3A_576 = arith.shrsi %bitcast3A_570, %shift_right_arithmetic3A_575 : vector<16xi32>
          %and3A_577 = arith.constant 1 : i32
          %and3A_578 = vector.broadcast %and3A_577 : i32 to vector<16xi32>
          %and3A_579 = arith.andi %shift_right_arithmetic3A_576, %and3A_578 : vector<16xi32>
          %add3A_580 = arith.addi %add3A_573, %and3A_579 : vector<16xi32>
          %and3A_581 = arith.constant -65536 : i32
          %and3A_582 = vector.broadcast %and3A_581 : i32 to vector<16xi32>
          %and3A_583 = arith.andi %add3A_580, %and3A_582 : vector<16xi32>
          %bitcast3A_584 = vector.bitcast %and3A_583 : vector<16xi32> to vector<16xf32>
          %mul3A_585 = arith.mulf %bitcast3A_569, %bitcast3A_584 : vector<16xf32>
          %add3A_586 = arith.addf %add3A_544, %mul3A_585 : vector<16xf32>
          %mul3A_587 = arith.mulf %gather3A_553, %gather3A_554 : vector<16xf32>
          %add3A_588 = arith.addf %add3A_546, %mul3A_587 : vector<16xf32>
          %mul3A_589 = arith.mulf %gather3A_553, %gather3A_553 : vector<16xf32>
          %add3A_590 = arith.addf %add3A_548, %mul3A_589 : vector<16xf32>
          %mul3A_591 = arith.mulf %gather3A_554, %gather3A_554 : vector<16xf32>
          %add3A_592 = arith.addf %add3A_550, %mul3A_591 : vector<16xf32>
          %broadcast_in_dim3A_593 = arith.constant 9 : i32
          %broadcast_in_dim3A_594 = vector.broadcast %broadcast_in_dim3A_593 : i32 to vector<16xi32>
          %gather3A_595 = tpu.vector_load_idx %arg17[%add3A_209, %broadcast_in_dim3A_594] : memref<128x128xf32, #tpu.memory_space<vmem>>[vector<16xi32>, vector<16xi32>], vector<16xf32>,
          %gather3A_596 = tpu.vector_load_idx %arg18[%add3A_209, %broadcast_in_dim3A_594] : memref<128x128xf32, #tpu.memory_space<vmem>>[vector<16xi32>, vector<16xi32>], vector<16xf32>,
          %bitcast3A_597 = vector.bitcast %gather3A_595 : vector<16xf32> to vector<16xi32>
          %add3A_598 = arith.constant 32767 : i32
          %add3A_599 = vector.broadcast %add3A_598 : i32 to vector<16xi32>
          %add3A_600 = arith.addi %bitcast3A_597, %add3A_599 : vector<16xi32>
          %shift_right_arithmetic3A_601 = arith.constant 16 : i32
          %shift_right_arithmetic3A_602 = vector.broadcast %shift_right_arithmetic3A_601 : i32 to vector<16xi32>
          %shift_right_arithmetic3A_603 = arith.shrsi %bitcast3A_597, %shift_right_arithmetic3A_602 : vector<16xi32>
          %and3A_604 = arith.constant 1 : i32
          %and3A_605 = vector.broadcast %and3A_604 : i32 to vector<16xi32>
          %and3A_606 = arith.andi %shift_right_arithmetic3A_603, %and3A_605 : vector<16xi32>
          %add3A_607 = arith.addi %add3A_600, %and3A_606 : vector<16xi32>
          %and3A_608 = arith.constant -65536 : i32
          %and3A_609 = vector.broadcast %and3A_608 : i32 to vector<16xi32>
          %and3A_610 = arith.andi %add3A_607, %and3A_609 : vector<16xi32>
          %bitcast3A_611 = vector.bitcast %and3A_610 : vector<16xi32> to vector<16xf32>
          %bitcast3A_612 = vector.bitcast %gather3A_596 : vector<16xf32> to vector<16xi32>
          %add3A_613 = arith.constant 32767 : i32
          %add3A_614 = vector.broadcast %add3A_613 : i32 to vector<16xi32>
          %add3A_615 = arith.addi %bitcast3A_612, %add3A_614 : vector<16xi32>
          %shift_right_arithmetic3A_616 = arith.constant 16 : i32
          %shift_right_arithmetic3A_617 = vector.broadcast %shift_right_arithmetic3A_616 : i32 to vector<16xi32>
          %shift_right_arithmetic3A_618 = arith.shrsi %bitcast3A_612, %shift_right_arithmetic3A_617 : vector<16xi32>
          %and3A_619 = arith.constant 1 : i32
          %and3A_620 = vector.broadcast %and3A_619 : i32 to vector<16xi32>
          %and3A_621 = arith.andi %shift_right_arithmetic3A_618, %and3A_620 : vector<16xi32>
          %add3A_622 = arith.addi %add3A_615, %and3A_621 : vector<16xi32>
          %and3A_623 = arith.constant -65536 : i32
          %and3A_624 = vector.broadcast %and3A_623 : i32 to vector<16xi32>
          %and3A_625 = arith.andi %add3A_622, %and3A_624 : vector<16xi32>
          %bitcast3A_626 = vector.bitcast %and3A_625 : vector<16xi32> to vector<16xf32>
          %mul3A_627 = arith.mulf %bitcast3A_611, %bitcast3A_626 : vector<16xf32>
          %add3A_628 = arith.addf %add3A_586, %mul3A_627 : vector<16xf32>
          %mul3A_629 = arith.mulf %gather3A_595, %gather3A_596 : vector<16xf32>
          %add3A_630 = arith.addf %add3A_588, %mul3A_629 : vector<16xf32>
          %mul3A_631 = arith.mulf %gather3A_595, %gather3A_595 : vector<16xf32>
          %add3A_632 = arith.addf %add3A_590, %mul3A_631 : vector<16xf32>
          %mul3A_633 = arith.mulf %gather3A_596, %gather3A_596 : vector<16xf32>
          %add3A_634 = arith.addf %add3A_592, %mul3A_633 : vector<16xf32>
          %broadcast_in_dim3A_635 = arith.constant 10 : i32
          %broadcast_in_dim3A_636 = vector.broadcast %broadcast_in_dim3A_635 : i32 to vector<16xi32>
          %gather3A_637 = tpu.vector_load_idx %arg17[%add3A_209, %broadcast_in_dim3A_636] : memref<128x128xf32, #tpu.memory_space<vmem>>[vector<16xi32>, vector<16xi32>], vector<16xf32>,
          %gather3A_638 = tpu.vector_load_idx %arg18[%add3A_209, %broadcast_in_dim3A_636] : memref<128x128xf32, #tpu.memory_space<vmem>>[vector<16xi32>, vector<16xi32>], vector<16xf32>,
          %bitcast3A_639 = vector.bitcast %gather3A_637 : vector<16xf32> to vector<16xi32>
          %add3A_640 = arith.constant 32767 : i32
          %add3A_641 = vector.broadcast %add3A_640 : i32 to vector<16xi32>
          %add3A_642 = arith.addi %bitcast3A_639, %add3A_641 : vector<16xi32>
          %shift_right_arithmetic3A_643 = arith.constant 16 : i32
          %shift_right_arithmetic3A_644 = vector.broadcast %shift_right_arithmetic3A_643 : i32 to vector<16xi32>
          %shift_right_arithmetic3A_645 = arith.shrsi %bitcast3A_639, %shift_right_arithmetic3A_644 : vector<16xi32>
          %and3A_646 = arith.constant 1 : i32
          %and3A_647 = vector.broadcast %and3A_646 : i32 to vector<16xi32>
          %and3A_648 = arith.andi %shift_right_arithmetic3A_645, %and3A_647 : vector<16xi32>
          %add3A_649 = arith.addi %add3A_642, %and3A_648 : vector<16xi32>
          %and3A_650 = arith.constant -65536 : i32
          %and3A_651 = vector.broadcast %and3A_650 : i32 to vector<16xi32>
          %and3A_652 = arith.andi %add3A_649, %and3A_651 : vector<16xi32>
          %bitcast3A_653 = vector.bitcast %and3A_652 : vector<16xi32> to vector<16xf32>
          %bitcast3A_654 = vector.bitcast %gather3A_638 : vector<16xf32> to vector<16xi32>
          %add3A_655 = arith.constant 32767 : i32
          %add3A_656 = vector.broadcast %add3A_655 : i32 to vector<16xi32>
          %add3A_657 = arith.addi %bitcast3A_654, %add3A_656 : vector<16xi32>
          %shift_right_arithmetic3A_658 = arith.constant 16 : i32
          %shift_right_arithmetic3A_659 = vector.broadcast %shift_right_arithmetic3A_658 : i32 to vector<16xi32>
          %shift_right_arithmetic3A_660 = arith.shrsi %bitcast3A_654, %shift_right_arithmetic3A_659 : vector<16xi32>
          %and3A_661 = arith.constant 1 : i32
          %and3A_662 = vector.broadcast %and3A_661 : i32 to vector<16xi32>
          %and3A_663 = arith.andi %shift_right_arithmetic3A_660, %and3A_662 : vector<16xi32>
          %add3A_664 = arith.addi %add3A_657, %and3A_663 : vector<16xi32>
          %and3A_665 = arith.constant -65536 : i32
          %and3A_666 = vector.broadcast %and3A_665 : i32 to vector<16xi32>
          %and3A_667 = arith.andi %add3A_664, %and3A_666 : vector<16xi32>
          %bitcast3A_668 = vector.bitcast %and3A_667 : vector<16xi32> to vector<16xf32>
          %mul3A_669 = arith.mulf %bitcast3A_653, %bitcast3A_668 : vector<16xf32>
          %add3A_670 = arith.addf %add3A_628, %mul3A_669 : vector<16xf32>
          %mul3A_671 = arith.mulf %gather3A_637, %gather3A_638 : vector<16xf32>
          %add3A_672 = arith.addf %add3A_630, %mul3A_671 : vector<16xf32>
          %mul3A_673 = arith.mulf %gather3A_637, %gather3A_637 : vector<16xf32>
          %add3A_674 = arith.addf %add3A_632, %mul3A_673 : vector<16xf32>
          %mul3A_675 = arith.mulf %gather3A_638, %gather3A_638 : vector<16xf32>
          %add3A_676 = arith.addf %add3A_634, %mul3A_675 : vector<16xf32>
          %broadcast_in_dim3A_677 = arith.constant 11 : i32
          %broadcast_in_dim3A_678 = vector.broadcast %broadcast_in_dim3A_677 : i32 to vector<16xi32>
          %gather3A_679 = tpu.vector_load_idx %arg17[%add3A_209, %broadcast_in_dim3A_678] : memref<128x128xf32, #tpu.memory_space<vmem>>[vector<16xi32>, vector<16xi32>], vector<16xf32>,
          %gather3A_680 = tpu.vector_load_idx %arg18[%add3A_209, %broadcast_in_dim3A_678] : memref<128x128xf32, #tpu.memory_space<vmem>>[vector<16xi32>, vector<16xi32>], vector<16xf32>,
          %bitcast3A_681 = vector.bitcast %gather3A_679 : vector<16xf32> to vector<16xi32>
          %add3A_682 = arith.constant 32767 : i32
          %add3A_683 = vector.broadcast %add3A_682 : i32 to vector<16xi32>
          %add3A_684 = arith.addi %bitcast3A_681, %add3A_683 : vector<16xi32>
          %shift_right_arithmetic3A_685 = arith.constant 16 : i32
          %shift_right_arithmetic3A_686 = vector.broadcast %shift_right_arithmetic3A_685 : i32 to vector<16xi32>
          %shift_right_arithmetic3A_687 = arith.shrsi %bitcast3A_681, %shift_right_arithmetic3A_686 : vector<16xi32>
          %and3A_688 = arith.constant 1 : i32
          %and3A_689 = vector.broadcast %and3A_688 : i32 to vector<16xi32>
          %and3A_690 = arith.andi %shift_right_arithmetic3A_687, %and3A_689 : vector<16xi32>
          %add3A_691 = arith.addi %add3A_684, %and3A_690 : vector<16xi32>
          %and3A_692 = arith.constant -65536 : i32
          %and3A_693 = vector.broadcast %and3A_692 : i32 to vector<16xi32>
          %and3A_694 = arith.andi %add3A_691, %and3A_693 : vector<16xi32>
          %bitcast3A_695 = vector.bitcast %and3A_694 : vector<16xi32> to vector<16xf32>
          %bitcast3A_696 = vector.bitcast %gather3A_680 : vector<16xf32> to vector<16xi32>
          %add3A_697 = arith.constant 32767 : i32
          %add3A_698 = vector.broadcast %add3A_697 : i32 to vector<16xi32>
          %add3A_699 = arith.addi %bitcast3A_696, %add3A_698 : vector<16xi32>
          %shift_right_arithmetic3A_700 = arith.constant 16 : i32
          %shift_right_arithmetic3A_701 = vector.broadcast %shift_right_arithmetic3A_700 : i32 to vector<16xi32>
          %shift_right_arithmetic3A_702 = arith.shrsi %bitcast3A_696, %shift_right_arithmetic3A_701 : vector<16xi32>
          %and3A_703 = arith.constant 1 : i32
          %and3A_704 = vector.broadcast %and3A_703 : i32 to vector<16xi32>
          %and3A_705 = arith.andi %shift_right_arithmetic3A_702, %and3A_704 : vector<16xi32>
          %add3A_706 = arith.addi %add3A_699, %and3A_705 : vector<16xi32>
          %and3A_707 = arith.constant -65536 : i32
          %and3A_708 = vector.broadcast %and3A_707 : i32 to vector<16xi32>
          %and3A_709 = arith.andi %add3A_706, %and3A_708 : vector<16xi32>
          %bitcast3A_710 = vector.bitcast %and3A_709 : vector<16xi32> to vector<16xf32>
          %mul3A_711 = arith.mulf %bitcast3A_695, %bitcast3A_710 : vector<16xf32>
          %add3A_712 = arith.addf %add3A_670, %mul3A_711 : vector<16xf32>
          %mul3A_713 = arith.mulf %gather3A_679, %gather3A_680 : vector<16xf32>
          %add3A_714 = arith.addf %add3A_672, %mul3A_713 : vector<16xf32>
          %mul3A_715 = arith.mulf %gather3A_679, %gather3A_679 : vector<16xf32>
          %add3A_716 = arith.addf %add3A_674, %mul3A_715 : vector<16xf32>
          %mul3A_717 = arith.mulf %gather3A_680, %gather3A_680 : vector<16xf32>
          %add3A_718 = arith.addf %add3A_676, %mul3A_717 : vector<16xf32>
          %broadcast_in_dim3A_719 = arith.constant 12 : i32
          %broadcast_in_dim3A_720 = vector.broadcast %broadcast_in_dim3A_719 : i32 to vector<16xi32>
          %gather3A_721 = tpu.vector_load_idx %arg17[%add3A_209, %broadcast_in_dim3A_720] : memref<128x128xf32, #tpu.memory_space<vmem>>[vector<16xi32>, vector<16xi32>], vector<16xf32>,
          %gather3A_722 = tpu.vector_load_idx %arg18[%add3A_209, %broadcast_in_dim3A_720] : memref<128x128xf32, #tpu.memory_space<vmem>>[vector<16xi32>, vector<16xi32>], vector<16xf32>,
          %bitcast3A_723 = vector.bitcast %gather3A_721 : vector<16xf32> to vector<16xi32>
          %add3A_724 = arith.constant 32767 : i32
          %add3A_725 = vector.broadcast %add3A_724 : i32 to vector<16xi32>
          %add3A_726 = arith.addi %bitcast3A_723, %add3A_725 : vector<16xi32>
          %shift_right_arithmetic3A_727 = arith.constant 16 : i32
          %shift_right_arithmetic3A_728 = vector.broadcast %shift_right_arithmetic3A_727 : i32 to vector<16xi32>
          %shift_right_arithmetic3A_729 = arith.shrsi %bitcast3A_723, %shift_right_arithmetic3A_728 : vector<16xi32>
          %and3A_730 = arith.constant 1 : i32
          %and3A_731 = vector.broadcast %and3A_730 : i32 to vector<16xi32>
          %and3A_732 = arith.andi %shift_right_arithmetic3A_729, %and3A_731 : vector<16xi32>
          %add3A_733 = arith.addi %add3A_726, %and3A_732 : vector<16xi32>
          %and3A_734 = arith.constant -65536 : i32
          %and3A_735 = vector.broadcast %and3A_734 : i32 to vector<16xi32>
          %and3A_736 = arith.andi %add3A_733, %and3A_735 : vector<16xi32>
          %bitcast3A_737 = vector.bitcast %and3A_736 : vector<16xi32> to vector<16xf32>
          %bitcast3A_738 = vector.bitcast %gather3A_722 : vector<16xf32> to vector<16xi32>
          %add3A_739 = arith.constant 32767 : i32
          %add3A_740 = vector.broadcast %add3A_739 : i32 to vector<16xi32>
          %add3A_741 = arith.addi %bitcast3A_738, %add3A_740 : vector<16xi32>
          %shift_right_arithmetic3A_742 = arith.constant 16 : i32
          %shift_right_arithmetic3A_743 = vector.broadcast %shift_right_arithmetic3A_742 : i32 to vector<16xi32>
          %shift_right_arithmetic3A_744 = arith.shrsi %bitcast3A_738, %shift_right_arithmetic3A_743 : vector<16xi32>
          %and3A_745 = arith.constant 1 : i32
          %and3A_746 = vector.broadcast %and3A_745 : i32 to vector<16xi32>
          %and3A_747 = arith.andi %shift_right_arithmetic3A_744, %and3A_746 : vector<16xi32>
          %add3A_748 = arith.addi %add3A_741, %and3A_747 : vector<16xi32>
          %and3A_749 = arith.constant -65536 : i32
          %and3A_750 = vector.broadcast %and3A_749 : i32 to vector<16xi32>
          %and3A_751 = arith.andi %add3A_748, %and3A_750 : vector<16xi32>
          %bitcast3A_752 = vector.bitcast %and3A_751 : vector<16xi32> to vector<16xf32>
          %mul3A_753 = arith.mulf %bitcast3A_737, %bitcast3A_752 : vector<16xf32>
          %add3A_754 = arith.addf %add3A_712, %mul3A_753 : vector<16xf32>
          %mul3A_755 = arith.mulf %gather3A_721, %gather3A_722 : vector<16xf32>
          %add3A_756 = arith.addf %add3A_714, %mul3A_755 : vector<16xf32>
          %mul3A_757 = arith.mulf %gather3A_721, %gather3A_721 : vector<16xf32>
          %add3A_758 = arith.addf %add3A_716, %mul3A_757 : vector<16xf32>
          %mul3A_759 = arith.mulf %gather3A_722, %gather3A_722 : vector<16xf32>
          %add3A_760 = arith.addf %add3A_718, %mul3A_759 : vector<16xf32>
          %broadcast_in_dim3A_761 = arith.constant 13 : i32
          %broadcast_in_dim3A_762 = vector.broadcast %broadcast_in_dim3A_761 : i32 to vector<16xi32>
          %gather3A_763 = tpu.vector_load_idx %arg17[%add3A_209, %broadcast_in_dim3A_762] : memref<128x128xf32, #tpu.memory_space<vmem>>[vector<16xi32>, vector<16xi32>], vector<16xf32>,
          %gather3A_764 = tpu.vector_load_idx %arg18[%add3A_209, %broadcast_in_dim3A_762] : memref<128x128xf32, #tpu.memory_space<vmem>>[vector<16xi32>, vector<16xi32>], vector<16xf32>,
          %bitcast3A_765 = vector.bitcast %gather3A_763 : vector<16xf32> to vector<16xi32>
          %add3A_766 = arith.constant 32767 : i32
          %add3A_767 = vector.broadcast %add3A_766 : i32 to vector<16xi32>
          %add3A_768 = arith.addi %bitcast3A_765, %add3A_767 : vector<16xi32>
          %shift_right_arithmetic3A_769 = arith.constant 16 : i32
          %shift_right_arithmetic3A_770 = vector.broadcast %shift_right_arithmetic3A_769 : i32 to vector<16xi32>
          %shift_right_arithmetic3A_771 = arith.shrsi %bitcast3A_765, %shift_right_arithmetic3A_770 : vector<16xi32>
          %and3A_772 = arith.constant 1 : i32
          %and3A_773 = vector.broadcast %and3A_772 : i32 to vector<16xi32>
          %and3A_774 = arith.andi %shift_right_arithmetic3A_771, %and3A_773 : vector<16xi32>
          %add3A_775 = arith.addi %add3A_768, %and3A_774 : vector<16xi32>
          %and3A_776 = arith.constant -65536 : i32
          %and3A_777 = vector.broadcast %and3A_776 : i32 to vector<16xi32>
          %and3A_778 = arith.andi %add3A_775, %and3A_777 : vector<16xi32>
          %bitcast3A_779 = vector.bitcast %and3A_778 : vector<16xi32> to vector<16xf32>
          %bitcast3A_780 = vector.bitcast %gather3A_764 : vector<16xf32> to vector<16xi32>
          %add3A_781 = arith.constant 32767 : i32
          %add3A_782 = vector.broadcast %add3A_781 : i32 to vector<16xi32>
          %add3A_783 = arith.addi %bitcast3A_780, %add3A_782 : vector<16xi32>
          %shift_right_arithmetic3A_784 = arith.constant 16 : i32
          %shift_right_arithmetic3A_785 = vector.broadcast %shift_right_arithmetic3A_784 : i32 to vector<16xi32>
          %shift_right_arithmetic3A_786 = arith.shrsi %bitcast3A_780, %shift_right_arithmetic3A_785 : vector<16xi32>
          %and3A_787 = arith.constant 1 : i32
          %and3A_788 = vector.broadcast %and3A_787 : i32 to vector<16xi32>
          %and3A_789 = arith.andi %shift_right_arithmetic3A_786, %and3A_788 : vector<16xi32>
          %add3A_790 = arith.addi %add3A_783, %and3A_789 : vector<16xi32>
          %and3A_791 = arith.constant -65536 : i32
          %and3A_792 = vector.broadcast %and3A_791 : i32 to vector<16xi32>
          %and3A_793 = arith.andi %add3A_790, %and3A_792 : vector<16xi32>
          %bitcast3A_794 = vector.bitcast %and3A_793 : vector<16xi32> to vector<16xf32>
          %mul3A_795 = arith.mulf %bitcast3A_779, %bitcast3A_794 : vector<16xf32>
          %add3A_796 = arith.addf %add3A_754, %mul3A_795 : vector<16xf32>
          %mul3A_797 = arith.mulf %gather3A_763, %gather3A_764 : vector<16xf32>
          %add3A_798 = arith.addf %add3A_756, %mul3A_797 : vector<16xf32>
          %mul3A_799 = arith.mulf %gather3A_763, %gather3A_763 : vector<16xf32>
          %add3A_800 = arith.addf %add3A_758, %mul3A_799 : vector<16xf32>
          %mul3A_801 = arith.mulf %gather3A_764, %gather3A_764 : vector<16xf32>
          %add3A_802 = arith.addf %add3A_760, %mul3A_801 : vector<16xf32>
          %broadcast_in_dim3A_803 = arith.constant 14 : i32
          %broadcast_in_dim3A_804 = vector.broadcast %broadcast_in_dim3A_803 : i32 to vector<16xi32>
          %gather3A_805 = tpu.vector_load_idx %arg17[%add3A_209, %broadcast_in_dim3A_804] : memref<128x128xf32, #tpu.memory_space<vmem>>[vector<16xi32>, vector<16xi32>], vector<16xf32>,
          %gather3A_806 = tpu.vector_load_idx %arg18[%add3A_209, %broadcast_in_dim3A_804] : memref<128x128xf32, #tpu.memory_space<vmem>>[vector<16xi32>, vector<16xi32>], vector<16xf32>,
          %bitcast3A_807 = vector.bitcast %gather3A_805 : vector<16xf32> to vector<16xi32>
          %add3A_808 = arith.constant 32767 : i32
          %add3A_809 = vector.broadcast %add3A_808 : i32 to vector<16xi32>
          %add3A_810 = arith.addi %bitcast3A_807, %add3A_809 : vector<16xi32>
          %shift_right_arithmetic3A_811 = arith.constant 16 : i32
          %shift_right_arithmetic3A_812 = vector.broadcast %shift_right_arithmetic3A_811 : i32 to vector<16xi32>
          %shift_right_arithmetic3A_813 = arith.shrsi %bitcast3A_807, %shift_right_arithmetic3A_812 : vector<16xi32>
          %and3A_814 = arith.constant 1 : i32
          %and3A_815 = vector.broadcast %and3A_814 : i32 to vector<16xi32>
          %and3A_816 = arith.andi %shift_right_arithmetic3A_813, %and3A_815 : vector<16xi32>
          %add3A_817 = arith.addi %add3A_810, %and3A_816 : vector<16xi32>
          %and3A_818 = arith.constant -65536 : i32
          %and3A_819 = vector.broadcast %and3A_818 : i32 to vector<16xi32>
          %and3A_820 = arith.andi %add3A_817, %and3A_819 : vector<16xi32>
          %bitcast3A_821 = vector.bitcast %and3A_820 : vector<16xi32> to vector<16xf32>
          %bitcast3A_822 = vector.bitcast %gather3A_806 : vector<16xf32> to vector<16xi32>
          %add3A_823 = arith.constant 32767 : i32
          %add3A_824 = vector.broadcast %add3A_823 : i32 to vector<16xi32>
          %add3A_825 = arith.addi %bitcast3A_822, %add3A_824 : vector<16xi32>
          %shift_right_arithmetic3A_826 = arith.constant 16 : i32
          %shift_right_arithmetic3A_827 = vector.broadcast %shift_right_arithmetic3A_826 : i32 to vector<16xi32>
          %shift_right_arithmetic3A_828 = arith.shrsi %bitcast3A_822, %shift_right_arithmetic3A_827 : vector<16xi32>
          %and3A_829 = arith.constant 1 : i32
          %and3A_830 = vector.broadcast %and3A_829 : i32 to vector<16xi32>
          %and3A_831 = arith.andi %shift_right_arithmetic3A_828, %and3A_830 : vector<16xi32>
          %add3A_832 = arith.addi %add3A_825, %and3A_831 : vector<16xi32>
          %and3A_833 = arith.constant -65536 : i32
          %and3A_834 = vector.broadcast %and3A_833 : i32 to vector<16xi32>
          %and3A_835 = arith.andi %add3A_832, %and3A_834 : vector<16xi32>
          %bitcast3A_836 = vector.bitcast %and3A_835 : vector<16xi32> to vector<16xf32>
          %mul3A_837 = arith.mulf %bitcast3A_821, %bitcast3A_836 : vector<16xf32>
          %add3A_838 = arith.addf %add3A_796, %mul3A_837 : vector<16xf32>
          %mul3A_839 = arith.mulf %gather3A_805, %gather3A_806 : vector<16xf32>
          %add3A_840 = arith.addf %add3A_798, %mul3A_839 : vector<16xf32>
          %mul3A_841 = arith.mulf %gather3A_805, %gather3A_805 : vector<16xf32>
          %add3A_842 = arith.addf %add3A_800, %mul3A_841 : vector<16xf32>
          %mul3A_843 = arith.mulf %gather3A_806, %gather3A_806 : vector<16xf32>
          %add3A_844 = arith.addf %add3A_802, %mul3A_843 : vector<16xf32>
          %broadcast_in_dim3A_845 = arith.constant 15 : i32
          %broadcast_in_dim3A_846 = vector.broadcast %broadcast_in_dim3A_845 : i32 to vector<16xi32>
          %gather3A_847 = tpu.vector_load_idx %arg17[%add3A_209, %broadcast_in_dim3A_846] : memref<128x128xf32, #tpu.memory_space<vmem>>[vector<16xi32>, vector<16xi32>], vector<16xf32>,
          %gather3A_848 = tpu.vector_load_idx %arg18[%add3A_209, %broadcast_in_dim3A_846] : memref<128x128xf32, #tpu.memory_space<vmem>>[vector<16xi32>, vector<16xi32>], vector<16xf32>,
          %bitcast3A_849 = vector.bitcast %gather3A_847 : vector<16xf32> to vector<16xi32>
          %add3A_850 = arith.constant 32767 : i32
          %add3A_851 = vector.broadcast %add3A_850 : i32 to vector<16xi32>
          %add3A_852 = arith.addi %bitcast3A_849, %add3A_851 : vector<16xi32>
          %shift_right_arithmetic3A_853 = arith.constant 16 : i32
          %shift_right_arithmetic3A_854 = vector.broadcast %shift_right_arithmetic3A_853 : i32 to vector<16xi32>
          %shift_right_arithmetic3A_855 = arith.shrsi %bitcast3A_849, %shift_right_arithmetic3A_854 : vector<16xi32>
          %and3A_856 = arith.constant 1 : i32
          %and3A_857 = vector.broadcast %and3A_856 : i32 to vector<16xi32>
          %and3A_858 = arith.andi %shift_right_arithmetic3A_855, %and3A_857 : vector<16xi32>
          %add3A_859 = arith.addi %add3A_852, %and3A_858 : vector<16xi32>
          %and3A_860 = arith.constant -65536 : i32
          %and3A_861 = vector.broadcast %and3A_860 : i32 to vector<16xi32>
          %and3A_862 = arith.andi %add3A_859, %and3A_861 : vector<16xi32>
          %bitcast3A_863 = vector.bitcast %and3A_862 : vector<16xi32> to vector<16xf32>
          %bitcast3A_864 = vector.bitcast %gather3A_848 : vector<16xf32> to vector<16xi32>
          %add3A_865 = arith.constant 32767 : i32
          %add3A_866 = vector.broadcast %add3A_865 : i32 to vector<16xi32>
          %add3A_867 = arith.addi %bitcast3A_864, %add3A_866 : vector<16xi32>
          %shift_right_arithmetic3A_868 = arith.constant 16 : i32
          %shift_right_arithmetic3A_869 = vector.broadcast %shift_right_arithmetic3A_868 : i32 to vector<16xi32>
          %shift_right_arithmetic3A_870 = arith.shrsi %bitcast3A_864, %shift_right_arithmetic3A_869 : vector<16xi32>
          %and3A_871 = arith.constant 1 : i32
          %and3A_872 = vector.broadcast %and3A_871 : i32 to vector<16xi32>
          %and3A_873 = arith.andi %shift_right_arithmetic3A_870, %and3A_872 : vector<16xi32>
          %add3A_874 = arith.addi %add3A_867, %and3A_873 : vector<16xi32>
          %and3A_875 = arith.constant -65536 : i32
          %and3A_876 = vector.broadcast %and3A_875 : i32 to vector<16xi32>
          %and3A_877 = arith.andi %add3A_874, %and3A_876 : vector<16xi32>
          %bitcast3A_878 = vector.bitcast %and3A_877 : vector<16xi32> to vector<16xf32>
          %mul3A_879 = arith.mulf %bitcast3A_863, %bitcast3A_878 : vector<16xf32>
          %add3A_880 = arith.addf %add3A_838, %mul3A_879 : vector<16xf32>
          %mul3A_881 = arith.mulf %gather3A_847, %gather3A_848 : vector<16xf32>
          %add3A_882 = arith.addf %add3A_840, %mul3A_881 : vector<16xf32>
          %mul3A_883 = arith.mulf %gather3A_847, %gather3A_847 : vector<16xf32>
          %add3A_884 = arith.addf %add3A_842, %mul3A_883 : vector<16xf32>
          %mul3A_885 = arith.mulf %gather3A_848, %gather3A_848 : vector<16xf32>
          %add3A_886 = arith.addf %add3A_844, %mul3A_885 : vector<16xf32>
          %add3A_887 = arith.addf %add3A_884, %add3A_886 : vector<16xf32>
          %mul3A_888 = arith.constant 2.000000e+00 : f32
          %mul3A_889 = vector.broadcast %mul3A_888 : f32 to vector<16xf32>
          %mul3A_890 = arith.mulf %mul3A_889, %add3A_880 : vector<16xf32>
          %sub3A_891 = arith.subf %add3A_887, %mul3A_890 : vector<16xf32>
          %max3A = arith.constant 0.000000e+00 : f32
          %max3A_892 = vector.broadcast %max3A : f32 to vector<16xf32>
          %max3A_893 = arith.maximumf %sub3A_891, %max3A_892 : vector<16xf32>
          %add3A_894 = arith.addf %add3A_884, %add3A_886 : vector<16xf32>
          %mul3A_895 = arith.constant 2.000000e+00 : f32
          %mul3A_896 = vector.broadcast %mul3A_895 : f32 to vector<16xf32>
          %mul3A_897 = arith.mulf %mul3A_896, %add3A_882 : vector<16xf32>
          %sub3A_898 = arith.subf %add3A_894, %mul3A_897 : vector<16xf32>
          %max3A_899 = arith.constant 0.000000e+00 : f32
          %max3A_900 = vector.broadcast %max3A_899 : f32 to vector<16xf32>
          %max3A_901 = arith.maximumf %sub3A_898, %max3A_900 : vector<16xf32>
          %bitcast3A_902 = vector.bitcast %max3A_901 : vector<16xf32> to vector<16xi32>
          %shift_right_arithmetic3A_903 = arith.constant 1 : i32
          %shift_right_arithmetic3A_904 = vector.broadcast %shift_right_arithmetic3A_903 : i32 to vector<16xi32>
          %shift_right_arithmetic3A_905 = arith.shrsi %bitcast3A_902, %shift_right_arithmetic3A_904 : vector<16xi32>
          %sub3A_906 = arith.constant 1597463007 : i32
          %sub3A_907 = vector.broadcast %sub3A_906 : i32 to vector<16xi32>
          %sub3A_908 = arith.subi %sub3A_907, %shift_right_arithmetic3A_905 : vector<16xi32>
          %bitcast3A_909 = vector.bitcast %sub3A_908 : vector<16xi32> to vector<16xf32>
          %mul3A_910 = arith.constant 5.000000e-01 : f32
          %mul3A_911 = vector.broadcast %mul3A_910 : f32 to vector<16xf32>
          %mul3A_912 = arith.mulf %mul3A_911, %max3A_901 : vector<16xf32>
          %mul3A_913 = arith.mulf %mul3A_912, %bitcast3A_909 : vector<16xf32>
          %mul3A_914 = arith.mulf %mul3A_913, %bitcast3A_909 : vector<16xf32>
          %sub3A_915 = arith.constant 1.500000e+00 : f32
          %sub3A_916 = vector.broadcast %sub3A_915 : f32 to vector<16xf32>
          %sub3A_917 = arith.subf %sub3A_916, %mul3A_914 : vector<16xf32>
          %mul3A_918 = arith.mulf %bitcast3A_909, %sub3A_917 : vector<16xf32>
          %mul3A_919 = arith.mulf %mul3A_912, %mul3A_918 : vector<16xf32>
          %mul3A_920 = arith.mulf %mul3A_919, %mul3A_918 : vector<16xf32>
          %sub3A_921 = arith.constant 1.500000e+00 : f32
          %sub3A_922 = vector.broadcast %sub3A_921 : f32 to vector<16xf32>
          %sub3A_923 = arith.subf %sub3A_922, %mul3A_920 : vector<16xf32>
          %mul3A_924 = arith.mulf %mul3A_918, %sub3A_923 : vector<16xf32>
          %mul3A_925 = arith.mulf %mul3A_912, %mul3A_924 : vector<16xf32>
          %mul3A_926 = arith.mulf %mul3A_925, %mul3A_924 : vector<16xf32>
          %sub3A_927 = arith.constant 1.500000e+00 : f32
          %sub3A_928 = vector.broadcast %sub3A_927 : f32 to vector<16xf32>
          %sub3A_929 = arith.subf %sub3A_928, %mul3A_926 : vector<16xf32>
          %mul3A_930 = arith.mulf %mul3A_924, %sub3A_929 : vector<16xf32>
          %gt3A_931 = arith.constant 0.000000e+00 : f32
          %gt3A_932 = vector.broadcast %gt3A_931 : f32 to vector<16xf32>
          %gt3A_933 = arith.cmpf ogt, %max3A_901, %gt3A_932 : vector<16xf32>
          %mul3A_934 = arith.mulf %max3A_901, %mul3A_930 : vector<16xf32>
          %jit3A_935 = arith.constant 0.000000e+00 : f32
          %broadcast_in_dim3A_936 = vector.broadcast %jit3A_935 : f32 to vector<16xf32>
          %select_n3A_937 = arith.select %gt3A_933, %mul3A_934, %broadcast_in_dim3A_936 : vector<16xi1>, vector<16xf32>
          %gather3A_938 = tpu.vector_load_idx %arg13[%get3A_191] : memref<10240xi32, #tpu.memory_space<vmem>>[vector<16xi32>], vector<16xi32>,
          %gather3A_939 = tpu.vector_load_idx %arg13[%get3A_194] : memref<10240xi32, #tpu.memory_space<vmem>>[vector<16xi32>], vector<16xi32>,
          %gather3A_940 = tpu.vector_load_idx %arg12[%get3A_191] : memref<10240xi32, #tpu.memory_space<vmem>>[vector<16xi32>], vector<16xi32>,
          %gather3A_941 = tpu.vector_load_idx %arg12[%get3A_194] : memref<10240xi32, #tpu.memory_space<vmem>>[vector<16xi32>], vector<16xi32>,
          %eq3A_942 = arith.cmpi eq, %gather3A_938, %gather3A_939 : vector<16xi32>
          %le3A = arith.constant 1.000000e+00 : f32
          %le3A_943 = vector.broadcast %le3A : f32 to vector<16xf32>
          %le3A_944 = arith.cmpf ole, %max3A_893, %le3A_943 : vector<16xf32>
          %and3A_945 = arith.andi %eq3A_942, %le3A_944 : vector<16xi1>
          %ne3A_946 = arith.cmpi ne, %get3A_191, %get3A_194 : vector<16xi32>
          %and3A_947 = arith.andi %and3A_945, %ne3A_946 : vector<16xi1>
          %eq3A_948 = arith.cmpi eq, %gather3A_940, %gather3A_941 : vector<16xi32>
          %gt3A_949 = arith.constant 0 : i32
          %gt3A_950 = vector.broadcast %gt3A_949 : i32 to vector<16xi32>
          %gt3A_951 = arith.cmpi sgt, %gather3A_940, %gt3A_950 : vector<16xi32>
          %and3A_952 = arith.andi %eq3A_948, %gt3A_951 : vector<16xi1>
          %not3A = arith.constant dense<true> : vector<16xi1>
          %not3A_953 = arith.xori %and3A_947, %not3A : vector<16xi1>
          %and3A_954 = arith.andi %and3A_207, %not3A_953 : vector<16xi1>
          %and3A_955 = arith.andi %and3A_954, %and3A_952 : vector<16xi1>
          %not3A_956 = arith.constant dense<true> : vector<16xi1>
          %not3A_957 = arith.xori %and3A_952, %not3A_956 : vector<16xi1>
          %and3A_958 = arith.andi %and3A_954, %not3A_957 : vector<16xi1>
          %get3A_959 = arith.constant 0 : index
          %get3A_960 = tpu.vector_load %arg19[%get3A_959] {strides = array<i32>} : memref<16xf32, #tpu.memory_space<vmem>>, vector<16xf32>,
          %jit3A_961 = arith.constant 0.000000e+00 : f32
          %broadcast_in_dim3A_962 = vector.broadcast %jit3A_961 : f32 to vector<16xf32>
          %select_n3A_963 = arith.select %and3A_955, %select_n3A_937, %broadcast_in_dim3A_962 : vector<16xi1>, vector<16xf32>
          %add3A_964 = arith.addf %get3A_960, %select_n3A_963 : vector<16xf32>
          %swap3A_965 = arith.constant 0 : index
          %swap3A_966 = tpu.vector_load %arg19[%swap3A_965] {strides = array<i32>} : memref<16xf32, #tpu.memory_space<vmem>>, vector<16xf32>,
          tpu.vector_store %arg19[%swap3A_965], %add3A_964 {strides = array<i32>} : memref<16xf32, #tpu.memory_space<vmem>>, vector<16xf32>,
          %get3A_967 = arith.constant 0 : index
          %get3A_968 = tpu.vector_load %arg20[%get3A_967] {strides = array<i32>} : memref<16xf32, #tpu.memory_space<vmem>>, vector<16xf32>,
          %jit3A_969 = arith.constant 1.000000e+00 : f32
          %jit3A_970 = arith.constant 0.000000e+00 : f32
          %broadcast_in_dim3A_971 = vector.broadcast %jit3A_969 : f32 to vector<16xf32>
          %broadcast_in_dim3A_972 = vector.broadcast %jit3A_970 : f32 to vector<16xf32>
          %select_n3A_973 = arith.select %and3A_955, %broadcast_in_dim3A_971, %broadcast_in_dim3A_972 : vector<16xi1>, vector<16xf32>
          %add3A_974 = arith.addf %get3A_968, %select_n3A_973 : vector<16xf32>
          %swap3A_975 = arith.constant 0 : index
          %swap3A_976 = tpu.vector_load %arg20[%swap3A_975] {strides = array<i32>} : memref<16xf32, #tpu.memory_space<vmem>>, vector<16xf32>,
          tpu.vector_store %arg20[%swap3A_975], %add3A_974 {strides = array<i32>} : memref<16xf32, #tpu.memory_space<vmem>>, vector<16xf32>,
          %get3A_977 = arith.constant 0 : index
          %get3A_978 = tpu.vector_load %arg21[%get3A_977] {strides = array<i32>} : memref<16xf32, #tpu.memory_space<vmem>>, vector<16xf32>,
          %sub3A_979 = arith.constant 1.000000e+00 : f32
          %sub3A_980 = vector.broadcast %sub3A_979 : f32 to vector<16xf32>
          %sub3A_981 = arith.subf %sub3A_980, %select_n3A_937 : vector<16xf32>
          %max3A_982 = arith.constant 0.000000e+00 : f32
          %max3A_983 = vector.broadcast %max3A_982 : f32 to vector<16xf32>
          %max3A_984 = arith.maximumf %sub3A_981, %max3A_983 : vector<16xf32>
          %jit3A_985 = arith.constant 0.000000e+00 : f32
          %broadcast_in_dim3A_986 = vector.broadcast %jit3A_985 : f32 to vector<16xf32>
          %select_n3A_987 = arith.select %and3A_958, %max3A_984, %broadcast_in_dim3A_986 : vector<16xi1>, vector<16xf32>
          %add3A_988 = arith.addf %get3A_978, %select_n3A_987 : vector<16xf32>
          %swap3A_989 = arith.constant 0 : index
          %swap3A_990 = tpu.vector_load %arg21[%swap3A_989] {strides = array<i32>} : memref<16xf32, #tpu.memory_space<vmem>>, vector<16xf32>,
          tpu.vector_store %arg21[%swap3A_989], %add3A_988 {strides = array<i32>} : memref<16xf32, #tpu.memory_space<vmem>>, vector<16xf32>,
          %scan3A_991 = arith.constant 0 : i32
          scf.yield %scan3A_991 : i32
        }
        %scan3A_184 = arith.constant 8 : i32
      } else {
      }
      %while3A_156 = arith.constant 0 : i32
      scf.yield %while3A_156 : i32
    }
    %while3A_105 = arith.constant 1 : i32
    %while3A_106 = scf.for %while3A_143 = %while3A_102 to %while3A_98 step %while3A_105 iter_args(%while3A_144 = %while3A_104) -> (i32)  : i32 {
      %mul3A_145 = arith.constant 2 : i32
      %mul3A_146 = arith.muli %while3A_143, %mul3A_145 : i32
      %add3A_147 = arith.constant 1 : i32
      %add3A_148 = arith.addi %mul3A_146, %add3A_147 : i32
      %lt3A = arith.cmpi slt, %mul3A_146, %select_n3A : i32
      %convert_element_type3A_149 = arith.extui %lt3A : i1 to i32
      %cond3A_150 = arith.constant 0 : i32
      %cond3A_151 = arith.cmpi ne, %convert_element_type3A_149, %cond3A_150 : i32
      scf.if %cond3A_151 {
        %mul3A_157 = arith.constant 128 : i32
        %mul3A_158 = arith.muli %mul3A_146, %mul3A_157 : i32
        %dma_wait3A = tpu.memref_slice %arg10[%mul3A_158] : memref<10496xi32, #tpu.memory_space<vmem>> -> memref<128xi32, #tpu.memory_space<vmem>>
        %dma_wait3A_159 = arith.constant 0 : i32
        %dma_wait3A_160 = arith.constant 0 : i32
        %dma_wait3A_161 = tpu.memref_slice %arg5[%dma_wait3A_159, %dma_wait3A_160] : memref<10240x128xf32, #tpu.memory_space<hbm>> -> memref<10240x128xf32, #tpu.memory_space<hbm>>
        tpu.wait_indirect_dma semaphore(%arg24 : memref<!tpu.dma_semaphore, #tpu.memory_space<semaphore_mem>>) src(%dma_wait3A_161 : memref<10240x128xf32, #tpu.memory_space<hbm>>) dst(%arg15 : memref<128x128xf32, #tpu.memory_space<vmem>>)
        %mul3A_162 = arith.constant 128 : i32
        %mul3A_163 = arith.muli %mul3A_146, %mul3A_162 : i32
        %dma_wait3A_164 = tpu.memref_slice %arg11[%mul3A_163] : memref<10496xi32, #tpu.memory_space<vmem>> -> memref<128xi32, #tpu.memory_space<vmem>>
        %dma_wait3A_165 = arith.constant 0 : i32
        %dma_wait3A_166 = arith.constant 0 : i32
        %dma_wait3A_167 = tpu.memref_slice %arg5[%dma_wait3A_165, %dma_wait3A_166] : memref<10240x128xf32, #tpu.memory_space<hbm>> -> memref<10240x128xf32, #tpu.memory_space<hbm>>
        tpu.wait_indirect_dma semaphore(%arg24 : memref<!tpu.dma_semaphore, #tpu.memory_space<semaphore_mem>>) src(%dma_wait3A_167 : memref<10240x128xf32, #tpu.memory_space<hbm>>) dst(%arg16 : memref<128x128xf32, #tpu.memory_space<vmem>>)
        %lt3A_168 = arith.cmpi slt, %add3A_148, %select_n3A : i32
        %convert_element_type3A_169 = arith.extui %lt3A_168 : i1 to i32
        %cond3A_170 = arith.constant 0 : i32
        %cond3A_171 = arith.cmpi ne, %convert_element_type3A_169, %cond3A_170 : i32
        scf.if %cond3A_171 {
          %mul3A_183 = arith.constant 128 : i32
          %mul3A_184 = arith.muli %add3A_148, %mul3A_183 : i32
          %dma_start3A = tpu.memref_slice %arg10[%mul3A_184] : memref<10496xi32, #tpu.memory_space<vmem>> -> memref<128xi32, #tpu.memory_space<vmem>>
          %dma_start3A_185 = arith.constant 0 : i32
          %dma_start3A_186 = arith.constant 0 : i32
          %dma_start3A_187 = tpu.memref_slice %arg5[%dma_start3A_185, %dma_start3A_186] : memref<10240x128xf32, #tpu.memory_space<hbm>> -> memref<10240x128xf32, #tpu.memory_space<hbm>>
          tpu.enqueue_indirect_dma source(%dma_start3A_187 : memref<10240x128xf32, #tpu.memory_space<hbm>>) target(%arg17 : memref<128x128xf32, #tpu.memory_space<vmem>>) offsets(%dma_start3A : memref<128xi32, #tpu.memory_space<vmem>>) semaphore(%arg25 : memref<!tpu.dma_semaphore, #tpu.memory_space<semaphore_mem>>)
          %mul3A_188 = arith.constant 128 : i32
          %mul3A_189 = arith.muli %add3A_148, %mul3A_188 : i32
          %dma_start3A_190 = tpu.memref_slice %arg11[%mul3A_189] : memref<10496xi32, #tpu.memory_space<vmem>> -> memref<128xi32, #tpu.memory_space<vmem>>
          %dma_start3A_191 = arith.constant 0 : i32
          %dma_start3A_192 = arith.constant 0 : i32
          %dma_start3A_193 = tpu.memref_slice %arg5[%dma_start3A_191, %dma_start3A_192] : memref<10240x128xf32, #tpu.memory_space<hbm>> -> memref<10240x128xf32, #tpu.memory_space<hbm>>
          tpu.enqueue_indirect_dma source(%dma_start3A_193 : memref<10240x128xf32, #tpu.memory_space<hbm>>) target(%arg18 : memref<128x128xf32, #tpu.memory_space<vmem>>) offsets(%dma_start3A_190 : memref<128xi32, #tpu.memory_space<vmem>>) semaphore(%arg25 : memref<!tpu.dma_semaphore, #tpu.memory_space<semaphore_mem>>)
        } else {
        }
        %mul3A_172 = arith.constant 128 : i32
        %mul3A_173 = arith.muli %mul3A_146, %mul3A_172 : i32
        %mul3A_174 = arith.constant 10496 : i32
        %mul3A_175 = arith.muli %add3A, %mul3A_174 : i32
        %add3A_176 = arith.addi %mul3A_175, %mul3A_173 : i32
        %scan3A = arith.constant 0 : i32
        %scan3A_177 = arith.constant 0 : i32
        %scan3A_178 = arith.constant 8 : i32
        %scan3A_179 = arith.addi %scan3A_177, %scan3A_178 : i32
        %scan3A_180 = arith.constant 1 : i32
        %scan3A_181 = scf.for %scan3A_183 = %scan3A_177 to %scan3A_179 step %scan3A_180 iter_args(%scan3A_184 = %scan3A) -> (i32)  : i32 {
          %mul3A_185 = arith.constant 16 : i32
          %mul3A_186 = arith.muli %scan3A_183, %mul3A_185 : i32
          %add3A_187 = arith.addi %mul3A_173, %mul3A_186 : i32
          %get3A_188 = arith.index_cast %add3A_187 : i32 to index
          %get3A_189 = tpu.vector_load %arg10[%get3A_188] {strides = array<i32>} : memref<10496xi32, #tpu.memory_space<vmem>>, vector<16xi32>,
          %add3A_190 = arith.addi %mul3A_173, %mul3A_186 : i32
          %get3A_191 = arith.index_cast %add3A_190 : i32 to index
          %get3A_192 = tpu.vector_load %arg11[%get3A_191] {strides = array<i32>} : memref<10496xi32, #tpu.memory_space<vmem>>, vector<16xi32>,
          %add3A_193 = arith.addi %mul3A_173, %mul3A_186 : i32
          %get3A_194 = arith.index_cast %add3A_193 : i32 to index
          %get3A_195 = tpu.vector_load %arg14[%get3A_194] {strides = array<i32>} : memref<10496xi32, #tpu.memory_space<vmem>>, vector<16xi32>,
          %add3A_196 = arith.addi %add3A_176, %mul3A_186 : i32
          %add3A_197 = vector.broadcast %add3A_196 : i32 to vector<16xi32>
          %add3A_198 = arith.addi %add3A_197, %iota3A : vector<16xi32>
          %add3A_199 = arith.addi %mul3A_173, %mul3A_186 : i32
          %add3A_200 = vector.broadcast %add3A_199 : i32 to vector<16xi32>
          %add3A_201 = arith.addi %add3A_200, %iota3A : vector<16xi32>
          %lt3A_202 = vector.broadcast %squeeze3A : i32 to vector<16xi32>
          %lt3A_203 = arith.cmpi slt, %add3A_201, %lt3A_202 : vector<16xi32>
          %eq3A_204 = arith.cmpi eq, %get3A_195, %add3A_198 : vector<16xi32>
          %and3A_205 = arith.andi %lt3A_203, %eq3A_204 : vector<16xi1>
          %add3A_206 = vector.broadcast %mul3A_186 : i32 to vector<16xi32>
          %add3A_207 = arith.addi %add3A_206, %iota3A : vector<16xi32>
          %broadcast_in_dim3A_208 = arith.constant 0.000000e+00 : f32
          %broadcast_in_dim3A_209 = vector.broadcast %broadcast_in_dim3A_208 : f32 to vector<16xf32>
          %broadcast_in_dim3A_210 = arith.constant 0.000000e+00 : f32
          %broadcast_in_dim3A_211 = vector.broadcast %broadcast_in_dim3A_210 : f32 to vector<16xf32>
          %broadcast_in_dim3A_212 = arith.constant 0.000000e+00 : f32
          %broadcast_in_dim3A_213 = vector.broadcast %broadcast_in_dim3A_212 : f32 to vector<16xf32>
          %broadcast_in_dim3A_214 = arith.constant 0.000000e+00 : f32
          %broadcast_in_dim3A_215 = vector.broadcast %broadcast_in_dim3A_214 : f32 to vector<16xf32>
          %broadcast_in_dim3A_216 = arith.constant 0 : i32
          %broadcast_in_dim3A_217 = vector.broadcast %broadcast_in_dim3A_216 : i32 to vector<16xi32>
          %gather3A = tpu.vector_load_idx %arg15[%add3A_207, %broadcast_in_dim3A_217] : memref<128x128xf32, #tpu.memory_space<vmem>>[vector<16xi32>, vector<16xi32>], vector<16xf32>,
          %gather3A_218 = tpu.vector_load_idx %arg16[%add3A_207, %broadcast_in_dim3A_217] : memref<128x128xf32, #tpu.memory_space<vmem>>[vector<16xi32>, vector<16xi32>], vector<16xf32>,
          %bitcast3A = vector.bitcast %gather3A : vector<16xf32> to vector<16xi32>
          %add3A_219 = arith.constant 32767 : i32
          %add3A_220 = vector.broadcast %add3A_219 : i32 to vector<16xi32>
          %add3A_221 = arith.addi %bitcast3A, %add3A_220 : vector<16xi32>
          %shift_right_arithmetic3A = arith.constant 16 : i32
          %shift_right_arithmetic3A_222 = vector.broadcast %shift_right_arithmetic3A : i32 to vector<16xi32>
          %shift_right_arithmetic3A_223 = arith.shrsi %bitcast3A, %shift_right_arithmetic3A_222 : vector<16xi32>
          %and3A_224 = arith.constant 1 : i32
          %and3A_225 = vector.broadcast %and3A_224 : i32 to vector<16xi32>
          %and3A_226 = arith.andi %shift_right_arithmetic3A_223, %and3A_225 : vector<16xi32>
          %add3A_227 = arith.addi %add3A_221, %and3A_226 : vector<16xi32>
          %and3A_228 = arith.constant -65536 : i32
          %and3A_229 = vector.broadcast %and3A_228 : i32 to vector<16xi32>
          %and3A_230 = arith.andi %add3A_227, %and3A_229 : vector<16xi32>
          %bitcast3A_231 = vector.bitcast %and3A_230 : vector<16xi32> to vector<16xf32>
          %bitcast3A_232 = vector.bitcast %gather3A_218 : vector<16xf32> to vector<16xi32>
          %add3A_233 = arith.constant 32767 : i32
          %add3A_234 = vector.broadcast %add3A_233 : i32 to vector<16xi32>
          %add3A_235 = arith.addi %bitcast3A_232, %add3A_234 : vector<16xi32>
          %shift_right_arithmetic3A_236 = arith.constant 16 : i32
          %shift_right_arithmetic3A_237 = vector.broadcast %shift_right_arithmetic3A_236 : i32 to vector<16xi32>
          %shift_right_arithmetic3A_238 = arith.shrsi %bitcast3A_232, %shift_right_arithmetic3A_237 : vector<16xi32>
          %and3A_239 = arith.constant 1 : i32
          %and3A_240 = vector.broadcast %and3A_239 : i32 to vector<16xi32>
          %and3A_241 = arith.andi %shift_right_arithmetic3A_238, %and3A_240 : vector<16xi32>
          %add3A_242 = arith.addi %add3A_235, %and3A_241 : vector<16xi32>
          %and3A_243 = arith.constant -65536 : i32
          %and3A_244 = vector.broadcast %and3A_243 : i32 to vector<16xi32>
          %and3A_245 = arith.andi %add3A_242, %and3A_244 : vector<16xi32>
          %bitcast3A_246 = vector.bitcast %and3A_245 : vector<16xi32> to vector<16xf32>
          %mul3A_247 = arith.mulf %bitcast3A_231, %bitcast3A_246 : vector<16xf32>
          %add3A_248 = arith.addf %broadcast_in_dim3A_209, %mul3A_247 : vector<16xf32>
          %mul3A_249 = arith.mulf %gather3A, %gather3A_218 : vector<16xf32>
          %add3A_250 = arith.addf %broadcast_in_dim3A_211, %mul3A_249 : vector<16xf32>
          %mul3A_251 = arith.mulf %gather3A, %gather3A : vector<16xf32>
          %add3A_252 = arith.addf %broadcast_in_dim3A_213, %mul3A_251 : vector<16xf32>
          %mul3A_253 = arith.mulf %gather3A_218, %gather3A_218 : vector<16xf32>
          %add3A_254 = arith.addf %broadcast_in_dim3A_215, %mul3A_253 : vector<16xf32>
          %broadcast_in_dim3A_255 = arith.constant 1 : i32
          %broadcast_in_dim3A_256 = vector.broadcast %broadcast_in_dim3A_255 : i32 to vector<16xi32>
          %gather3A_257 = tpu.vector_load_idx %arg15[%add3A_207, %broadcast_in_dim3A_256] : memref<128x128xf32, #tpu.memory_space<vmem>>[vector<16xi32>, vector<16xi32>], vector<16xf32>,
          %gather3A_258 = tpu.vector_load_idx %arg16[%add3A_207, %broadcast_in_dim3A_256] : memref<128x128xf32, #tpu.memory_space<vmem>>[vector<16xi32>, vector<16xi32>], vector<16xf32>,
          %bitcast3A_259 = vector.bitcast %gather3A_257 : vector<16xf32> to vector<16xi32>
          %add3A_260 = arith.constant 32767 : i32
          %add3A_261 = vector.broadcast %add3A_260 : i32 to vector<16xi32>
          %add3A_262 = arith.addi %bitcast3A_259, %add3A_261 : vector<16xi32>
          %shift_right_arithmetic3A_263 = arith.constant 16 : i32
          %shift_right_arithmetic3A_264 = vector.broadcast %shift_right_arithmetic3A_263 : i32 to vector<16xi32>
          %shift_right_arithmetic3A_265 = arith.shrsi %bitcast3A_259, %shift_right_arithmetic3A_264 : vector<16xi32>
          %and3A_266 = arith.constant 1 : i32
          %and3A_267 = vector.broadcast %and3A_266 : i32 to vector<16xi32>
          %and3A_268 = arith.andi %shift_right_arithmetic3A_265, %and3A_267 : vector<16xi32>
          %add3A_269 = arith.addi %add3A_262, %and3A_268 : vector<16xi32>
          %and3A_270 = arith.constant -65536 : i32
          %and3A_271 = vector.broadcast %and3A_270 : i32 to vector<16xi32>
          %and3A_272 = arith.andi %add3A_269, %and3A_271 : vector<16xi32>
          %bitcast3A_273 = vector.bitcast %and3A_272 : vector<16xi32> to vector<16xf32>
          %bitcast3A_274 = vector.bitcast %gather3A_258 : vector<16xf32> to vector<16xi32>
          %add3A_275 = arith.constant 32767 : i32
          %add3A_276 = vector.broadcast %add3A_275 : i32 to vector<16xi32>
          %add3A_277 = arith.addi %bitcast3A_274, %add3A_276 : vector<16xi32>
          %shift_right_arithmetic3A_278 = arith.constant 16 : i32
          %shift_right_arithmetic3A_279 = vector.broadcast %shift_right_arithmetic3A_278 : i32 to vector<16xi32>
          %shift_right_arithmetic3A_280 = arith.shrsi %bitcast3A_274, %shift_right_arithmetic3A_279 : vector<16xi32>
          %and3A_281 = arith.constant 1 : i32
          %and3A_282 = vector.broadcast %and3A_281 : i32 to vector<16xi32>
          %and3A_283 = arith.andi %shift_right_arithmetic3A_280, %and3A_282 : vector<16xi32>
          %add3A_284 = arith.addi %add3A_277, %and3A_283 : vector<16xi32>
          %and3A_285 = arith.constant -65536 : i32
          %and3A_286 = vector.broadcast %and3A_285 : i32 to vector<16xi32>
          %and3A_287 = arith.andi %add3A_284, %and3A_286 : vector<16xi32>
          %bitcast3A_288 = vector.bitcast %and3A_287 : vector<16xi32> to vector<16xf32>
          %mul3A_289 = arith.mulf %bitcast3A_273, %bitcast3A_288 : vector<16xf32>
          %add3A_290 = arith.addf %add3A_248, %mul3A_289 : vector<16xf32>
          %mul3A_291 = arith.mulf %gather3A_257, %gather3A_258 : vector<16xf32>
          %add3A_292 = arith.addf %add3A_250, %mul3A_291 : vector<16xf32>
          %mul3A_293 = arith.mulf %gather3A_257, %gather3A_257 : vector<16xf32>
          %add3A_294 = arith.addf %add3A_252, %mul3A_293 : vector<16xf32>
          %mul3A_295 = arith.mulf %gather3A_258, %gather3A_258 : vector<16xf32>
          %add3A_296 = arith.addf %add3A_254, %mul3A_295 : vector<16xf32>
          %broadcast_in_dim3A_297 = arith.constant 2 : i32
          %broadcast_in_dim3A_298 = vector.broadcast %broadcast_in_dim3A_297 : i32 to vector<16xi32>
          %gather3A_299 = tpu.vector_load_idx %arg15[%add3A_207, %broadcast_in_dim3A_298] : memref<128x128xf32, #tpu.memory_space<vmem>>[vector<16xi32>, vector<16xi32>], vector<16xf32>,
          %gather3A_300 = tpu.vector_load_idx %arg16[%add3A_207, %broadcast_in_dim3A_298] : memref<128x128xf32, #tpu.memory_space<vmem>>[vector<16xi32>, vector<16xi32>], vector<16xf32>,
          %bitcast3A_301 = vector.bitcast %gather3A_299 : vector<16xf32> to vector<16xi32>
          %add3A_302 = arith.constant 32767 : i32
          %add3A_303 = vector.broadcast %add3A_302 : i32 to vector<16xi32>
          %add3A_304 = arith.addi %bitcast3A_301, %add3A_303 : vector<16xi32>
          %shift_right_arithmetic3A_305 = arith.constant 16 : i32
          %shift_right_arithmetic3A_306 = vector.broadcast %shift_right_arithmetic3A_305 : i32 to vector<16xi32>
          %shift_right_arithmetic3A_307 = arith.shrsi %bitcast3A_301, %shift_right_arithmetic3A_306 : vector<16xi32>
          %and3A_308 = arith.constant 1 : i32
          %and3A_309 = vector.broadcast %and3A_308 : i32 to vector<16xi32>
          %and3A_310 = arith.andi %shift_right_arithmetic3A_307, %and3A_309 : vector<16xi32>
          %add3A_311 = arith.addi %add3A_304, %and3A_310 : vector<16xi32>
          %and3A_312 = arith.constant -65536 : i32
          %and3A_313 = vector.broadcast %and3A_312 : i32 to vector<16xi32>
          %and3A_314 = arith.andi %add3A_311, %and3A_313 : vector<16xi32>
          %bitcast3A_315 = vector.bitcast %and3A_314 : vector<16xi32> to vector<16xf32>
          %bitcast3A_316 = vector.bitcast %gather3A_300 : vector<16xf32> to vector<16xi32>
          %add3A_317 = arith.constant 32767 : i32
          %add3A_318 = vector.broadcast %add3A_317 : i32 to vector<16xi32>
          %add3A_319 = arith.addi %bitcast3A_316, %add3A_318 : vector<16xi32>
          %shift_right_arithmetic3A_320 = arith.constant 16 : i32
          %shift_right_arithmetic3A_321 = vector.broadcast %shift_right_arithmetic3A_320 : i32 to vector<16xi32>
          %shift_right_arithmetic3A_322 = arith.shrsi %bitcast3A_316, %shift_right_arithmetic3A_321 : vector<16xi32>
          %and3A_323 = arith.constant 1 : i32
          %and3A_324 = vector.broadcast %and3A_323 : i32 to vector<16xi32>
          %and3A_325 = arith.andi %shift_right_arithmetic3A_322, %and3A_324 : vector<16xi32>
          %add3A_326 = arith.addi %add3A_319, %and3A_325 : vector<16xi32>
          %and3A_327 = arith.constant -65536 : i32
          %and3A_328 = vector.broadcast %and3A_327 : i32 to vector<16xi32>
          %and3A_329 = arith.andi %add3A_326, %and3A_328 : vector<16xi32>
          %bitcast3A_330 = vector.bitcast %and3A_329 : vector<16xi32> to vector<16xf32>
          %mul3A_331 = arith.mulf %bitcast3A_315, %bitcast3A_330 : vector<16xf32>
          %add3A_332 = arith.addf %add3A_290, %mul3A_331 : vector<16xf32>
          %mul3A_333 = arith.mulf %gather3A_299, %gather3A_300 : vector<16xf32>
          %add3A_334 = arith.addf %add3A_292, %mul3A_333 : vector<16xf32>
          %mul3A_335 = arith.mulf %gather3A_299, %gather3A_299 : vector<16xf32>
          %add3A_336 = arith.addf %add3A_294, %mul3A_335 : vector<16xf32>
          %mul3A_337 = arith.mulf %gather3A_300, %gather3A_300 : vector<16xf32>
          %add3A_338 = arith.addf %add3A_296, %mul3A_337 : vector<16xf32>
          %broadcast_in_dim3A_339 = arith.constant 3 : i32
          %broadcast_in_dim3A_340 = vector.broadcast %broadcast_in_dim3A_339 : i32 to vector<16xi32>
          %gather3A_341 = tpu.vector_load_idx %arg15[%add3A_207, %broadcast_in_dim3A_340] : memref<128x128xf32, #tpu.memory_space<vmem>>[vector<16xi32>, vector<16xi32>], vector<16xf32>,
          %gather3A_342 = tpu.vector_load_idx %arg16[%add3A_207, %broadcast_in_dim3A_340] : memref<128x128xf32, #tpu.memory_space<vmem>>[vector<16xi32>, vector<16xi32>], vector<16xf32>,
          %bitcast3A_343 = vector.bitcast %gather3A_341 : vector<16xf32> to vector<16xi32>
          %add3A_344 = arith.constant 32767 : i32
          %add3A_345 = vector.broadcast %add3A_344 : i32 to vector<16xi32>
          %add3A_346 = arith.addi %bitcast3A_343, %add3A_345 : vector<16xi32>
          %shift_right_arithmetic3A_347 = arith.constant 16 : i32
          %shift_right_arithmetic3A_348 = vector.broadcast %shift_right_arithmetic3A_347 : i32 to vector<16xi32>
          %shift_right_arithmetic3A_349 = arith.shrsi %bitcast3A_343, %shift_right_arithmetic3A_348 : vector<16xi32>
          %and3A_350 = arith.constant 1 : i32
          %and3A_351 = vector.broadcast %and3A_350 : i32 to vector<16xi32>
          %and3A_352 = arith.andi %shift_right_arithmetic3A_349, %and3A_351 : vector<16xi32>
          %add3A_353 = arith.addi %add3A_346, %and3A_352 : vector<16xi32>
          %and3A_354 = arith.constant -65536 : i32
          %and3A_355 = vector.broadcast %and3A_354 : i32 to vector<16xi32>
          %and3A_356 = arith.andi %add3A_353, %and3A_355 : vector<16xi32>
          %bitcast3A_357 = vector.bitcast %and3A_356 : vector<16xi32> to vector<16xf32>
          %bitcast3A_358 = vector.bitcast %gather3A_342 : vector<16xf32> to vector<16xi32>
          %add3A_359 = arith.constant 32767 : i32
          %add3A_360 = vector.broadcast %add3A_359 : i32 to vector<16xi32>
          %add3A_361 = arith.addi %bitcast3A_358, %add3A_360 : vector<16xi32>
          %shift_right_arithmetic3A_362 = arith.constant 16 : i32
          %shift_right_arithmetic3A_363 = vector.broadcast %shift_right_arithmetic3A_362 : i32 to vector<16xi32>
          %shift_right_arithmetic3A_364 = arith.shrsi %bitcast3A_358, %shift_right_arithmetic3A_363 : vector<16xi32>
          %and3A_365 = arith.constant 1 : i32
          %and3A_366 = vector.broadcast %and3A_365 : i32 to vector<16xi32>
          %and3A_367 = arith.andi %shift_right_arithmetic3A_364, %and3A_366 : vector<16xi32>
          %add3A_368 = arith.addi %add3A_361, %and3A_367 : vector<16xi32>
          %and3A_369 = arith.constant -65536 : i32
          %and3A_370 = vector.broadcast %and3A_369 : i32 to vector<16xi32>
          %and3A_371 = arith.andi %add3A_368, %and3A_370 : vector<16xi32>
          %bitcast3A_372 = vector.bitcast %and3A_371 : vector<16xi32> to vector<16xf32>
          %mul3A_373 = arith.mulf %bitcast3A_357, %bitcast3A_372 : vector<16xf32>
          %add3A_374 = arith.addf %add3A_332, %mul3A_373 : vector<16xf32>
          %mul3A_375 = arith.mulf %gather3A_341, %gather3A_342 : vector<16xf32>
          %add3A_376 = arith.addf %add3A_334, %mul3A_375 : vector<16xf32>
          %mul3A_377 = arith.mulf %gather3A_341, %gather3A_341 : vector<16xf32>
          %add3A_378 = arith.addf %add3A_336, %mul3A_377 : vector<16xf32>
          %mul3A_379 = arith.mulf %gather3A_342, %gather3A_342 : vector<16xf32>
          %add3A_380 = arith.addf %add3A_338, %mul3A_379 : vector<16xf32>
          %broadcast_in_dim3A_381 = arith.constant 4 : i32
          %broadcast_in_dim3A_382 = vector.broadcast %broadcast_in_dim3A_381 : i32 to vector<16xi32>
          %gather3A_383 = tpu.vector_load_idx %arg15[%add3A_207, %broadcast_in_dim3A_382] : memref<128x128xf32, #tpu.memory_space<vmem>>[vector<16xi32>, vector<16xi32>], vector<16xf32>,
          %gather3A_384 = tpu.vector_load_idx %arg16[%add3A_207, %broadcast_in_dim3A_382] : memref<128x128xf32, #tpu.memory_space<vmem>>[vector<16xi32>, vector<16xi32>], vector<16xf32>,
          %bitcast3A_385 = vector.bitcast %gather3A_383 : vector<16xf32> to vector<16xi32>
          %add3A_386 = arith.constant 32767 : i32
          %add3A_387 = vector.broadcast %add3A_386 : i32 to vector<16xi32>
          %add3A_388 = arith.addi %bitcast3A_385, %add3A_387 : vector<16xi32>
          %shift_right_arithmetic3A_389 = arith.constant 16 : i32
          %shift_right_arithmetic3A_390 = vector.broadcast %shift_right_arithmetic3A_389 : i32 to vector<16xi32>
          %shift_right_arithmetic3A_391 = arith.shrsi %bitcast3A_385, %shift_right_arithmetic3A_390 : vector<16xi32>
          %and3A_392 = arith.constant 1 : i32
          %and3A_393 = vector.broadcast %and3A_392 : i32 to vector<16xi32>
          %and3A_394 = arith.andi %shift_right_arithmetic3A_391, %and3A_393 : vector<16xi32>
          %add3A_395 = arith.addi %add3A_388, %and3A_394 : vector<16xi32>
          %and3A_396 = arith.constant -65536 : i32
          %and3A_397 = vector.broadcast %and3A_396 : i32 to vector<16xi32>
          %and3A_398 = arith.andi %add3A_395, %and3A_397 : vector<16xi32>
          %bitcast3A_399 = vector.bitcast %and3A_398 : vector<16xi32> to vector<16xf32>
          %bitcast3A_400 = vector.bitcast %gather3A_384 : vector<16xf32> to vector<16xi32>
          %add3A_401 = arith.constant 32767 : i32
          %add3A_402 = vector.broadcast %add3A_401 : i32 to vector<16xi32>
          %add3A_403 = arith.addi %bitcast3A_400, %add3A_402 : vector<16xi32>
          %shift_right_arithmetic3A_404 = arith.constant 16 : i32
          %shift_right_arithmetic3A_405 = vector.broadcast %shift_right_arithmetic3A_404 : i32 to vector<16xi32>
          %shift_right_arithmetic3A_406 = arith.shrsi %bitcast3A_400, %shift_right_arithmetic3A_405 : vector<16xi32>
          %and3A_407 = arith.constant 1 : i32
          %and3A_408 = vector.broadcast %and3A_407 : i32 to vector<16xi32>
          %and3A_409 = arith.andi %shift_right_arithmetic3A_406, %and3A_408 : vector<16xi32>
          %add3A_410 = arith.addi %add3A_403, %and3A_409 : vector<16xi32>
          %and3A_411 = arith.constant -65536 : i32
          %and3A_412 = vector.broadcast %and3A_411 : i32 to vector<16xi32>
          %and3A_413 = arith.andi %add3A_410, %and3A_412 : vector<16xi32>
          %bitcast3A_414 = vector.bitcast %and3A_413 : vector<16xi32> to vector<16xf32>
          %mul3A_415 = arith.mulf %bitcast3A_399, %bitcast3A_414 : vector<16xf32>
          %add3A_416 = arith.addf %add3A_374, %mul3A_415 : vector<16xf32>
          %mul3A_417 = arith.mulf %gather3A_383, %gather3A_384 : vector<16xf32>
          %add3A_418 = arith.addf %add3A_376, %mul3A_417 : vector<16xf32>
          %mul3A_419 = arith.mulf %gather3A_383, %gather3A_383 : vector<16xf32>
          %add3A_420 = arith.addf %add3A_378, %mul3A_419 : vector<16xf32>
          %mul3A_421 = arith.mulf %gather3A_384, %gather3A_384 : vector<16xf32>
          %add3A_422 = arith.addf %add3A_380, %mul3A_421 : vector<16xf32>
          %broadcast_in_dim3A_423 = arith.constant 5 : i32
          %broadcast_in_dim3A_424 = vector.broadcast %broadcast_in_dim3A_423 : i32 to vector<16xi32>
          %gather3A_425 = tpu.vector_load_idx %arg15[%add3A_207, %broadcast_in_dim3A_424] : memref<128x128xf32, #tpu.memory_space<vmem>>[vector<16xi32>, vector<16xi32>], vector<16xf32>,
          %gather3A_426 = tpu.vector_load_idx %arg16[%add3A_207, %broadcast_in_dim3A_424] : memref<128x128xf32, #tpu.memory_space<vmem>>[vector<16xi32>, vector<16xi32>], vector<16xf32>,
          %bitcast3A_427 = vector.bitcast %gather3A_425 : vector<16xf32> to vector<16xi32>
          %add3A_428 = arith.constant 32767 : i32
          %add3A_429 = vector.broadcast %add3A_428 : i32 to vector<16xi32>
          %add3A_430 = arith.addi %bitcast3A_427, %add3A_429 : vector<16xi32>
          %shift_right_arithmetic3A_431 = arith.constant 16 : i32
          %shift_right_arithmetic3A_432 = vector.broadcast %shift_right_arithmetic3A_431 : i32 to vector<16xi32>
          %shift_right_arithmetic3A_433 = arith.shrsi %bitcast3A_427, %shift_right_arithmetic3A_432 : vector<16xi32>
          %and3A_434 = arith.constant 1 : i32
          %and3A_435 = vector.broadcast %and3A_434 : i32 to vector<16xi32>
          %and3A_436 = arith.andi %shift_right_arithmetic3A_433, %and3A_435 : vector<16xi32>
          %add3A_437 = arith.addi %add3A_430, %and3A_436 : vector<16xi32>
          %and3A_438 = arith.constant -65536 : i32
          %and3A_439 = vector.broadcast %and3A_438 : i32 to vector<16xi32>
          %and3A_440 = arith.andi %add3A_437, %and3A_439 : vector<16xi32>
          %bitcast3A_441 = vector.bitcast %and3A_440 : vector<16xi32> to vector<16xf32>
          %bitcast3A_442 = vector.bitcast %gather3A_426 : vector<16xf32> to vector<16xi32>
          %add3A_443 = arith.constant 32767 : i32
          %add3A_444 = vector.broadcast %add3A_443 : i32 to vector<16xi32>
          %add3A_445 = arith.addi %bitcast3A_442, %add3A_444 : vector<16xi32>
          %shift_right_arithmetic3A_446 = arith.constant 16 : i32
          %shift_right_arithmetic3A_447 = vector.broadcast %shift_right_arithmetic3A_446 : i32 to vector<16xi32>
          %shift_right_arithmetic3A_448 = arith.shrsi %bitcast3A_442, %shift_right_arithmetic3A_447 : vector<16xi32>
          %and3A_449 = arith.constant 1 : i32
          %and3A_450 = vector.broadcast %and3A_449 : i32 to vector<16xi32>
          %and3A_451 = arith.andi %shift_right_arithmetic3A_448, %and3A_450 : vector<16xi32>
          %add3A_452 = arith.addi %add3A_445, %and3A_451 : vector<16xi32>
          %and3A_453 = arith.constant -65536 : i32
          %and3A_454 = vector.broadcast %and3A_453 : i32 to vector<16xi32>
          %and3A_455 = arith.andi %add3A_452, %and3A_454 : vector<16xi32>
          %bitcast3A_456 = vector.bitcast %and3A_455 : vector<16xi32> to vector<16xf32>
          %mul3A_457 = arith.mulf %bitcast3A_441, %bitcast3A_456 : vector<16xf32>
          %add3A_458 = arith.addf %add3A_416, %mul3A_457 : vector<16xf32>
          %mul3A_459 = arith.mulf %gather3A_425, %gather3A_426 : vector<16xf32>
          %add3A_460 = arith.addf %add3A_418, %mul3A_459 : vector<16xf32>
          %mul3A_461 = arith.mulf %gather3A_425, %gather3A_425 : vector<16xf32>
          %add3A_462 = arith.addf %add3A_420, %mul3A_461 : vector<16xf32>
          %mul3A_463 = arith.mulf %gather3A_426, %gather3A_426 : vector<16xf32>
          %add3A_464 = arith.addf %add3A_422, %mul3A_463 : vector<16xf32>
          %broadcast_in_dim3A_465 = arith.constant 6 : i32
          %broadcast_in_dim3A_466 = vector.broadcast %broadcast_in_dim3A_465 : i32 to vector<16xi32>
          %gather3A_467 = tpu.vector_load_idx %arg15[%add3A_207, %broadcast_in_dim3A_466] : memref<128x128xf32, #tpu.memory_space<vmem>>[vector<16xi32>, vector<16xi32>], vector<16xf32>,
          %gather3A_468 = tpu.vector_load_idx %arg16[%add3A_207, %broadcast_in_dim3A_466] : memref<128x128xf32, #tpu.memory_space<vmem>>[vector<16xi32>, vector<16xi32>], vector<16xf32>,
          %bitcast3A_469 = vector.bitcast %gather3A_467 : vector<16xf32> to vector<16xi32>
          %add3A_470 = arith.constant 32767 : i32
          %add3A_471 = vector.broadcast %add3A_470 : i32 to vector<16xi32>
          %add3A_472 = arith.addi %bitcast3A_469, %add3A_471 : vector<16xi32>
          %shift_right_arithmetic3A_473 = arith.constant 16 : i32
          %shift_right_arithmetic3A_474 = vector.broadcast %shift_right_arithmetic3A_473 : i32 to vector<16xi32>
          %shift_right_arithmetic3A_475 = arith.shrsi %bitcast3A_469, %shift_right_arithmetic3A_474 : vector<16xi32>
          %and3A_476 = arith.constant 1 : i32
          %and3A_477 = vector.broadcast %and3A_476 : i32 to vector<16xi32>
          %and3A_478 = arith.andi %shift_right_arithmetic3A_475, %and3A_477 : vector<16xi32>
          %add3A_479 = arith.addi %add3A_472, %and3A_478 : vector<16xi32>
          %and3A_480 = arith.constant -65536 : i32
          %and3A_481 = vector.broadcast %and3A_480 : i32 to vector<16xi32>
          %and3A_482 = arith.andi %add3A_479, %and3A_481 : vector<16xi32>
          %bitcast3A_483 = vector.bitcast %and3A_482 : vector<16xi32> to vector<16xf32>
          %bitcast3A_484 = vector.bitcast %gather3A_468 : vector<16xf32> to vector<16xi32>
          %add3A_485 = arith.constant 32767 : i32
          %add3A_486 = vector.broadcast %add3A_485 : i32 to vector<16xi32>
          %add3A_487 = arith.addi %bitcast3A_484, %add3A_486 : vector<16xi32>
          %shift_right_arithmetic3A_488 = arith.constant 16 : i32
          %shift_right_arithmetic3A_489 = vector.broadcast %shift_right_arithmetic3A_488 : i32 to vector<16xi32>
          %shift_right_arithmetic3A_490 = arith.shrsi %bitcast3A_484, %shift_right_arithmetic3A_489 : vector<16xi32>
          %and3A_491 = arith.constant 1 : i32
          %and3A_492 = vector.broadcast %and3A_491 : i32 to vector<16xi32>
          %and3A_493 = arith.andi %shift_right_arithmetic3A_490, %and3A_492 : vector<16xi32>
          %add3A_494 = arith.addi %add3A_487, %and3A_493 : vector<16xi32>
          %and3A_495 = arith.constant -65536 : i32
          %and3A_496 = vector.broadcast %and3A_495 : i32 to vector<16xi32>
          %and3A_497 = arith.andi %add3A_494, %and3A_496 : vector<16xi32>
          %bitcast3A_498 = vector.bitcast %and3A_497 : vector<16xi32> to vector<16xf32>
          %mul3A_499 = arith.mulf %bitcast3A_483, %bitcast3A_498 : vector<16xf32>
          %add3A_500 = arith.addf %add3A_458, %mul3A_499 : vector<16xf32>
          %mul3A_501 = arith.mulf %gather3A_467, %gather3A_468 : vector<16xf32>
          %add3A_502 = arith.addf %add3A_460, %mul3A_501 : vector<16xf32>
          %mul3A_503 = arith.mulf %gather3A_467, %gather3A_467 : vector<16xf32>
          %add3A_504 = arith.addf %add3A_462, %mul3A_503 : vector<16xf32>
          %mul3A_505 = arith.mulf %gather3A_468, %gather3A_468 : vector<16xf32>
          %add3A_506 = arith.addf %add3A_464, %mul3A_505 : vector<16xf32>
          %broadcast_in_dim3A_507 = arith.constant 7 : i32
          %broadcast_in_dim3A_508 = vector.broadcast %broadcast_in_dim3A_507 : i32 to vector<16xi32>
          %gather3A_509 = tpu.vector_load_idx %arg15[%add3A_207, %broadcast_in_dim3A_508] : memref<128x128xf32, #tpu.memory_space<vmem>>[vector<16xi32>, vector<16xi32>], vector<16xf32>,
          %gather3A_510 = tpu.vector_load_idx %arg16[%add3A_207, %broadcast_in_dim3A_508] : memref<128x128xf32, #tpu.memory_space<vmem>>[vector<16xi32>, vector<16xi32>], vector<16xf32>,
          %bitcast3A_511 = vector.bitcast %gather3A_509 : vector<16xf32> to vector<16xi32>
          %add3A_512 = arith.constant 32767 : i32
          %add3A_513 = vector.broadcast %add3A_512 : i32 to vector<16xi32>
          %add3A_514 = arith.addi %bitcast3A_511, %add3A_513 : vector<16xi32>
          %shift_right_arithmetic3A_515 = arith.constant 16 : i32
          %shift_right_arithmetic3A_516 = vector.broadcast %shift_right_arithmetic3A_515 : i32 to vector<16xi32>
          %shift_right_arithmetic3A_517 = arith.shrsi %bitcast3A_511, %shift_right_arithmetic3A_516 : vector<16xi32>
          %and3A_518 = arith.constant 1 : i32
          %and3A_519 = vector.broadcast %and3A_518 : i32 to vector<16xi32>
          %and3A_520 = arith.andi %shift_right_arithmetic3A_517, %and3A_519 : vector<16xi32>
          %add3A_521 = arith.addi %add3A_514, %and3A_520 : vector<16xi32>
          %and3A_522 = arith.constant -65536 : i32
          %and3A_523 = vector.broadcast %and3A_522 : i32 to vector<16xi32>
          %and3A_524 = arith.andi %add3A_521, %and3A_523 : vector<16xi32>
          %bitcast3A_525 = vector.bitcast %and3A_524 : vector<16xi32> to vector<16xf32>
          %bitcast3A_526 = vector.bitcast %gather3A_510 : vector<16xf32> to vector<16xi32>
          %add3A_527 = arith.constant 32767 : i32
          %add3A_528 = vector.broadcast %add3A_527 : i32 to vector<16xi32>
          %add3A_529 = arith.addi %bitcast3A_526, %add3A_528 : vector<16xi32>
          %shift_right_arithmetic3A_530 = arith.constant 16 : i32
          %shift_right_arithmetic3A_531 = vector.broadcast %shift_right_arithmetic3A_530 : i32 to vector<16xi32>
          %shift_right_arithmetic3A_532 = arith.shrsi %bitcast3A_526, %shift_right_arithmetic3A_531 : vector<16xi32>
          %and3A_533 = arith.constant 1 : i32
          %and3A_534 = vector.broadcast %and3A_533 : i32 to vector<16xi32>
          %and3A_535 = arith.andi %shift_right_arithmetic3A_532, %and3A_534 : vector<16xi32>
          %add3A_536 = arith.addi %add3A_529, %and3A_535 : vector<16xi32>
          %and3A_537 = arith.constant -65536 : i32
          %and3A_538 = vector.broadcast %and3A_537 : i32 to vector<16xi32>
          %and3A_539 = arith.andi %add3A_536, %and3A_538 : vector<16xi32>
          %bitcast3A_540 = vector.bitcast %and3A_539 : vector<16xi32> to vector<16xf32>
          %mul3A_541 = arith.mulf %bitcast3A_525, %bitcast3A_540 : vector<16xf32>
          %add3A_542 = arith.addf %add3A_500, %mul3A_541 : vector<16xf32>
          %mul3A_543 = arith.mulf %gather3A_509, %gather3A_510 : vector<16xf32>
          %add3A_544 = arith.addf %add3A_502, %mul3A_543 : vector<16xf32>
          %mul3A_545 = arith.mulf %gather3A_509, %gather3A_509 : vector<16xf32>
          %add3A_546 = arith.addf %add3A_504, %mul3A_545 : vector<16xf32>
          %mul3A_547 = arith.mulf %gather3A_510, %gather3A_510 : vector<16xf32>
          %add3A_548 = arith.addf %add3A_506, %mul3A_547 : vector<16xf32>
          %broadcast_in_dim3A_549 = arith.constant 8 : i32
          %broadcast_in_dim3A_550 = vector.broadcast %broadcast_in_dim3A_549 : i32 to vector<16xi32>
          %gather3A_551 = tpu.vector_load_idx %arg15[%add3A_207, %broadcast_in_dim3A_550] : memref<128x128xf32, #tpu.memory_space<vmem>>[vector<16xi32>, vector<16xi32>], vector<16xf32>,
          %gather3A_552 = tpu.vector_load_idx %arg16[%add3A_207, %broadcast_in_dim3A_550] : memref<128x128xf32, #tpu.memory_space<vmem>>[vector<16xi32>, vector<16xi32>], vector<16xf32>,
          %bitcast3A_553 = vector.bitcast %gather3A_551 : vector<16xf32> to vector<16xi32>
          %add3A_554 = arith.constant 32767 : i32
          %add3A_555 = vector.broadcast %add3A_554 : i32 to vector<16xi32>
          %add3A_556 = arith.addi %bitcast3A_553, %add3A_555 : vector<16xi32>
          %shift_right_arithmetic3A_557 = arith.constant 16 : i32
          %shift_right_arithmetic3A_558 = vector.broadcast %shift_right_arithmetic3A_557 : i32 to vector<16xi32>
          %shift_right_arithmetic3A_559 = arith.shrsi %bitcast3A_553, %shift_right_arithmetic3A_558 : vector<16xi32>
          %and3A_560 = arith.constant 1 : i32
          %and3A_561 = vector.broadcast %and3A_560 : i32 to vector<16xi32>
          %and3A_562 = arith.andi %shift_right_arithmetic3A_559, %and3A_561 : vector<16xi32>
          %add3A_563 = arith.addi %add3A_556, %and3A_562 : vector<16xi32>
          %and3A_564 = arith.constant -65536 : i32
          %and3A_565 = vector.broadcast %and3A_564 : i32 to vector<16xi32>
          %and3A_566 = arith.andi %add3A_563, %and3A_565 : vector<16xi32>
          %bitcast3A_567 = vector.bitcast %and3A_566 : vector<16xi32> to vector<16xf32>
          %bitcast3A_568 = vector.bitcast %gather3A_552 : vector<16xf32> to vector<16xi32>
          %add3A_569 = arith.constant 32767 : i32
          %add3A_570 = vector.broadcast %add3A_569 : i32 to vector<16xi32>
          %add3A_571 = arith.addi %bitcast3A_568, %add3A_570 : vector<16xi32>
          %shift_right_arithmetic3A_572 = arith.constant 16 : i32
          %shift_right_arithmetic3A_573 = vector.broadcast %shift_right_arithmetic3A_572 : i32 to vector<16xi32>
          %shift_right_arithmetic3A_574 = arith.shrsi %bitcast3A_568, %shift_right_arithmetic3A_573 : vector<16xi32>
          %and3A_575 = arith.constant 1 : i32
          %and3A_576 = vector.broadcast %and3A_575 : i32 to vector<16xi32>
          %and3A_577 = arith.andi %shift_right_arithmetic3A_574, %and3A_576 : vector<16xi32>
          %add3A_578 = arith.addi %add3A_571, %and3A_577 : vector<16xi32>
          %and3A_579 = arith.constant -65536 : i32
          %and3A_580 = vector.broadcast %and3A_579 : i32 to vector<16xi32>
          %and3A_581 = arith.andi %add3A_578, %and3A_580 : vector<16xi32>
          %bitcast3A_582 = vector.bitcast %and3A_581 : vector<16xi32> to vector<16xf32>
          %mul3A_583 = arith.mulf %bitcast3A_567, %bitcast3A_582 : vector<16xf32>
          %add3A_584 = arith.addf %add3A_542, %mul3A_583 : vector<16xf32>
          %mul3A_585 = arith.mulf %gather3A_551, %gather3A_552 : vector<16xf32>
          %add3A_586 = arith.addf %add3A_544, %mul3A_585 : vector<16xf32>
          %mul3A_587 = arith.mulf %gather3A_551, %gather3A_551 : vector<16xf32>
          %add3A_588 = arith.addf %add3A_546, %mul3A_587 : vector<16xf32>
          %mul3A_589 = arith.mulf %gather3A_552, %gather3A_552 : vector<16xf32>
          %add3A_590 = arith.addf %add3A_548, %mul3A_589 : vector<16xf32>
          %broadcast_in_dim3A_591 = arith.constant 9 : i32
          %broadcast_in_dim3A_592 = vector.broadcast %broadcast_in_dim3A_591 : i32 to vector<16xi32>
          %gather3A_593 = tpu.vector_load_idx %arg15[%add3A_207, %broadcast_in_dim3A_592] : memref<128x128xf32, #tpu.memory_space<vmem>>[vector<16xi32>, vector<16xi32>], vector<16xf32>,
          %gather3A_594 = tpu.vector_load_idx %arg16[%add3A_207, %broadcast_in_dim3A_592] : memref<128x128xf32, #tpu.memory_space<vmem>>[vector<16xi32>, vector<16xi32>], vector<16xf32>,
          %bitcast3A_595 = vector.bitcast %gather3A_593 : vector<16xf32> to vector<16xi32>
          %add3A_596 = arith.constant 32767 : i32
          %add3A_597 = vector.broadcast %add3A_596 : i32 to vector<16xi32>
          %add3A_598 = arith.addi %bitcast3A_595, %add3A_597 : vector<16xi32>
          %shift_right_arithmetic3A_599 = arith.constant 16 : i32
          %shift_right_arithmetic3A_600 = vector.broadcast %shift_right_arithmetic3A_599 : i32 to vector<16xi32>
          %shift_right_arithmetic3A_601 = arith.shrsi %bitcast3A_595, %shift_right_arithmetic3A_600 : vector<16xi32>
          %and3A_602 = arith.constant 1 : i32
          %and3A_603 = vector.broadcast %and3A_602 : i32 to vector<16xi32>
          %and3A_604 = arith.andi %shift_right_arithmetic3A_601, %and3A_603 : vector<16xi32>
          %add3A_605 = arith.addi %add3A_598, %and3A_604 : vector<16xi32>
          %and3A_606 = arith.constant -65536 : i32
          %and3A_607 = vector.broadcast %and3A_606 : i32 to vector<16xi32>
          %and3A_608 = arith.andi %add3A_605, %and3A_607 : vector<16xi32>
          %bitcast3A_609 = vector.bitcast %and3A_608 : vector<16xi32> to vector<16xf32>
          %bitcast3A_610 = vector.bitcast %gather3A_594 : vector<16xf32> to vector<16xi32>
          %add3A_611 = arith.constant 32767 : i32
          %add3A_612 = vector.broadcast %add3A_611 : i32 to vector<16xi32>
          %add3A_613 = arith.addi %bitcast3A_610, %add3A_612 : vector<16xi32>
          %shift_right_arithmetic3A_614 = arith.constant 16 : i32
          %shift_right_arithmetic3A_615 = vector.broadcast %shift_right_arithmetic3A_614 : i32 to vector<16xi32>
          %shift_right_arithmetic3A_616 = arith.shrsi %bitcast3A_610, %shift_right_arithmetic3A_615 : vector<16xi32>
          %and3A_617 = arith.constant 1 : i32
          %and3A_618 = vector.broadcast %and3A_617 : i32 to vector<16xi32>
          %and3A_619 = arith.andi %shift_right_arithmetic3A_616, %and3A_618 : vector<16xi32>
          %add3A_620 = arith.addi %add3A_613, %and3A_619 : vector<16xi32>
          %and3A_621 = arith.constant -65536 : i32
          %and3A_622 = vector.broadcast %and3A_621 : i32 to vector<16xi32>
          %and3A_623 = arith.andi %add3A_620, %and3A_622 : vector<16xi32>
          %bitcast3A_624 = vector.bitcast %and3A_623 : vector<16xi32> to vector<16xf32>
          %mul3A_625 = arith.mulf %bitcast3A_609, %bitcast3A_624 : vector<16xf32>
          %add3A_626 = arith.addf %add3A_584, %mul3A_625 : vector<16xf32>
          %mul3A_627 = arith.mulf %gather3A_593, %gather3A_594 : vector<16xf32>
          %add3A_628 = arith.addf %add3A_586, %mul3A_627 : vector<16xf32>
          %mul3A_629 = arith.mulf %gather3A_593, %gather3A_593 : vector<16xf32>
          %add3A_630 = arith.addf %add3A_588, %mul3A_629 : vector<16xf32>
          %mul3A_631 = arith.mulf %gather3A_594, %gather3A_594 : vector<16xf32>
          %add3A_632 = arith.addf %add3A_590, %mul3A_631 : vector<16xf32>
          %broadcast_in_dim3A_633 = arith.constant 10 : i32
          %broadcast_in_dim3A_634 = vector.broadcast %broadcast_in_dim3A_633 : i32 to vector<16xi32>
          %gather3A_635 = tpu.vector_load_idx %arg15[%add3A_207, %broadcast_in_dim3A_634] : memref<128x128xf32, #tpu.memory_space<vmem>>[vector<16xi32>, vector<16xi32>], vector<16xf32>,
          %gather3A_636 = tpu.vector_load_idx %arg16[%add3A_207, %broadcast_in_dim3A_634] : memref<128x128xf32, #tpu.memory_space<vmem>>[vector<16xi32>, vector<16xi32>], vector<16xf32>,
          %bitcast3A_637 = vector.bitcast %gather3A_635 : vector<16xf32> to vector<16xi32>
          %add3A_638 = arith.constant 32767 : i32
          %add3A_639 = vector.broadcast %add3A_638 : i32 to vector<16xi32>
          %add3A_640 = arith.addi %bitcast3A_637, %add3A_639 : vector<16xi32>
          %shift_right_arithmetic3A_641 = arith.constant 16 : i32
          %shift_right_arithmetic3A_642 = vector.broadcast %shift_right_arithmetic3A_641 : i32 to vector<16xi32>
          %shift_right_arithmetic3A_643 = arith.shrsi %bitcast3A_637, %shift_right_arithmetic3A_642 : vector<16xi32>
          %and3A_644 = arith.constant 1 : i32
          %and3A_645 = vector.broadcast %and3A_644 : i32 to vector<16xi32>
          %and3A_646 = arith.andi %shift_right_arithmetic3A_643, %and3A_645 : vector<16xi32>
          %add3A_647 = arith.addi %add3A_640, %and3A_646 : vector<16xi32>
          %and3A_648 = arith.constant -65536 : i32
          %and3A_649 = vector.broadcast %and3A_648 : i32 to vector<16xi32>
          %and3A_650 = arith.andi %add3A_647, %and3A_649 : vector<16xi32>
          %bitcast3A_651 = vector.bitcast %and3A_650 : vector<16xi32> to vector<16xf32>
          %bitcast3A_652 = vector.bitcast %gather3A_636 : vector<16xf32> to vector<16xi32>
          %add3A_653 = arith.constant 32767 : i32
          %add3A_654 = vector.broadcast %add3A_653 : i32 to vector<16xi32>
          %add3A_655 = arith.addi %bitcast3A_652, %add3A_654 : vector<16xi32>
          %shift_right_arithmetic3A_656 = arith.constant 16 : i32
          %shift_right_arithmetic3A_657 = vector.broadcast %shift_right_arithmetic3A_656 : i32 to vector<16xi32>
          %shift_right_arithmetic3A_658 = arith.shrsi %bitcast3A_652, %shift_right_arithmetic3A_657 : vector<16xi32>
          %and3A_659 = arith.constant 1 : i32
          %and3A_660 = vector.broadcast %and3A_659 : i32 to vector<16xi32>
          %and3A_661 = arith.andi %shift_right_arithmetic3A_658, %and3A_660 : vector<16xi32>
          %add3A_662 = arith.addi %add3A_655, %and3A_661 : vector<16xi32>
          %and3A_663 = arith.constant -65536 : i32
          %and3A_664 = vector.broadcast %and3A_663 : i32 to vector<16xi32>
          %and3A_665 = arith.andi %add3A_662, %and3A_664 : vector<16xi32>
          %bitcast3A_666 = vector.bitcast %and3A_665 : vector<16xi32> to vector<16xf32>
          %mul3A_667 = arith.mulf %bitcast3A_651, %bitcast3A_666 : vector<16xf32>
          %add3A_668 = arith.addf %add3A_626, %mul3A_667 : vector<16xf32>
          %mul3A_669 = arith.mulf %gather3A_635, %gather3A_636 : vector<16xf32>
          %add3A_670 = arith.addf %add3A_628, %mul3A_669 : vector<16xf32>
          %mul3A_671 = arith.mulf %gather3A_635, %gather3A_635 : vector<16xf32>
          %add3A_672 = arith.addf %add3A_630, %mul3A_671 : vector<16xf32>
          %mul3A_673 = arith.mulf %gather3A_636, %gather3A_636 : vector<16xf32>
          %add3A_674 = arith.addf %add3A_632, %mul3A_673 : vector<16xf32>
          %broadcast_in_dim3A_675 = arith.constant 11 : i32
          %broadcast_in_dim3A_676 = vector.broadcast %broadcast_in_dim3A_675 : i32 to vector<16xi32>
          %gather3A_677 = tpu.vector_load_idx %arg15[%add3A_207, %broadcast_in_dim3A_676] : memref<128x128xf32, #tpu.memory_space<vmem>>[vector<16xi32>, vector<16xi32>], vector<16xf32>,
          %gather3A_678 = tpu.vector_load_idx %arg16[%add3A_207, %broadcast_in_dim3A_676] : memref<128x128xf32, #tpu.memory_space<vmem>>[vector<16xi32>, vector<16xi32>], vector<16xf32>,
          %bitcast3A_679 = vector.bitcast %gather3A_677 : vector<16xf32> to vector<16xi32>
          %add3A_680 = arith.constant 32767 : i32
          %add3A_681 = vector.broadcast %add3A_680 : i32 to vector<16xi32>
          %add3A_682 = arith.addi %bitcast3A_679, %add3A_681 : vector<16xi32>
          %shift_right_arithmetic3A_683 = arith.constant 16 : i32
          %shift_right_arithmetic3A_684 = vector.broadcast %shift_right_arithmetic3A_683 : i32 to vector<16xi32>
          %shift_right_arithmetic3A_685 = arith.shrsi %bitcast3A_679, %shift_right_arithmetic3A_684 : vector<16xi32>
          %and3A_686 = arith.constant 1 : i32
          %and3A_687 = vector.broadcast %and3A_686 : i32 to vector<16xi32>
          %and3A_688 = arith.andi %shift_right_arithmetic3A_685, %and3A_687 : vector<16xi32>
          %add3A_689 = arith.addi %add3A_682, %and3A_688 : vector<16xi32>
          %and3A_690 = arith.constant -65536 : i32
          %and3A_691 = vector.broadcast %and3A_690 : i32 to vector<16xi32>
          %and3A_692 = arith.andi %add3A_689, %and3A_691 : vector<16xi32>
          %bitcast3A_693 = vector.bitcast %and3A_692 : vector<16xi32> to vector<16xf32>
          %bitcast3A_694 = vector.bitcast %gather3A_678 : vector<16xf32> to vector<16xi32>
          %add3A_695 = arith.constant 32767 : i32
          %add3A_696 = vector.broadcast %add3A_695 : i32 to vector<16xi32>
          %add3A_697 = arith.addi %bitcast3A_694, %add3A_696 : vector<16xi32>
          %shift_right_arithmetic3A_698 = arith.constant 16 : i32
          %shift_right_arithmetic3A_699 = vector.broadcast %shift_right_arithmetic3A_698 : i32 to vector<16xi32>
          %shift_right_arithmetic3A_700 = arith.shrsi %bitcast3A_694, %shift_right_arithmetic3A_699 : vector<16xi32>
          %and3A_701 = arith.constant 1 : i32
          %and3A_702 = vector.broadcast %and3A_701 : i32 to vector<16xi32>
          %and3A_703 = arith.andi %shift_right_arithmetic3A_700, %and3A_702 : vector<16xi32>
          %add3A_704 = arith.addi %add3A_697, %and3A_703 : vector<16xi32>
          %and3A_705 = arith.constant -65536 : i32
          %and3A_706 = vector.broadcast %and3A_705 : i32 to vector<16xi32>
          %and3A_707 = arith.andi %add3A_704, %and3A_706 : vector<16xi32>
          %bitcast3A_708 = vector.bitcast %and3A_707 : vector<16xi32> to vector<16xf32>
          %mul3A_709 = arith.mulf %bitcast3A_693, %bitcast3A_708 : vector<16xf32>
          %add3A_710 = arith.addf %add3A_668, %mul3A_709 : vector<16xf32>
          %mul3A_711 = arith.mulf %gather3A_677, %gather3A_678 : vector<16xf32>
          %add3A_712 = arith.addf %add3A_670, %mul3A_711 : vector<16xf32>
          %mul3A_713 = arith.mulf %gather3A_677, %gather3A_677 : vector<16xf32>
          %add3A_714 = arith.addf %add3A_672, %mul3A_713 : vector<16xf32>
          %mul3A_715 = arith.mulf %gather3A_678, %gather3A_678 : vector<16xf32>
          %add3A_716 = arith.addf %add3A_674, %mul3A_715 : vector<16xf32>
          %broadcast_in_dim3A_717 = arith.constant 12 : i32
          %broadcast_in_dim3A_718 = vector.broadcast %broadcast_in_dim3A_717 : i32 to vector<16xi32>
          %gather3A_719 = tpu.vector_load_idx %arg15[%add3A_207, %broadcast_in_dim3A_718] : memref<128x128xf32, #tpu.memory_space<vmem>>[vector<16xi32>, vector<16xi32>], vector<16xf32>,
          %gather3A_720 = tpu.vector_load_idx %arg16[%add3A_207, %broadcast_in_dim3A_718] : memref<128x128xf32, #tpu.memory_space<vmem>>[vector<16xi32>, vector<16xi32>], vector<16xf32>,
          %bitcast3A_721 = vector.bitcast %gather3A_719 : vector<16xf32> to vector<16xi32>
          %add3A_722 = arith.constant 32767 : i32
          %add3A_723 = vector.broadcast %add3A_722 : i32 to vector<16xi32>
          %add3A_724 = arith.addi %bitcast3A_721, %add3A_723 : vector<16xi32>
          %shift_right_arithmetic3A_725 = arith.constant 16 : i32
          %shift_right_arithmetic3A_726 = vector.broadcast %shift_right_arithmetic3A_725 : i32 to vector<16xi32>
          %shift_right_arithmetic3A_727 = arith.shrsi %bitcast3A_721, %shift_right_arithmetic3A_726 : vector<16xi32>
          %and3A_728 = arith.constant 1 : i32
          %and3A_729 = vector.broadcast %and3A_728 : i32 to vector<16xi32>
          %and3A_730 = arith.andi %shift_right_arithmetic3A_727, %and3A_729 : vector<16xi32>
          %add3A_731 = arith.addi %add3A_724, %and3A_730 : vector<16xi32>
          %and3A_732 = arith.constant -65536 : i32
          %and3A_733 = vector.broadcast %and3A_732 : i32 to vector<16xi32>
          %and3A_734 = arith.andi %add3A_731, %and3A_733 : vector<16xi32>
          %bitcast3A_735 = vector.bitcast %and3A_734 : vector<16xi32> to vector<16xf32>
          %bitcast3A_736 = vector.bitcast %gather3A_720 : vector<16xf32> to vector<16xi32>
          %add3A_737 = arith.constant 32767 : i32
          %add3A_738 = vector.broadcast %add3A_737 : i32 to vector<16xi32>
          %add3A_739 = arith.addi %bitcast3A_736, %add3A_738 : vector<16xi32>
          %shift_right_arithmetic3A_740 = arith.constant 16 : i32
          %shift_right_arithmetic3A_741 = vector.broadcast %shift_right_arithmetic3A_740 : i32 to vector<16xi32>
          %shift_right_arithmetic3A_742 = arith.shrsi %bitcast3A_736, %shift_right_arithmetic3A_741 : vector<16xi32>
          %and3A_743 = arith.constant 1 : i32
          %and3A_744 = vector.broadcast %and3A_743 : i32 to vector<16xi32>
          %and3A_745 = arith.andi %shift_right_arithmetic3A_742, %and3A_744 : vector<16xi32>
          %add3A_746 = arith.addi %add3A_739, %and3A_745 : vector<16xi32>
          %and3A_747 = arith.constant -65536 : i32
          %and3A_748 = vector.broadcast %and3A_747 : i32 to vector<16xi32>
          %and3A_749 = arith.andi %add3A_746, %and3A_748 : vector<16xi32>
          %bitcast3A_750 = vector.bitcast %and3A_749 : vector<16xi32> to vector<16xf32>
          %mul3A_751 = arith.mulf %bitcast3A_735, %bitcast3A_750 : vector<16xf32>
          %add3A_752 = arith.addf %add3A_710, %mul3A_751 : vector<16xf32>
          %mul3A_753 = arith.mulf %gather3A_719, %gather3A_720 : vector<16xf32>
          %add3A_754 = arith.addf %add3A_712, %mul3A_753 : vector<16xf32>
          %mul3A_755 = arith.mulf %gather3A_719, %gather3A_719 : vector<16xf32>
          %add3A_756 = arith.addf %add3A_714, %mul3A_755 : vector<16xf32>
          %mul3A_757 = arith.mulf %gather3A_720, %gather3A_720 : vector<16xf32>
          %add3A_758 = arith.addf %add3A_716, %mul3A_757 : vector<16xf32>
          %broadcast_in_dim3A_759 = arith.constant 13 : i32
          %broadcast_in_dim3A_760 = vector.broadcast %broadcast_in_dim3A_759 : i32 to vector<16xi32>
          %gather3A_761 = tpu.vector_load_idx %arg15[%add3A_207, %broadcast_in_dim3A_760] : memref<128x128xf32, #tpu.memory_space<vmem>>[vector<16xi32>, vector<16xi32>], vector<16xf32>,
          %gather3A_762 = tpu.vector_load_idx %arg16[%add3A_207, %broadcast_in_dim3A_760] : memref<128x128xf32, #tpu.memory_space<vmem>>[vector<16xi32>, vector<16xi32>], vector<16xf32>,
          %bitcast3A_763 = vector.bitcast %gather3A_761 : vector<16xf32> to vector<16xi32>
          %add3A_764 = arith.constant 32767 : i32
          %add3A_765 = vector.broadcast %add3A_764 : i32 to vector<16xi32>
          %add3A_766 = arith.addi %bitcast3A_763, %add3A_765 : vector<16xi32>
          %shift_right_arithmetic3A_767 = arith.constant 16 : i32
          %shift_right_arithmetic3A_768 = vector.broadcast %shift_right_arithmetic3A_767 : i32 to vector<16xi32>
          %shift_right_arithmetic3A_769 = arith.shrsi %bitcast3A_763, %shift_right_arithmetic3A_768 : vector<16xi32>
          %and3A_770 = arith.constant 1 : i32
          %and3A_771 = vector.broadcast %and3A_770 : i32 to vector<16xi32>
          %and3A_772 = arith.andi %shift_right_arithmetic3A_769, %and3A_771 : vector<16xi32>
          %add3A_773 = arith.addi %add3A_766, %and3A_772 : vector<16xi32>
          %and3A_774 = arith.constant -65536 : i32
          %and3A_775 = vector.broadcast %and3A_774 : i32 to vector<16xi32>
          %and3A_776 = arith.andi %add3A_773, %and3A_775 : vector<16xi32>
          %bitcast3A_777 = vector.bitcast %and3A_776 : vector<16xi32> to vector<16xf32>
          %bitcast3A_778 = vector.bitcast %gather3A_762 : vector<16xf32> to vector<16xi32>
          %add3A_779 = arith.constant 32767 : i32
          %add3A_780 = vector.broadcast %add3A_779 : i32 to vector<16xi32>
          %add3A_781 = arith.addi %bitcast3A_778, %add3A_780 : vector<16xi32>
          %shift_right_arithmetic3A_782 = arith.constant 16 : i32
          %shift_right_arithmetic3A_783 = vector.broadcast %shift_right_arithmetic3A_782 : i32 to vector<16xi32>
          %shift_right_arithmetic3A_784 = arith.shrsi %bitcast3A_778, %shift_right_arithmetic3A_783 : vector<16xi32>
          %and3A_785 = arith.constant 1 : i32
          %and3A_786 = vector.broadcast %and3A_785 : i32 to vector<16xi32>
          %and3A_787 = arith.andi %shift_right_arithmetic3A_784, %and3A_786 : vector<16xi32>
          %add3A_788 = arith.addi %add3A_781, %and3A_787 : vector<16xi32>
          %and3A_789 = arith.constant -65536 : i32
          %and3A_790 = vector.broadcast %and3A_789 : i32 to vector<16xi32>
          %and3A_791 = arith.andi %add3A_788, %and3A_790 : vector<16xi32>
          %bitcast3A_792 = vector.bitcast %and3A_791 : vector<16xi32> to vector<16xf32>
          %mul3A_793 = arith.mulf %bitcast3A_777, %bitcast3A_792 : vector<16xf32>
          %add3A_794 = arith.addf %add3A_752, %mul3A_793 : vector<16xf32>
          %mul3A_795 = arith.mulf %gather3A_761, %gather3A_762 : vector<16xf32>
          %add3A_796 = arith.addf %add3A_754, %mul3A_795 : vector<16xf32>
          %mul3A_797 = arith.mulf %gather3A_761, %gather3A_761 : vector<16xf32>
          %add3A_798 = arith.addf %add3A_756, %mul3A_797 : vector<16xf32>
          %mul3A_799 = arith.mulf %gather3A_762, %gather3A_762 : vector<16xf32>
          %add3A_800 = arith.addf %add3A_758, %mul3A_799 : vector<16xf32>
          %broadcast_in_dim3A_801 = arith.constant 14 : i32
          %broadcast_in_dim3A_802 = vector.broadcast %broadcast_in_dim3A_801 : i32 to vector<16xi32>
          %gather3A_803 = tpu.vector_load_idx %arg15[%add3A_207, %broadcast_in_dim3A_802] : memref<128x128xf32, #tpu.memory_space<vmem>>[vector<16xi32>, vector<16xi32>], vector<16xf32>,
          %gather3A_804 = tpu.vector_load_idx %arg16[%add3A_207, %broadcast_in_dim3A_802] : memref<128x128xf32, #tpu.memory_space<vmem>>[vector<16xi32>, vector<16xi32>], vector<16xf32>,
          %bitcast3A_805 = vector.bitcast %gather3A_803 : vector<16xf32> to vector<16xi32>
          %add3A_806 = arith.constant 32767 : i32
          %add3A_807 = vector.broadcast %add3A_806 : i32 to vector<16xi32>
          %add3A_808 = arith.addi %bitcast3A_805, %add3A_807 : vector<16xi32>
          %shift_right_arithmetic3A_809 = arith.constant 16 : i32
          %shift_right_arithmetic3A_810 = vector.broadcast %shift_right_arithmetic3A_809 : i32 to vector<16xi32>
          %shift_right_arithmetic3A_811 = arith.shrsi %bitcast3A_805, %shift_right_arithmetic3A_810 : vector<16xi32>
          %and3A_812 = arith.constant 1 : i32
          %and3A_813 = vector.broadcast %and3A_812 : i32 to vector<16xi32>
          %and3A_814 = arith.andi %shift_right_arithmetic3A_811, %and3A_813 : vector<16xi32>
          %add3A_815 = arith.addi %add3A_808, %and3A_814 : vector<16xi32>
          %and3A_816 = arith.constant -65536 : i32
          %and3A_817 = vector.broadcast %and3A_816 : i32 to vector<16xi32>
          %and3A_818 = arith.andi %add3A_815, %and3A_817 : vector<16xi32>
          %bitcast3A_819 = vector.bitcast %and3A_818 : vector<16xi32> to vector<16xf32>
          %bitcast3A_820 = vector.bitcast %gather3A_804 : vector<16xf32> to vector<16xi32>
          %add3A_821 = arith.constant 32767 : i32
          %add3A_822 = vector.broadcast %add3A_821 : i32 to vector<16xi32>
          %add3A_823 = arith.addi %bitcast3A_820, %add3A_822 : vector<16xi32>
          %shift_right_arithmetic3A_824 = arith.constant 16 : i32
          %shift_right_arithmetic3A_825 = vector.broadcast %shift_right_arithmetic3A_824 : i32 to vector<16xi32>
          %shift_right_arithmetic3A_826 = arith.shrsi %bitcast3A_820, %shift_right_arithmetic3A_825 : vector<16xi32>
          %and3A_827 = arith.constant 1 : i32
          %and3A_828 = vector.broadcast %and3A_827 : i32 to vector<16xi32>
          %and3A_829 = arith.andi %shift_right_arithmetic3A_826, %and3A_828 : vector<16xi32>
          %add3A_830 = arith.addi %add3A_823, %and3A_829 : vector<16xi32>
          %and3A_831 = arith.constant -65536 : i32
          %and3A_832 = vector.broadcast %and3A_831 : i32 to vector<16xi32>
          %and3A_833 = arith.andi %add3A_830, %and3A_832 : vector<16xi32>
          %bitcast3A_834 = vector.bitcast %and3A_833 : vector<16xi32> to vector<16xf32>
          %mul3A_835 = arith.mulf %bitcast3A_819, %bitcast3A_834 : vector<16xf32>
          %add3A_836 = arith.addf %add3A_794, %mul3A_835 : vector<16xf32>
          %mul3A_837 = arith.mulf %gather3A_803, %gather3A_804 : vector<16xf32>
          %add3A_838 = arith.addf %add3A_796, %mul3A_837 : vector<16xf32>
          %mul3A_839 = arith.mulf %gather3A_803, %gather3A_803 : vector<16xf32>
          %add3A_840 = arith.addf %add3A_798, %mul3A_839 : vector<16xf32>
          %mul3A_841 = arith.mulf %gather3A_804, %gather3A_804 : vector<16xf32>
          %add3A_842 = arith.addf %add3A_800, %mul3A_841 : vector<16xf32>
          %broadcast_in_dim3A_843 = arith.constant 15 : i32
          %broadcast_in_dim3A_844 = vector.broadcast %broadcast_in_dim3A_843 : i32 to vector<16xi32>
          %gather3A_845 = tpu.vector_load_idx %arg15[%add3A_207, %broadcast_in_dim3A_844] : memref<128x128xf32, #tpu.memory_space<vmem>>[vector<16xi32>, vector<16xi32>], vector<16xf32>,
          %gather3A_846 = tpu.vector_load_idx %arg16[%add3A_207, %broadcast_in_dim3A_844] : memref<128x128xf32, #tpu.memory_space<vmem>>[vector<16xi32>, vector<16xi32>], vector<16xf32>,
          %bitcast3A_847 = vector.bitcast %gather3A_845 : vector<16xf32> to vector<16xi32>
          %add3A_848 = arith.constant 32767 : i32
          %add3A_849 = vector.broadcast %add3A_848 : i32 to vector<16xi32>
          %add3A_850 = arith.addi %bitcast3A_847, %add3A_849 : vector<16xi32>
          %shift_right_arithmetic3A_851 = arith.constant 16 : i32
          %shift_right_arithmetic3A_852 = vector.broadcast %shift_right_arithmetic3A_851 : i32 to vector<16xi32>
          %shift_right_arithmetic3A_853 = arith.shrsi %bitcast3A_847, %shift_right_arithmetic3A_852 : vector<16xi32>
          %and3A_854 = arith.constant 1 : i32
          %and3A_855 = vector.broadcast %and3A_854 : i32 to vector<16xi32>
          %and3A_856 = arith.andi %shift_right_arithmetic3A_853, %and3A_855 : vector<16xi32>
          %add3A_857 = arith.addi %add3A_850, %and3A_856 : vector<16xi32>
          %and3A_858 = arith.constant -65536 : i32
          %and3A_859 = vector.broadcast %and3A_858 : i32 to vector<16xi32>
          %and3A_860 = arith.andi %add3A_857, %and3A_859 : vector<16xi32>
          %bitcast3A_861 = vector.bitcast %and3A_860 : vector<16xi32> to vector<16xf32>
          %bitcast3A_862 = vector.bitcast %gather3A_846 : vector<16xf32> to vector<16xi32>
          %add3A_863 = arith.constant 32767 : i32
          %add3A_864 = vector.broadcast %add3A_863 : i32 to vector<16xi32>
          %add3A_865 = arith.addi %bitcast3A_862, %add3A_864 : vector<16xi32>
          %shift_right_arithmetic3A_866 = arith.constant 16 : i32
          %shift_right_arithmetic3A_867 = vector.broadcast %shift_right_arithmetic3A_866 : i32 to vector<16xi32>
          %shift_right_arithmetic3A_868 = arith.shrsi %bitcast3A_862, %shift_right_arithmetic3A_867 : vector<16xi32>
          %and3A_869 = arith.constant 1 : i32
          %and3A_870 = vector.broadcast %and3A_869 : i32 to vector<16xi32>
          %and3A_871 = arith.andi %shift_right_arithmetic3A_868, %and3A_870 : vector<16xi32>
          %add3A_872 = arith.addi %add3A_865, %and3A_871 : vector<16xi32>
          %and3A_873 = arith.constant -65536 : i32
          %and3A_874 = vector.broadcast %and3A_873 : i32 to vector<16xi32>
          %and3A_875 = arith.andi %add3A_872, %and3A_874 : vector<16xi32>
          %bitcast3A_876 = vector.bitcast %and3A_875 : vector<16xi32> to vector<16xf32>
          %mul3A_877 = arith.mulf %bitcast3A_861, %bitcast3A_876 : vector<16xf32>
          %add3A_878 = arith.addf %add3A_836, %mul3A_877 : vector<16xf32>
          %mul3A_879 = arith.mulf %gather3A_845, %gather3A_846 : vector<16xf32>
          %add3A_880 = arith.addf %add3A_838, %mul3A_879 : vector<16xf32>
          %mul3A_881 = arith.mulf %gather3A_845, %gather3A_845 : vector<16xf32>
          %add3A_882 = arith.addf %add3A_840, %mul3A_881 : vector<16xf32>
          %mul3A_883 = arith.mulf %gather3A_846, %gather3A_846 : vector<16xf32>
          %add3A_884 = arith.addf %add3A_842, %mul3A_883 : vector<16xf32>
          %add3A_885 = arith.addf %add3A_882, %add3A_884 : vector<16xf32>
          %mul3A_886 = arith.constant 2.000000e+00 : f32
          %mul3A_887 = vector.broadcast %mul3A_886 : f32 to vector<16xf32>
          %mul3A_888 = arith.mulf %mul3A_887, %add3A_878 : vector<16xf32>
          %sub3A_889 = arith.subf %add3A_885, %mul3A_888 : vector<16xf32>
          %max3A = arith.constant 0.000000e+00 : f32
          %max3A_890 = vector.broadcast %max3A : f32 to vector<16xf32>
          %max3A_891 = arith.maximumf %sub3A_889, %max3A_890 : vector<16xf32>
          %add3A_892 = arith.addf %add3A_882, %add3A_884 : vector<16xf32>
          %mul3A_893 = arith.constant 2.000000e+00 : f32
          %mul3A_894 = vector.broadcast %mul3A_893 : f32 to vector<16xf32>
          %mul3A_895 = arith.mulf %mul3A_894, %add3A_880 : vector<16xf32>
          %sub3A_896 = arith.subf %add3A_892, %mul3A_895 : vector<16xf32>
          %max3A_897 = arith.constant 0.000000e+00 : f32
          %max3A_898 = vector.broadcast %max3A_897 : f32 to vector<16xf32>
          %max3A_899 = arith.maximumf %sub3A_896, %max3A_898 : vector<16xf32>
          %bitcast3A_900 = vector.bitcast %max3A_899 : vector<16xf32> to vector<16xi32>
          %shift_right_arithmetic3A_901 = arith.constant 1 : i32
          %shift_right_arithmetic3A_902 = vector.broadcast %shift_right_arithmetic3A_901 : i32 to vector<16xi32>
          %shift_right_arithmetic3A_903 = arith.shrsi %bitcast3A_900, %shift_right_arithmetic3A_902 : vector<16xi32>
          %sub3A_904 = arith.constant 1597463007 : i32
          %sub3A_905 = vector.broadcast %sub3A_904 : i32 to vector<16xi32>
          %sub3A_906 = arith.subi %sub3A_905, %shift_right_arithmetic3A_903 : vector<16xi32>
          %bitcast3A_907 = vector.bitcast %sub3A_906 : vector<16xi32> to vector<16xf32>
          %mul3A_908 = arith.constant 5.000000e-01 : f32
          %mul3A_909 = vector.broadcast %mul3A_908 : f32 to vector<16xf32>
          %mul3A_910 = arith.mulf %mul3A_909, %max3A_899 : vector<16xf32>
          %mul3A_911 = arith.mulf %mul3A_910, %bitcast3A_907 : vector<16xf32>
          %mul3A_912 = arith.mulf %mul3A_911, %bitcast3A_907 : vector<16xf32>
          %sub3A_913 = arith.constant 1.500000e+00 : f32
          %sub3A_914 = vector.broadcast %sub3A_913 : f32 to vector<16xf32>
          %sub3A_915 = arith.subf %sub3A_914, %mul3A_912 : vector<16xf32>
          %mul3A_916 = arith.mulf %bitcast3A_907, %sub3A_915 : vector<16xf32>
          %mul3A_917 = arith.mulf %mul3A_910, %mul3A_916 : vector<16xf32>
          %mul3A_918 = arith.mulf %mul3A_917, %mul3A_916 : vector<16xf32>
          %sub3A_919 = arith.constant 1.500000e+00 : f32
          %sub3A_920 = vector.broadcast %sub3A_919 : f32 to vector<16xf32>
          %sub3A_921 = arith.subf %sub3A_920, %mul3A_918 : vector<16xf32>
          %mul3A_922 = arith.mulf %mul3A_916, %sub3A_921 : vector<16xf32>
          %mul3A_923 = arith.mulf %mul3A_910, %mul3A_922 : vector<16xf32>
          %mul3A_924 = arith.mulf %mul3A_923, %mul3A_922 : vector<16xf32>
          %sub3A_925 = arith.constant 1.500000e+00 : f32
          %sub3A_926 = vector.broadcast %sub3A_925 : f32 to vector<16xf32>
          %sub3A_927 = arith.subf %sub3A_926, %mul3A_924 : vector<16xf32>
          %mul3A_928 = arith.mulf %mul3A_922, %sub3A_927 : vector<16xf32>
          %gt3A_929 = arith.constant 0.000000e+00 : f32
          %gt3A_930 = vector.broadcast %gt3A_929 : f32 to vector<16xf32>
          %gt3A_931 = arith.cmpf ogt, %max3A_899, %gt3A_930 : vector<16xf32>
          %mul3A_932 = arith.mulf %max3A_899, %mul3A_928 : vector<16xf32>
          %jit3A_933 = arith.constant 0.000000e+00 : f32
          %broadcast_in_dim3A_934 = vector.broadcast %jit3A_933 : f32 to vector<16xf32>
          %select_n3A_935 = arith.select %gt3A_931, %mul3A_932, %broadcast_in_dim3A_934 : vector<16xi1>, vector<16xf32>
          %gather3A_936 = tpu.vector_load_idx %arg13[%get3A_189] : memref<10240xi32, #tpu.memory_space<vmem>>[vector<16xi32>], vector<16xi32>,
          %gather3A_937 = tpu.vector_load_idx %arg13[%get3A_192] : memref<10240xi32, #tpu.memory_space<vmem>>[vector<16xi32>], vector<16xi32>,
          %gather3A_938 = tpu.vector_load_idx %arg12[%get3A_189] : memref<10240xi32, #tpu.memory_space<vmem>>[vector<16xi32>], vector<16xi32>,
          %gather3A_939 = tpu.vector_load_idx %arg12[%get3A_192] : memref<10240xi32, #tpu.memory_space<vmem>>[vector<16xi32>], vector<16xi32>,
          %eq3A_940 = arith.cmpi eq, %gather3A_936, %gather3A_937 : vector<16xi32>
          %le3A = arith.constant 1.000000e+00 : f32
          %le3A_941 = vector.broadcast %le3A : f32 to vector<16xf32>
          %le3A_942 = arith.cmpf ole, %max3A_891, %le3A_941 : vector<16xf32>
          %and3A_943 = arith.andi %eq3A_940, %le3A_942 : vector<16xi1>
          %ne3A_944 = arith.cmpi ne, %get3A_189, %get3A_192 : vector<16xi32>
          %and3A_945 = arith.andi %and3A_943, %ne3A_944 : vector<16xi1>
          %eq3A_946 = arith.cmpi eq, %gather3A_938, %gather3A_939 : vector<16xi32>
          %gt3A_947 = arith.constant 0 : i32
          %gt3A_948 = vector.broadcast %gt3A_947 : i32 to vector<16xi32>
          %gt3A_949 = arith.cmpi sgt, %gather3A_938, %gt3A_948 : vector<16xi32>
          %and3A_950 = arith.andi %eq3A_946, %gt3A_949 : vector<16xi1>
          %not3A = arith.constant dense<true> : vector<16xi1>
          %not3A_951 = arith.xori %and3A_945, %not3A : vector<16xi1>
          %and3A_952 = arith.andi %and3A_205, %not3A_951 : vector<16xi1>
          %and3A_953 = arith.andi %and3A_952, %and3A_950 : vector<16xi1>
          %not3A_954 = arith.constant dense<true> : vector<16xi1>
          %not3A_955 = arith.xori %and3A_950, %not3A_954 : vector<16xi1>
          %and3A_956 = arith.andi %and3A_952, %not3A_955 : vector<16xi1>
          %get3A_957 = arith.constant 0 : index
          %get3A_958 = tpu.vector_load %arg19[%get3A_957] {strides = array<i32>} : memref<16xf32, #tpu.memory_space<vmem>>, vector<16xf32>,
          %jit3A_959 = arith.constant 0.000000e+00 : f32
          %broadcast_in_dim3A_960 = vector.broadcast %jit3A_959 : f32 to vector<16xf32>
          %select_n3A_961 = arith.select %and3A_953, %select_n3A_935, %broadcast_in_dim3A_960 : vector<16xi1>, vector<16xf32>
          %add3A_962 = arith.addf %get3A_958, %select_n3A_961 : vector<16xf32>
          %swap3A_963 = arith.constant 0 : index
          %swap3A_964 = tpu.vector_load %arg19[%swap3A_963] {strides = array<i32>} : memref<16xf32, #tpu.memory_space<vmem>>, vector<16xf32>,
          tpu.vector_store %arg19[%swap3A_963], %add3A_962 {strides = array<i32>} : memref<16xf32, #tpu.memory_space<vmem>>, vector<16xf32>,
          %get3A_965 = arith.constant 0 : index
          %get3A_966 = tpu.vector_load %arg20[%get3A_965] {strides = array<i32>} : memref<16xf32, #tpu.memory_space<vmem>>, vector<16xf32>,
          %jit3A_967 = arith.constant 1.000000e+00 : f32
          %jit3A_968 = arith.constant 0.000000e+00 : f32
          %broadcast_in_dim3A_969 = vector.broadcast %jit3A_967 : f32 to vector<16xf32>
          %broadcast_in_dim3A_970 = vector.broadcast %jit3A_968 : f32 to vector<16xf32>
          %select_n3A_971 = arith.select %and3A_953, %broadcast_in_dim3A_969, %broadcast_in_dim3A_970 : vector<16xi1>, vector<16xf32>
          %add3A_972 = arith.addf %get3A_966, %select_n3A_971 : vector<16xf32>
          %swap3A_973 = arith.constant 0 : index
          %swap3A_974 = tpu.vector_load %arg20[%swap3A_973] {strides = array<i32>} : memref<16xf32, #tpu.memory_space<vmem>>, vector<16xf32>,
          tpu.vector_store %arg20[%swap3A_973], %add3A_972 {strides = array<i32>} : memref<16xf32, #tpu.memory_space<vmem>>, vector<16xf32>,
          %get3A_975 = arith.constant 0 : index
          %get3A_976 = tpu.vector_load %arg21[%get3A_975] {strides = array<i32>} : memref<16xf32, #tpu.memory_space<vmem>>, vector<16xf32>,
          %sub3A_977 = arith.constant 1.000000e+00 : f32
          %sub3A_978 = vector.broadcast %sub3A_977 : f32 to vector<16xf32>
          %sub3A_979 = arith.subf %sub3A_978, %select_n3A_935 : vector<16xf32>
          %max3A_980 = arith.constant 0.000000e+00 : f32
          %max3A_981 = vector.broadcast %max3A_980 : f32 to vector<16xf32>
          %max3A_982 = arith.maximumf %sub3A_979, %max3A_981 : vector<16xf32>
          %jit3A_983 = arith.constant 0.000000e+00 : f32
          %broadcast_in_dim3A_984 = vector.broadcast %jit3A_983 : f32 to vector<16xf32>
          %select_n3A_985 = arith.select %and3A_956, %max3A_982, %broadcast_in_dim3A_984 : vector<16xi1>, vector<16xf32>
          %add3A_986 = arith.addf %get3A_976, %select_n3A_985 : vector<16xf32>
          %swap3A_987 = arith.constant 0 : index
          %swap3A_988 = tpu.vector_load %arg21[%swap3A_987] {strides = array<i32>} : memref<16xf32, #tpu.memory_space<vmem>>, vector<16xf32>,
          tpu.vector_store %arg21[%swap3A_987], %add3A_986 {strides = array<i32>} : memref<16xf32, #tpu.memory_space<vmem>>, vector<16xf32>,
          %scan3A_989 = arith.constant 0 : i32
          scf.yield %scan3A_989 : i32
        }
        %scan3A_182 = arith.constant 8 : i32
      } else {
      }
      %lt3A_152 = arith.cmpi slt, %add3A_148, %select_n3A : i32
      %convert_element_type3A_153 = arith.extui %lt3A_152 : i1 to i32
      %cond3A_154 = arith.constant 0 : i32
      %cond3A_155 = arith.cmpi ne, %convert_element_type3A_153, %cond3A_154 : i32
      scf.if %cond3A_155 {
        %mul3A_157 = arith.constant 128 : i32
        %mul3A_158 = arith.muli %add3A_148, %mul3A_157 : i32
        %dma_wait3A = tpu.memref_slice %arg10[%mul3A_158] : memref<10496xi32, #tpu.memory_space<vmem>> -> memref<128xi32, #tpu.memory_space<vmem>>
        %dma_wait3A_159 = arith.constant 0 : i32
        %dma_wait3A_160 = arith.constant 0 : i32
        %dma_wait3A_161 = tpu.memref_slice %arg5[%dma_wait3A_159, %dma_wait3A_160] : memref<10240x128xf32, #tpu.memory_space<hbm>> -> memref<10240x128xf32, #tpu.memory_space<hbm>>
        tpu.wait_indirect_dma semaphore(%arg25 : memref<!tpu.dma_semaphore, #tpu.memory_space<semaphore_mem>>) src(%dma_wait3A_161 : memref<10240x128xf32, #tpu.memory_space<hbm>>) dst(%arg17 : memref<128x128xf32, #tpu.memory_space<vmem>>)
        %mul3A_162 = arith.constant 128 : i32
        %mul3A_163 = arith.muli %add3A_148, %mul3A_162 : i32
        %dma_wait3A_164 = tpu.memref_slice %arg11[%mul3A_163] : memref<10496xi32, #tpu.memory_space<vmem>> -> memref<128xi32, #tpu.memory_space<vmem>>
        %dma_wait3A_165 = arith.constant 0 : i32
        %dma_wait3A_166 = arith.constant 0 : i32
        %dma_wait3A_167 = tpu.memref_slice %arg5[%dma_wait3A_165, %dma_wait3A_166] : memref<10240x128xf32, #tpu.memory_space<hbm>> -> memref<10240x128xf32, #tpu.memory_space<hbm>>
        tpu.wait_indirect_dma semaphore(%arg25 : memref<!tpu.dma_semaphore, #tpu.memory_space<semaphore_mem>>) src(%dma_wait3A_167 : memref<10240x128xf32, #tpu.memory_space<hbm>>) dst(%arg18 : memref<128x128xf32, #tpu.memory_space<vmem>>)
        %add3A_168 = arith.constant 1 : i32
        %add3A_169 = arith.addi %add3A_148, %add3A_168 : i32
        %lt3A_170 = arith.cmpi slt, %add3A_169, %select_n3A : i32
        %convert_element_type3A_171 = arith.extui %lt3A_170 : i1 to i32
        %cond3A_172 = arith.constant 0 : i32
        %cond3A_173 = arith.cmpi ne, %convert_element_type3A_171, %cond3A_172 : i32
        scf.if %cond3A_173 {
          %add3A_185 = arith.constant 1 : i32
          %add3A_186 = arith.addi %add3A_148, %add3A_185 : i32
          %mul3A_187 = arith.constant 128 : i32
          %mul3A_188 = arith.muli %add3A_186, %mul3A_187 : i32
          %dma_start3A = tpu.memref_slice %arg10[%mul3A_188] : memref<10496xi32, #tpu.memory_space<vmem>> -> memref<128xi32, #tpu.memory_space<vmem>>
          %dma_start3A_189 = arith.constant 0 : i32
          %dma_start3A_190 = arith.constant 0 : i32
          %dma_start3A_191 = tpu.memref_slice %arg5[%dma_start3A_189, %dma_start3A_190] : memref<10240x128xf32, #tpu.memory_space<hbm>> -> memref<10240x128xf32, #tpu.memory_space<hbm>>
          tpu.enqueue_indirect_dma source(%dma_start3A_191 : memref<10240x128xf32, #tpu.memory_space<hbm>>) target(%arg15 : memref<128x128xf32, #tpu.memory_space<vmem>>) offsets(%dma_start3A : memref<128xi32, #tpu.memory_space<vmem>>) semaphore(%arg24 : memref<!tpu.dma_semaphore, #tpu.memory_space<semaphore_mem>>)
          %mul3A_192 = arith.constant 128 : i32
          %mul3A_193 = arith.muli %add3A_186, %mul3A_192 : i32
          %dma_start3A_194 = tpu.memref_slice %arg11[%mul3A_193] : memref<10496xi32, #tpu.memory_space<vmem>> -> memref<128xi32, #tpu.memory_space<vmem>>
          %dma_start3A_195 = arith.constant 0 : i32
          %dma_start3A_196 = arith.constant 0 : i32
          %dma_start3A_197 = tpu.memref_slice %arg5[%dma_start3A_195, %dma_start3A_196] : memref<10240x128xf32, #tpu.memory_space<hbm>> -> memref<10240x128xf32, #tpu.memory_space<hbm>>
          tpu.enqueue_indirect_dma source(%dma_start3A_197 : memref<10240x128xf32, #tpu.memory_space<hbm>>) target(%arg16 : memref<128x128xf32, #tpu.memory_space<vmem>>) offsets(%dma_start3A_194 : memref<128xi32, #tpu.memory_space<vmem>>) semaphore(%arg24 : memref<!tpu.dma_semaphore, #tpu.memory_space<semaphore_mem>>)
        } else {
        }
        %mul3A_174 = arith.constant 128 : i32
        %mul3A_175 = arith.muli %add3A_148, %mul3A_174 : i32
        %mul3A_176 = arith.constant 10496 : i32
        %mul3A_177 = arith.muli %add3A, %mul3A_176 : i32
        %add3A_178 = arith.addi %mul3A_177, %mul3A_175 : i32
        %scan3A = arith.constant 0 : i32
        %scan3A_179 = arith.constant 0 : i32
        %scan3A_180 = arith.constant 8 : i32
        %scan3A_181 = arith.addi %scan3A_179, %scan3A_180 : i32
        %scan3A_182 = arith.constant 1 : i32
        %scan3A_183 = scf.for %scan3A_185 = %scan3A_179 to %scan3A_181 step %scan3A_182 iter_args(%scan3A_186 = %scan3A) -> (i32)  : i32 {
          %mul3A_187 = arith.constant 16 : i32
          %mul3A_188 = arith.muli %scan3A_185, %mul3A_187 : i32
          %add3A_189 = arith.addi %mul3A_175, %mul3A_188 : i32
          %get3A_190 = arith.index_cast %add3A_189 : i32 to index
          %get3A_191 = tpu.vector_load %arg10[%get3A_190] {strides = array<i32>} : memref<10496xi32, #tpu.memory_space<vmem>>, vector<16xi32>,
          %add3A_192 = arith.addi %mul3A_175, %mul3A_188 : i32
          %get3A_193 = arith.index_cast %add3A_192 : i32 to index
          %get3A_194 = tpu.vector_load %arg11[%get3A_193] {strides = array<i32>} : memref<10496xi32, #tpu.memory_space<vmem>>, vector<16xi32>,
          %add3A_195 = arith.addi %mul3A_175, %mul3A_188 : i32
          %get3A_196 = arith.index_cast %add3A_195 : i32 to index
          %get3A_197 = tpu.vector_load %arg14[%get3A_196] {strides = array<i32>} : memref<10496xi32, #tpu.memory_space<vmem>>, vector<16xi32>,
          %add3A_198 = arith.addi %add3A_178, %mul3A_188 : i32
          %add3A_199 = vector.broadcast %add3A_198 : i32 to vector<16xi32>
          %add3A_200 = arith.addi %add3A_199, %iota3A : vector<16xi32>
          %add3A_201 = arith.addi %mul3A_175, %mul3A_188 : i32
          %add3A_202 = vector.broadcast %add3A_201 : i32 to vector<16xi32>
          %add3A_203 = arith.addi %add3A_202, %iota3A : vector<16xi32>
          %lt3A_204 = vector.broadcast %squeeze3A : i32 to vector<16xi32>
          %lt3A_205 = arith.cmpi slt, %add3A_203, %lt3A_204 : vector<16xi32>
          %eq3A_206 = arith.cmpi eq, %get3A_197, %add3A_200 : vector<16xi32>
          %and3A_207 = arith.andi %lt3A_205, %eq3A_206 : vector<16xi1>
          %add3A_208 = vector.broadcast %mul3A_188 : i32 to vector<16xi32>
          %add3A_209 = arith.addi %add3A_208, %iota3A : vector<16xi32>
          %broadcast_in_dim3A_210 = arith.constant 0.000000e+00 : f32
          %broadcast_in_dim3A_211 = vector.broadcast %broadcast_in_dim3A_210 : f32 to vector<16xf32>
          %broadcast_in_dim3A_212 = arith.constant 0.000000e+00 : f32
          %broadcast_in_dim3A_213 = vector.broadcast %broadcast_in_dim3A_212 : f32 to vector<16xf32>
          %broadcast_in_dim3A_214 = arith.constant 0.000000e+00 : f32
          %broadcast_in_dim3A_215 = vector.broadcast %broadcast_in_dim3A_214 : f32 to vector<16xf32>
          %broadcast_in_dim3A_216 = arith.constant 0.000000e+00 : f32
          %broadcast_in_dim3A_217 = vector.broadcast %broadcast_in_dim3A_216 : f32 to vector<16xf32>
          %broadcast_in_dim3A_218 = arith.constant 0 : i32
          %broadcast_in_dim3A_219 = vector.broadcast %broadcast_in_dim3A_218 : i32 to vector<16xi32>
          %gather3A = tpu.vector_load_idx %arg17[%add3A_209, %broadcast_in_dim3A_219] : memref<128x128xf32, #tpu.memory_space<vmem>>[vector<16xi32>, vector<16xi32>], vector<16xf32>,
          %gather3A_220 = tpu.vector_load_idx %arg18[%add3A_209, %broadcast_in_dim3A_219] : memref<128x128xf32, #tpu.memory_space<vmem>>[vector<16xi32>, vector<16xi32>], vector<16xf32>,
          %bitcast3A = vector.bitcast %gather3A : vector<16xf32> to vector<16xi32>
          %add3A_221 = arith.constant 32767 : i32
          %add3A_222 = vector.broadcast %add3A_221 : i32 to vector<16xi32>
          %add3A_223 = arith.addi %bitcast3A, %add3A_222 : vector<16xi32>
          %shift_right_arithmetic3A = arith.constant 16 : i32
          %shift_right_arithmetic3A_224 = vector.broadcast %shift_right_arithmetic3A : i32 to vector<16xi32>
          %shift_right_arithmetic3A_225 = arith.shrsi %bitcast3A, %shift_right_arithmetic3A_224 : vector<16xi32>
          %and3A_226 = arith.constant 1 : i32
          %and3A_227 = vector.broadcast %and3A_226 : i32 to vector<16xi32>
          %and3A_228 = arith.andi %shift_right_arithmetic3A_225, %and3A_227 : vector<16xi32>
          %add3A_229 = arith.addi %add3A_223, %and3A_228 : vector<16xi32>
          %and3A_230 = arith.constant -65536 : i32
          %and3A_231 = vector.broadcast %and3A_230 : i32 to vector<16xi32>
          %and3A_232 = arith.andi %add3A_229, %and3A_231 : vector<16xi32>
          %bitcast3A_233 = vector.bitcast %and3A_232 : vector<16xi32> to vector<16xf32>
          %bitcast3A_234 = vector.bitcast %gather3A_220 : vector<16xf32> to vector<16xi32>
          %add3A_235 = arith.constant 32767 : i32
          %add3A_236 = vector.broadcast %add3A_235 : i32 to vector<16xi32>
          %add3A_237 = arith.addi %bitcast3A_234, %add3A_236 : vector<16xi32>
          %shift_right_arithmetic3A_238 = arith.constant 16 : i32
          %shift_right_arithmetic3A_239 = vector.broadcast %shift_right_arithmetic3A_238 : i32 to vector<16xi32>
          %shift_right_arithmetic3A_240 = arith.shrsi %bitcast3A_234, %shift_right_arithmetic3A_239 : vector<16xi32>
          %and3A_241 = arith.constant 1 : i32
          %and3A_242 = vector.broadcast %and3A_241 : i32 to vector<16xi32>
          %and3A_243 = arith.andi %shift_right_arithmetic3A_240, %and3A_242 : vector<16xi32>
          %add3A_244 = arith.addi %add3A_237, %and3A_243 : vector<16xi32>
          %and3A_245 = arith.constant -65536 : i32
          %and3A_246 = vector.broadcast %and3A_245 : i32 to vector<16xi32>
          %and3A_247 = arith.andi %add3A_244, %and3A_246 : vector<16xi32>
          %bitcast3A_248 = vector.bitcast %and3A_247 : vector<16xi32> to vector<16xf32>
          %mul3A_249 = arith.mulf %bitcast3A_233, %bitcast3A_248 : vector<16xf32>
          %add3A_250 = arith.addf %broadcast_in_dim3A_211, %mul3A_249 : vector<16xf32>
          %mul3A_251 = arith.mulf %gather3A, %gather3A_220 : vector<16xf32>
          %add3A_252 = arith.addf %broadcast_in_dim3A_213, %mul3A_251 : vector<16xf32>
          %mul3A_253 = arith.mulf %gather3A, %gather3A : vector<16xf32>
          %add3A_254 = arith.addf %broadcast_in_dim3A_215, %mul3A_253 : vector<16xf32>
          %mul3A_255 = arith.mulf %gather3A_220, %gather3A_220 : vector<16xf32>
          %add3A_256 = arith.addf %broadcast_in_dim3A_217, %mul3A_255 : vector<16xf32>
          %broadcast_in_dim3A_257 = arith.constant 1 : i32
          %broadcast_in_dim3A_258 = vector.broadcast %broadcast_in_dim3A_257 : i32 to vector<16xi32>
          %gather3A_259 = tpu.vector_load_idx %arg17[%add3A_209, %broadcast_in_dim3A_258] : memref<128x128xf32, #tpu.memory_space<vmem>>[vector<16xi32>, vector<16xi32>], vector<16xf32>,
          %gather3A_260 = tpu.vector_load_idx %arg18[%add3A_209, %broadcast_in_dim3A_258] : memref<128x128xf32, #tpu.memory_space<vmem>>[vector<16xi32>, vector<16xi32>], vector<16xf32>,
          %bitcast3A_261 = vector.bitcast %gather3A_259 : vector<16xf32> to vector<16xi32>
          %add3A_262 = arith.constant 32767 : i32
          %add3A_263 = vector.broadcast %add3A_262 : i32 to vector<16xi32>
          %add3A_264 = arith.addi %bitcast3A_261, %add3A_263 : vector<16xi32>
          %shift_right_arithmetic3A_265 = arith.constant 16 : i32
          %shift_right_arithmetic3A_266 = vector.broadcast %shift_right_arithmetic3A_265 : i32 to vector<16xi32>
          %shift_right_arithmetic3A_267 = arith.shrsi %bitcast3A_261, %shift_right_arithmetic3A_266 : vector<16xi32>
          %and3A_268 = arith.constant 1 : i32
          %and3A_269 = vector.broadcast %and3A_268 : i32 to vector<16xi32>
          %and3A_270 = arith.andi %shift_right_arithmetic3A_267, %and3A_269 : vector<16xi32>
          %add3A_271 = arith.addi %add3A_264, %and3A_270 : vector<16xi32>
          %and3A_272 = arith.constant -65536 : i32
          %and3A_273 = vector.broadcast %and3A_272 : i32 to vector<16xi32>
          %and3A_274 = arith.andi %add3A_271, %and3A_273 : vector<16xi32>
          %bitcast3A_275 = vector.bitcast %and3A_274 : vector<16xi32> to vector<16xf32>
          %bitcast3A_276 = vector.bitcast %gather3A_260 : vector<16xf32> to vector<16xi32>
          %add3A_277 = arith.constant 32767 : i32
          %add3A_278 = vector.broadcast %add3A_277 : i32 to vector<16xi32>
          %add3A_279 = arith.addi %bitcast3A_276, %add3A_278 : vector<16xi32>
          %shift_right_arithmetic3A_280 = arith.constant 16 : i32
          %shift_right_arithmetic3A_281 = vector.broadcast %shift_right_arithmetic3A_280 : i32 to vector<16xi32>
          %shift_right_arithmetic3A_282 = arith.shrsi %bitcast3A_276, %shift_right_arithmetic3A_281 : vector<16xi32>
          %and3A_283 = arith.constant 1 : i32
          %and3A_284 = vector.broadcast %and3A_283 : i32 to vector<16xi32>
          %and3A_285 = arith.andi %shift_right_arithmetic3A_282, %and3A_284 : vector<16xi32>
          %add3A_286 = arith.addi %add3A_279, %and3A_285 : vector<16xi32>
          %and3A_287 = arith.constant -65536 : i32
          %and3A_288 = vector.broadcast %and3A_287 : i32 to vector<16xi32>
          %and3A_289 = arith.andi %add3A_286, %and3A_288 : vector<16xi32>
          %bitcast3A_290 = vector.bitcast %and3A_289 : vector<16xi32> to vector<16xf32>
          %mul3A_291 = arith.mulf %bitcast3A_275, %bitcast3A_290 : vector<16xf32>
          %add3A_292 = arith.addf %add3A_250, %mul3A_291 : vector<16xf32>
          %mul3A_293 = arith.mulf %gather3A_259, %gather3A_260 : vector<16xf32>
          %add3A_294 = arith.addf %add3A_252, %mul3A_293 : vector<16xf32>
          %mul3A_295 = arith.mulf %gather3A_259, %gather3A_259 : vector<16xf32>
          %add3A_296 = arith.addf %add3A_254, %mul3A_295 : vector<16xf32>
          %mul3A_297 = arith.mulf %gather3A_260, %gather3A_260 : vector<16xf32>
          %add3A_298 = arith.addf %add3A_256, %mul3A_297 : vector<16xf32>
          %broadcast_in_dim3A_299 = arith.constant 2 : i32
          %broadcast_in_dim3A_300 = vector.broadcast %broadcast_in_dim3A_299 : i32 to vector<16xi32>
          %gather3A_301 = tpu.vector_load_idx %arg17[%add3A_209, %broadcast_in_dim3A_300] : memref<128x128xf32, #tpu.memory_space<vmem>>[vector<16xi32>, vector<16xi32>], vector<16xf32>,
          %gather3A_302 = tpu.vector_load_idx %arg18[%add3A_209, %broadcast_in_dim3A_300] : memref<128x128xf32, #tpu.memory_space<vmem>>[vector<16xi32>, vector<16xi32>], vector<16xf32>,
          %bitcast3A_303 = vector.bitcast %gather3A_301 : vector<16xf32> to vector<16xi32>
          %add3A_304 = arith.constant 32767 : i32
          %add3A_305 = vector.broadcast %add3A_304 : i32 to vector<16xi32>
          %add3A_306 = arith.addi %bitcast3A_303, %add3A_305 : vector<16xi32>
          %shift_right_arithmetic3A_307 = arith.constant 16 : i32
          %shift_right_arithmetic3A_308 = vector.broadcast %shift_right_arithmetic3A_307 : i32 to vector<16xi32>
          %shift_right_arithmetic3A_309 = arith.shrsi %bitcast3A_303, %shift_right_arithmetic3A_308 : vector<16xi32>
          %and3A_310 = arith.constant 1 : i32
          %and3A_311 = vector.broadcast %and3A_310 : i32 to vector<16xi32>
          %and3A_312 = arith.andi %shift_right_arithmetic3A_309, %and3A_311 : vector<16xi32>
          %add3A_313 = arith.addi %add3A_306, %and3A_312 : vector<16xi32>
          %and3A_314 = arith.constant -65536 : i32
          %and3A_315 = vector.broadcast %and3A_314 : i32 to vector<16xi32>
          %and3A_316 = arith.andi %add3A_313, %and3A_315 : vector<16xi32>
          %bitcast3A_317 = vector.bitcast %and3A_316 : vector<16xi32> to vector<16xf32>
          %bitcast3A_318 = vector.bitcast %gather3A_302 : vector<16xf32> to vector<16xi32>
          %add3A_319 = arith.constant 32767 : i32
          %add3A_320 = vector.broadcast %add3A_319 : i32 to vector<16xi32>
          %add3A_321 = arith.addi %bitcast3A_318, %add3A_320 : vector<16xi32>
          %shift_right_arithmetic3A_322 = arith.constant 16 : i32
          %shift_right_arithmetic3A_323 = vector.broadcast %shift_right_arithmetic3A_322 : i32 to vector<16xi32>
          %shift_right_arithmetic3A_324 = arith.shrsi %bitcast3A_318, %shift_right_arithmetic3A_323 : vector<16xi32>
          %and3A_325 = arith.constant 1 : i32
          %and3A_326 = vector.broadcast %and3A_325 : i32 to vector<16xi32>
          %and3A_327 = arith.andi %shift_right_arithmetic3A_324, %and3A_326 : vector<16xi32>
          %add3A_328 = arith.addi %add3A_321, %and3A_327 : vector<16xi32>
          %and3A_329 = arith.constant -65536 : i32
          %and3A_330 = vector.broadcast %and3A_329 : i32 to vector<16xi32>
          %and3A_331 = arith.andi %add3A_328, %and3A_330 : vector<16xi32>
          %bitcast3A_332 = vector.bitcast %and3A_331 : vector<16xi32> to vector<16xf32>
          %mul3A_333 = arith.mulf %bitcast3A_317, %bitcast3A_332 : vector<16xf32>
          %add3A_334 = arith.addf %add3A_292, %mul3A_333 : vector<16xf32>
          %mul3A_335 = arith.mulf %gather3A_301, %gather3A_302 : vector<16xf32>
          %add3A_336 = arith.addf %add3A_294, %mul3A_335 : vector<16xf32>
          %mul3A_337 = arith.mulf %gather3A_301, %gather3A_301 : vector<16xf32>
          %add3A_338 = arith.addf %add3A_296, %mul3A_337 : vector<16xf32>
          %mul3A_339 = arith.mulf %gather3A_302, %gather3A_302 : vector<16xf32>
          %add3A_340 = arith.addf %add3A_298, %mul3A_339 : vector<16xf32>
          %broadcast_in_dim3A_341 = arith.constant 3 : i32
          %broadcast_in_dim3A_342 = vector.broadcast %broadcast_in_dim3A_341 : i32 to vector<16xi32>
          %gather3A_343 = tpu.vector_load_idx %arg17[%add3A_209, %broadcast_in_dim3A_342] : memref<128x128xf32, #tpu.memory_space<vmem>>[vector<16xi32>, vector<16xi32>], vector<16xf32>,
          %gather3A_344 = tpu.vector_load_idx %arg18[%add3A_209, %broadcast_in_dim3A_342] : memref<128x128xf32, #tpu.memory_space<vmem>>[vector<16xi32>, vector<16xi32>], vector<16xf32>,
          %bitcast3A_345 = vector.bitcast %gather3A_343 : vector<16xf32> to vector<16xi32>
          %add3A_346 = arith.constant 32767 : i32
          %add3A_347 = vector.broadcast %add3A_346 : i32 to vector<16xi32>
          %add3A_348 = arith.addi %bitcast3A_345, %add3A_347 : vector<16xi32>
          %shift_right_arithmetic3A_349 = arith.constant 16 : i32
          %shift_right_arithmetic3A_350 = vector.broadcast %shift_right_arithmetic3A_349 : i32 to vector<16xi32>
          %shift_right_arithmetic3A_351 = arith.shrsi %bitcast3A_345, %shift_right_arithmetic3A_350 : vector<16xi32>
          %and3A_352 = arith.constant 1 : i32
          %and3A_353 = vector.broadcast %and3A_352 : i32 to vector<16xi32>
          %and3A_354 = arith.andi %shift_right_arithmetic3A_351, %and3A_353 : vector<16xi32>
          %add3A_355 = arith.addi %add3A_348, %and3A_354 : vector<16xi32>
          %and3A_356 = arith.constant -65536 : i32
          %and3A_357 = vector.broadcast %and3A_356 : i32 to vector<16xi32>
          %and3A_358 = arith.andi %add3A_355, %and3A_357 : vector<16xi32>
          %bitcast3A_359 = vector.bitcast %and3A_358 : vector<16xi32> to vector<16xf32>
          %bitcast3A_360 = vector.bitcast %gather3A_344 : vector<16xf32> to vector<16xi32>
          %add3A_361 = arith.constant 32767 : i32
          %add3A_362 = vector.broadcast %add3A_361 : i32 to vector<16xi32>
          %add3A_363 = arith.addi %bitcast3A_360, %add3A_362 : vector<16xi32>
          %shift_right_arithmetic3A_364 = arith.constant 16 : i32
          %shift_right_arithmetic3A_365 = vector.broadcast %shift_right_arithmetic3A_364 : i32 to vector<16xi32>
          %shift_right_arithmetic3A_366 = arith.shrsi %bitcast3A_360, %shift_right_arithmetic3A_365 : vector<16xi32>
          %and3A_367 = arith.constant 1 : i32
          %and3A_368 = vector.broadcast %and3A_367 : i32 to vector<16xi32>
          %and3A_369 = arith.andi %shift_right_arithmetic3A_366, %and3A_368 : vector<16xi32>
          %add3A_370 = arith.addi %add3A_363, %and3A_369 : vector<16xi32>
          %and3A_371 = arith.constant -65536 : i32
          %and3A_372 = vector.broadcast %and3A_371 : i32 to vector<16xi32>
          %and3A_373 = arith.andi %add3A_370, %and3A_372 : vector<16xi32>
          %bitcast3A_374 = vector.bitcast %and3A_373 : vector<16xi32> to vector<16xf32>
          %mul3A_375 = arith.mulf %bitcast3A_359, %bitcast3A_374 : vector<16xf32>
          %add3A_376 = arith.addf %add3A_334, %mul3A_375 : vector<16xf32>
          %mul3A_377 = arith.mulf %gather3A_343, %gather3A_344 : vector<16xf32>
          %add3A_378 = arith.addf %add3A_336, %mul3A_377 : vector<16xf32>
          %mul3A_379 = arith.mulf %gather3A_343, %gather3A_343 : vector<16xf32>
          %add3A_380 = arith.addf %add3A_338, %mul3A_379 : vector<16xf32>
          %mul3A_381 = arith.mulf %gather3A_344, %gather3A_344 : vector<16xf32>
          %add3A_382 = arith.addf %add3A_340, %mul3A_381 : vector<16xf32>
          %broadcast_in_dim3A_383 = arith.constant 4 : i32
          %broadcast_in_dim3A_384 = vector.broadcast %broadcast_in_dim3A_383 : i32 to vector<16xi32>
          %gather3A_385 = tpu.vector_load_idx %arg17[%add3A_209, %broadcast_in_dim3A_384] : memref<128x128xf32, #tpu.memory_space<vmem>>[vector<16xi32>, vector<16xi32>], vector<16xf32>,
          %gather3A_386 = tpu.vector_load_idx %arg18[%add3A_209, %broadcast_in_dim3A_384] : memref<128x128xf32, #tpu.memory_space<vmem>>[vector<16xi32>, vector<16xi32>], vector<16xf32>,
          %bitcast3A_387 = vector.bitcast %gather3A_385 : vector<16xf32> to vector<16xi32>
          %add3A_388 = arith.constant 32767 : i32
          %add3A_389 = vector.broadcast %add3A_388 : i32 to vector<16xi32>
          %add3A_390 = arith.addi %bitcast3A_387, %add3A_389 : vector<16xi32>
          %shift_right_arithmetic3A_391 = arith.constant 16 : i32
          %shift_right_arithmetic3A_392 = vector.broadcast %shift_right_arithmetic3A_391 : i32 to vector<16xi32>
          %shift_right_arithmetic3A_393 = arith.shrsi %bitcast3A_387, %shift_right_arithmetic3A_392 : vector<16xi32>
          %and3A_394 = arith.constant 1 : i32
          %and3A_395 = vector.broadcast %and3A_394 : i32 to vector<16xi32>
          %and3A_396 = arith.andi %shift_right_arithmetic3A_393, %and3A_395 : vector<16xi32>
          %add3A_397 = arith.addi %add3A_390, %and3A_396 : vector<16xi32>
          %and3A_398 = arith.constant -65536 : i32
          %and3A_399 = vector.broadcast %and3A_398 : i32 to vector<16xi32>
          %and3A_400 = arith.andi %add3A_397, %and3A_399 : vector<16xi32>
          %bitcast3A_401 = vector.bitcast %and3A_400 : vector<16xi32> to vector<16xf32>
          %bitcast3A_402 = vector.bitcast %gather3A_386 : vector<16xf32> to vector<16xi32>
          %add3A_403 = arith.constant 32767 : i32
          %add3A_404 = vector.broadcast %add3A_403 : i32 to vector<16xi32>
          %add3A_405 = arith.addi %bitcast3A_402, %add3A_404 : vector<16xi32>
          %shift_right_arithmetic3A_406 = arith.constant 16 : i32
          %shift_right_arithmetic3A_407 = vector.broadcast %shift_right_arithmetic3A_406 : i32 to vector<16xi32>
          %shift_right_arithmetic3A_408 = arith.shrsi %bitcast3A_402, %shift_right_arithmetic3A_407 : vector<16xi32>
          %and3A_409 = arith.constant 1 : i32
          %and3A_410 = vector.broadcast %and3A_409 : i32 to vector<16xi32>
          %and3A_411 = arith.andi %shift_right_arithmetic3A_408, %and3A_410 : vector<16xi32>
          %add3A_412 = arith.addi %add3A_405, %and3A_411 : vector<16xi32>
          %and3A_413 = arith.constant -65536 : i32
          %and3A_414 = vector.broadcast %and3A_413 : i32 to vector<16xi32>
          %and3A_415 = arith.andi %add3A_412, %and3A_414 : vector<16xi32>
          %bitcast3A_416 = vector.bitcast %and3A_415 : vector<16xi32> to vector<16xf32>
          %mul3A_417 = arith.mulf %bitcast3A_401, %bitcast3A_416 : vector<16xf32>
          %add3A_418 = arith.addf %add3A_376, %mul3A_417 : vector<16xf32>
          %mul3A_419 = arith.mulf %gather3A_385, %gather3A_386 : vector<16xf32>
          %add3A_420 = arith.addf %add3A_378, %mul3A_419 : vector<16xf32>
          %mul3A_421 = arith.mulf %gather3A_385, %gather3A_385 : vector<16xf32>
          %add3A_422 = arith.addf %add3A_380, %mul3A_421 : vector<16xf32>
          %mul3A_423 = arith.mulf %gather3A_386, %gather3A_386 : vector<16xf32>
          %add3A_424 = arith.addf %add3A_382, %mul3A_423 : vector<16xf32>
          %broadcast_in_dim3A_425 = arith.constant 5 : i32
          %broadcast_in_dim3A_426 = vector.broadcast %broadcast_in_dim3A_425 : i32 to vector<16xi32>
          %gather3A_427 = tpu.vector_load_idx %arg17[%add3A_209, %broadcast_in_dim3A_426] : memref<128x128xf32, #tpu.memory_space<vmem>>[vector<16xi32>, vector<16xi32>], vector<16xf32>,
          %gather3A_428 = tpu.vector_load_idx %arg18[%add3A_209, %broadcast_in_dim3A_426] : memref<128x128xf32, #tpu.memory_space<vmem>>[vector<16xi32>, vector<16xi32>], vector<16xf32>,
          %bitcast3A_429 = vector.bitcast %gather3A_427 : vector<16xf32> to vector<16xi32>
          %add3A_430 = arith.constant 32767 : i32
          %add3A_431 = vector.broadcast %add3A_430 : i32 to vector<16xi32>
          %add3A_432 = arith.addi %bitcast3A_429, %add3A_431 : vector<16xi32>
          %shift_right_arithmetic3A_433 = arith.constant 16 : i32
          %shift_right_arithmetic3A_434 = vector.broadcast %shift_right_arithmetic3A_433 : i32 to vector<16xi32>
          %shift_right_arithmetic3A_435 = arith.shrsi %bitcast3A_429, %shift_right_arithmetic3A_434 : vector<16xi32>
          %and3A_436 = arith.constant 1 : i32
          %and3A_437 = vector.broadcast %and3A_436 : i32 to vector<16xi32>
          %and3A_438 = arith.andi %shift_right_arithmetic3A_435, %and3A_437 : vector<16xi32>
          %add3A_439 = arith.addi %add3A_432, %and3A_438 : vector<16xi32>
          %and3A_440 = arith.constant -65536 : i32
          %and3A_441 = vector.broadcast %and3A_440 : i32 to vector<16xi32>
          %and3A_442 = arith.andi %add3A_439, %and3A_441 : vector<16xi32>
          %bitcast3A_443 = vector.bitcast %and3A_442 : vector<16xi32> to vector<16xf32>
          %bitcast3A_444 = vector.bitcast %gather3A_428 : vector<16xf32> to vector<16xi32>
          %add3A_445 = arith.constant 32767 : i32
          %add3A_446 = vector.broadcast %add3A_445 : i32 to vector<16xi32>
          %add3A_447 = arith.addi %bitcast3A_444, %add3A_446 : vector<16xi32>
          %shift_right_arithmetic3A_448 = arith.constant 16 : i32
          %shift_right_arithmetic3A_449 = vector.broadcast %shift_right_arithmetic3A_448 : i32 to vector<16xi32>
          %shift_right_arithmetic3A_450 = arith.shrsi %bitcast3A_444, %shift_right_arithmetic3A_449 : vector<16xi32>
          %and3A_451 = arith.constant 1 : i32
          %and3A_452 = vector.broadcast %and3A_451 : i32 to vector<16xi32>
          %and3A_453 = arith.andi %shift_right_arithmetic3A_450, %and3A_452 : vector<16xi32>
          %add3A_454 = arith.addi %add3A_447, %and3A_453 : vector<16xi32>
          %and3A_455 = arith.constant -65536 : i32
          %and3A_456 = vector.broadcast %and3A_455 : i32 to vector<16xi32>
          %and3A_457 = arith.andi %add3A_454, %and3A_456 : vector<16xi32>
          %bitcast3A_458 = vector.bitcast %and3A_457 : vector<16xi32> to vector<16xf32>
          %mul3A_459 = arith.mulf %bitcast3A_443, %bitcast3A_458 : vector<16xf32>
          %add3A_460 = arith.addf %add3A_418, %mul3A_459 : vector<16xf32>
          %mul3A_461 = arith.mulf %gather3A_427, %gather3A_428 : vector<16xf32>
          %add3A_462 = arith.addf %add3A_420, %mul3A_461 : vector<16xf32>
          %mul3A_463 = arith.mulf %gather3A_427, %gather3A_427 : vector<16xf32>
          %add3A_464 = arith.addf %add3A_422, %mul3A_463 : vector<16xf32>
          %mul3A_465 = arith.mulf %gather3A_428, %gather3A_428 : vector<16xf32>
          %add3A_466 = arith.addf %add3A_424, %mul3A_465 : vector<16xf32>
          %broadcast_in_dim3A_467 = arith.constant 6 : i32
          %broadcast_in_dim3A_468 = vector.broadcast %broadcast_in_dim3A_467 : i32 to vector<16xi32>
          %gather3A_469 = tpu.vector_load_idx %arg17[%add3A_209, %broadcast_in_dim3A_468] : memref<128x128xf32, #tpu.memory_space<vmem>>[vector<16xi32>, vector<16xi32>], vector<16xf32>,
          %gather3A_470 = tpu.vector_load_idx %arg18[%add3A_209, %broadcast_in_dim3A_468] : memref<128x128xf32, #tpu.memory_space<vmem>>[vector<16xi32>, vector<16xi32>], vector<16xf32>,
          %bitcast3A_471 = vector.bitcast %gather3A_469 : vector<16xf32> to vector<16xi32>
          %add3A_472 = arith.constant 32767 : i32
          %add3A_473 = vector.broadcast %add3A_472 : i32 to vector<16xi32>
          %add3A_474 = arith.addi %bitcast3A_471, %add3A_473 : vector<16xi32>
          %shift_right_arithmetic3A_475 = arith.constant 16 : i32
          %shift_right_arithmetic3A_476 = vector.broadcast %shift_right_arithmetic3A_475 : i32 to vector<16xi32>
          %shift_right_arithmetic3A_477 = arith.shrsi %bitcast3A_471, %shift_right_arithmetic3A_476 : vector<16xi32>
          %and3A_478 = arith.constant 1 : i32
          %and3A_479 = vector.broadcast %and3A_478 : i32 to vector<16xi32>
          %and3A_480 = arith.andi %shift_right_arithmetic3A_477, %and3A_479 : vector<16xi32>
          %add3A_481 = arith.addi %add3A_474, %and3A_480 : vector<16xi32>
          %and3A_482 = arith.constant -65536 : i32
          %and3A_483 = vector.broadcast %and3A_482 : i32 to vector<16xi32>
          %and3A_484 = arith.andi %add3A_481, %and3A_483 : vector<16xi32>
          %bitcast3A_485 = vector.bitcast %and3A_484 : vector<16xi32> to vector<16xf32>
          %bitcast3A_486 = vector.bitcast %gather3A_470 : vector<16xf32> to vector<16xi32>
          %add3A_487 = arith.constant 32767 : i32
          %add3A_488 = vector.broadcast %add3A_487 : i32 to vector<16xi32>
          %add3A_489 = arith.addi %bitcast3A_486, %add3A_488 : vector<16xi32>
          %shift_right_arithmetic3A_490 = arith.constant 16 : i32
          %shift_right_arithmetic3A_491 = vector.broadcast %shift_right_arithmetic3A_490 : i32 to vector<16xi32>
          %shift_right_arithmetic3A_492 = arith.shrsi %bitcast3A_486, %shift_right_arithmetic3A_491 : vector<16xi32>
          %and3A_493 = arith.constant 1 : i32
          %and3A_494 = vector.broadcast %and3A_493 : i32 to vector<16xi32>
          %and3A_495 = arith.andi %shift_right_arithmetic3A_492, %and3A_494 : vector<16xi32>
          %add3A_496 = arith.addi %add3A_489, %and3A_495 : vector<16xi32>
          %and3A_497 = arith.constant -65536 : i32
          %and3A_498 = vector.broadcast %and3A_497 : i32 to vector<16xi32>
          %and3A_499 = arith.andi %add3A_496, %and3A_498 : vector<16xi32>
          %bitcast3A_500 = vector.bitcast %and3A_499 : vector<16xi32> to vector<16xf32>
          %mul3A_501 = arith.mulf %bitcast3A_485, %bitcast3A_500 : vector<16xf32>
          %add3A_502 = arith.addf %add3A_460, %mul3A_501 : vector<16xf32>
          %mul3A_503 = arith.mulf %gather3A_469, %gather3A_470 : vector<16xf32>
          %add3A_504 = arith.addf %add3A_462, %mul3A_503 : vector<16xf32>
          %mul3A_505 = arith.mulf %gather3A_469, %gather3A_469 : vector<16xf32>
          %add3A_506 = arith.addf %add3A_464, %mul3A_505 : vector<16xf32>
          %mul3A_507 = arith.mulf %gather3A_470, %gather3A_470 : vector<16xf32>
          %add3A_508 = arith.addf %add3A_466, %mul3A_507 : vector<16xf32>
          %broadcast_in_dim3A_509 = arith.constant 7 : i32
          %broadcast_in_dim3A_510 = vector.broadcast %broadcast_in_dim3A_509 : i32 to vector<16xi32>
          %gather3A_511 = tpu.vector_load_idx %arg17[%add3A_209, %broadcast_in_dim3A_510] : memref<128x128xf32, #tpu.memory_space<vmem>>[vector<16xi32>, vector<16xi32>], vector<16xf32>,
          %gather3A_512 = tpu.vector_load_idx %arg18[%add3A_209, %broadcast_in_dim3A_510] : memref<128x128xf32, #tpu.memory_space<vmem>>[vector<16xi32>, vector<16xi32>], vector<16xf32>,
          %bitcast3A_513 = vector.bitcast %gather3A_511 : vector<16xf32> to vector<16xi32>
          %add3A_514 = arith.constant 32767 : i32
          %add3A_515 = vector.broadcast %add3A_514 : i32 to vector<16xi32>
          %add3A_516 = arith.addi %bitcast3A_513, %add3A_515 : vector<16xi32>
          %shift_right_arithmetic3A_517 = arith.constant 16 : i32
          %shift_right_arithmetic3A_518 = vector.broadcast %shift_right_arithmetic3A_517 : i32 to vector<16xi32>
          %shift_right_arithmetic3A_519 = arith.shrsi %bitcast3A_513, %shift_right_arithmetic3A_518 : vector<16xi32>
          %and3A_520 = arith.constant 1 : i32
          %and3A_521 = vector.broadcast %and3A_520 : i32 to vector<16xi32>
          %and3A_522 = arith.andi %shift_right_arithmetic3A_519, %and3A_521 : vector<16xi32>
          %add3A_523 = arith.addi %add3A_516, %and3A_522 : vector<16xi32>
          %and3A_524 = arith.constant -65536 : i32
          %and3A_525 = vector.broadcast %and3A_524 : i32 to vector<16xi32>
          %and3A_526 = arith.andi %add3A_523, %and3A_525 : vector<16xi32>
          %bitcast3A_527 = vector.bitcast %and3A_526 : vector<16xi32> to vector<16xf32>
          %bitcast3A_528 = vector.bitcast %gather3A_512 : vector<16xf32> to vector<16xi32>
          %add3A_529 = arith.constant 32767 : i32
          %add3A_530 = vector.broadcast %add3A_529 : i32 to vector<16xi32>
          %add3A_531 = arith.addi %bitcast3A_528, %add3A_530 : vector<16xi32>
          %shift_right_arithmetic3A_532 = arith.constant 16 : i32
          %shift_right_arithmetic3A_533 = vector.broadcast %shift_right_arithmetic3A_532 : i32 to vector<16xi32>
          %shift_right_arithmetic3A_534 = arith.shrsi %bitcast3A_528, %shift_right_arithmetic3A_533 : vector<16xi32>
          %and3A_535 = arith.constant 1 : i32
          %and3A_536 = vector.broadcast %and3A_535 : i32 to vector<16xi32>
          %and3A_537 = arith.andi %shift_right_arithmetic3A_534, %and3A_536 : vector<16xi32>
          %add3A_538 = arith.addi %add3A_531, %and3A_537 : vector<16xi32>
          %and3A_539 = arith.constant -65536 : i32
          %and3A_540 = vector.broadcast %and3A_539 : i32 to vector<16xi32>
          %and3A_541 = arith.andi %add3A_538, %and3A_540 : vector<16xi32>
          %bitcast3A_542 = vector.bitcast %and3A_541 : vector<16xi32> to vector<16xf32>
          %mul3A_543 = arith.mulf %bitcast3A_527, %bitcast3A_542 : vector<16xf32>
          %add3A_544 = arith.addf %add3A_502, %mul3A_543 : vector<16xf32>
          %mul3A_545 = arith.mulf %gather3A_511, %gather3A_512 : vector<16xf32>
          %add3A_546 = arith.addf %add3A_504, %mul3A_545 : vector<16xf32>
          %mul3A_547 = arith.mulf %gather3A_511, %gather3A_511 : vector<16xf32>
          %add3A_548 = arith.addf %add3A_506, %mul3A_547 : vector<16xf32>
          %mul3A_549 = arith.mulf %gather3A_512, %gather3A_512 : vector<16xf32>
          %add3A_550 = arith.addf %add3A_508, %mul3A_549 : vector<16xf32>
          %broadcast_in_dim3A_551 = arith.constant 8 : i32
          %broadcast_in_dim3A_552 = vector.broadcast %broadcast_in_dim3A_551 : i32 to vector<16xi32>
          %gather3A_553 = tpu.vector_load_idx %arg17[%add3A_209, %broadcast_in_dim3A_552] : memref<128x128xf32, #tpu.memory_space<vmem>>[vector<16xi32>, vector<16xi32>], vector<16xf32>,
          %gather3A_554 = tpu.vector_load_idx %arg18[%add3A_209, %broadcast_in_dim3A_552] : memref<128x128xf32, #tpu.memory_space<vmem>>[vector<16xi32>, vector<16xi32>], vector<16xf32>,
          %bitcast3A_555 = vector.bitcast %gather3A_553 : vector<16xf32> to vector<16xi32>
          %add3A_556 = arith.constant 32767 : i32
          %add3A_557 = vector.broadcast %add3A_556 : i32 to vector<16xi32>
          %add3A_558 = arith.addi %bitcast3A_555, %add3A_557 : vector<16xi32>
          %shift_right_arithmetic3A_559 = arith.constant 16 : i32
          %shift_right_arithmetic3A_560 = vector.broadcast %shift_right_arithmetic3A_559 : i32 to vector<16xi32>
          %shift_right_arithmetic3A_561 = arith.shrsi %bitcast3A_555, %shift_right_arithmetic3A_560 : vector<16xi32>
          %and3A_562 = arith.constant 1 : i32
          %and3A_563 = vector.broadcast %and3A_562 : i32 to vector<16xi32>
          %and3A_564 = arith.andi %shift_right_arithmetic3A_561, %and3A_563 : vector<16xi32>
          %add3A_565 = arith.addi %add3A_558, %and3A_564 : vector<16xi32>
          %and3A_566 = arith.constant -65536 : i32
          %and3A_567 = vector.broadcast %and3A_566 : i32 to vector<16xi32>
          %and3A_568 = arith.andi %add3A_565, %and3A_567 : vector<16xi32>
          %bitcast3A_569 = vector.bitcast %and3A_568 : vector<16xi32> to vector<16xf32>
          %bitcast3A_570 = vector.bitcast %gather3A_554 : vector<16xf32> to vector<16xi32>
          %add3A_571 = arith.constant 32767 : i32
          %add3A_572 = vector.broadcast %add3A_571 : i32 to vector<16xi32>
          %add3A_573 = arith.addi %bitcast3A_570, %add3A_572 : vector<16xi32>
          %shift_right_arithmetic3A_574 = arith.constant 16 : i32
          %shift_right_arithmetic3A_575 = vector.broadcast %shift_right_arithmetic3A_574 : i32 to vector<16xi32>
          %shift_right_arithmetic3A_576 = arith.shrsi %bitcast3A_570, %shift_right_arithmetic3A_575 : vector<16xi32>
          %and3A_577 = arith.constant 1 : i32
          %and3A_578 = vector.broadcast %and3A_577 : i32 to vector<16xi32>
          %and3A_579 = arith.andi %shift_right_arithmetic3A_576, %and3A_578 : vector<16xi32>
          %add3A_580 = arith.addi %add3A_573, %and3A_579 : vector<16xi32>
          %and3A_581 = arith.constant -65536 : i32
          %and3A_582 = vector.broadcast %and3A_581 : i32 to vector<16xi32>
          %and3A_583 = arith.andi %add3A_580, %and3A_582 : vector<16xi32>
          %bitcast3A_584 = vector.bitcast %and3A_583 : vector<16xi32> to vector<16xf32>
          %mul3A_585 = arith.mulf %bitcast3A_569, %bitcast3A_584 : vector<16xf32>
          %add3A_586 = arith.addf %add3A_544, %mul3A_585 : vector<16xf32>
          %mul3A_587 = arith.mulf %gather3A_553, %gather3A_554 : vector<16xf32>
          %add3A_588 = arith.addf %add3A_546, %mul3A_587 : vector<16xf32>
          %mul3A_589 = arith.mulf %gather3A_553, %gather3A_553 : vector<16xf32>
          %add3A_590 = arith.addf %add3A_548, %mul3A_589 : vector<16xf32>
          %mul3A_591 = arith.mulf %gather3A_554, %gather3A_554 : vector<16xf32>
          %add3A_592 = arith.addf %add3A_550, %mul3A_591 : vector<16xf32>
          %broadcast_in_dim3A_593 = arith.constant 9 : i32
          %broadcast_in_dim3A_594 = vector.broadcast %broadcast_in_dim3A_593 : i32 to vector<16xi32>
          %gather3A_595 = tpu.vector_load_idx %arg17[%add3A_209, %broadcast_in_dim3A_594] : memref<128x128xf32, #tpu.memory_space<vmem>>[vector<16xi32>, vector<16xi32>], vector<16xf32>,
          %gather3A_596 = tpu.vector_load_idx %arg18[%add3A_209, %broadcast_in_dim3A_594] : memref<128x128xf32, #tpu.memory_space<vmem>>[vector<16xi32>, vector<16xi32>], vector<16xf32>,
          %bitcast3A_597 = vector.bitcast %gather3A_595 : vector<16xf32> to vector<16xi32>
          %add3A_598 = arith.constant 32767 : i32
          %add3A_599 = vector.broadcast %add3A_598 : i32 to vector<16xi32>
          %add3A_600 = arith.addi %bitcast3A_597, %add3A_599 : vector<16xi32>
          %shift_right_arithmetic3A_601 = arith.constant 16 : i32
          %shift_right_arithmetic3A_602 = vector.broadcast %shift_right_arithmetic3A_601 : i32 to vector<16xi32>
          %shift_right_arithmetic3A_603 = arith.shrsi %bitcast3A_597, %shift_right_arithmetic3A_602 : vector<16xi32>
          %and3A_604 = arith.constant 1 : i32
          %and3A_605 = vector.broadcast %and3A_604 : i32 to vector<16xi32>
          %and3A_606 = arith.andi %shift_right_arithmetic3A_603, %and3A_605 : vector<16xi32>
          %add3A_607 = arith.addi %add3A_600, %and3A_606 : vector<16xi32>
          %and3A_608 = arith.constant -65536 : i32
          %and3A_609 = vector.broadcast %and3A_608 : i32 to vector<16xi32>
          %and3A_610 = arith.andi %add3A_607, %and3A_609 : vector<16xi32>
          %bitcast3A_611 = vector.bitcast %and3A_610 : vector<16xi32> to vector<16xf32>
          %bitcast3A_612 = vector.bitcast %gather3A_596 : vector<16xf32> to vector<16xi32>
          %add3A_613 = arith.constant 32767 : i32
          %add3A_614 = vector.broadcast %add3A_613 : i32 to vector<16xi32>
          %add3A_615 = arith.addi %bitcast3A_612, %add3A_614 : vector<16xi32>
          %shift_right_arithmetic3A_616 = arith.constant 16 : i32
          %shift_right_arithmetic3A_617 = vector.broadcast %shift_right_arithmetic3A_616 : i32 to vector<16xi32>
          %shift_right_arithmetic3A_618 = arith.shrsi %bitcast3A_612, %shift_right_arithmetic3A_617 : vector<16xi32>
          %and3A_619 = arith.constant 1 : i32
          %and3A_620 = vector.broadcast %and3A_619 : i32 to vector<16xi32>
          %and3A_621 = arith.andi %shift_right_arithmetic3A_618, %and3A_620 : vector<16xi32>
          %add3A_622 = arith.addi %add3A_615, %and3A_621 : vector<16xi32>
          %and3A_623 = arith.constant -65536 : i32
          %and3A_624 = vector.broadcast %and3A_623 : i32 to vector<16xi32>
          %and3A_625 = arith.andi %add3A_622, %and3A_624 : vector<16xi32>
          %bitcast3A_626 = vector.bitcast %and3A_625 : vector<16xi32> to vector<16xf32>
          %mul3A_627 = arith.mulf %bitcast3A_611, %bitcast3A_626 : vector<16xf32>
          %add3A_628 = arith.addf %add3A_586, %mul3A_627 : vector<16xf32>
          %mul3A_629 = arith.mulf %gather3A_595, %gather3A_596 : vector<16xf32>
          %add3A_630 = arith.addf %add3A_588, %mul3A_629 : vector<16xf32>
          %mul3A_631 = arith.mulf %gather3A_595, %gather3A_595 : vector<16xf32>
          %add3A_632 = arith.addf %add3A_590, %mul3A_631 : vector<16xf32>
          %mul3A_633 = arith.mulf %gather3A_596, %gather3A_596 : vector<16xf32>
          %add3A_634 = arith.addf %add3A_592, %mul3A_633 : vector<16xf32>
          %broadcast_in_dim3A_635 = arith.constant 10 : i32
          %broadcast_in_dim3A_636 = vector.broadcast %broadcast_in_dim3A_635 : i32 to vector<16xi32>
          %gather3A_637 = tpu.vector_load_idx %arg17[%add3A_209, %broadcast_in_dim3A_636] : memref<128x128xf32, #tpu.memory_space<vmem>>[vector<16xi32>, vector<16xi32>], vector<16xf32>,
          %gather3A_638 = tpu.vector_load_idx %arg18[%add3A_209, %broadcast_in_dim3A_636] : memref<128x128xf32, #tpu.memory_space<vmem>>[vector<16xi32>, vector<16xi32>], vector<16xf32>,
          %bitcast3A_639 = vector.bitcast %gather3A_637 : vector<16xf32> to vector<16xi32>
          %add3A_640 = arith.constant 32767 : i32
          %add3A_641 = vector.broadcast %add3A_640 : i32 to vector<16xi32>
          %add3A_642 = arith.addi %bitcast3A_639, %add3A_641 : vector<16xi32>
          %shift_right_arithmetic3A_643 = arith.constant 16 : i32
          %shift_right_arithmetic3A_644 = vector.broadcast %shift_right_arithmetic3A_643 : i32 to vector<16xi32>
          %shift_right_arithmetic3A_645 = arith.shrsi %bitcast3A_639, %shift_right_arithmetic3A_644 : vector<16xi32>
          %and3A_646 = arith.constant 1 : i32
          %and3A_647 = vector.broadcast %and3A_646 : i32 to vector<16xi32>
          %and3A_648 = arith.andi %shift_right_arithmetic3A_645, %and3A_647 : vector<16xi32>
          %add3A_649 = arith.addi %add3A_642, %and3A_648 : vector<16xi32>
          %and3A_650 = arith.constant -65536 : i32
          %and3A_651 = vector.broadcast %and3A_650 : i32 to vector<16xi32>
          %and3A_652 = arith.andi %add3A_649, %and3A_651 : vector<16xi32>
          %bitcast3A_653 = vector.bitcast %and3A_652 : vector<16xi32> to vector<16xf32>
          %bitcast3A_654 = vector.bitcast %gather3A_638 : vector<16xf32> to vector<16xi32>
          %add3A_655 = arith.constant 32767 : i32
          %add3A_656 = vector.broadcast %add3A_655 : i32 to vector<16xi32>
          %add3A_657 = arith.addi %bitcast3A_654, %add3A_656 : vector<16xi32>
          %shift_right_arithmetic3A_658 = arith.constant 16 : i32
          %shift_right_arithmetic3A_659 = vector.broadcast %shift_right_arithmetic3A_658 : i32 to vector<16xi32>
          %shift_right_arithmetic3A_660 = arith.shrsi %bitcast3A_654, %shift_right_arithmetic3A_659 : vector<16xi32>
          %and3A_661 = arith.constant 1 : i32
          %and3A_662 = vector.broadcast %and3A_661 : i32 to vector<16xi32>
          %and3A_663 = arith.andi %shift_right_arithmetic3A_660, %and3A_662 : vector<16xi32>
          %add3A_664 = arith.addi %add3A_657, %and3A_663 : vector<16xi32>
          %and3A_665 = arith.constant -65536 : i32
          %and3A_666 = vector.broadcast %and3A_665 : i32 to vector<16xi32>
          %and3A_667 = arith.andi %add3A_664, %and3A_666 : vector<16xi32>
          %bitcast3A_668 = vector.bitcast %and3A_667 : vector<16xi32> to vector<16xf32>
          %mul3A_669 = arith.mulf %bitcast3A_653, %bitcast3A_668 : vector<16xf32>
          %add3A_670 = arith.addf %add3A_628, %mul3A_669 : vector<16xf32>
          %mul3A_671 = arith.mulf %gather3A_637, %gather3A_638 : vector<16xf32>
          %add3A_672 = arith.addf %add3A_630, %mul3A_671 : vector<16xf32>
          %mul3A_673 = arith.mulf %gather3A_637, %gather3A_637 : vector<16xf32>
          %add3A_674 = arith.addf %add3A_632, %mul3A_673 : vector<16xf32>
          %mul3A_675 = arith.mulf %gather3A_638, %gather3A_638 : vector<16xf32>
          %add3A_676 = arith.addf %add3A_634, %mul3A_675 : vector<16xf32>
          %broadcast_in_dim3A_677 = arith.constant 11 : i32
          %broadcast_in_dim3A_678 = vector.broadcast %broadcast_in_dim3A_677 : i32 to vector<16xi32>
          %gather3A_679 = tpu.vector_load_idx %arg17[%add3A_209, %broadcast_in_dim3A_678] : memref<128x128xf32, #tpu.memory_space<vmem>>[vector<16xi32>, vector<16xi32>], vector<16xf32>,
          %gather3A_680 = tpu.vector_load_idx %arg18[%add3A_209, %broadcast_in_dim3A_678] : memref<128x128xf32, #tpu.memory_space<vmem>>[vector<16xi32>, vector<16xi32>], vector<16xf32>,
          %bitcast3A_681 = vector.bitcast %gather3A_679 : vector<16xf32> to vector<16xi32>
          %add3A_682 = arith.constant 32767 : i32
          %add3A_683 = vector.broadcast %add3A_682 : i32 to vector<16xi32>
          %add3A_684 = arith.addi %bitcast3A_681, %add3A_683 : vector<16xi32>
          %shift_right_arithmetic3A_685 = arith.constant 16 : i32
          %shift_right_arithmetic3A_686 = vector.broadcast %shift_right_arithmetic3A_685 : i32 to vector<16xi32>
          %shift_right_arithmetic3A_687 = arith.shrsi %bitcast3A_681, %shift_right_arithmetic3A_686 : vector<16xi32>
          %and3A_688 = arith.constant 1 : i32
          %and3A_689 = vector.broadcast %and3A_688 : i32 to vector<16xi32>
          %and3A_690 = arith.andi %shift_right_arithmetic3A_687, %and3A_689 : vector<16xi32>
          %add3A_691 = arith.addi %add3A_684, %and3A_690 : vector<16xi32>
          %and3A_692 = arith.constant -65536 : i32
          %and3A_693 = vector.broadcast %and3A_692 : i32 to vector<16xi32>
          %and3A_694 = arith.andi %add3A_691, %and3A_693 : vector<16xi32>
          %bitcast3A_695 = vector.bitcast %and3A_694 : vector<16xi32> to vector<16xf32>
          %bitcast3A_696 = vector.bitcast %gather3A_680 : vector<16xf32> to vector<16xi32>
          %add3A_697 = arith.constant 32767 : i32
          %add3A_698 = vector.broadcast %add3A_697 : i32 to vector<16xi32>
          %add3A_699 = arith.addi %bitcast3A_696, %add3A_698 : vector<16xi32>
          %shift_right_arithmetic3A_700 = arith.constant 16 : i32
          %shift_right_arithmetic3A_701 = vector.broadcast %shift_right_arithmetic3A_700 : i32 to vector<16xi32>
          %shift_right_arithmetic3A_702 = arith.shrsi %bitcast3A_696, %shift_right_arithmetic3A_701 : vector<16xi32>
          %and3A_703 = arith.constant 1 : i32
          %and3A_704 = vector.broadcast %and3A_703 : i32 to vector<16xi32>
          %and3A_705 = arith.andi %shift_right_arithmetic3A_702, %and3A_704 : vector<16xi32>
          %add3A_706 = arith.addi %add3A_699, %and3A_705 : vector<16xi32>
          %and3A_707 = arith.constant -65536 : i32
          %and3A_708 = vector.broadcast %and3A_707 : i32 to vector<16xi32>
          %and3A_709 = arith.andi %add3A_706, %and3A_708 : vector<16xi32>
          %bitcast3A_710 = vector.bitcast %and3A_709 : vector<16xi32> to vector<16xf32>
          %mul3A_711 = arith.mulf %bitcast3A_695, %bitcast3A_710 : vector<16xf32>
          %add3A_712 = arith.addf %add3A_670, %mul3A_711 : vector<16xf32>
          %mul3A_713 = arith.mulf %gather3A_679, %gather3A_680 : vector<16xf32>
          %add3A_714 = arith.addf %add3A_672, %mul3A_713 : vector<16xf32>
          %mul3A_715 = arith.mulf %gather3A_679, %gather3A_679 : vector<16xf32>
          %add3A_716 = arith.addf %add3A_674, %mul3A_715 : vector<16xf32>
          %mul3A_717 = arith.mulf %gather3A_680, %gather3A_680 : vector<16xf32>
          %add3A_718 = arith.addf %add3A_676, %mul3A_717 : vector<16xf32>
          %broadcast_in_dim3A_719 = arith.constant 12 : i32
          %broadcast_in_dim3A_720 = vector.broadcast %broadcast_in_dim3A_719 : i32 to vector<16xi32>
          %gather3A_721 = tpu.vector_load_idx %arg17[%add3A_209, %broadcast_in_dim3A_720] : memref<128x128xf32, #tpu.memory_space<vmem>>[vector<16xi32>, vector<16xi32>], vector<16xf32>,
          %gather3A_722 = tpu.vector_load_idx %arg18[%add3A_209, %broadcast_in_dim3A_720] : memref<128x128xf32, #tpu.memory_space<vmem>>[vector<16xi32>, vector<16xi32>], vector<16xf32>,
          %bitcast3A_723 = vector.bitcast %gather3A_721 : vector<16xf32> to vector<16xi32>
          %add3A_724 = arith.constant 32767 : i32
          %add3A_725 = vector.broadcast %add3A_724 : i32 to vector<16xi32>
          %add3A_726 = arith.addi %bitcast3A_723, %add3A_725 : vector<16xi32>
          %shift_right_arithmetic3A_727 = arith.constant 16 : i32
          %shift_right_arithmetic3A_728 = vector.broadcast %shift_right_arithmetic3A_727 : i32 to vector<16xi32>
          %shift_right_arithmetic3A_729 = arith.shrsi %bitcast3A_723, %shift_right_arithmetic3A_728 : vector<16xi32>
          %and3A_730 = arith.constant 1 : i32
          %and3A_731 = vector.broadcast %and3A_730 : i32 to vector<16xi32>
          %and3A_732 = arith.andi %shift_right_arithmetic3A_729, %and3A_731 : vector<16xi32>
          %add3A_733 = arith.addi %add3A_726, %and3A_732 : vector<16xi32>
          %and3A_734 = arith.constant -65536 : i32
          %and3A_735 = vector.broadcast %and3A_734 : i32 to vector<16xi32>
          %and3A_736 = arith.andi %add3A_733, %and3A_735 : vector<16xi32>
          %bitcast3A_737 = vector.bitcast %and3A_736 : vector<16xi32> to vector<16xf32>
          %bitcast3A_738 = vector.bitcast %gather3A_722 : vector<16xf32> to vector<16xi32>
          %add3A_739 = arith.constant 32767 : i32
          %add3A_740 = vector.broadcast %add3A_739 : i32 to vector<16xi32>
          %add3A_741 = arith.addi %bitcast3A_738, %add3A_740 : vector<16xi32>
          %shift_right_arithmetic3A_742 = arith.constant 16 : i32
          %shift_right_arithmetic3A_743 = vector.broadcast %shift_right_arithmetic3A_742 : i32 to vector<16xi32>
          %shift_right_arithmetic3A_744 = arith.shrsi %bitcast3A_738, %shift_right_arithmetic3A_743 : vector<16xi32>
          %and3A_745 = arith.constant 1 : i32
          %and3A_746 = vector.broadcast %and3A_745 : i32 to vector<16xi32>
          %and3A_747 = arith.andi %shift_right_arithmetic3A_744, %and3A_746 : vector<16xi32>
          %add3A_748 = arith.addi %add3A_741, %and3A_747 : vector<16xi32>
          %and3A_749 = arith.constant -65536 : i32
          %and3A_750 = vector.broadcast %and3A_749 : i32 to vector<16xi32>
          %and3A_751 = arith.andi %add3A_748, %and3A_750 : vector<16xi32>
          %bitcast3A_752 = vector.bitcast %and3A_751 : vector<16xi32> to vector<16xf32>
          %mul3A_753 = arith.mulf %bitcast3A_737, %bitcast3A_752 : vector<16xf32>
          %add3A_754 = arith.addf %add3A_712, %mul3A_753 : vector<16xf32>
          %mul3A_755 = arith.mulf %gather3A_721, %gather3A_722 : vector<16xf32>
          %add3A_756 = arith.addf %add3A_714, %mul3A_755 : vector<16xf32>
          %mul3A_757 = arith.mulf %gather3A_721, %gather3A_721 : vector<16xf32>
          %add3A_758 = arith.addf %add3A_716, %mul3A_757 : vector<16xf32>
          %mul3A_759 = arith.mulf %gather3A_722, %gather3A_722 : vector<16xf32>
          %add3A_760 = arith.addf %add3A_718, %mul3A_759 : vector<16xf32>
          %broadcast_in_dim3A_761 = arith.constant 13 : i32
          %broadcast_in_dim3A_762 = vector.broadcast %broadcast_in_dim3A_761 : i32 to vector<16xi32>
          %gather3A_763 = tpu.vector_load_idx %arg17[%add3A_209, %broadcast_in_dim3A_762] : memref<128x128xf32, #tpu.memory_space<vmem>>[vector<16xi32>, vector<16xi32>], vector<16xf32>,
          %gather3A_764 = tpu.vector_load_idx %arg18[%add3A_209, %broadcast_in_dim3A_762] : memref<128x128xf32, #tpu.memory_space<vmem>>[vector<16xi32>, vector<16xi32>], vector<16xf32>,
          %bitcast3A_765 = vector.bitcast %gather3A_763 : vector<16xf32> to vector<16xi32>
          %add3A_766 = arith.constant 32767 : i32
          %add3A_767 = vector.broadcast %add3A_766 : i32 to vector<16xi32>
          %add3A_768 = arith.addi %bitcast3A_765, %add3A_767 : vector<16xi32>
          %shift_right_arithmetic3A_769 = arith.constant 16 : i32
          %shift_right_arithmetic3A_770 = vector.broadcast %shift_right_arithmetic3A_769 : i32 to vector<16xi32>
          %shift_right_arithmetic3A_771 = arith.shrsi %bitcast3A_765, %shift_right_arithmetic3A_770 : vector<16xi32>
          %and3A_772 = arith.constant 1 : i32
          %and3A_773 = vector.broadcast %and3A_772 : i32 to vector<16xi32>
          %and3A_774 = arith.andi %shift_right_arithmetic3A_771, %and3A_773 : vector<16xi32>
          %add3A_775 = arith.addi %add3A_768, %and3A_774 : vector<16xi32>
          %and3A_776 = arith.constant -65536 : i32
          %and3A_777 = vector.broadcast %and3A_776 : i32 to vector<16xi32>
          %and3A_778 = arith.andi %add3A_775, %and3A_777 : vector<16xi32>
          %bitcast3A_779 = vector.bitcast %and3A_778 : vector<16xi32> to vector<16xf32>
          %bitcast3A_780 = vector.bitcast %gather3A_764 : vector<16xf32> to vector<16xi32>
          %add3A_781 = arith.constant 32767 : i32
          %add3A_782 = vector.broadcast %add3A_781 : i32 to vector<16xi32>
          %add3A_783 = arith.addi %bitcast3A_780, %add3A_782 : vector<16xi32>
          %shift_right_arithmetic3A_784 = arith.constant 16 : i32
          %shift_right_arithmetic3A_785 = vector.broadcast %shift_right_arithmetic3A_784 : i32 to vector<16xi32>
          %shift_right_arithmetic3A_786 = arith.shrsi %bitcast3A_780, %shift_right_arithmetic3A_785 : vector<16xi32>
          %and3A_787 = arith.constant 1 : i32
          %and3A_788 = vector.broadcast %and3A_787 : i32 to vector<16xi32>
          %and3A_789 = arith.andi %shift_right_arithmetic3A_786, %and3A_788 : vector<16xi32>
          %add3A_790 = arith.addi %add3A_783, %and3A_789 : vector<16xi32>
          %and3A_791 = arith.constant -65536 : i32
          %and3A_792 = vector.broadcast %and3A_791 : i32 to vector<16xi32>
          %and3A_793 = arith.andi %add3A_790, %and3A_792 : vector<16xi32>
          %bitcast3A_794 = vector.bitcast %and3A_793 : vector<16xi32> to vector<16xf32>
          %mul3A_795 = arith.mulf %bitcast3A_779, %bitcast3A_794 : vector<16xf32>
          %add3A_796 = arith.addf %add3A_754, %mul3A_795 : vector<16xf32>
          %mul3A_797 = arith.mulf %gather3A_763, %gather3A_764 : vector<16xf32>
          %add3A_798 = arith.addf %add3A_756, %mul3A_797 : vector<16xf32>
          %mul3A_799 = arith.mulf %gather3A_763, %gather3A_763 : vector<16xf32>
          %add3A_800 = arith.addf %add3A_758, %mul3A_799 : vector<16xf32>
          %mul3A_801 = arith.mulf %gather3A_764, %gather3A_764 : vector<16xf32>
          %add3A_802 = arith.addf %add3A_760, %mul3A_801 : vector<16xf32>
          %broadcast_in_dim3A_803 = arith.constant 14 : i32
          %broadcast_in_dim3A_804 = vector.broadcast %broadcast_in_dim3A_803 : i32 to vector<16xi32>
          %gather3A_805 = tpu.vector_load_idx %arg17[%add3A_209, %broadcast_in_dim3A_804] : memref<128x128xf32, #tpu.memory_space<vmem>>[vector<16xi32>, vector<16xi32>], vector<16xf32>,
          %gather3A_806 = tpu.vector_load_idx %arg18[%add3A_209, %broadcast_in_dim3A_804] : memref<128x128xf32, #tpu.memory_space<vmem>>[vector<16xi32>, vector<16xi32>], vector<16xf32>,
          %bitcast3A_807 = vector.bitcast %gather3A_805 : vector<16xf32> to vector<16xi32>
          %add3A_808 = arith.constant 32767 : i32
          %add3A_809 = vector.broadcast %add3A_808 : i32 to vector<16xi32>
          %add3A_810 = arith.addi %bitcast3A_807, %add3A_809 : vector<16xi32>
          %shift_right_arithmetic3A_811 = arith.constant 16 : i32
          %shift_right_arithmetic3A_812 = vector.broadcast %shift_right_arithmetic3A_811 : i32 to vector<16xi32>
          %shift_right_arithmetic3A_813 = arith.shrsi %bitcast3A_807, %shift_right_arithmetic3A_812 : vector<16xi32>
          %and3A_814 = arith.constant 1 : i32
          %and3A_815 = vector.broadcast %and3A_814 : i32 to vector<16xi32>
          %and3A_816 = arith.andi %shift_right_arithmetic3A_813, %and3A_815 : vector<16xi32>
          %add3A_817 = arith.addi %add3A_810, %and3A_816 : vector<16xi32>
          %and3A_818 = arith.constant -65536 : i32
          %and3A_819 = vector.broadcast %and3A_818 : i32 to vector<16xi32>
          %and3A_820 = arith.andi %add3A_817, %and3A_819 : vector<16xi32>
          %bitcast3A_821 = vector.bitcast %and3A_820 : vector<16xi32> to vector<16xf32>
          %bitcast3A_822 = vector.bitcast %gather3A_806 : vector<16xf32> to vector<16xi32>
          %add3A_823 = arith.constant 32767 : i32
          %add3A_824 = vector.broadcast %add3A_823 : i32 to vector<16xi32>
          %add3A_825 = arith.addi %bitcast3A_822, %add3A_824 : vector<16xi32>
          %shift_right_arithmetic3A_826 = arith.constant 16 : i32
          %shift_right_arithmetic3A_827 = vector.broadcast %shift_right_arithmetic3A_826 : i32 to vector<16xi32>
          %shift_right_arithmetic3A_828 = arith.shrsi %bitcast3A_822, %shift_right_arithmetic3A_827 : vector<16xi32>
          %and3A_829 = arith.constant 1 : i32
          %and3A_830 = vector.broadcast %and3A_829 : i32 to vector<16xi32>
          %and3A_831 = arith.andi %shift_right_arithmetic3A_828, %and3A_830 : vector<16xi32>
          %add3A_832 = arith.addi %add3A_825, %and3A_831 : vector<16xi32>
          %and3A_833 = arith.constant -65536 : i32
          %and3A_834 = vector.broadcast %and3A_833 : i32 to vector<16xi32>
          %and3A_835 = arith.andi %add3A_832, %and3A_834 : vector<16xi32>
          %bitcast3A_836 = vector.bitcast %and3A_835 : vector<16xi32> to vector<16xf32>
          %mul3A_837 = arith.mulf %bitcast3A_821, %bitcast3A_836 : vector<16xf32>
          %add3A_838 = arith.addf %add3A_796, %mul3A_837 : vector<16xf32>
          %mul3A_839 = arith.mulf %gather3A_805, %gather3A_806 : vector<16xf32>
          %add3A_840 = arith.addf %add3A_798, %mul3A_839 : vector<16xf32>
          %mul3A_841 = arith.mulf %gather3A_805, %gather3A_805 : vector<16xf32>
          %add3A_842 = arith.addf %add3A_800, %mul3A_841 : vector<16xf32>
          %mul3A_843 = arith.mulf %gather3A_806, %gather3A_806 : vector<16xf32>
          %add3A_844 = arith.addf %add3A_802, %mul3A_843 : vector<16xf32>
          %broadcast_in_dim3A_845 = arith.constant 15 : i32
          %broadcast_in_dim3A_846 = vector.broadcast %broadcast_in_dim3A_845 : i32 to vector<16xi32>
          %gather3A_847 = tpu.vector_load_idx %arg17[%add3A_209, %broadcast_in_dim3A_846] : memref<128x128xf32, #tpu.memory_space<vmem>>[vector<16xi32>, vector<16xi32>], vector<16xf32>,
          %gather3A_848 = tpu.vector_load_idx %arg18[%add3A_209, %broadcast_in_dim3A_846] : memref<128x128xf32, #tpu.memory_space<vmem>>[vector<16xi32>, vector<16xi32>], vector<16xf32>,
          %bitcast3A_849 = vector.bitcast %gather3A_847 : vector<16xf32> to vector<16xi32>
          %add3A_850 = arith.constant 32767 : i32
          %add3A_851 = vector.broadcast %add3A_850 : i32 to vector<16xi32>
          %add3A_852 = arith.addi %bitcast3A_849, %add3A_851 : vector<16xi32>
          %shift_right_arithmetic3A_853 = arith.constant 16 : i32
          %shift_right_arithmetic3A_854 = vector.broadcast %shift_right_arithmetic3A_853 : i32 to vector<16xi32>
          %shift_right_arithmetic3A_855 = arith.shrsi %bitcast3A_849, %shift_right_arithmetic3A_854 : vector<16xi32>
          %and3A_856 = arith.constant 1 : i32
          %and3A_857 = vector.broadcast %and3A_856 : i32 to vector<16xi32>
          %and3A_858 = arith.andi %shift_right_arithmetic3A_855, %and3A_857 : vector<16xi32>
          %add3A_859 = arith.addi %add3A_852, %and3A_858 : vector<16xi32>
          %and3A_860 = arith.constant -65536 : i32
          %and3A_861 = vector.broadcast %and3A_860 : i32 to vector<16xi32>
          %and3A_862 = arith.andi %add3A_859, %and3A_861 : vector<16xi32>
          %bitcast3A_863 = vector.bitcast %and3A_862 : vector<16xi32> to vector<16xf32>
          %bitcast3A_864 = vector.bitcast %gather3A_848 : vector<16xf32> to vector<16xi32>
          %add3A_865 = arith.constant 32767 : i32
          %add3A_866 = vector.broadcast %add3A_865 : i32 to vector<16xi32>
          %add3A_867 = arith.addi %bitcast3A_864, %add3A_866 : vector<16xi32>
          %shift_right_arithmetic3A_868 = arith.constant 16 : i32
          %shift_right_arithmetic3A_869 = vector.broadcast %shift_right_arithmetic3A_868 : i32 to vector<16xi32>
          %shift_right_arithmetic3A_870 = arith.shrsi %bitcast3A_864, %shift_right_arithmetic3A_869 : vector<16xi32>
          %and3A_871 = arith.constant 1 : i32
          %and3A_872 = vector.broadcast %and3A_871 : i32 to vector<16xi32>
          %and3A_873 = arith.andi %shift_right_arithmetic3A_870, %and3A_872 : vector<16xi32>
          %add3A_874 = arith.addi %add3A_867, %and3A_873 : vector<16xi32>
          %and3A_875 = arith.constant -65536 : i32
          %and3A_876 = vector.broadcast %and3A_875 : i32 to vector<16xi32>
          %and3A_877 = arith.andi %add3A_874, %and3A_876 : vector<16xi32>
          %bitcast3A_878 = vector.bitcast %and3A_877 : vector<16xi32> to vector<16xf32>
          %mul3A_879 = arith.mulf %bitcast3A_863, %bitcast3A_878 : vector<16xf32>
          %add3A_880 = arith.addf %add3A_838, %mul3A_879 : vector<16xf32>
          %mul3A_881 = arith.mulf %gather3A_847, %gather3A_848 : vector<16xf32>
          %add3A_882 = arith.addf %add3A_840, %mul3A_881 : vector<16xf32>
          %mul3A_883 = arith.mulf %gather3A_847, %gather3A_847 : vector<16xf32>
          %add3A_884 = arith.addf %add3A_842, %mul3A_883 : vector<16xf32>
          %mul3A_885 = arith.mulf %gather3A_848, %gather3A_848 : vector<16xf32>
          %add3A_886 = arith.addf %add3A_844, %mul3A_885 : vector<16xf32>
          %add3A_887 = arith.addf %add3A_884, %add3A_886 : vector<16xf32>
          %mul3A_888 = arith.constant 2.000000e+00 : f32
          %mul3A_889 = vector.broadcast %mul3A_888 : f32 to vector<16xf32>
          %mul3A_890 = arith.mulf %mul3A_889, %add3A_880 : vector<16xf32>
          %sub3A_891 = arith.subf %add3A_887, %mul3A_890 : vector<16xf32>
          %max3A = arith.constant 0.000000e+00 : f32
          %max3A_892 = vector.broadcast %max3A : f32 to vector<16xf32>
          %max3A_893 = arith.maximumf %sub3A_891, %max3A_892 : vector<16xf32>
          %add3A_894 = arith.addf %add3A_884, %add3A_886 : vector<16xf32>
          %mul3A_895 = arith.constant 2.000000e+00 : f32
          %mul3A_896 = vector.broadcast %mul3A_895 : f32 to vector<16xf32>
          %mul3A_897 = arith.mulf %mul3A_896, %add3A_882 : vector<16xf32>
          %sub3A_898 = arith.subf %add3A_894, %mul3A_897 : vector<16xf32>
          %max3A_899 = arith.constant 0.000000e+00 : f32
          %max3A_900 = vector.broadcast %max3A_899 : f32 to vector<16xf32>
          %max3A_901 = arith.maximumf %sub3A_898, %max3A_900 : vector<16xf32>
          %bitcast3A_902 = vector.bitcast %max3A_901 : vector<16xf32> to vector<16xi32>
          %shift_right_arithmetic3A_903 = arith.constant 1 : i32
          %shift_right_arithmetic3A_904 = vector.broadcast %shift_right_arithmetic3A_903 : i32 to vector<16xi32>
          %shift_right_arithmetic3A_905 = arith.shrsi %bitcast3A_902, %shift_right_arithmetic3A_904 : vector<16xi32>
          %sub3A_906 = arith.constant 1597463007 : i32
          %sub3A_907 = vector.broadcast %sub3A_906 : i32 to vector<16xi32>
          %sub3A_908 = arith.subi %sub3A_907, %shift_right_arithmetic3A_905 : vector<16xi32>
          %bitcast3A_909 = vector.bitcast %sub3A_908 : vector<16xi32> to vector<16xf32>
          %mul3A_910 = arith.constant 5.000000e-01 : f32
          %mul3A_911 = vector.broadcast %mul3A_910 : f32 to vector<16xf32>
          %mul3A_912 = arith.mulf %mul3A_911, %max3A_901 : vector<16xf32>
          %mul3A_913 = arith.mulf %mul3A_912, %bitcast3A_909 : vector<16xf32>
          %mul3A_914 = arith.mulf %mul3A_913, %bitcast3A_909 : vector<16xf32>
          %sub3A_915 = arith.constant 1.500000e+00 : f32
          %sub3A_916 = vector.broadcast %sub3A_915 : f32 to vector<16xf32>
          %sub3A_917 = arith.subf %sub3A_916, %mul3A_914 : vector<16xf32>
          %mul3A_918 = arith.mulf %bitcast3A_909, %sub3A_917 : vector<16xf32>
          %mul3A_919 = arith.mulf %mul3A_912, %mul3A_918 : vector<16xf32>
          %mul3A_920 = arith.mulf %mul3A_919, %mul3A_918 : vector<16xf32>
          %sub3A_921 = arith.constant 1.500000e+00 : f32
          %sub3A_922 = vector.broadcast %sub3A_921 : f32 to vector<16xf32>
          %sub3A_923 = arith.subf %sub3A_922, %mul3A_920 : vector<16xf32>
          %mul3A_924 = arith.mulf %mul3A_918, %sub3A_923 : vector<16xf32>
          %mul3A_925 = arith.mulf %mul3A_912, %mul3A_924 : vector<16xf32>
          %mul3A_926 = arith.mulf %mul3A_925, %mul3A_924 : vector<16xf32>
          %sub3A_927 = arith.constant 1.500000e+00 : f32
          %sub3A_928 = vector.broadcast %sub3A_927 : f32 to vector<16xf32>
          %sub3A_929 = arith.subf %sub3A_928, %mul3A_926 : vector<16xf32>
          %mul3A_930 = arith.mulf %mul3A_924, %sub3A_929 : vector<16xf32>
          %gt3A_931 = arith.constant 0.000000e+00 : f32
          %gt3A_932 = vector.broadcast %gt3A_931 : f32 to vector<16xf32>
          %gt3A_933 = arith.cmpf ogt, %max3A_901, %gt3A_932 : vector<16xf32>
          %mul3A_934 = arith.mulf %max3A_901, %mul3A_930 : vector<16xf32>
          %jit3A_935 = arith.constant 0.000000e+00 : f32
          %broadcast_in_dim3A_936 = vector.broadcast %jit3A_935 : f32 to vector<16xf32>
          %select_n3A_937 = arith.select %gt3A_933, %mul3A_934, %broadcast_in_dim3A_936 : vector<16xi1>, vector<16xf32>
          %gather3A_938 = tpu.vector_load_idx %arg13[%get3A_191] : memref<10240xi32, #tpu.memory_space<vmem>>[vector<16xi32>], vector<16xi32>,
          %gather3A_939 = tpu.vector_load_idx %arg13[%get3A_194] : memref<10240xi32, #tpu.memory_space<vmem>>[vector<16xi32>], vector<16xi32>,
          %gather3A_940 = tpu.vector_load_idx %arg12[%get3A_191] : memref<10240xi32, #tpu.memory_space<vmem>>[vector<16xi32>], vector<16xi32>,
          %gather3A_941 = tpu.vector_load_idx %arg12[%get3A_194] : memref<10240xi32, #tpu.memory_space<vmem>>[vector<16xi32>], vector<16xi32>,
          %eq3A_942 = arith.cmpi eq, %gather3A_938, %gather3A_939 : vector<16xi32>
          %le3A = arith.constant 1.000000e+00 : f32
          %le3A_943 = vector.broadcast %le3A : f32 to vector<16xf32>
          %le3A_944 = arith.cmpf ole, %max3A_893, %le3A_943 : vector<16xf32>
          %and3A_945 = arith.andi %eq3A_942, %le3A_944 : vector<16xi1>
          %ne3A_946 = arith.cmpi ne, %get3A_191, %get3A_194 : vector<16xi32>
          %and3A_947 = arith.andi %and3A_945, %ne3A_946 : vector<16xi1>
          %eq3A_948 = arith.cmpi eq, %gather3A_940, %gather3A_941 : vector<16xi32>
          %gt3A_949 = arith.constant 0 : i32
          %gt3A_950 = vector.broadcast %gt3A_949 : i32 to vector<16xi32>
          %gt3A_951 = arith.cmpi sgt, %gather3A_940, %gt3A_950 : vector<16xi32>
          %and3A_952 = arith.andi %eq3A_948, %gt3A_951 : vector<16xi1>
          %not3A = arith.constant dense<true> : vector<16xi1>
          %not3A_953 = arith.xori %and3A_947, %not3A : vector<16xi1>
          %and3A_954 = arith.andi %and3A_207, %not3A_953 : vector<16xi1>
          %and3A_955 = arith.andi %and3A_954, %and3A_952 : vector<16xi1>
          %not3A_956 = arith.constant dense<true> : vector<16xi1>
          %not3A_957 = arith.xori %and3A_952, %not3A_956 : vector<16xi1>
          %and3A_958 = arith.andi %and3A_954, %not3A_957 : vector<16xi1>
          %get3A_959 = arith.constant 0 : index
          %get3A_960 = tpu.vector_load %arg19[%get3A_959] {strides = array<i32>} : memref<16xf32, #tpu.memory_space<vmem>>, vector<16xf32>,
          %jit3A_961 = arith.constant 0.000000e+00 : f32
          %broadcast_in_dim3A_962 = vector.broadcast %jit3A_961 : f32 to vector<16xf32>
          %select_n3A_963 = arith.select %and3A_955, %select_n3A_937, %broadcast_in_dim3A_962 : vector<16xi1>, vector<16xf32>
          %add3A_964 = arith.addf %get3A_960, %select_n3A_963 : vector<16xf32>
          %swap3A_965 = arith.constant 0 : index
          %swap3A_966 = tpu.vector_load %arg19[%swap3A_965] {strides = array<i32>} : memref<16xf32, #tpu.memory_space<vmem>>, vector<16xf32>,
          tpu.vector_store %arg19[%swap3A_965], %add3A_964 {strides = array<i32>} : memref<16xf32, #tpu.memory_space<vmem>>, vector<16xf32>,
          %get3A_967 = arith.constant 0 : index
          %get3A_968 = tpu.vector_load %arg20[%get3A_967] {strides = array<i32>} : memref<16xf32, #tpu.memory_space<vmem>>, vector<16xf32>,
          %jit3A_969 = arith.constant 1.000000e+00 : f32
          %jit3A_970 = arith.constant 0.000000e+00 : f32
          %broadcast_in_dim3A_971 = vector.broadcast %jit3A_969 : f32 to vector<16xf32>
          %broadcast_in_dim3A_972 = vector.broadcast %jit3A_970 : f32 to vector<16xf32>
          %select_n3A_973 = arith.select %and3A_955, %broadcast_in_dim3A_971, %broadcast_in_dim3A_972 : vector<16xi1>, vector<16xf32>
          %add3A_974 = arith.addf %get3A_968, %select_n3A_973 : vector<16xf32>
          %swap3A_975 = arith.constant 0 : index
          %swap3A_976 = tpu.vector_load %arg20[%swap3A_975] {strides = array<i32>} : memref<16xf32, #tpu.memory_space<vmem>>, vector<16xf32>,
          tpu.vector_store %arg20[%swap3A_975], %add3A_974 {strides = array<i32>} : memref<16xf32, #tpu.memory_space<vmem>>, vector<16xf32>,
          %get3A_977 = arith.constant 0 : index
          %get3A_978 = tpu.vector_load %arg21[%get3A_977] {strides = array<i32>} : memref<16xf32, #tpu.memory_space<vmem>>, vector<16xf32>,
          %sub3A_979 = arith.constant 1.000000e+00 : f32
          %sub3A_980 = vector.broadcast %sub3A_979 : f32 to vector<16xf32>
          %sub3A_981 = arith.subf %sub3A_980, %select_n3A_937 : vector<16xf32>
          %max3A_982 = arith.constant 0.000000e+00 : f32
          %max3A_983 = vector.broadcast %max3A_982 : f32 to vector<16xf32>
          %max3A_984 = arith.maximumf %sub3A_981, %max3A_983 : vector<16xf32>
          %jit3A_985 = arith.constant 0.000000e+00 : f32
          %broadcast_in_dim3A_986 = vector.broadcast %jit3A_985 : f32 to vector<16xf32>
          %select_n3A_987 = arith.select %and3A_958, %max3A_984, %broadcast_in_dim3A_986 : vector<16xi1>, vector<16xf32>
          %add3A_988 = arith.addf %get3A_978, %select_n3A_987 : vector<16xf32>
          %swap3A_989 = arith.constant 0 : index
          %swap3A_990 = tpu.vector_load %arg21[%swap3A_989] {strides = array<i32>} : memref<16xf32, #tpu.memory_space<vmem>>, vector<16xf32>,
          tpu.vector_store %arg21[%swap3A_989], %add3A_988 {strides = array<i32>} : memref<16xf32, #tpu.memory_space<vmem>>, vector<16xf32>,
          %scan3A_991 = arith.constant 0 : i32
          scf.yield %scan3A_991 : i32
        }
        %scan3A_184 = arith.constant 8 : i32
      } else {
      }
      %while3A_156 = arith.constant 0 : i32
      scf.yield %while3A_156 : i32
    }
    %get3A_107 = arith.constant 0 : index
    %get3A_108 = tpu.vector_load %arg19[%get3A_107] {strides = array<i32>} : memref<16xf32, #tpu.memory_space<vmem>>, vector<16xf32>,
    %reduce_sum3A = arith.constant true
    %reduce_sum3A_109 = vector.broadcast %reduce_sum3A : i1 to vector<16xi1>
    %reduce_sum3A_110 = tpu.scan <sum>, %get3A_108 masked %reduce_sum3A_109 : vector<16xf32>, vector<16xi1> -> vector<16xf32>
    %reduce_sum3A_111 = vector.extract %reduce_sum3A_110[15] : f32 from vector<16xf32>
    %get3A_112 = arith.constant 0 : index
    %get3A_113 = tpu.vector_load %arg20[%get3A_112] {strides = array<i32>} : memref<16xf32, #tpu.memory_space<vmem>>, vector<16xf32>,
    %reduce_sum3A_114 = arith.constant true
    %reduce_sum3A_115 = vector.broadcast %reduce_sum3A_114 : i1 to vector<16xi1>
    %reduce_sum3A_116 = tpu.scan <sum>, %get3A_113 masked %reduce_sum3A_115 : vector<16xf32>, vector<16xi1> -> vector<16xf32>
    %reduce_sum3A_117 = vector.extract %reduce_sum3A_116[15] : f32 from vector<16xf32>
    %get3A_118 = arith.constant 0 : index
    %get3A_119 = tpu.vector_load %arg21[%get3A_118] {strides = array<i32>} : memref<16xf32, #tpu.memory_space<vmem>>, vector<16xf32>,
    %reduce_sum3A_120 = arith.constant true
    %reduce_sum3A_121 = vector.broadcast %reduce_sum3A_120 : i1 to vector<16xi1>
    %reduce_sum3A_122 = tpu.scan <sum>, %get3A_119 masked %reduce_sum3A_121 : vector<16xf32>, vector<16xi1> -> vector<16xf32>
    %reduce_sum3A_123 = vector.extract %reduce_sum3A_122[15] : f32 from vector<16xf32>
    %iota3A_124 = tpu.iota {dimensions = array<i32: 0>} : vector<16xi32>
    %eq3A = arith.constant 0 : i32
    %eq3A_125 = vector.broadcast %eq3A : i32 to vector<16xi32>
    %eq3A_126 = arith.cmpi eq, %iota3A_124, %eq3A_125 : vector<16xi32>
    %eq3A_127 = arith.constant 1 : i32
    %eq3A_128 = vector.broadcast %eq3A_127 : i32 to vector<16xi32>
    %eq3A_129 = arith.cmpi eq, %iota3A_124, %eq3A_128 : vector<16xi32>
    %eq3A_130 = arith.constant 2 : i32
    %eq3A_131 = vector.broadcast %eq3A_130 : i32 to vector<16xi32>
    %eq3A_132 = arith.cmpi eq, %iota3A_124, %eq3A_131 : vector<16xi32>
    %jit3A_133 = arith.constant 0.000000e+00 : f32
    %broadcast_in_dim3A_134 = vector.broadcast %reduce_sum3A_123 : f32 to vector<16xf32>
    %broadcast_in_dim3A_135 = vector.broadcast %jit3A_133 : f32 to vector<16xf32>
    %select_n3A_136 = arith.select %eq3A_132, %broadcast_in_dim3A_134, %broadcast_in_dim3A_135 : vector<16xi1>, vector<16xf32>
    %broadcast_in_dim3A_137 = vector.broadcast %reduce_sum3A_117 : f32 to vector<16xf32>
    %select_n3A_138 = arith.select %eq3A_129, %broadcast_in_dim3A_137, %select_n3A_136 : vector<16xi1>, vector<16xf32>
    %broadcast_in_dim3A_139 = vector.broadcast %reduce_sum3A_111 : f32 to vector<16xf32>
    %select_n3A_140 = arith.select %eq3A_126, %broadcast_in_dim3A_139, %select_n3A_138 : vector<16xi1>, vector<16xf32>
    %swap3A_141 = arith.constant 0 : index
    %swap3A_142 = tpu.vector_load %arg22[%swap3A_141] {strides = array<i32>} : memref<16xf32, #tpu.memory_space<vmem>>, vector<16xf32>,
    tpu.vector_store %arg22[%swap3A_141], %select_n3A_140 {strides = array<i32>} : memref<16xf32, #tpu.memory_space<vmem>>, vector<16xf32>,
    "tpu.region"() ({
      %run_scoped3A = tpu.sem_alloc : memref<!tpu.dma_semaphore, #tpu.memory_space<semaphore_mem>>
      %dma_start3A = arith.constant 0 : i32
      %dma_start3A_143 = tpu.memref_slice %arg8[%add3A, %dma_start3A] : memref<32x16xf32, #tpu.memory_space<hbm>> -> memref<1x16xf32, #tpu.memory_space<hbm>>
      %dma_start3A_144 = tpu.memref_squeeze %dma_start3A_143 : memref<1x16xf32, #tpu.memory_space<hbm>> -> memref<16xf32, #tpu.memory_space<hbm>>
      %dma_start3A_145 = arith.constant 0 : i32
      %dma_start3A_146 = tpu.memref_slice %arg8[%add3A, %dma_start3A_145] : memref<32x16xf32, #tpu.memory_space<hbm>> -> memref<1x16xf32, #tpu.memory_space<hbm>>
      %dma_start3A_147 = tpu.memref_squeeze %dma_start3A_146 : memref<1x16xf32, #tpu.memory_space<hbm>> -> memref<16xf32, #tpu.memory_space<hbm>>
      tpu.enqueue_dma source(%arg22 : memref<16xf32, #tpu.memory_space<vmem>>) target(%dma_start3A_147 : memref<16xf32, #tpu.memory_space<hbm>>) target_semaphore(%run_scoped3A : memref<!tpu.dma_semaphore, #tpu.memory_space<semaphore_mem>>)
      %dma_wait3A = arith.constant 0 : i32
      %dma_wait3A_148 = tpu.memref_slice %arg8[%add3A, %dma_wait3A] : memref<32x16xf32, #tpu.memory_space<hbm>> -> memref<1x16xf32, #tpu.memory_space<hbm>>
      %dma_wait3A_149 = tpu.memref_squeeze %dma_wait3A_148 : memref<1x16xf32, #tpu.memory_space<hbm>> -> memref<16xf32, #tpu.memory_space<hbm>>
      %dma_wait3A_150 = arith.constant 0 : i32
      %dma_wait3A_151 = tpu.memref_slice %arg8[%add3A, %dma_wait3A_150] : memref<32x16xf32, #tpu.memory_space<hbm>> -> memref<1x16xf32, #tpu.memory_space<hbm>>
      %dma_wait3A_152 = tpu.memref_squeeze %dma_wait3A_151 : memref<1x16xf32, #tpu.memory_space<hbm>> -> memref<16xf32, #tpu.memory_space<hbm>>
      tpu.wait_dma2 semaphore(%run_scoped3A : memref<!tpu.dma_semaphore, #tpu.memory_space<semaphore_mem>>) src(%arg22 : memref<16xf32, #tpu.memory_space<vmem>>) dst(%dma_wait3A_152 : memref<16xf32, #tpu.memory_space<hbm>>)
      tpu.yield
    }) : () -> ()
    return
  }
}

module attributes {stable_mosaic.version = 14 : i64} {
  func.func @_dense_body(%arg0: i32, %arg1: i32, %arg2: memref<512x16xf32, #tpu.memory_space<vmem>>, %arg3: memref<512x16xf32, #tpu.memory_space<vmem>>, %arg4: memref<512x1xi32, #tpu.memory_space<vmem>>, %arg5: memref<1x512xi32, #tpu.memory_space<vmem>>, %arg6: memref<512x1xi32, #tpu.memory_space<vmem>>, %arg7: memref<1x512xi32, #tpu.memory_space<vmem>>, %arg8: memref<1x512xf32, #tpu.memory_space<vmem>>, %arg9: memref<1x1xf32, #tpu.memory_space<vmem>>, %arg10: memref<1x1xf32, #tpu.memory_space<vmem>>, %arg11: memref<1x1xf32, #tpu.memory_space<vmem>>, %arg12: memref<4xf32, #tpu.memory_space<smem>>) attributes {dimension_semantics = [#tpu.dimension_semantics<arbitrary>, #tpu.dimension_semantics<arbitrary>], iteration_bounds = array<i64: 20, 20>, scalar_prefetch = 0 : i64, scratch_operands = 1 : i64, tpu.core_type = #tpu.core_type<tc>, window_params = [{transform_indices = @transform_0, window_bounds = array<i64: 512, 16>}, {transform_indices = @transform_1, window_bounds = array<i64: 512, 16>}, {transform_indices = @transform_2, window_bounds = array<i64: 512, 1>}, {transform_indices = @transform_3, window_bounds = array<i64: 1, 512>}, {transform_indices = @transform_4, window_bounds = array<i64: 512, 1>}, {transform_indices = @transform_5, window_bounds = array<i64: 1, 512>}, {transform_indices = @transform_6, window_bounds = array<i64: 1, 512>}, {pipeline_mode = #tpu.pipeline_mode<synchronous>, transform_indices = @transform_7, window_bounds = array<i64: 1, 1>}, {pipeline_mode = #tpu.pipeline_mode<synchronous>, transform_indices = @transform_8, window_bounds = array<i64: 1, 1>}, {pipeline_mode = #tpu.pipeline_mode<synchronous>, transform_indices = @transform_9, window_bounds = array<i64: 1, 1>}]} {
    %eq3A = arith.constant 0 : i32
    %eq3A_0 = arith.cmpi eq, %arg0, %eq3A : i32
    %eq3A_1 = arith.constant 0 : i32
    %eq3A_2 = arith.cmpi eq, %arg1, %eq3A_1 : i32
    %and3A = arith.andi %eq3A_0, %eq3A_2 : i1
    %convert_element_type3A = arith.extui %and3A : i1 to i32
    %cond3A = arith.constant 0 : i32
    %cond3A_3 = arith.cmpi ne, %convert_element_type3A, %cond3A : i32
    scf.if %cond3A_3 {
      %swap3A = arith.constant 0.000000e+00 : f32
      %swap3A_40 = arith.constant 0 : index
      %swap3A_41 = memref.load %arg12[%swap3A_40] : memref<4xf32, #tpu.memory_space<smem>>
      memref.store %swap3A, %arg12[%swap3A_40] : memref<4xf32, #tpu.memory_space<smem>>
      %swap3A_42 = arith.constant 0.000000e+00 : f32
      %swap3A_43 = arith.constant 1 : index
      %swap3A_44 = memref.load %arg12[%swap3A_43] : memref<4xf32, #tpu.memory_space<smem>>
      memref.store %swap3A_42, %arg12[%swap3A_43] : memref<4xf32, #tpu.memory_space<smem>>
      %swap3A_45 = arith.constant 0.000000e+00 : f32
      %swap3A_46 = arith.constant 2 : index
      %swap3A_47 = memref.load %arg12[%swap3A_46] : memref<4xf32, #tpu.memory_space<smem>>
      memref.store %swap3A_45, %arg12[%swap3A_46] : memref<4xf32, #tpu.memory_space<smem>>
    } else {
    }
    %get3A = arith.constant 0 : index
    %get3A_4 = arith.constant 0 : index
    %get3A_5 = vector.load %arg4[%get3A, %get3A_4] : memref<512x1xi32, #tpu.memory_space<vmem>>, vector<512x1xi32>
    %get3A_6 = arith.constant 0 : index
    %get3A_7 = arith.constant 0 : index
    %get3A_8 = vector.load %arg5[%get3A_6, %get3A_7] : memref<1x512xi32, #tpu.memory_space<vmem>>, vector<1x512xi32>
    %reduce_min3A = vector.shape_cast %get3A_5 : vector<512x1xi32> to vector<1x512x1xi32>
    %reduce_min3A_9 = arith.constant dense<2147483647> : vector<1xi32>
    %reduce_min3A_10 = vector.multi_reduction <minsi>, %reduce_min3A, %reduce_min3A_9 [1, 2] : vector<1x512x1xi32> to vector<1xi32>
    %reduce_min3A_11 = vector.shape_cast %reduce_min3A_10 : vector<1xi32> to vector<1x1x1xi32>
    %reduce_min3A_12 = vector.extract %reduce_min3A_11[0, 0, 0] : i32 from vector<1x1x1xi32>
    %reduce_max3A = vector.shape_cast %get3A_8 : vector<1x512xi32> to vector<1x1x512xi32>
    %reduce_max3A_13 = arith.constant dense<-2147483648> : vector<1xi32>
    %reduce_max3A_14 = vector.multi_reduction <maxsi>, %reduce_max3A, %reduce_max3A_13 [1, 2] : vector<1x1x512xi32> to vector<1xi32>
    %reduce_max3A_15 = vector.shape_cast %reduce_max3A_14 : vector<1xi32> to vector<1x1x1xi32>
    %reduce_max3A_16 = vector.extract %reduce_max3A_15[0, 0, 0] : i32 from vector<1x1x1xi32>
    %le3A = arith.cmpi sle, %reduce_min3A_12, %reduce_max3A_16 : i32
    %reduce_min3A_17 = vector.shape_cast %get3A_8 : vector<1x512xi32> to vector<1x1x512xi32>
    %reduce_min3A_18 = arith.constant dense<2147483647> : vector<1xi32>
    %reduce_min3A_19 = vector.multi_reduction <minsi>, %reduce_min3A_17, %reduce_min3A_18 [1, 2] : vector<1x1x512xi32> to vector<1xi32>
    %reduce_min3A_20 = vector.shape_cast %reduce_min3A_19 : vector<1xi32> to vector<1x1x1xi32>
    %reduce_min3A_21 = vector.extract %reduce_min3A_20[0, 0, 0] : i32 from vector<1x1x1xi32>
    %reduce_max3A_22 = vector.shape_cast %get3A_5 : vector<512x1xi32> to vector<1x512x1xi32>
    %reduce_max3A_23 = arith.constant dense<-2147483648> : vector<1xi32>
    %reduce_max3A_24 = vector.multi_reduction <maxsi>, %reduce_max3A_22, %reduce_max3A_23 [1, 2] : vector<1x512x1xi32> to vector<1xi32>
    %reduce_max3A_25 = vector.shape_cast %reduce_max3A_24 : vector<1xi32> to vector<1x1x1xi32>
    %reduce_max3A_26 = vector.extract %reduce_max3A_25[0, 0, 0] : i32 from vector<1x1x1xi32>
    %le3A_27 = arith.cmpi sle, %reduce_min3A_21, %reduce_max3A_26 : i32
    %and3A_28 = arith.andi %le3A, %le3A_27 : i1
    %convert_element_type3A_29 = arith.extui %and3A_28 : i1 to i32
    %cond3A_30 = arith.constant 0 : i32
    %cond3A_31 = arith.cmpi ne, %convert_element_type3A_29, %cond3A_30 : i32
    scf.if %cond3A_31 {
      %get3A_40 = arith.constant 0 : index
      %get3A_41 = arith.constant 0 : index
      %get3A_42 = vector.load %arg2[%get3A_40, %get3A_41] : memref<512x16xf32, #tpu.memory_space<vmem>>, vector<512x16xf32>
      %get3A_43 = arith.constant 0 : index
      %get3A_44 = arith.constant 0 : index
      %get3A_45 = vector.load %arg3[%get3A_43, %get3A_44] : memref<512x16xf32, #tpu.memory_space<vmem>>, vector<512x16xf32>
      %mul3A = arith.mulf %get3A_42, %get3A_42 : vector<512x16xf32>
      %reduce_sum3A = arith.constant dense<0.000000e+00> : vector<512xf32>
      %reduce_sum3A_46 = vector.multi_reduction <add>, %mul3A, %reduce_sum3A [1] : vector<512x16xf32> to vector<512xf32>
      %broadcast_in_dim3A = vector.shape_cast %reduce_sum3A_46 : vector<512xf32> to vector<512x1xf32>
      %mul3A_47 = arith.mulf %get3A_45, %get3A_45 : vector<512x16xf32>
      %reduce_sum3A_48 = arith.constant dense<0.000000e+00> : vector<512xf32>
      %reduce_sum3A_49 = vector.multi_reduction <add>, %mul3A_47, %reduce_sum3A_48 [1] : vector<512x16xf32> to vector<512xf32>
      %reshape3A = vector.shape_cast %reduce_sum3A_49 : vector<512xf32> to vector<1x512xf32>
      %convert_element_type3A_50 = arith.truncf %get3A_42 : vector<512x16xf32> to vector<512x16xbf16>
      %convert_element_type3A_51 = arith.truncf %get3A_45 : vector<512x16xf32> to vector<512x16xbf16>
      %dot_general3A = arith.constant dense<0.000000e+00> : vector<512x512xf32>
      %dot_general3A_52 = tpu.matmul %convert_element_type3A_50, %convert_element_type3A_51, %dot_general3A {dimension_numbers = #tpu.dot_dimension_numbers<[1], [1], [0], [0], [0, 0, 1, 0], [], []>, transpose_lhs_hint = false} : vector<512x16xbf16>, vector<512x16xbf16>, vector<512x512xf32> -> vector<512x512xf32>
      %add3A = vector.broadcast %broadcast_in_dim3A : vector<512x1xf32> to vector<512x512xf32>
      %add3A_53 = vector.broadcast %reshape3A : vector<1x512xf32> to vector<512x512xf32>
      %add3A_54 = arith.addf %add3A, %add3A_53 : vector<512x512xf32>
      %mul3A_55 = arith.constant 2.000000e+00 : f32
      %mul3A_56 = vector.broadcast %mul3A_55 : f32 to vector<512x512xf32>
      %mul3A_57 = arith.mulf %mul3A_56, %dot_general3A_52 : vector<512x512xf32>
      %sub3A = arith.subf %add3A_54, %mul3A_57 : vector<512x512xf32>
      %max3A = arith.constant 0.000000e+00 : f32
      %max3A_58 = vector.broadcast %max3A : f32 to vector<512x512xf32>
      %max3A_59 = arith.maximumf %sub3A, %max3A_58 : vector<512x512xf32>
      %dot_general3A_60 = arith.constant dense<0.000000e+00> : vector<512x512xf32>
      %dot_general3A_61 = tpu.matmul %get3A_42, %get3A_45, %dot_general3A_60 {dimension_numbers = #tpu.dot_dimension_numbers<[1], [1], [0], [0], [0, 0, 1, 0], [], []>, precision = #tpu.contract_precision<fp32>, transpose_lhs_hint = false} : vector<512x16xf32>, vector<512x16xf32>, vector<512x512xf32> -> vector<512x512xf32>
      %add3A_62 = vector.broadcast %broadcast_in_dim3A : vector<512x1xf32> to vector<512x512xf32>
      %add3A_63 = vector.broadcast %reshape3A : vector<1x512xf32> to vector<512x512xf32>
      %add3A_64 = arith.addf %add3A_62, %add3A_63 : vector<512x512xf32>
      %mul3A_65 = arith.constant 2.000000e+00 : f32
      %mul3A_66 = vector.broadcast %mul3A_65 : f32 to vector<512x512xf32>
      %mul3A_67 = arith.mulf %mul3A_66, %dot_general3A_61 : vector<512x512xf32>
      %sub3A_68 = arith.subf %add3A_64, %mul3A_67 : vector<512x512xf32>
      %max3A_69 = arith.constant 0.000000e+00 : f32
      %max3A_70 = vector.broadcast %max3A_69 : f32 to vector<512x512xf32>
      %max3A_71 = arith.maximumf %sub3A_68, %max3A_70 : vector<512x512xf32>
      %sqrt3A = math.sqrt %max3A_71 : vector<512x512xf32>
      %mul3A_72 = arith.constant 512 : i32
      %mul3A_73 = arith.muli %arg0, %mul3A_72 : i32
      %iota3A = tpu.iota {dimensions = array<i32: 0>} : vector<512x512xi32>
      %add3A_74 = vector.broadcast %mul3A_73 : i32 to vector<512x512xi32>
      %add3A_75 = arith.addi %add3A_74, %iota3A : vector<512x512xi32>
      %mul3A_76 = arith.constant 512 : i32
      %mul3A_77 = arith.muli %arg1, %mul3A_76 : i32
      %iota3A_78 = tpu.iota {dimensions = array<i32: 1>} : vector<512x512xi32>
      %add3A_79 = vector.broadcast %mul3A_77 : i32 to vector<512x512xi32>
      %add3A_80 = arith.addi %add3A_79, %iota3A_78 : vector<512x512xi32>
      %eq3A_81 = vector.broadcast %get3A_5 : vector<512x1xi32> to vector<512x512xi32>
      %eq3A_82 = vector.broadcast %get3A_8 : vector<1x512xi32> to vector<512x512xi32>
      %eq3A_83 = arith.cmpi eq, %eq3A_81, %eq3A_82 : vector<512x512xi32>
      %le3A_84 = arith.constant 1.000000e+00 : f32
      %le3A_85 = vector.broadcast %le3A_84 : f32 to vector<512x512xf32>
      %le3A_86 = arith.cmpf ole, %max3A_59, %le3A_85 : vector<512x512xf32>
      %and3A_87 = arith.andi %eq3A_83, %le3A_86 : vector<512x512xi1>
      %ne3A = arith.cmpi ne, %add3A_75, %add3A_80 : vector<512x512xi32>
      %and3A_88 = arith.andi %and3A_87, %ne3A : vector<512x512xi1>
      %get3A_89 = arith.constant 0 : index
      %get3A_90 = arith.constant 0 : index
      %get3A_91 = vector.load %arg6[%get3A_89, %get3A_90] : memref<512x1xi32, #tpu.memory_space<vmem>>, vector<512x1xi32>
      %get3A_92 = arith.constant 0 : index
      %get3A_93 = arith.constant 0 : index
      %get3A_94 = vector.load %arg7[%get3A_92, %get3A_93] : memref<1x512xi32, #tpu.memory_space<vmem>>, vector<1x512xi32>
      %eq3A_95 = vector.broadcast %get3A_91 : vector<512x1xi32> to vector<512x512xi32>
      %eq3A_96 = vector.broadcast %get3A_94 : vector<1x512xi32> to vector<512x512xi32>
      %eq3A_97 = arith.cmpi eq, %eq3A_95, %eq3A_96 : vector<512x512xi32>
      %get3A_98 = arith.constant 0 : index
      %get3A_99 = arith.constant 0 : index
      %get3A_100 = vector.load %arg6[%get3A_98, %get3A_99] : memref<512x1xi32, #tpu.memory_space<vmem>>, vector<512x1xi32>
      %gt3A = arith.constant 0 : i32
      %gt3A_101 = vector.broadcast %gt3A : i32 to vector<512x1xi32>
      %gt3A_102 = arith.cmpi sgt, %get3A_100, %gt3A_101 : vector<512x1xi32>
      %and3A_103 = vector.broadcast %gt3A_102 : vector<512x1xi1> to vector<512x512xi1>
      %and3A_104 = arith.andi %eq3A_97, %and3A_103 : vector<512x512xi1>
      %get3A_105 = arith.constant 0 : index
      %get3A_106 = arith.constant 0 : index
      %get3A_107 = vector.load %arg8[%get3A_105, %get3A_106] : memref<1x512xf32, #tpu.memory_space<vmem>>, vector<1x512xf32>
      %gt3A_108 = arith.constant 0.899999976 : f32
      %gt3A_109 = vector.broadcast %gt3A_108 : f32 to vector<1x512xf32>
      %gt3A_110 = arith.cmpf ogt, %get3A_107, %gt3A_109 : vector<1x512xf32>
      %and3A_111 = arith.andi %and3A_88, %and3A_104 : vector<512x512xi1>
      %and3A_112 = vector.broadcast %gt3A_110 : vector<1x512xi1> to vector<512x512xi1>
      %and3A_113 = arith.andi %and3A_111, %and3A_112 : vector<512x512xi1>
      %not3A = arith.constant dense<true> : vector<512x512xi1>
      %not3A_114 = arith.xori %and3A_104, %not3A : vector<512x512xi1>
      %and3A_115 = arith.andi %and3A_88, %not3A_114 : vector<512x512xi1>
      %get3A_116 = arith.constant 0 : index
      %get3A_117 = memref.load %arg12[%get3A_116] : memref<4xf32, #tpu.memory_space<smem>>
      %jit3A = arith.constant 0.000000e+00 : f32
      %broadcast_in_dim3A_118 = vector.broadcast %jit3A : f32 to vector<512x512xf32>
      %select_n3A = arith.select %and3A_113, %sqrt3A, %broadcast_in_dim3A_118 : vector<512x512xi1>, vector<512x512xf32>
      %reduce_sum3A_119 = vector.shape_cast %select_n3A : vector<512x512xf32> to vector<1x512x512xf32>
      %reduce_sum3A_120 = arith.constant dense<0.000000e+00> : vector<1xf32>
      %reduce_sum3A_121 = vector.multi_reduction <add>, %reduce_sum3A_119, %reduce_sum3A_120 [1, 2] : vector<1x512x512xf32> to vector<1xf32>
      %reduce_sum3A_122 = vector.shape_cast %reduce_sum3A_121 : vector<1xf32> to vector<1x1x1xf32>
      %reduce_sum3A_123 = vector.extract %reduce_sum3A_122[0, 0, 0] : f32 from vector<1x1x1xf32>
      %add3A_124 = arith.addf %get3A_117, %reduce_sum3A_123 : f32
      %swap3A = arith.constant 0 : index
      %swap3A_125 = memref.load %arg12[%swap3A] : memref<4xf32, #tpu.memory_space<smem>>
      memref.store %add3A_124, %arg12[%swap3A] : memref<4xf32, #tpu.memory_space<smem>>
      %get3A_126 = arith.constant 1 : index
      %get3A_127 = memref.load %arg12[%get3A_126] : memref<4xf32, #tpu.memory_space<smem>>
      %jit3A_128 = arith.constant 1.000000e+00 : f32
      %jit3A_129 = arith.constant 0.000000e+00 : f32
      %broadcast_in_dim3A_130 = vector.broadcast %jit3A_128 : f32 to vector<512x512xf32>
      %broadcast_in_dim3A_131 = vector.broadcast %jit3A_129 : f32 to vector<512x512xf32>
      %select_n3A_132 = arith.select %and3A_113, %broadcast_in_dim3A_130, %broadcast_in_dim3A_131 : vector<512x512xi1>, vector<512x512xf32>
      %reduce_sum3A_133 = vector.shape_cast %select_n3A_132 : vector<512x512xf32> to vector<1x512x512xf32>
      %reduce_sum3A_134 = arith.constant dense<0.000000e+00> : vector<1xf32>
      %reduce_sum3A_135 = vector.multi_reduction <add>, %reduce_sum3A_133, %reduce_sum3A_134 [1, 2] : vector<1x512x512xf32> to vector<1xf32>
      %reduce_sum3A_136 = vector.shape_cast %reduce_sum3A_135 : vector<1xf32> to vector<1x1x1xf32>
      %reduce_sum3A_137 = vector.extract %reduce_sum3A_136[0, 0, 0] : f32 from vector<1x1x1xf32>
      %add3A_138 = arith.addf %get3A_127, %reduce_sum3A_137 : f32
      %swap3A_139 = arith.constant 1 : index
      %swap3A_140 = memref.load %arg12[%swap3A_139] : memref<4xf32, #tpu.memory_space<smem>>
      memref.store %add3A_138, %arg12[%swap3A_139] : memref<4xf32, #tpu.memory_space<smem>>
      %get3A_141 = arith.constant 2 : index
      %get3A_142 = memref.load %arg12[%get3A_141] : memref<4xf32, #tpu.memory_space<smem>>
      %sub3A_143 = arith.constant 1.000000e+00 : f32
      %sub3A_144 = vector.broadcast %sub3A_143 : f32 to vector<512x512xf32>
      %sub3A_145 = arith.subf %sub3A_144, %sqrt3A : vector<512x512xf32>
      %max3A_146 = arith.constant 0.000000e+00 : f32
      %max3A_147 = vector.broadcast %max3A_146 : f32 to vector<512x512xf32>
      %max3A_148 = arith.maximumf %sub3A_145, %max3A_147 : vector<512x512xf32>
      %jit3A_149 = arith.constant 0.000000e+00 : f32
      %broadcast_in_dim3A_150 = vector.broadcast %jit3A_149 : f32 to vector<512x512xf32>
      %select_n3A_151 = arith.select %and3A_115, %max3A_148, %broadcast_in_dim3A_150 : vector<512x512xi1>, vector<512x512xf32>
      %reduce_sum3A_152 = vector.shape_cast %select_n3A_151 : vector<512x512xf32> to vector<1x512x512xf32>
      %reduce_sum3A_153 = arith.constant dense<0.000000e+00> : vector<1xf32>
      %reduce_sum3A_154 = vector.multi_reduction <add>, %reduce_sum3A_152, %reduce_sum3A_153 [1, 2] : vector<1x512x512xf32> to vector<1xf32>
      %reduce_sum3A_155 = vector.shape_cast %reduce_sum3A_154 : vector<1xf32> to vector<1x1x1xf32>
      %reduce_sum3A_156 = vector.extract %reduce_sum3A_155[0, 0, 0] : f32 from vector<1x1x1xf32>
      %add3A_157 = arith.addf %get3A_142, %reduce_sum3A_156 : f32
      %swap3A_158 = arith.constant 2 : index
      %swap3A_159 = memref.load %arg12[%swap3A_158] : memref<4xf32, #tpu.memory_space<smem>>
      memref.store %add3A_157, %arg12[%swap3A_158] : memref<4xf32, #tpu.memory_space<smem>>
    } else {
    }
    %eq3A_32 = arith.constant 19 : i32
    %eq3A_33 = arith.cmpi eq, %arg0, %eq3A_32 : i32
    %eq3A_34 = arith.constant 19 : i32
    %eq3A_35 = arith.cmpi eq, %arg1, %eq3A_34 : i32
    %and3A_36 = arith.andi %eq3A_33, %eq3A_35 : i1
    %convert_element_type3A_37 = arith.extui %and3A_36 : i1 to i32
    %cond3A_38 = arith.constant 0 : i32
    %cond3A_39 = arith.cmpi ne, %convert_element_type3A_37, %cond3A_38 : i32
    scf.if %cond3A_39 {
      %get3A_40 = arith.constant 0 : index
      %get3A_41 = memref.load %arg12[%get3A_40] : memref<4xf32, #tpu.memory_space<smem>>
      %broadcast_in_dim3A = vector.broadcast %get3A_41 : f32 to vector<1x1xf32>
      %swap3A = arith.constant 0 : index
      %swap3A_42 = arith.constant 0 : index
      %swap3A_43 = vector.load %arg9[%swap3A, %swap3A_42] : memref<1x1xf32, #tpu.memory_space<vmem>>, vector<1x1xf32>
      tpu.vector_store %arg9[%swap3A, %swap3A_42], %broadcast_in_dim3A {strides = array<i32>} : memref<1x1xf32, #tpu.memory_space<vmem>>, vector<1x1xf32>,
      %get3A_44 = arith.constant 1 : index
      %get3A_45 = memref.load %arg12[%get3A_44] : memref<4xf32, #tpu.memory_space<smem>>
      %broadcast_in_dim3A_46 = vector.broadcast %get3A_45 : f32 to vector<1x1xf32>
      %swap3A_47 = arith.constant 0 : index
      %swap3A_48 = arith.constant 0 : index
      %swap3A_49 = vector.load %arg10[%swap3A_47, %swap3A_48] : memref<1x1xf32, #tpu.memory_space<vmem>>, vector<1x1xf32>
      tpu.vector_store %arg10[%swap3A_47, %swap3A_48], %broadcast_in_dim3A_46 {strides = array<i32>} : memref<1x1xf32, #tpu.memory_space<vmem>>, vector<1x1xf32>,
      %get3A_50 = arith.constant 2 : index
      %get3A_51 = memref.load %arg12[%get3A_50] : memref<4xf32, #tpu.memory_space<smem>>
      %broadcast_in_dim3A_52 = vector.broadcast %get3A_51 : f32 to vector<1x1xf32>
      %swap3A_53 = arith.constant 0 : index
      %swap3A_54 = arith.constant 0 : index
      %swap3A_55 = vector.load %arg11[%swap3A_53, %swap3A_54] : memref<1x1xf32, #tpu.memory_space<vmem>>, vector<1x1xf32>
      tpu.vector_store %arg11[%swap3A_53, %swap3A_54], %broadcast_in_dim3A_52 {strides = array<i32>} : memref<1x1xf32, #tpu.memory_space<vmem>>, vector<1x1xf32>,
    } else {
    }
    return
  }
  func.func @transform_0(%arg0: i32, %arg1: i32) -> (i32, i32) {
    %c0_i32 = arith.constant 0 : i32
    %c0_i32_0 = arith.constant 0 : i32
    return %arg0, %c0_i32 : i32, i32
  }
  func.func @transform_1(%arg0: i32, %arg1: i32) -> (i32, i32) {
    %c0_i32 = arith.constant 0 : i32
    %c0_i32_0 = arith.constant 0 : i32
    return %arg1, %c0_i32 : i32, i32
  }
  func.func @transform_2(%arg0: i32, %arg1: i32) -> (i32, i32) {
    %c0_i32 = arith.constant 0 : i32
    %c0_i32_0 = arith.constant 0 : i32
    return %arg0, %c0_i32 : i32, i32
  }
  func.func @transform_3(%arg0: i32, %arg1: i32) -> (i32, i32) {
    %c0_i32 = arith.constant 0 : i32
    %c0_i32_0 = arith.constant 0 : i32
    return %c0_i32, %arg1 : i32, i32
  }
  func.func @transform_4(%arg0: i32, %arg1: i32) -> (i32, i32) {
    %c0_i32 = arith.constant 0 : i32
    %c0_i32_0 = arith.constant 0 : i32
    return %arg0, %c0_i32 : i32, i32
  }
  func.func @transform_5(%arg0: i32, %arg1: i32) -> (i32, i32) {
    %c0_i32 = arith.constant 0 : i32
    %c0_i32_0 = arith.constant 0 : i32
    return %c0_i32, %arg1 : i32, i32
  }
  func.func @transform_6(%arg0: i32, %arg1: i32) -> (i32, i32) {
    %c0_i32 = arith.constant 0 : i32
    %c0_i32_0 = arith.constant 0 : i32
    return %c0_i32, %arg1 : i32, i32
  }
  func.func @transform_7(%arg0: i32, %arg1: i32) -> (i32, i32) {
    %c0_i32 = arith.constant 0 : i32
    %c0_i32_0 = arith.constant 0 : i32
    %c0_i32_1 = arith.constant 0 : i32
    return %c0_i32, %c0_i32_0 : i32, i32
  }
  func.func @transform_8(%arg0: i32, %arg1: i32) -> (i32, i32) {
    %c0_i32 = arith.constant 0 : i32
    %c0_i32_0 = arith.constant 0 : i32
    %c0_i32_1 = arith.constant 0 : i32
    return %c0_i32, %c0_i32_0 : i32, i32
  }
  func.func @transform_9(%arg0: i32, %arg1: i32) -> (i32, i32) {
    %c0_i32 = arith.constant 0 : i32
    %c0_i32_0 = arith.constant 0 : i32
    %c0_i32_1 = arith.constant 0 : i32
    return %c0_i32, %c0_i32_0 : i32, i32
  }
}

</mosaic_0001>

<sc_bundles>
// kernel: kernel.5.cloned.1.call-start
scs
__scs_entry_jumppad:
0x0: {  	(pc) =	sbr.rel $0x88, $3  }
0x1: {  	(tag) =	ssettag $0x0;
	lr =	simm.s32 $0x1  }
0x2: {  	[smem:$0x3F9C] =	sst lr;
	_ =	strace $0xD0000000  }
0x3: {  	_ = 	snop  }
0x4: {  	_ = 	snop  }
0x5: {  	_ = 	snop  }
0x6: {  	_ = 	snop  }
0x7: {  	_ = 	snop  }
__scs_overlays_trampoline_lowered:
0x8: {  	[smem:$0x3FAB] =	sst s0  }
0x9: {  	[smem:$0x3FAC] =	sst s1  }
0xa: {  	[smem:$0x3FAD] =	sst s2  }
0xb: {  	[smem:$0x3FAE] =	sst s3  }
0xc: {  	[smem:$0x3FAF] =	sst s4  }
0xd: {  	[smem:$0x3FB0] =	sst s5  }
0xe: {  	[smem:$0x3FB1] =	sst s6  }
0xf: {  	[smem:$0x3FB2] =	sst s7  }
0x10: {  	[smem:$0x3FB3] =	sst s8  }
0x11: {  	[smem:$0x3FB4] =	sst s9;
	s0 =	simm.s32 @!p0 $0x0  }
0x12: {  	s1 =	sld [smem:$0x3F9A];
	s0 =	simm.s32 @p0 $0x1  }
0x13: {  	[smem:$0x3FB5] =	sst s0;
	s0 =	simm.s32 @!p1 $0x0  }
0x14: {  	s2 =	sld [smem:$0x3F99];
	s0 =	simm.s32 @p1 $0x1  }
0x15: {  	[smem:$0x3FB6] =	sst s0;
	s0 =	simm.s32 @!p2 $0x0  }
0x16: {  	s3 =	sld [smem:$0x3FDB];
	s0 =	simm.s32 @p2 $0x1  }
0x17: {  	s4 =	simm.s32 $0x1BF5;
	[smem:$0x3FB8] =	sst s0  }
0x18: {  	s0 =	sld [smem:$0x3F9B];
	_ =	swait.ge [sflag:s4], $0x0  }
0x19: {  	s7 =	sld [smem:$0x3F9C]  }
0x1a: {  	s8 =	sadd.s32 $0xFFFFE003, lr  }
0x1b: {  	s9 =	sadd.s32 $0xFFFFFEF7, lr;
	s5 =	simm.s32 $0xFFFFFFFF;
	p2 =	slt.u32 s8, $0xFFFFF086  }
0x1c: {  	p1 =	slt.u32 s9, $0xF7A;
	s5 =	simm.s32 @!p2 $0x0  }
0x1d: {  	s5 =	simm.s32 @p1 $0x1;
	p0 =	seq.s32 s7, s2  }
0x1e: {  	s7 =	smul.u32 @!p0 $0xF7A, s2;
	p2 =	seq.s32 @!p0 s5, $0x0  }
0x1f: {  	s9 =	smul.u32 $0xF7A, s1;
	s8 =	simm.s32 @!p0 $0x1BF5;
	p2 =	por !p2, p0  }
0x20: {  	[sflag:s8] =	ssyncset.s32 @!p0 $0xFFFFF086;
	s6 =	sadd.s32 @!p0 s3, s7;
	s7 =	simm.s32 @!p0 $0x108  }
0x21: {  	s3 =	sadd.s32 s3, s9;
	s6 =	sadd.s32 @!p0 $0x88, s6;
	s7 =	simm.s32 @p2 $0x1082  }
0x22: {  	[simem:s7], [sflag:s8] =	dma.local @!p0 [hbm:s6], $0xF7A  }
0x23: {  	s9 =	sor.u32 $0xD0000000, s2;
	s6 =	simm.s32 $0x108;
	_ =	swait.ge @!p0 [sflag:s8], $0x0  }
0x24: {  	s3 =	sadd.s32 $0x88, s3;
	s6 =	simm.s32 @!p1 $0x1082;
	[sflag:s4] =	ssyncset.s32 $0xFFFFF086  }
0x25: {  	[simem:s6], [sflag:s4] =	dma.local [hbm:s3], $0xF7A  }
0x26: {  	[smem:$0x3F9C] =	sst s1;
	(tag) =	ssettag s2;
	_ =	strace s9  }
0x27: {  	s1 =	sld [smem:$0x3FAC]  }
0x28: {  	s2 =	sld [smem:$0x3FAD]  }
0x29: {  	s4 =	sld [smem:$0x3FAF]  }
0x2a: {  	p0 =	seq.s32 s5, $0x0;
	s5 =	sld [smem:$0x3FB0]  }
0x2b: {  	s6 =	sld [smem:$0x3FB1]  }
0x2c: {  	s7 =	sld [smem:$0x3FB2]  }
0x2d: {  	s3 =	simm.s32 $0x108;
	s8 =	sld [smem:$0x3FB3]  }
0x2e: {  	s3 =	simm.s32 @!p0 $0x1082;
	s9 =	sld [smem:$0x3FB4]  }
0x2f: {  	lr =	sadd.s32 s0, s3;
	s0 =	sld [smem:$0x3FAB]  }
0x30: {  	s3 =	sld [smem:$0x3FAE]  }
0x31: {  	[smem:$0x3FB7] =	sst s10  }
0x32: {  	s10 =	sld [smem:$0x3FB5];
	_ =	sdelay $0x3  }
0x33: {  	p0 =	seq.s32 s10, $0x1;
	s10 =	sld [smem:$0x3FB7];
	_ =	sdelay $0x3  }
0x34: {  	[smem:$0x3FB7] =	sst s10  }
0x35: {  	s10 =	sld [smem:$0x3FB6];
	_ =	sdelay $0x3  }
0x36: {  	p1 =	seq.s32 s10, $0x1;
	s10 =	sld [smem:$0x3FB7];
	_ =	sdelay $0x3  }
0x37: {  	[smem:$0x3FB7] =	sst s10  }
0x38: {  	s10 =	sld [smem:$0x3FB8]  }
0x39: {  	_ = 	snop;
	(pc) =	sbr.ind lr, $3  }
0x3a: {  	_ = 	snop  }
0x3b: {  	_ = 	snop  }
0x3c: {  	p2 =	seq.s32 s10, $0x1;
	s10 =	sld [smem:$0x3FB7]  }
0x3d: {  	_ =	shalt  }
0x3e: {  	_ =	shalt  }
0x3f: {  	_ =	shalt  }
0x40: {  	_ =	shalt  }
0x41: {  	_ =	shalt  }
0x42: {  	_ =	shalt  }
0x43: {  	_ =	shalt  }
0x44: {  	_ =	shalt  }
0x45: {  	_ =	shalt  }
0x46: {  	_ =	shalt  }
0x47: {  	_ =	shalt  }
0x48: {  	_ =	shalt  }
0x49: {  	_ =	shalt  }
0x4a: {  	_ =	shalt  }
0x4b: {  	_ =	shalt  }
0x4c: {  	_ =	shalt  }
0x4d: {  	_ =	shalt  }
0x4e: {  	_ =	shalt  }
0x4f: {  	_ =	shalt  }
0x50: {  	_ =	shalt  }
0x51: {  	_ =	shalt  }
0x52: {  	_ =	shalt  }
0x53: {  	_ =	shalt  }
0x54: {  	_ =	shalt  }
0x55: {  	_ =	shalt  }
0x56: {  	_ =	shalt  }
0x57: {  	_ =	shalt  }
0x58: {  	_ =	shalt  }
0x59: {  	_ =	shalt  }
0x5a: {  	_ =	shalt  }
0x5b: {  	_ =	shalt  }
0x5c: {  	_ =	shalt  }
0x5d: {  	_ =	shalt  }
0x5e: {  	_ =	shalt  }
0x5f: {  	_ =	shalt  }
0x60: {  	_ =	shalt  }
0x61: {  	_ =	shalt  }
0x62: {  	_ =	shalt  }
0x63: {  	_ =	shalt  }
0x64: {  	_ =	shalt  }
0x65: {  	_ =	shalt  }
0x66: {  	_ =	shalt  }
0x67: {  	_ =	shalt  }
0x68: {  	_ =	shalt  }
0x69: {  	_ =	shalt  }
0x6a: {  	_ =	shalt  }
0x6b: {  	_ =	shalt  }
0x6c: {  	_ =	shalt  }
0x6d: {  	_ =	shalt  }
0x6e: {  	_ =	shalt  }
0x6f: {  	_ =	shalt  }
0x70: {  	_ =	shalt  }
0x71: {  	_ =	shalt  }
0x72: {  	_ =	shalt  }
0x73: {  	_ =	shalt  }
0x74: {  	_ =	shalt  }
0x75: {  	_ =	shalt  }
0x76: {  	_ =	shalt  }
0x77: {  	_ =	shalt  }
0x78: {  	_ =	shalt  }
0x79: {  	_ =	shalt  }
0x7a: {  	_ =	shalt  }
0x7b: {  	_ =	shalt  }
0x7c: {  	_ =	shalt  }
0x7d: {  	_ =	shalt  }
0x7e: {  	_ =	shalt  }
0x7f: {  	_ =	shalt  }
0x80: {  	_ =	shalt  }
0x81: {  	_ =	shalt  }
0x82: {  	_ =	shalt  }
0x83: {  	_ =	shalt  }
0x84: {  	_ =	shalt  }
0x85: {  	_ =	shalt  }
0x86: {  	_ =	shalt  }
0x87: {  	_ =	shalt  }
.Lfunc_end0:
.L_simem_size_0:
called_computation_lowered:
.L_overlay_start_0:
0x88: {  	s2 =	sld [smem:$0x3FD9]  }
0x89: {  	s3 =	sld [smem:$0x3FFE];
	_ =	sdelay $0x1  }
0x8a: {  	s1 =	srdreg.scid  }
0x8b: {  	s0 =	sand.u32 $0x1, s1  }
0x8c: {  	s16 =	sshll.u32 s0, $0xA;
	s2 =	sadd.s32 s3, s2  }
0x8d: {  	s2 =	sadd.s32 s2, s16  }
0x8e: {  	[smem:$0x3FC3] =	sst s2  }
0x8f: {  	_ = 	snop  }
0x90: {  	(tm) =	ssettm $0x1  }
0x91: {  	s17 =	sld [smem:$0x3FFB];
	_ =	sdelay $0x3  }
0x92: {  	_ =	strace s17  }
0x93: {  	s2 =	sld [smem:$0x3FFC];
	_ =	sdelay $0x3  }
0x94: {  	_ =	strace s2  }
0x95: {  	s2 =	sld [smem:$0x3FFD];
	_ =	sdelay $0x3  }
0x96: {  	_ =	strace s2  }
0x97: {  	_ =	strace $0x8FFFFFFF  }
0x98: {  	s18 =	sld [smem:$0x3FDB];
	_ =	sdelay $0x1  }
0x99: {  	s19 =	simm.s32 $_scs_section_size  }
0x9a: {  	s4 =	simm.s32 $_size__tile_overlayer_lowered;
	s5 =	simm.s32 $_tile_overlayer_lowered  }
0x9b: {  	s22 =	simm.s32 $0x1BFF;
	s21 =	sshll.u32 s5, $0x1;
	s2 =	sadd.s32 s19, s18  }
0x9c: {  	s6 =	simm.s32 $0x0;
	s20 =	sshll.u32 s4, $0x1;
	s4 =	sadd.s32 s21, s2  }
0x9d: {  	[timem:s6], [sflag:s22] =	dma.local [hbm:s4], s20  }
0x9e: {  	_ =	swait.ge [sflag:s22], s20  }
0x9f: {  	s3 =	ssub.s32 $0x0, s20;
	[sflag:s22] =	ssyncset.done $0x0  }
0xa0: {  	[sflag:s22] =	ssyncadd.s32 s3;
	_ =	sdelay $0x1  }
0xa1: {  	s23 =	simm.s32 $0x1B8B  }
0xa2: {  	_ =	swait.ge [sflag:s23], $0x1  }
0xa3: {  	[sflag:s23] =	ssyncset.done $0x0  }
0xa4: {  	s25 =	simm.s32 $0x1B8E;
	s24 =	sld [smem:$0x3FFE];
	[sflag:s23] =	ssyncadd.s32 $0xFFFFFFFF  }
0xa5: {  	s26 =	simm.s32 $execute0_lowered;
	[smem:$0x3FD2] =	sst s25  }
0xa6: {  	s4 =	sshll.u32 s26, $0x1;
	_ =	strace $0x80000046;
	[dreg:$0x1] =	wrdreg $0xFFFFFFFF  }
0xa7: {  	s28 =	simm.s32 $_size_execute0_lowered;
	s2 =	sadd.s32 s2, s4;
	[dreg:$0x0] =	wrdreg $0x0  }
0xa8: {  	s4 =	sshll.u32 s28, $0x1;
	[dreg:$0x2] =	wrdreg s2  }
0xa9: {  	[dreg:$0x3] =	wrdreg s4  }
0xaa: {  	[dreg:$0x4] =	wrdreg $0xC0  }
0xab: {  	_ =	task [dreg:s6], $0x5FFFF  }
0xac: {  	[dreg:$0x1] =	wrdreg $0xFFFFFFFF  }
0xad: {  	[dreg:$0x0] =	wrdreg $0x60  }
0xae: {  	[dreg:$0x2] =	wrdreg s24  }
0xaf: {  	[dreg:$0x3] =	wrdreg $0x9  }
0xb0: {  	_ =	task.clear_ibuf [dreg:s6], $0x4FFFF;
	_ =	strace $0x90000046  }
0xb1: {  	s29 =	simm.s32 $0x9;
	_ =	strace $0x80000048  }
0xb2: {  	_ =	swait.ge [sflag:s29], $0x1  }
0xb3: {  	[sflag:s29] =	ssyncadd.s32 $0xFFFFFFFF  }
0xb4: {  	_ =	strace $0x90000048  }
0xb5: {  	_ =	sfence  }
0xb6: {  	s30 =	sld [smem:$0x0];
	_ =	sdelay $0x2  }
0xb7: {  	s31 =	sshll.u32 s1, $0xD;
	s1 =	sshrl.u32 s1, $0x2  }
0xb8: {  	s3 =	sand.u32 $0x4000, s31;
	s1 =	sadd.s32 s1, s30  }
0xb9: {  	s0 =	sor.u32 s3, s0;
	s1 =	sshll.u32 s1, $0x11  }
0xba: {  	s0 =	sor.u32 s1, s0  }
0xbb: {  	s0 =	sadd.s32 $0x8F2B, s0  }
0xbc: {  	[sflag:s0] =	ssyncadd.remote.s32 $0x1  }
0xbd: {  	_ =	sfence.sel $0xFFFF  }
0xbe: {  	[dreg:$0x0] =	wrdreg $0xFFFFFFFF;
	(pc) =	sbr.abs _section_cstart, $3  }
0xbf: {  	[dreg:$0x1] =	wrdreg $0xFFFFFFFF  }
0xc0: {  	_ =	task.clear_ibuf [dreg:s6], $0x2FFFF;
	_ =	strace $0x9FFFFFFF  }
0xc1: {  	(tm) =	ssettm $0x7FFFFFFF  }
tec
execute0_lowered:
.L_overlay_start_1:
0x0: {  	(tag) =	ssettag $0x1  }
0x1: {  	s0 =	srdreg.scid;
	s9 =	rddreg [dreg:$0x0]  }
0x2: {  	s2 =	simm.s32 $0x0;
	s15 =	simm.s32 $0x8D00;
	s16 =	simm.s32 $0x80  }
0x3: {  	s17 =	simm.s32 $0x400;
	s18 =	simm.s32 $0x1;
	s19 =	simm.s32 $0x0  }
0x4: {  	s8 =	sand.u32 $0x1, s0;
	s0 =	stileid.u32;
	[smem:$0x7FF] =	sst s2  }
0x5: {  	s5 =	sadd.s32 $0x800, s9;
	s1 =	sshll.u32 s8, $0x4;
	s14 =	smul.u32 $0x29000, s8  }
0x6: {  	s3 =	sshll.u32 s0, $0x7;
	s28 =	ssub.s32 $0x2, s8;
	s31 =	smul.u32 $0x2900, s0  }
0x7: {  	s7 =	sor.u32 s0, s1;
	s1 =	rddreg [dreg:$0x1];
	s11 =	sand.u32 $0x380, s3  }
0x8: {  	_ =	strace $0x80000047;
	s10 =	sshrl.u32 s7, $0x3;
	s7 =	smul.u32 $0x2800, s7  }
0x9: {  	s3 =	sadd.s32 $0xAE00, s9;
	s13 =	sshrl.u32 s28, $0x1;
	s4 =	smul.u32 $0x14800, s10  }
0xa: {  	s30 =	ssub.s32 s28, s13;
	s13 =	simm.s32 $0x2800;
	s10 =	sshll.u32 s10, $0xA  }
.Ltmp0:
0xb: {  	s10 =	sor.u32 s11, s10;
	s6 =	sor.u32 s11, s4;
	(pc) =	sbr.rel .LBB2_1-.Ltmp0, $4  }
0xc: {  	s4 =	sadd.s32 $0xE00, s9;
	s10 =	sshrl.u32 s10, $0x3;
	s11 =	sadd.s32 s31, s14  }
0xd: {  	s14 =	simm.s32 $0x3000;
	s12 =	sshrl.u32 s6, $0x3;
	s6 =	sadd.s32 $0x14E00, s9  }
0xe: {  	s29 =	sadd.s32 s10, s9;
	s10 =	smax.u32 s30, $0x1;
	s12 =	sadd.s32 s12, s9  }
0xf: {  	v0 =	vlaneseq.u32;
	v1 =	vimm.s32 $0x0;
	v2 =	vimm.s32 $0x63FFFFF;
	s8 =	sadd.s32 $0xC9F200, s29;
	s9 =	sadd.s32 $0xC94E00, s12;
	s12 =	simm.s32 $0x2  }
.LBB2_12:
0x10: {  	[sflag:s18] =	ssyncadd.s32 $0xFFFFFF80  }
.LBB2_13:
0x11: {  	s19 =	sadd.s32 $0x1, s19  }
0x12: {  	p0 =	sne.s32 s19, s10  }
.Ltmp1:
0x13: {  	_ = 	snop;
	(pc) =	sbr.rel @!p0 .LBB2_14-.Ltmp1, $1  }
0x14: {  	_ =	sdelay $0x3  }
.LBB2_1:
0x15: {  	[tilespmem:s2], [sflag:$0x2] =	stream.linear.gather [hbm4b:s5+s2], $0x2800, $0x38;
	[tilespmem:$0x8D80] =	vst v63  }
0x16: {  	s20 =	sadd.s32 $0x0, s11;
	_ =	swait.ge [sflag:s12], $0x2800  }
0x17: {  	s22 =	sadd.s32 $0x70, s20;
	[sflag:s12] =	ssyncset.done $0x0  }
0x18: {  	s21 =	simm.s32 $0x6140;
	s23 =	sadd.s32 $0x10, s20;
	v3 =	vor.u32 s22, v0;
	[sflag:s12] =	ssyncadd.s32 $0xFFFFD800  }
0x19: {  	s30 =	sadd.s32 $0x50, s20;
	v4 =	vor.u32 s23, v0;
	[tilespmem:s21+$0x30] =	vst v3  }
0x1a: {  	s26 =	sadd.s32 $0x20, s20;
	v5 =	vor.u32 s30, v0;
	[tilespmem:s21+$0xFFFFFFD0] =	vst v4  }
0x1b: {  	s28 =	sadd.s32 $0x30, s20;
	v3 =	vor.u32 s26, v0;
	[tilespmem:s21+$0x10] =	vst v5  }
0x1c: {  	s29 =	sadd.s32 $0x40, s20;
	v4 =	vor.u32 s28, v0;
	[tilespmem:s21+$0xFFFFFFE0] =	vst v3  }
0x1d: {  	s31 =	sadd.s32 $0x60, s20;
	v3 =	vor.u32 s29, v0;
	[tilespmem:s21+$0xFFFFFFF0] =	vst v4  }
0x1e: {  	s22 =	sadd.s32 $0x80, s11;
	s23 =	simm.s32 $0x100;
	v4 =	vor.u32 s31, v0;
	[tilespmem:s21+$0x0] =	vst v3;
	v3 =	vor.u32 s20, v0  }
.LBB2_2:
0x1f: {  	p0 =	sne.s32 s23, $0x2880;
	v5 =	vor.u32 s22, v0;
	s20 =	sadd.s32 $0x10, s22;
	s24 =	sadd.s32 $0x70, s22;
	[tilespmem:s21+$0x20] =	vst v4  }
0x20: {  	s25 =	sadd.s32 $0x30, s22;
	v4 =	vor.u32 s20, v0;
	s20 =	sadd.s32 $0x20, s22;
	v6 =	vor.u32 s24, v0;
	[tilespmem:s21+$0xFFFFFFC0] =	vst v3;
	s21 =	sadd.s32 $0x80, s21;
	v3 =	vmov v5  }
0x21: {  	v7 =	vor.u32 s25, v0;
	s24 =	sadd.s32 $0x50, s22;
	v5 =	vor.u32 s20, v0;
	s20 =	sadd.s32 $0x40, s22;
	s22 =	sadd.s32 $0x60, s22;
	[tilespmem:s21+$0x30] =	vst v6  }
.Ltmp2:
0x22: {  	v8 =	vor.u32 s24, v0;
	[tilespmem:s21+$0xFFFFFFD0] =	vst v4;
	v6 =	vor.u32 s20, v0;
	v4 =	vor.u32 s22, v0;
	(pc) =	sbr.rel @p0 .LBB2_2-.Ltmp2, $4  }
0x23: {  	[tilespmem:s21+$0xFFFFFFE0] =	vst v5  }
0x24: {  	[tilespmem:s21+$0xFFFFFFF0] =	vst v7  }
0x25: {  	[tilespmem:s21+$0x0] =	vst v6  }
0x26: {  	s22 =	sadd.s32 s23, s11;
	s23 =	sadd.s32 $0x80, s23;
	s20 =	simm.s32 $0x0;
	[tilespmem:s21+$0x10] =	vst v8  }
0x27: {  	s23 =	sadd.s32 $0x70, s22;
	[tilespmem:s21+$0x20] =	vst v4  }
0x28: {  	s24 =	sadd.s32 $0x10, s22;
	[tilespmem:s21+$0xFFFFFFC0] =	vst v3;
	s25 =	sadd.s32 $0x80, s21;
	v60 =	vor.u32 s23, v0  }
0x29: {  	s26 =	sadd.s32 $0x20, s22;
	v3 =	vor.u32 s24, v0;
	[tilespmem:s25+$0x30] =	vst v60  }
0x2a: {  	s29 =	sadd.s32 $0x40, s22;
	v61 =	vor.u32 s26, v0;
	[tilespmem:s25+$0xFFFFFFD0] =	vst v3  }
0x2b: {  	s31 =	sadd.s32 $0x60, s22;
	v62 =	vor.u32 s29, v0;
	[tilespmem:s25+$0xFFFFFFE0] =	vst v61  }
0x2c: {  	s28 =	sadd.s32 $0x30, s22;
	v63 =	vor.u32 s31, v0;
	[tilespmem:s25+$0x0] =	vst v62  }
0x2d: {  	s30 =	sadd.s32 $0x50, s22;
	v3 =	vor.u32 s28, v0;
	[tilespmem:s25+$0x20] =	vst v63  }
0x2e: {  	[tilespmem:s25+$0xFFFFFFF0] =	vst v3;
	v3 =	vor.u32 s30, v0  }
0x2f: {  	[tilespmem:s25+$0x10] =	vst v3;
	v3 =	vor.u32 s22, v0  }
0x30: {  	s21 =	simm.s32 $0x0;
	s22 =	simm.s32 $0x0;
	[tilespmem:s25+$0xFFFFFFC0] =	vst v3  }
.LBB2_4:
0x31: {  	s23 =	sshll.u32 s22, $0xB  }
0x32: {  	s23 =	sadd.s32 s7, s23  }
0x33: {  	s23 =	sshrl.u32 s23, $0x3  }
0x34: {  	s24 =	sadd.s32 s3, s23  }
0x35: {  	[tilespmem:s13], [sflag:$0x2] =	stream.linear.gather [hbm4b:s24+s20], $0x800, $0x38;
	[tilespmem:$0x8D80] =	vst v63  }
0x36: {  	_ =	swait.ge [sflag:s12], $0x800  }
0x37: {  	[sflag:s12] =	ssyncset.done $0x0  }
0x38: {  	s23 =	sadd.s32 s4, s23;
	[sflag:s12] =	ssyncadd.s32 $0xFFFFF800  }
0x39: {  	[tilespmem:s14], [sflag:$0x2] =	stream.linear.gather [hbm4b:s23+s20], $0x800, $0x38;
	[tilespmem:$0x8D80] =	vst v63  }
0x3a: {  	_ =	swait.ge [sflag:s12], $0x800  }
0x3b: {  	[sflag:s12] =	ssyncset.done $0x0  }
0x3c: {  	s30 =	simm.s32 $0x0;
	[sflag:s12] =	ssyncadd.s32 $0xFFFFF800  }
0x3d: {  	v3 =	vld [tilespmem:s30+$0x2800];
	_ =	sdelay $0x7  }
0x3e: {  	v4 =	vld.idx.msk [tilespmem:v3+s2+$0x0], $0xffff;
	_ =	sdelay $0x3  }
0x3f: {  	v5 =	vld [tilespmem:s30+$0x3000]  }
0x40: {  	vm0 =	vgt.f32 v4, $8.999999760e-01  }
0x41: {  	v4 =	vsel vm0, $0x1, v1  }
0x42: {  	(xrf0) =	vadd.scan.msk.s32 $0xffff, v4;
	_ =	sdelay $0x1  }
0x43: {  	v4 =	vmul.u32 $0x2800, v5;
	_ =	sdelay $0x2  }
0x44: {  	v3 =	vadd.s32 v3, v4  }
0x45: {  	s31 =	simm.s32 $0x10;
	[tilespmem:s21+$0x3800] =	vst.msk vm0, v3;
	v4, _, _ =	vpop (xrf0)  }
0x46: {  	v3 =	vld [tilespmem:s31+$0x2800];
	(v2sf) =	vpush v4, $0xF;
	_ =	sdelay $0x7  }
0x47: {  	v4 =	vld.idx.msk [tilespmem:v3+s2+$0x0], $0xffff;
	_ =	sdelay $0x1  }
0x48: {  	v5 =	vld [tilespmem:s31+$0x3000];
	_ =	sdelay $0x2  }
0x49: {  	vm0 =	vgt.f32 v4, $8.999999760e-01  }
0x4a: {  	v6 =	vsel vm0, $0x1, v1  }
0x4b: {  	s23 =	simm.s32 $0x80;
	v4 =	vmul.u32 $0x2800, v5;
	(xrf0) =	vadd.scan.msk.s32 $0xffff, v6;
	s24 =	spop (v2sf)  }
.LBB2_5:
0x4c: {  	p0 =	sne.s32 s23, $0x1FC0  }
0x4d: {  	v3 =	vadd.s32 v3, v4;
	s21 =	sadd.s32 s21, s24;
	s24 =	smov.u32 s23;
	s23 =	sadd.s32 $0x40, s23  }
0x4e: {  	[tilespmem:s21+$0x3800] =	vst.msk vm0, v3  }
0x4f: {  	s24 =	sshra.s32 s24, $0x2  }
0x50: {  	v3 =	vld [tilespmem:s24+$0x2800]  }
0x51: {  	v4, _, _ =	vpop (xrf0)  }
0x52: {  	(v2sf) =	vpush v4, $0xF;
	_ =	sdelay $0x5  }
0x53: {  	v4 =	vld.idx.msk [tilespmem:v3+s2+$0x0], $0xffff;
	_ =	sdelay $0x2  }
0x54: {  	v5 =	vld [tilespmem:s24+$0x3000];
	_ =	sdelay $0x1  }
.Ltmp3:
0x55: {  	(pc) =	sbr.rel @p0 .LBB2_5-.Ltmp3, $4  }
0x56: {  	vm0 =	vgt.f32 v4, $8.999999760e-01  }
0x57: {  	v6 =	vsel vm0, $0x1, v1  }
0x58: {  	v4 =	vmul.u32 $0x2800, v5;
	(xrf0) =	vadd.scan.msk.s32 $0xffff, v6  }
0x59: {  	s24 =	spop (v2sf)  }
0x5a: {  	_ =	sdelay $0x3  }
0x5b: {  	v5, _, _ =	vpop (xrf0)  }
0x5c: {  	(v2sf) =	vpush v5, $0xF;
	_ =	sdelay $0x9  }
0x5d: {  	s22 =	sadd.s32 $0x1, s22  }
0x5e: {  	p0 =	sne.s32 s22, $0x5  }
.Ltmp4:
0x5f: {  	_ = 	snop;
	(pc) =	sbr.rel @p0 .LBB2_4-.Ltmp4, $3  }
0x60: {  	_ =	sdelay $0x1  }
0x61: {  	v3 =	vadd.s32 v3, v4;
	s21 =	sadd.s32 s21, s24;
	s23 =	spop (v2sf)  }
0x62: {  	[tilespmem:s21+$0x3800] =	vst.msk vm0, v3;
	s21 =	sadd.s32 s21, s23  }
0x63: {  	[tilespmem:s21+$0x3800] =	vst v2  }
0x64: {  	[tilespmem:s21+$0x3810] =	vst v2  }
0x65: {  	[tilespmem:s21+$0x3820] =	vst v2  }
0x66: {  	[tilespmem:s21+$0x3830] =	vst v2  }
0x67: {  	[tilespmem:s21+$0x3840] =	vst v2  }
0x68: {  	[tilespmem:s21+$0x3850] =	vst v2  }
0x69: {  	[tilespmem:s21+$0x3860] =	vst v2  }
0x6a: {  	[tilespmem:s21+$0x3870] =	vst v2;
	v3 =	vmov s21;
	s30 =	sadd.s32 $0x7F, s21  }
0x6b: {  	[tilespmem:$0x8D00] =	vst v3;
	s22 =	sand.u32 $0x7F, s30  }
0x6c: {  	[hbm4b:s8+s2] =	stream.linear.scatter [tilespmem:s15], [sflag:$0x2], $0x80, $0x38;
	[tilespmem:$0x8D80] =	vst v63  }
0x6d: {  	s31 =	sshra.s32 s30, $0x1F;
	p1 =	slt.s32 s30, $0x1;
	p0 =	sne.s32 s22, $0x0  }
0x6e: {  	s22 =	sshrl.u32 s31, $0x19;
	p0 =	por !p1, !p0  }
0x6f: {  	s21 =	sadd.s32 s22, s30;
	s22 =	simm.s32 $0x1;
	p0 =	por !p0, !p0  }
0x70: {  	s21 =	sshra.s32 s21, $0x7;
	s22 =	simm.s32 @!p0 $0x0  }
0x71: {  	_ =	swait.ge [sflag:s12], $0x80;
	s21 =	ssub.s32 s21, s22  }
0x72: {  	[sflag:s12] =	ssyncset.done $0x0;
	p0 =	slt.s32 s21, $0x1  }
.Ltmp5:
0x73: {  	s20 =	simm.s32 $0x3800;
	[sflag:s12] =	ssyncadd.s32 $0xFFFFFF80;
	(pc) =	sbr.rel @p0 .LBB2_13-.Ltmp5, $4  }
0x74: {  	[hbm4b:s9+s16] =	stream.strided.scatter [tilespmem:s20], [sflag:$0x2], $0x2900, s17, s16, $0x38;
	[tilespmem:$0x8D80] =	vst v63  }
0x75: {  	_ =	swait.ge [sflag:s12], $0x2900  }
0x76: {  	[sflag:s12] =	ssyncset.done $0x0  }
0x77: {  	s22 =	simm.s32 $0x6100;
	[sflag:s12] =	ssyncadd.s32 $0xFFFFD700  }
0x78: {  	p0 =	sne.s32 s21, $0x1  }
.Ltmp6:
0x79: {  	_ = 	snop;
	(pc) =	sbr.rel @!p0 .LBB2_10-.Ltmp6, $3  }
0x7a: {  	_ =	sdelay $0x1  }
0x7b: {  	[hbm4b:s6+s16] =	stream.indirect.scatter [tilespmem:s22], [sflag:$0x1], $0x1, s20, s16, $0xb8;
	[tilespmem:$0x8D80] =	vst v63  }
0x7c: {  	s23 =	sadd.s32 $0xFFFFFFFF, s21  }
.LBB2_9:
0x7d: {  	p0 =	sne.s32 s23, $0x1  }
.Ltmp7:
0x7e: {  	_ = 	snop;
	(pc) =	sbr.rel @p0 .LBB2_9-.Ltmp7, $4  }
0x7f: {  	_ = 	snop  }
0x80: {  	s20 =	sadd.s32 $0x80, s20;
	s22 =	sadd.s32 $0x80, s22  }
0x81: {  	s23 =	sadd.s32 $0xFFFFFFFF, s23  }
0x82: {  	[hbm4b:s6+s16] =	stream.indirect.scatter [tilespmem:s22], [sflag:$0x1], $0x1, s20, s16, $0xb8;
	[tilespmem:$0x8D80] =	vst v63  }
.LBB2_10:
0x83: {  	p0 =	sne.s32 s21, $0x1  }
.Ltmp8:
0x84: {  	_ = 	snop;
	(pc) =	sbr.rel @!p0 .LBB2_12-.Ltmp8, $3  }
0x85: {  	_ =	sdelay $0x1  }
0x86: {  	_ =	swait.ge [sflag:s18], $0x80  }
0x87: {  	s20 =	sadd.s32 $0xFFFFFFFF, s21;
	[sflag:s18] =	ssyncset.done $0x0  }
.LBB2_11:
0x88: {  	p0 =	sne.s32 s20, $0x1;
	s20 =	sadd.s32 $0xFFFFFFFF, s20;
	[sflag:s18] =	ssyncadd.s32 $0xFFFFFF80  }
.Ltmp9:
0x89: {  	(pc) =	sbr.rel @p0 .LBB2_11-.Ltmp9, $3  }
0x8a: {  	_ =	sdelay $0x1  }
0x8b: {  	_ =	swait.ge [sflag:s18], $0x80  }
0x8c: {  	[sflag:s18] =	ssyncset.done $0x0  }
.Ltmp10:
0x8d: {  	_ = 	snop;
	(pc) =	sbr.rel .LBB2_12-.Ltmp10, $1  }
0x8e: {  	_ =	sdelay $0x3  }
.LBB2_14:
0x8f: {  	_ =	sfence.sel $0x180000  }
0x90: {  	[bflag:$0x0] =	sbarrier.arrive $0xFFFF  }
0x91: {  	p0 =	sne.s32 s0, $0x0;
	_ =	strace $0x90000047  }
0x92: {  	s0 =	sadd.s32 @!p0 $0x100000, s1;
	[bflag:$0x2] =	sbarrier.arrive $0xFFFF  }
0x93: {  	[sflag:s0] =	ssyncadd.tile.s32 @!p0 $0x1;
	_ =	shalt  }
.Lfunc_end2:
_tile_overlayer_lowered:
.L_overlay_start_2:
0x94: {  	(tag) =	ssettag $0x2  }
0x95: {  	s0 =	rddreg [dreg:$0x0];
	s2 =	stileid.u32  }
0x96: {  	s1 =	rddreg [dreg:$0x1];
	p0 =	sne.s32 s2, $0x0  }
0x97: {  	s3 =	rddreg [dreg:$0x2];
	[bflag:$0x3] =	sbarrier.arrive $0xFFFF;
	s2 =	simm.s32 @!p0 $0x1C02  }
0x98: {  	[timem:s3], [sflag:s2] =	dma.local @!p0 [hbm:s0], s1  }
0x99: {  	s0 =	simm.s32 @!p0 $0x2  }
0x9a: {  	_ =	swait.ge @!p0 [sflag:s0], s1  }
0x9b: {  	s1 =	ssub.s32 @!p0 $0x0, s1;
	[sflag:s0] =	ssyncset.done @!p0 $0x0  }
0x9c: {  	[sflag:s0] =	ssyncadd.s32 @!p0 s1  }
0x9d: {  	[bflag:$0x3] =	sbarrier.arrive $0xFFFF  }
0x9e: {  	_ =	shalt  }

// kernel: kernel.8.cloned.1.call-start
scs
__scs_entry_jumppad:
0x0: {  	(pc) =	sbr.rel $0x88, $3  }
0x1: {  	(tag) =	ssettag $0x0;
	lr =	simm.s32 $0x1  }
0x2: {  	[smem:$0x3F9C] =	sst lr;
	_ =	strace $0xD0000000  }
0x3: {  	_ = 	snop  }
0x4: {  	_ = 	snop  }
0x5: {  	_ = 	snop  }
0x6: {  	_ = 	snop  }
0x7: {  	_ = 	snop  }
__scs_overlays_trampoline_lowered:
0x8: {  	[smem:$0x3FAB] =	sst s0  }
0x9: {  	[smem:$0x3FAC] =	sst s1  }
0xa: {  	[smem:$0x3FAD] =	sst s2  }
0xb: {  	[smem:$0x3FAE] =	sst s3  }
0xc: {  	[smem:$0x3FAF] =	sst s4  }
0xd: {  	[smem:$0x3FB0] =	sst s5  }
0xe: {  	[smem:$0x3FB1] =	sst s6  }
0xf: {  	[smem:$0x3FB2] =	sst s7  }
0x10: {  	[smem:$0x3FB3] =	sst s8  }
0x11: {  	[smem:$0x3FB4] =	sst s9;
	s0 =	simm.s32 @!p0 $0x0  }
0x12: {  	s1 =	sld [smem:$0x3F9A];
	s0 =	simm.s32 @p0 $0x1  }
0x13: {  	[smem:$0x3FB5] =	sst s0;
	s0 =	simm.s32 @!p1 $0x0  }
0x14: {  	s2 =	sld [smem:$0x3F99];
	s0 =	simm.s32 @p1 $0x1  }
0x15: {  	[smem:$0x3FB6] =	sst s0;
	s0 =	simm.s32 @!p2 $0x0  }
0x16: {  	s3 =	sld [smem:$0x3FDB];
	s0 =	simm.s32 @p2 $0x1  }
0x17: {  	s4 =	simm.s32 $0x1BF5;
	[smem:$0x3FB8] =	sst s0  }
0x18: {  	s0 =	sld [smem:$0x3F9B];
	_ =	swait.ge [sflag:s4], $0x0  }
0x19: {  	s7 =	sld [smem:$0x3F9C]  }
0x1a: {  	s8 =	sadd.s32 $0xFFFFE003, lr  }
0x1b: {  	s9 =	sadd.s32 $0xFFFFFEF7, lr;
	s5 =	simm.s32 $0xFFFFFFFF;
	p2 =	slt.u32 s8, $0xFFFFF086  }
0x1c: {  	p1 =	slt.u32 s9, $0xF7A;
	s5 =	simm.s32 @!p2 $0x0  }
0x1d: {  	s5 =	simm.s32 @p1 $0x1;
	p0 =	seq.s32 s7, s2  }
0x1e: {  	s7 =	smul.u32 @!p0 $0xF7A, s2;
	p2 =	seq.s32 @!p0 s5, $0x0  }
0x1f: {  	s9 =	smul.u32 $0xF7A, s1;
	s8 =	simm.s32 @!p0 $0x1BF5;
	p2 =	por !p2, p0  }
0x20: {  	[sflag:s8] =	ssyncset.s32 @!p0 $0xFFFFF086;
	s6 =	sadd.s32 @!p0 s3, s7;
	s7 =	simm.s32 @!p0 $0x108  }
0x21: {  	s3 =	sadd.s32 s3, s9;
	s6 =	sadd.s32 @!p0 $0x88, s6;
	s7 =	simm.s32 @p2 $0x1082  }
0x22: {  	[simem:s7], [sflag:s8] =	dma.local @!p0 [hbm:s6], $0xF7A  }
0x23: {  	s9 =	sor.u32 $0xD0000000, s2;
	s6 =	simm.s32 $0x108;
	_ =	swait.ge @!p0 [sflag:s8], $0x0  }
0x24: {  	s3 =	sadd.s32 $0x88, s3;
	s6 =	simm.s32 @!p1 $0x1082;
	[sflag:s4] =	ssyncset.s32 $0xFFFFF086  }
0x25: {  	[simem:s6], [sflag:s4] =	dma.local [hbm:s3], $0xF7A  }
0x26: {  	[smem:$0x3F9C] =	sst s1;
	(tag) =	ssettag s2;
	_ =	strace s9  }
0x27: {  	s1 =	sld [smem:$0x3FAC]  }
0x28: {  	s2 =	sld [smem:$0x3FAD]  }
0x29: {  	s4 =	sld [smem:$0x3FAF]  }
0x2a: {  	p0 =	seq.s32 s5, $0x0;
	s5 =	sld [smem:$0x3FB0]  }
0x2b: {  	s6 =	sld [smem:$0x3FB1]  }
0x2c: {  	s7 =	sld [smem:$0x3FB2]  }
0x2d: {  	s3 =	simm.s32 $0x108;
	s8 =	sld [smem:$0x3FB3]  }
0x2e: {  	s3 =	simm.s32 @!p0 $0x1082;
	s9 =	sld [smem:$0x3FB4]  }
0x2f: {  	lr =	sadd.s32 s0, s3;
	s0 =	sld [smem:$0x3FAB]  }
0x30: {  	s3 =	sld [smem:$0x3FAE]  }
0x31: {  	[smem:$0x3FB7] =	sst s10  }
0x32: {  	s10 =	sld [smem:$0x3FB5];
	_ =	sdelay $0x3  }
0x33: {  	p0 =	seq.s32 s10, $0x1;
	s10 =	sld [smem:$0x3FB7];
	_ =	sdelay $0x3  }
0x34: {  	[smem:$0x3FB7] =	sst s10  }
0x35: {  	s10 =	sld [smem:$0x3FB6];
	_ =	sdelay $0x3  }
0x36: {  	p1 =	seq.s32 s10, $0x1;
	s10 =	sld [smem:$0x3FB7];
	_ =	sdelay $0x3  }
0x37: {  	[smem:$0x3FB7] =	sst s10  }
0x38: {  	s10 =	sld [smem:$0x3FB8]  }
0x39: {  	_ = 	snop;
	(pc) =	sbr.ind lr, $3  }
0x3a: {  	_ = 	snop  }
0x3b: {  	_ = 	snop  }
0x3c: {  	p2 =	seq.s32 s10, $0x1;
	s10 =	sld [smem:$0x3FB7]  }
0x3d: {  	_ =	shalt  }
0x3e: {  	_ =	shalt  }
0x3f: {  	_ =	shalt  }
0x40: {  	_ =	shalt  }
0x41: {  	_ =	shalt  }
0x42: {  	_ =	shalt  }
0x43: {  	_ =	shalt  }
0x44: {  	_ =	shalt  }
0x45: {  	_ =	shalt  }
0x46: {  	_ =	shalt  }
0x47: {  	_ =	shalt  }
0x48: {  	_ =	shalt  }
0x49: {  	_ =	shalt  }
0x4a: {  	_ =	shalt  }
0x4b: {  	_ =	shalt  }
0x4c: {  	_ =	shalt  }
0x4d: {  	_ =	shalt  }
0x4e: {  	_ =	shalt  }
0x4f: {  	_ =	shalt  }
0x50: {  	_ =	shalt  }
0x51: {  	_ =	shalt  }
0x52: {  	_ =	shalt  }
0x53: {  	_ =	shalt  }
0x54: {  	_ =	shalt  }
0x55: {  	_ =	shalt  }
0x56: {  	_ =	shalt  }
0x57: {  	_ =	shalt  }
0x58: {  	_ =	shalt  }
0x59: {  	_ =	shalt  }
0x5a: {  	_ =	shalt  }
0x5b: {  	_ =	shalt  }
0x5c: {  	_ =	shalt  }
0x5d: {  	_ =	shalt  }
0x5e: {  	_ =	shalt  }
0x5f: {  	_ =	shalt  }
0x60: {  	_ =	shalt  }
0x61: {  	_ =	shalt  }
0x62: {  	_ =	shalt  }
0x63: {  	_ =	shalt  }
0x64: {  	_ =	shalt  }
0x65: {  	_ =	shalt  }
0x66: {  	_ =	shalt  }
0x67: {  	_ =	shalt  }
0x68: {  	_ =	shalt  }
0x69: {  	_ =	shalt  }
0x6a: {  	_ =	shalt  }
0x6b: {  	_ =	shalt  }
0x6c: {  	_ =	shalt  }
0x6d: {  	_ =	shalt  }
0x6e: {  	_ =	shalt  }
0x6f: {  	_ =	shalt  }
0x70: {  	_ =	shalt  }
0x71: {  	_ =	shalt  }
0x72: {  	_ =	shalt  }
0x73: {  	_ =	shalt  }
0x74: {  	_ =	shalt  }
0x75: {  	_ =	shalt  }
0x76: {  	_ =	shalt  }
0x77: {  	_ =	shalt  }
0x78: {  	_ =	shalt  }
0x79: {  	_ =	shalt  }
0x7a: {  	_ =	shalt  }
0x7b: {  	_ =	shalt  }
0x7c: {  	_ =	shalt  }
0x7d: {  	_ =	shalt  }
0x7e: {  	_ =	shalt  }
0x7f: {  	_ =	shalt  }
0x80: {  	_ =	shalt  }
0x81: {  	_ =	shalt  }
0x82: {  	_ =	shalt  }
0x83: {  	_ =	shalt  }
0x84: {  	_ =	shalt  }
0x85: {  	_ =	shalt  }
0x86: {  	_ =	shalt  }
0x87: {  	_ =	shalt  }
.Lfunc_end0:
.L_simem_size_0:
called_computation.1_lowered:
.L_overlay_start_0:
0x88: {  	s2 =	sld [smem:$0x3FD9]  }
0x89: {  	s3 =	sld [smem:$0x3FFE];
	_ =	sdelay $0x1  }
0x8a: {  	s1 =	srdreg.scid  }
0x8b: {  	s0 =	sand.u32 $0x1, s1  }
0x8c: {  	s16 =	sshll.u32 s0, $0xA;
	s2 =	sadd.s32 s3, s2  }
0x8d: {  	s2 =	sadd.s32 s2, s16  }
0x8e: {  	[smem:$0x3FC3] =	sst s2  }
0x8f: {  	_ = 	snop  }
0x90: {  	(tm) =	ssettm $0x1  }
0x91: {  	s17 =	sld [smem:$0x3FFB];
	_ =	sdelay $0x3  }
0x92: {  	_ =	strace s17  }
0x93: {  	s2 =	sld [smem:$0x3FFC];
	_ =	sdelay $0x3  }
0x94: {  	_ =	strace s2  }
0x95: {  	s2 =	sld [smem:$0x3FFD];
	_ =	sdelay $0x3  }
0x96: {  	_ =	strace s2  }
0x97: {  	_ =	strace $0x8FFFFFFF  }
0x98: {  	s18 =	sld [smem:$0x3FDB];
	_ =	sdelay $0x1  }
0x99: {  	s19 =	simm.s32 $_scs_section_size  }
0x9a: {  	s4 =	simm.s32 $_size__tile_overlayer_lowered;
	s5 =	simm.s32 $_tile_overlayer_lowered  }
0x9b: {  	s22 =	simm.s32 $0x1BFF;
	s21 =	sshll.u32 s5, $0x1;
	s2 =	sadd.s32 s19, s18  }
0x9c: {  	s6 =	simm.s32 $0x0;
	s20 =	sshll.u32 s4, $0x1;
	s4 =	sadd.s32 s21, s2  }
0x9d: {  	[timem:s6], [sflag:s22] =	dma.local [hbm:s4], s20  }
0x9e: {  	_ =	swait.ge [sflag:s22], s20  }
0x9f: {  	s3 =	ssub.s32 $0x0, s20;
	[sflag:s22] =	ssyncset.done $0x0  }
0xa0: {  	[sflag:s22] =	ssyncadd.s32 s3;
	_ =	sdelay $0x1  }
0xa1: {  	s23 =	simm.s32 $0x1B8B  }
0xa2: {  	_ =	swait.ge [sflag:s23], $0x1  }
0xa3: {  	[sflag:s23] =	ssyncset.done $0x0  }
0xa4: {  	s25 =	simm.s32 $0x1B8E;
	s24 =	sld [smem:$0x3FFE];
	[sflag:s23] =	ssyncadd.s32 $0xFFFFFFFF  }
0xa5: {  	s26 =	simm.s32 $execute0_lowered;
	[smem:$0x3FD2] =	sst s25  }
0xa6: {  	s4 =	sshll.u32 s26, $0x1;
	_ =	strace $0x80000049;
	[dreg:$0x1] =	wrdreg $0xFFFFFFFF  }
0xa7: {  	s28 =	simm.s32 $_size_execute0_lowered;
	s2 =	sadd.s32 s2, s4;
	[dreg:$0x0] =	wrdreg $0x0  }
0xa8: {  	s4 =	sshll.u32 s28, $0x1;
	[dreg:$0x2] =	wrdreg s2  }
0xa9: {  	[dreg:$0x3] =	wrdreg s4  }
0xaa: {  	[dreg:$0x4] =	wrdreg $0xC0  }
0xab: {  	_ =	task [dreg:s6], $0x5FFFF  }
0xac: {  	[dreg:$0x1] =	wrdreg $0xFFFFFFFF  }
0xad: {  	[dreg:$0x0] =	wrdreg $0x60  }
0xae: {  	[dreg:$0x2] =	wrdreg s24  }
0xaf: {  	[dreg:$0x3] =	wrdreg $0x9  }
0xb0: {  	_ =	task.clear_ibuf [dreg:s6], $0x4FFFF;
	_ =	strace $0x90000049  }
0xb1: {  	s29 =	simm.s32 $0x9;
	_ =	strace $0x8000004B  }
0xb2: {  	_ =	swait.ge [sflag:s29], $0x1  }
0xb3: {  	[sflag:s29] =	ssyncadd.s32 $0xFFFFFFFF  }
0xb4: {  	_ =	strace $0x9000004B  }
0xb5: {  	_ =	sfence  }
0xb6: {  	s30 =	sld [smem:$0x0];
	_ =	sdelay $0x2  }
0xb7: {  	s31 =	sshll.u32 s1, $0xD;
	s1 =	sshrl.u32 s1, $0x2  }
0xb8: {  	s3 =	sand.u32 $0x4000, s31;
	s1 =	sadd.s32 s1, s30  }
0xb9: {  	s0 =	sor.u32 s3, s0;
	s1 =	sshll.u32 s1, $0x11  }
0xba: {  	s0 =	sor.u32 s1, s0  }
0xbb: {  	s0 =	sadd.s32 $0x8F2B, s0  }
0xbc: {  	[sflag:s0] =	ssyncadd.remote.s32 $0x1  }
0xbd: {  	_ =	sfence.sel $0xFFFF  }
0xbe: {  	[dreg:$0x0] =	wrdreg $0xFFFFFFFF;
	(pc) =	sbr.abs _section_cstart, $3  }
0xbf: {  	[dreg:$0x1] =	wrdreg $0xFFFFFFFF  }
0xc0: {  	_ =	task.clear_ibuf [dreg:s6], $0x2FFFF;
	_ =	strace $0x9FFFFFFF  }
0xc1: {  	(tm) =	ssettm $0x7FFFFFFF  }
tec
execute0_lowered:
.L_overlay_start_1:
0x0: {  	(tag) =	ssettag $0x1  }
0x1: {  	s0 =	srdreg.scid  }
0x2: {  	s6 =	stileid.u32;
	s2 =	rddreg [dreg:$0x0];
	s15 =	simm.s32 $0x0  }
0x3: {  	s19 =	simm.s32 $0x4;
	s21 =	simm.s32 $0x80;
	s28 =	simm.s32 $0x13400  }
0x4: {  	s31 =	simm.s32 $0x2;
	s0 =	sand.u32 $0x1, s0;
	[smem:$0x7FF] =	sst s15  }
0x5: {  	s3 =	sshll.u32 s6, $0x7;
	s17 =	sadd.s32 $0xCC7400, s2;
	s23 =	sadd.s32 $0xCEF400, s2  }
0x6: {  	s24 =	sadd.s32 $0xCEFA00, s2;
	s18 =	sadd.s32 $0x14E00, s2;
	s1 =	sshll.u32 s0, $0x4  }
0x7: {  	s3 =	sand.u32 $0x380, s3;
	_ =	strace $0x8000004A;
	[dreg:$0x8] =	wrdreg s23  }
0x8: {  	[dreg:$0x9] =	wrdreg s24;
	s25 =	ssub.s32 $0x2, s0;
	s0 =	smul.u32 $0x29000, s0  }
0x9: {  	s23 =	simm.s32 $0x7B00;
	s24 =	simm.s32 $0xA300;
	[dreg:$0x7] =	wrdreg s17  }
0xa: {  	[dreg:$0xb] =	wrdreg s18;
	s1 =	sor.u32 s6, s1;
	s5 =	sshrl.u32 s25, $0x1  }
0xb: {  	s6 =	smul.u32 $0x2900, s6;
	s1 =	sshrl.u32 s1, $0x3;
	s26 =	ssub.s32 s25, s5  }
0xc: {  	v0 =	vimm.s32 $0xECA86420;
	vm0 =	vcmask $0xB08;
	vm1 =	vcmask $0x1310;
	s4 =	smul.u32 $0x14800, s1;
	s1 =	sshll.u32 s1, $0xA;
	s30 =	smax.u32 s26, $0x1  }
0xd: {  	vm2 =	vcmask $0x1B18;
	vm3 =	vcmask $0x300;
	vm4 =	vcmask $0x2320;
	s0 =	sadd.s32 s6, s0;
	s1 =	sor.u32 s3, s1;
	[dreg:$0xe] =	wrdreg s30  }
0xe: {  	vm5 =	vcmask $0x2B28;
	vm6 =	vcmask $0x3330;
	v1 =	vlaneseq.u32;
	[dreg:$0xf] =	wrdreg s0;
	s0 =	sor.u32 $0x80, s0;
	s1 =	sshrl.u32 s1, $0x3  }
.Ltmp0:
0xf: {  	vm7 =	vcmask $0x3B38;
	vm8 =	vmmov $0xff;
	vm11 =	vcmask $0x704;
	s4 =	sor.u32 s3, s4;
	s1 =	sadd.s32 s1, s2;
	(pc) =	sbr.rel .LBB2_1-.Ltmp0, $4  }
0x10: {  	vm12 =	vcmask $0xF0C;
	vm13 =	vcmask $0x1714;
	vm9 =	vcmask $0x1F1C;
	[dreg:$0x10] =	wrdreg s0;
	s4 =	sshrl.u32 s4, $0x3;
	s7 =	sadd.s32 $0xC9F200, s1  }
0x11: {  	vm10 =	vcmask $0x2724;
	vm14 =	vcmask $0x3734;
	v0 =	vunpack.c.l.s4.s8 v0;
	s4 =	sadd.s32 s4, s2;
	s1 =	sadd.s32 $0xE00, s1;
	[dreg:$0xa] =	wrdreg s7  }
0x12: {  	v3 =	vimm.s32 $0x0;
	v4 =	vimm.f32 $0.0e+00;
	vm15 =	vcmask $0x2F2C;
	s25 =	simm.s32 $0x1;
	s29 =	sadd.s32 $0xC94E00, s4;
	[dreg:$0xd] =	wrdreg s1  }
0x13: {  	v2 =	vmul.u32 $0x2, v1;
	v5 =	vmul.u32 $0x80, v1;
	v0 =	vunpack.c.0.s8.s32 v0;
	s26 =	simm.s32 $0xF400;
	s1 =	simm.s32 $0x0;
	[dreg:$0xc] =	wrdreg s29  }
.LBB2_18:
0x14: {  	v6 =	vld [tilespmem:$0x1F400]  }
0x15: {  	v7 =	vld [tilespmem:$0x1F480]  }
0x16: {  	v8 =	vld [tilespmem:$0x1F500];
	_ =	sdelay $0x2  }
0x17: {  	(xrf2) =	vadd.scan.msk.f32 $0xffff, v6  }
0x18: {  	(xrf2) =	vadd.scan.msk.f32 $0xffff, v7  }
0x19: {  	(xrf2) =	vadd.scan.msk.f32 $0xffff, v8;
	_ =	sdelay $0x7  }
0x1a: {  	v6, _, _ =	vpop (xrf2)  }
0x1b: {  	v7, _, _ =	vpop (xrf2)  }
0x1c: {  	v8, _, _ =	vpop (xrf2)  }
0x1d: {  	v8 =	vbroadcast v8, $0xF  }
0x1e: {  	v7 =	vbroadcast v7, $0xF  }
0x1f: {  	vm9 =	vcmask $0x3F08;
	v6 =	vbroadcast v6, $0xF;
	v8 =	vnsel vm0, $0x0, v8  }
0x20: {  	v7 =	vsel vm9, v8, v7;
	vm9 =	vcmask $0x3F04  }
0x21: {  	v6 =	vsel vm9, v7, v6  }
0x22: {  	s0 =	rddreg [dreg:$0xd];
	s1 =	simm.s32 $0x1F580;
	[tilespmem:$0x1F580] =	vst v6  }
0x23: {  	[hbm4b:s0+s15] =	stream.linear.scatter [tilespmem:s1], [sflag:$0x4], $0x80, $0x38;
	[tilespmem:$0x1F680] =	vst v63  }
0x24: {  	_ =	swait.ge [sflag:s19], $0x80  }
0x25: {  	s29 =	rddreg [dreg:$0x11]  }
0x26: {  	s30 =	rddreg [dreg:$0xe];
	s1 =	sadd.s32 $0x1, s29  }
0x27: {  	p0 =	sne.s32 s1, s30  }
.Ltmp1:
0x28: {  	_ = 	snop;
	(pc) =	sbr.rel @!p0 .LBB2_19-.Ltmp1, $3  }
0x29: {  	_ =	sdelay $0x1  }
0x2a: {  	vm11 =	vcmask $0x704;
	vm12 =	vcmask $0xF0C;
	[sflag:s19] =	ssyncset.done $0x0  }
0x2b: {  	vm13 =	vcmask $0x1714;
	vm10 =	vcmask $0x2724;
	vm9 =	vcmask $0x1F1C;
	[sflag:s19] =	ssyncadd.s32 $0xFFFFFF80  }
.LBB2_1:
0x2c: {  	[dreg:$0x11] =	wrdreg s1  }
0x2d: {  	s0 =	rddreg [dreg:$0xa];
	s14 =	simm.s32 $0x1F600  }
0x2e: {  	[tilespmem:s14], [sflag:$0x4] =	stream.linear.gather [hbm4b:s0+s15], $0x80, $0x38;
	[tilespmem:$0x1F680] =	vst v63  }
0x2f: {  	_ =	swait.ge [sflag:s19], $0x80  }
0x30: {  	[sflag:s19] =	ssyncset.done $0x0  }
0x31: {  	[sflag:s19] =	ssyncadd.s32 $0xFFFFFF80  }
0x32: {  	v6 =	vld [tilespmem:$0x1F600];
	_ =	sdelay $0x4  }
0x33: {  	(v2sf) =	vpush v6, $0x0;
	_ =	sdelay $0xc  }
0x34: {  	s2 =	simm.s32 $0x400;
	s18 =	rddreg [dreg:$0xc]  }
0x35: {  	[tilespmem:s15], [sflag:$0x4] =	stream.strided.gather [hbm4b:s18+s21], $0x2900, s2, s21, $0x38;
	[tilespmem:$0x1F680] =	vst v63  }
0x36: {  	s16 =	spop (v2sf)  }
0x37: {  	_ =	swait.ge [sflag:s19], $0x2900  }
0x38: {  	s0 =	sadd.s32 $0x7F, s16;
	[sflag:s19] =	ssyncset.done $0x0  }
0x39: {  	s20 =	rddreg [dreg:$0x8];
	s29 =	sand.u32 $0x7F, s0;
	s30 =	sshra.s32 s0, $0x1F  }
0x3a: {  	p1 =	slt.s32 s0, $0x1;
	[sflag:s19] =	ssyncadd.s32 $0xFFFFD700;
	p0 =	sne.s32 s29, $0x0  }
0x3b: {  	[tilespmem:s23], [sflag:$0x4] =	stream.linear.gather [hbm4b:s20+s15], $0x2800, $0x38;
	[tilespmem:$0x1F680] =	vst v63  }
0x3c: {  	s1 =	sshrl.u32 s30, $0x19;
	p0 =	por !p1, !p0  }
0x3d: {  	s0 =	sadd.s32 s1, s0;
	s1 =	simm.s32 $0x1;
	p0 =	por !p0, !p0  }
0x3e: {  	s0 =	sshra.s32 s0, $0x7;
	s1 =	simm.s32 @!p0 $0x0  }
0x3f: {  	_ =	swait.ge [sflag:s19], $0x2800;
	s7 =	ssub.s32 s0, s1  }
0x40: {  	[sflag:s19] =	ssyncset.done $0x0;
	p0 =	slt.s32 s7, $0x1  }
.Ltmp2:
0x41: {  	s22 =	rddreg [dreg:$0x9];
	[sflag:s19] =	ssyncadd.s32 $0xFFFFD800;
	(pc) =	sbr.rel @p0 .LBB2_20-.Ltmp2, $4  }
0x42: {  	[tilespmem:s24], [sflag:$0x4] =	stream.linear.gather [hbm4b:s22+s15], $0x2800, $0x38;
	[tilespmem:$0x1F680] =	vst v63  }
0x43: {  	_ =	swait.ge [sflag:s19], $0x2800  }
0x44: {  	[sflag:s19] =	ssyncset.done $0x0  }
0x45: {  	[dreg:$0x12] =	wrdreg s7;
	[sflag:s19] =	ssyncadd.s32 $0xFFFFD800  }
0x46: {  	s0 =	simm.s32 $0x0  }
0x47: {  	v7 =	vld [tilespmem:s0+$0x0];
	_ =	sdelay $0x4  }
0x48: {  	(v2sf) =	vpush v7, $0x0  }
0x49: {  	(v2sf) =	vpush v7, $0x7;
	_ =	sdelay $0x2  }
0x4a: {  	(v2sf) =	vpush v7, $0x1  }
0x4b: {  	(v2sf) =	vpush v7, $0x2;
	_ =	sdelay $0x1  }
0x4c: {  	(v2sf) =	vpush v7, $0x5  }
0x4d: {  	(v2sf) =	vpush v7, $0x3;
	_ =	sdelay $0x1  }
0x4e: {  	(v2sf) =	vpush v7, $0x4;
	_ =	sdelay $0x1  }
0x4f: {  	(v2sf) =	vpush v7, $0xC  }
0x50: {  	(v2sf) =	vpush v7, $0xD;
	_ =	sdelay $0x1  }
0x51: {  	(v2sf) =	vpush v7, $0xE;
	s3 =	spop (v2sf)  }
0x52: {  	s16 =	smulhi.u32 $0x66666667, s3;
	s1 =	spop (v2sf)  }
0x53: {  	s3 =	sshra.s32 s3, $0x1F;
	s5 =	smulhi.u32 $0x66666667, s1  }
0x54: {  	(v2sf) =	vpush v7, $0x8;
	s4 =	sshra.s32 s1, $0x1F;
	s3 =	smul.u32 $0x66666667, s3  }
0x55: {  	s6 =	spop (v2sf);
	s4 =	smul.u32 $0x66666667, s4  }
0x56: {  	s29 =	sshll.u32 s7, $0x3;
	(v2sf) =	vpush v7, $0x9;
	s30 =	spop (v2sf);
	s8 =	smulhi.u32 $0x66666667, s6  }
0x57: {  	p0 =	sne.s32 s29, $0x1;
	s6 =	sshra.s32 s6, $0x1F;
	s10 =	smulhi.u32 $0x66666667, s30  }
0x58: {  	(v2sf) =	vpush v7, $0xF;
	s0 =	spop (v2sf);
	s7 =	sshra.s32 s30, $0x1F;
	s6 =	smul.u32 $0x66666667, s6  }
0x59: {  	s21 =	sadd.s32 $0xFFFFFFFF, s29;
	s11 =	spop (v2sf);
	s7 =	smul.u32 $0x66666667, s7  }
0x5a: {  	(v2sf) =	vpush v7, $0xA;
	s16 =	sadd.s32 s3, s16;
	s17 =	smulhi.u32 $0x66666667, s11;
	s11 =	sshra.s32 s11, $0x1F  }
0x5b: {  	s5 =	sadd.s32 s4, s5;
	s13 =	spop (v2sf);
	s11 =	smul.u32 $0x66666667, s11  }
0x5c: {  	s4 =	sadd.s32 s6, s8;
	s12 =	sshra.s32 s13, $0x1F;
	s13 =	smulhi.u32 $0x66666667, s13  }
0x5d: {  	s14 =	spop (v2sf);
	s7 =	sadd.s32 s7, s10;
	s18 =	smul.u32 $0x66666667, s12  }
0x5e: {  	s28 =	sshra.s32 s4, $0x1F;
	s15 =	spop (v2sf);
	s23 =	smulhi.u32 $0x66666667, s14  }
0x5f: {  	(v2sf) =	vpush v7, $0xB;
	s2 =	sshra.s32 s14, $0x1F;
	s26 =	sshra.s32 s7, $0xC;
	s19 =	smulhi.u32 $0x66666667, s15  }
0x60: {  	s30 =	sshrl.u32 s7, $0x1F;
	s9 =	smul.u32 $0x66666667, s2;
	s12 =	spop (v2sf)  }
0x61: {  	s29 =	sshra.s32 s7, $0x1F;
	s24 =	sshra.s32 s15, $0x1F;
	s20 =	smulhi.u32 $0x66666667, s12  }
0x62: {  	s15 =	sshra.s32 s4, $0xC;
	s14 =	smul.u32 $0x66666667, s24;
	s8 =	sshra.s32 s12, $0x1F  }
0x63: {  	s11 =	sadd.s32 s11, s17;
	s22 =	spop (v2sf);
	s8 =	smul.u32 $0x66666667, s8  }
0x64: {  	s6 =	sadd.s32 s9, s23;
	s23 =	sshra.s32 s22, $0x1F;
	s22 =	smulhi.u32 $0x66666667, s22  }
0x65: {  	s18 =	sadd.s32 s18, s13;
	s1 =	spop (v2sf);
	s17 =	smul.u32 $0x66666667, s23  }
0x66: {  	s13 =	sshra.s32 s11, $0x1F;
	s14 =	sadd.s32 s14, s19;
	s24 =	sshra.s32 s1, $0x1F  }
0x67: {  	s8 =	sadd.s32 s8, s20;
	s17 =	sadd.s32 s17, s22;
	s31 =	spop (v2sf)  }
0x68: {  	s22 =	sshra.s32 s18, $0xC;
	s2 =	smulhi.u32 $0x66666667, s31;
	s9 =	sshra.s32 s31, $0x1F  }
0x69: {  	(v2sf) =	vpush v7, $0x6;
	s10 =	spop (v2sf);
	s31 =	sshrl.u32 s6, $0x1F;
	s19 =	smul.u32 $0x66666667, s9  }
0x6a: {  	s6 =	sshra.s32 s6, $0xC;
	s25 =	sshra.s32 s10, $0x1F;
	s9 =	smul.u32 $0x66666667, s24  }
0x6b: {  	s20 =	smulhi.u32 $0x66666667, s10;
	s10 =	sshrl.u32 s11, $0x1F;
	s24 =	sshrl.u32 s14, $0x1F  }
0x6c: {  	v8 =	vmov s31;
	s31 =	sshra.s32 s8, $0xC;
	v10 =	vmov s6;
	s6 =	simm.s32 $0x5210;
	s12 =	smul.u32 $0x66666667, s25  }
0x6d: {  	s25 =	smulhi.u32 $0x66666667, s1;
	s1 =	sshra.s32 s14, $0xC;
	s14 =	sshra.s32 s18, $0x1F  }
0x6e: {  	v8 =	vsel vm0, s24, v8;
	s24 =	simm.s32 $0x5200;
	s7 =	sadd.s32 s19, s2;
	s19 =	spop (v2sf)  }
0x6f: {  	s9 =	sadd.s32 s9, s25;
	s23 =	smulhi.u32 $0x66666667, s19;
	s2 =	sshra.s32 s19, $0x1F  }
0x70: {  	s3 =	sadd.s32 s12, s20;
	s20 =	sshra.s32 s11, $0xC;
	s25 =	sshrl.u32 s4, $0x1F  }
0x71: {  	s11 =	sshrl.u32 s18, $0x1F;
	s4 =	sshra.s32 s5, $0x1F;
	s18 =	sshrl.u32 s8, $0x1F  }
0x72: {  	v10 =	vsel vm0, s1, v10;
	s8 =	sshra.s32 s16, $0xC;
	s12 =	sshra.s32 s16, $0x1F;
	s2 =	smul.u32 $0x66666667, s2;
	v9 =	vmov s4  }
0x73: {  	v10 =	vsel vm1, s31, v10;
	s4 =	sshra.s32 s0, $0x1F;
	s31 =	sshrl.u32 s3, $0x1F;
	v11 =	vsel vm3, s8, v9;
	s8 =	simm.s32 $0x2910  }
.Ltmp3:
0x74: {  	v9 =	vsel vm1, s18, v8;
	s19 =	sadd.s32 s2, s23;
	v8 =	vsel vm11, s12, v11;
	s2 =	sshrl.u32 s16, $0x1F;
	(pc) =	sbr.rel @!p0 .LBB2_4-.Ltmp3, $4  }
0x75: {  	s18 =	sshra.s32 s7, $0xC;
	s23 =	simm.s32 $0x2900;
	s12 =	smulhi.u32 $0x66666667, s0;
	v11 =	vmov s2;
	v12 =	vsel vm0, s15, v8  }
0x76: {  	s15 =	sshrl.u32 s7, $0x1F;
	v8 =	vsel vm2, s18, v10;
	v10 =	vsel vm12, s28, v12;
	s28 =	sshrl.u32 s17, $0x1F;
	v11 =	vnsel vm3, $0x0, v11;
	s17 =	sshra.s32 s17, $0xC  }
0x77: {  	s7 =	sshrl.u32 s9, $0x1F;
	s18 =	sshra.s32 s9, $0xC;
	s16 =	sshrl.u32 s19, $0x1F;
	v13 =	vsel vm0, s25, v11;
	v11 =	vmov s17;
	v14 =	vsel vm1, s26, v10  }
0x78: {  	s9 =	simm.s32 $0x0;
	s17 =	smul.u32 $0x66666667, s4;
	v12 =	vmov s28;
	v10 =	vsel vm1, s30, v13;
	v13 =	vsel vm13, s29, v14;
	s25 =	spop (v2sf)  }
.LBB2_3:
0x79: {  	v13 =	vsel vm2, s20, v13  }
0x7a: {  	v12 =	vsel vm0, s7, v12;
	s1 =	smulhi.u32 $0x66666667, s25;
	s2 =	sshra.s32 s25, $0x1F;
	v11 =	vsel vm0, s18, v11;
	s3 =	sshra.s32 s3, $0xC;
	v13 =	vsel vm9, s13, v13  }
0x7b: {  	v9 =	vsel vm2, s15, v9;
	s12 =	sadd.s32 s17, s12;
	s4 =	smul.u32 $0x66666667, s2;
	v11 =	vsel vm1, s3, v11;
	s17 =	sshra.s32 s19, $0xC;
	v13 =	vsel vm4, s22, v13  }
0x7c: {  	v10 =	vsel vm2, s10, v10;
	s18 =	sshra.s32 s12, $0xC;
	v11 =	vsel vm2, s17, v11;
	v13 =	vsel vm10, s14, v13  }
0x7d: {  	p0 =	sne.s32 s21, $0x1;
	v12 =	vsel vm1, s31, v12;
	s19 =	sshra.s32 s12, $0x1F;
	s7 =	sadd.s32 s4, s1;
	v8 =	vcombine.low v11, v8;
	v11 =	vsel vm5, s18, v13  }
0x7e: {  	v10 =	vsel vm4, s11, v10;
	v12 =	vsel vm2, s16, v12;
	s16 =	sadd.s32 $0xFFFFFFFF, s21;
	s20 =	sshrl.u32 s12, $0x1F;
	s21 =	sshra.s32 s7, $0xC;
	v11 =	vsel vm15, s19, v11  }
0x7f: {  	v9 =	vcombine.low v12, v9;
	v10 =	vsel vm5, s20, v10;
	s22 =	sshrl.u32 s7, $0x1F;
	s25 =	sshra.s32 s7, $0x1F;
	v11 =	vsel vm6, s21, v11  }
0x80: {  	s26 =	sshrl.u32 s5, $0x1F;
	s28 =	sshra.s32 s5, $0xC;
	v10 =	vsel vm6, s22, v10;
	v8 =	vperm.xlane v8, v0;
	v11 =	vsel vm14, s25, v11  }
0x81: {  	v9 =	vperm.xlane v9, v0;
	v10 =	vsel vm7, s26, v10;
	v11 =	vsel vm7, s28, v11  }
0x82: {  	v10 =	vperm.xlane v10, v2;
	v11 =	vperm.xlane v11, v2;
	_ =	sdelay $0x1  }
0x83: {  	v9 =	vsel vm8, v10, v9;
	v8 =	vsel vm8, v11, v8  }
0x84: {  	v8 =	vadd.s32 v9, v8  }
0x85: {  	v9 =	vmul.u32 $0xFFFFD800, v8  }
0x86: {  	v10 =	vsub.s32 $0x0, v7  }
0x87: {  	vm9 =	vlt.s32 v7, $0x1;
	vm10 =	vne.s32 v9, v10  }
0x88: {  	vm9 =	vmand vm9, vm10  }
0x89: {  	v9 =	vsel vm9, $0xFFFFFFFF, v3  }
0x8a: {  	v8 =	vadd.s32 v9, v8  }
0x8b: {  	v9 =	vmul.u32 $0xFFFFD800, v8;
	_ =	sdelay $0x1  }
0x8c: {  	v7 =	vadd.s32 v7, v9  }
0x8d: {  	[tilespmem:s23+$0x0] =	vst v7  }
0x8e: {  	s9 =	sadd.s32 $0x10, s9;
	[tilespmem:s24+$0x0] =	vst v8  }
0x8f: {  	v7 =	vld [tilespmem:s9+$0x0];
	_ =	sdelay $0x4  }
0x90: {  	(v2sf) =	vpush v7, $0x0  }
0x91: {  	(v2sf) =	vpush v7, $0x7;
	_ =	sdelay $0x2  }
0x92: {  	(v2sf) =	vpush v7, $0x1  }
0x93: {  	(v2sf) =	vpush v7, $0x2;
	_ =	sdelay $0x1  }
0x94: {  	(v2sf) =	vpush v7, $0x5;
	_ =	sdelay $0x1  }
0x95: {  	(v2sf) =	vpush v7, $0x3  }
0x96: {  	(v2sf) =	vpush v7, $0x4;
	_ =	sdelay $0x1  }
0x97: {  	(v2sf) =	vpush v7, $0xC;
	_ =	sdelay $0x1  }
0x98: {  	s0 =	smov.u32 s8;
	(v2sf) =	vpush v7, $0xD  }
0x99: {  	[dreg:$0x2] =	wrdreg s0;
	s30 =	spop (v2sf)  }
0x9a: {  	(v2sf) =	vpush v7, $0xE;
	s11 =	smulhi.u32 $0x66666667, s30;
	s0 =	spop (v2sf)  }
0x9b: {  	s3 =	sshra.s32 s30, $0x1F;
	s5 =	smulhi.u32 $0x66666667, s0  }
0x9c: {  	s29 =	smov.u32 s6;
	s1 =	sshra.s32 s0, $0x1F;
	s3 =	smul.u32 $0x66666667, s3  }
0x9d: {  	s6 =	sadd.s32 $0x10, s6;
	(v2sf) =	vpush v7, $0x8;
	s2 =	spop (v2sf);
	s7 =	smul.u32 $0x66666667, s1  }
0x9e: {  	s8 =	sadd.s32 $0x10, s8;
	s15 =	spop (v2sf);
	s10 =	smulhi.u32 $0x66666667, s2  }
0x9f: {  	[dreg:$0x3] =	wrdreg s29;
	(v2sf) =	vpush v7, $0x9;
	s4 =	sshra.s32 s2, $0x1F;
	s21 =	smulhi.u32 $0x66666667, s15  }
0xa0: {  	s17 =	sshra.s32 s15, $0x1F;
	s12 =	spop (v2sf);
	s13 =	smul.u32 $0x66666667, s4  }
0xa1: {  	s3 =	sadd.s32 s3, s11;
	s18 =	sshra.s32 s12, $0x1F;
	s24 =	smul.u32 $0x66666667, s17  }
0xa2: {  	(v2sf) =	vpush v7, $0xF;
	s19 =	spop (v2sf);
	s5 =	sadd.s32 s7, s5;
	s12 =	smulhi.u32 $0x66666667, s12  }
0xa3: {  	(v2sf) =	vpush v7, $0xA;
	[dreg:$0x4] =	wrdreg s18;
	s20 =	sshra.s32 s19, $0x1F;
	s22 =	spop (v2sf)  }
0xa4: {  	s14 =	sshra.s32 s5, $0x1F;
	s15 =	sadd.s32 s13, s10;
	s10 =	smulhi.u32 $0x66666667, s19  }
0xa5: {  	s23 =	sshra.s32 s22, $0x1F;
	s26 =	spop (v2sf);
	s20 =	smul.u32 $0x66666667, s20  }
0xa6: {  	s7 =	sadd.s32 s24, s21;
	s19 =	sshra.s32 s15, $0x1F;
	s22 =	smulhi.u32 $0x66666667, s22  }
0xa7: {  	s31 =	sshra.s32 s15, $0xC;
	s30 =	spop (v2sf);
	s21 =	smul.u32 $0x66666667, s23  }
0xa8: {  	s0 =	sshra.s32 s26, $0x1F;
	s25 =	sshra.s32 s7, $0xC;
	s24 =	smulhi.u32 $0x66666667, s26  }
0xa9: {  	s28 =	sshrl.u32 s7, $0x1F;
	s4 =	spop (v2sf);
	s13 =	smulhi.u32 $0x66666667, s30  }
0xaa: {  	(v2sf) =	vpush v7, $0xB;
	s29 =	sshra.s32 s7, $0x1F;
	s17 =	smul.u32 $0x66666667, s0;
	[dreg:$0x6] =	wrdreg s28  }
0xab: {  	s1 =	sshra.s32 s30, $0x1F;
	[dreg:$0x5] =	wrdreg s29;
	s23 =	smulhi.u32 $0x66666667, s4  }
0xac: {  	s26 =	sshra.s32 s4, $0x1F;
	s28 =	spop (v2sf);
	s18 =	smul.u32 $0x66666667, s1  }
0xad: {  	s21 =	sadd.s32 s21, s22;
	s7 =	sshra.s32 s28, $0x1F;
	s17 =	sadd.s32 s17, s24  }
0xae: {  	s2 =	spop (v2sf);
	s22 =	sshra.s32 s21, $0xC;
	s1 =	sshrl.u32 s17, $0x1F  }
0xaf: {  	s13 =	sadd.s32 s18, s13;
	s18 =	sshra.s32 s17, $0xC;
	s17 =	smul.u32 $0x66666667, s26  }
0xb0: {  	s11 =	sshrl.u32 s21, $0x1F;
	s4 =	sshra.s32 s2, $0x1F;
	s2 =	smulhi.u32 $0x66666667, s2  }
0xb1: {  	v9 =	vmov s18;
	s18 =	sadd.s32 s20, s10;
	s4 =	smul.u32 $0x66666667, s4;
	s30 =	spop (v2sf)  }
0xb2: {  	s10 =	sshrl.u32 s18, $0x1F;
	s20 =	sshra.s32 s18, $0xC;
	s29 =	spop (v2sf);
	(v2sf) =	vpush v7, $0x6  }
0xb3: {  	s24 =	sshra.s32 s30, $0x1F;
	s0 =	smulhi.u32 $0x66666667, s30;
	s30 =	sshra.s32 s13, $0xC  }
0xb4: {  	v10 =	vsel vm0, s30, v9;
	s30 =	sshrl.u32 s13, $0x1F;
	s13 =	sshra.s32 s18, $0x1F;
	s18 =	smul.u32 $0x66666667, s24  }
0xb5: {  	s17 =	sadd.s32 s17, s23;
	s23 =	sshrl.u32 s15, $0x1F;
	s24 =	smulhi.u32 $0x66666667, s28  }
0xb6: {  	v8 =	vmov s1;
	s2 =	sadd.s32 s4, s2;
	s26 =	sshra.s32 s29, $0x1F;
	s29 =	smulhi.u32 $0x66666667, s29  }
0xb7: {  	s28 =	sshra.s32 s3, $0xC;
	v8 =	vsel vm0, s30, v8;
	s30 =	sshrl.u32 s17, $0x1F;
	s1 =	smul.u32 $0x66666667, s26  }
0xb8: {  	v9 =	vsel vm1, s30, v8;
	v8 =	vmov s14;
	s14 =	sshra.s32 s21, $0x1F;
	s0 =	sadd.s32 s18, s0;
	s21 =	sshra.s32 s17, $0xC  }
0xb9: {  	s30 =	smul.u32 $0x66666667, s7;
	s7 =	sshrl.u32 s2, $0x1F;
	s26 =	spop (v2sf)  }
0xba: {  	v10 =	vsel vm1, s21, v10;
	s18 =	sshra.s32 s0, $0xC;
	s15 =	sshrl.u32 s0, $0x1F;
	s21 =	sshra.s32 s3, $0x1F  }
0xbb: {  	v11 =	vsel vm3, s28, v8;
	s28 =	sshrl.u32 s3, $0x1F;
	s17 =	smulhi.u32 $0x66666667, s26;
	s26 =	sshra.s32 s26, $0x1F  }
0xbc: {  	s30 =	sadd.s32 s30, s24;
	s24 =	rddreg [dreg:$0x3];
	s3 =	sadd.s32 s1, s29  }
.Ltmp4:
0xbd: {  	v8 =	vsel vm2, s18, v10;
	v10 =	vsel vm11, s21, v11;
	v11 =	vmov s28;
	s21 =	smov.u32 s16;
	s28 =	rddreg [dreg:$0x4];
	(pc) =	sbr.rel @p0 .LBB2_3-.Ltmp4, $4  }
0xbe: {  	vm10 =	vcmask $0x2724;
	s18 =	sshra.s32 s2, $0xC;
	s29 =	rddreg [dreg:$0x6];
	s26 =	smul.u32 $0x66666667, s26;
	v10 =	vsel vm0, s31, v10  }
0xbf: {  	vm9 =	vcmask $0x1F1C;
	s4 =	sshrl.u32 s30, $0x1F;
	v11 =	vnsel vm3, $0x0, v11;
	s0 =	sshra.s32 s30, $0xC;
	s30 =	rddreg [dreg:$0x5];
	v10 =	vsel vm12, s19, v10  }
0xc0: {  	s31 =	sshrl.u32 s3, $0x1F;
	v13 =	vsel vm0, s23, v11;
	s23 =	rddreg [dreg:$0x2];
	v11 =	vmov s0;
	s19 =	sadd.s32 s26, s17;
	v14 =	vsel vm1, s25, v10  }
0xc1: {  	v12 =	vmov s4;
	s17 =	smul.u32 $0x66666667, s28;
	v10 =	vsel vm1, s29, v13;
	s16 =	sshrl.u32 s19, $0x1F;
	v13 =	vsel vm13, s30, v14;
	s25 =	spop (v2sf)  }
.LBB2_4:
0xc2: {  	v13 =	vsel vm2, s20, v13  }
0xc3: {  	v12 =	vsel vm0, s7, v12;
	s0 =	smulhi.u32 $0x66666667, s25;
	s1 =	sshra.s32 s25, $0x1F;
	v11 =	vsel vm0, s18, v11;
	v13 =	vsel vm9, s13, v13  }
0xc4: {  	v9 =	vsel vm2, s15, v9;
	s3 =	sshra.s32 s3, $0xC;
	v10 =	vsel vm2, s10, v10;
	s2 =	sadd.s32 s17, s12;
	s1 =	smul.u32 $0x66666667, s1;
	v13 =	vsel vm4, s22, v13  }
0xc5: {  	s4 =	sshra.s32 s19, $0xC;
	v12 =	vsel vm1, s31, v12;
	v11 =	vsel vm1, s3, v11;
	s6 =	sshra.s32 s2, $0xC;
	v13 =	vsel vm10, s14, v13  }
0xc6: {  	v10 =	vsel vm4, s11, v10;
	s26 =	sshra.s32 s2, $0x1F;
	v11 =	vsel vm2, s4, v11;
	s0 =	sadd.s32 s1, s0;
	v13 =	vsel vm5, s6, v13  }
0xc7: {  	v12 =	vsel vm2, s16, v12;
	s2 =	sshrl.u32 s2, $0x1F;
	v8 =	vcombine.low v11, v8;
	s28 =	sshra.s32 s0, $0xC;
	v13 =	vsel vm15, s26, v13  }
0xc8: {  	v10 =	vsel vm5, s2, v10;
	v9 =	vcombine.low v12, v9;
	s29 =	sshrl.u32 s0, $0x1F;
	s0 =	sshra.s32 s0, $0x1F;
	v61 =	vsel vm6, s28, v13  }
0xc9: {  	s30 =	sshrl.u32 s5, $0x1F;
	s31 =	sshra.s32 s5, $0xC;
	v10 =	vsel vm6, s29, v10;
	v8 =	vperm.xlane v8, v0;
	v11 =	vsel vm14, s0, v61  }
0xca: {  	v9 =	vperm.xlane v9, v0;
	v10 =	vsel vm7, s30, v10;
	v11 =	vsel vm7, s31, v11  }
0xcb: {  	v10 =	vperm.xlane v10, v2;
	v11 =	vperm.xlane v11, v2;
	_ =	sdelay $0x1  }
0xcc: {  	v9 =	vsel vm8, v10, v9;
	v8 =	vsel vm8, v11, v8  }
0xcd: {  	v8 =	vadd.s32 v9, v8  }
0xce: {  	v9 =	vmul.u32 $0xFFFFD800, v8  }
0xcf: {  	v62 =	vsub.s32 $0x0, v7  }
0xd0: {  	vm9 =	vlt.s32 v7, $0x1;
	vm10 =	vne.s32 v9, v62  }
0xd1: {  	vm9 =	vmand vm9, vm10  }
0xd2: {  	v63 =	vsel vm9, $0xFFFFFFFF, v3  }
0xd3: {  	v8 =	vadd.s32 v63, v8  }
0xd4: {  	v9 =	vmul.u32 $0xFFFFD800, v8;
	_ =	sdelay $0x1  }
0xd5: {  	s7 =	rddreg [dreg:$0x12];
	v7 =	vadd.s32 v7, v9  }
0xd6: {  	p0 =	seq.s32 s7, $0x1;
	[tilespmem:s23+$0x0] =	vst v7  }
.Ltmp5:
0xd7: {  	[tilespmem:s24+$0x0] =	vst v8;
	(pc) =	sbr.rel @p0 .LBB2_6-.Ltmp5, $4  }
0xd8: {  	[tilespmem:$0x1F400] =	vst v4  }
0xd9: {  	s18 =	rddreg [dreg:$0xb];
	s21 =	simm.s32 $0x80;
	[tilespmem:$0x1F480] =	vst v4  }
0xda: {  	s1 =	simm.s32 $0xCB00;
	s2 =	sadd.s32 $0xFFFFFFFF, s7;
	s0 =	simm.s32 $0x0;
	[tilespmem:$0x1F500] =	vst v4  }
0xdb: {  	[tilespmem:s1], [sflag:$0x3] =	stream.indirect.gather [hbm4b:s18+s21], $0x1, s0, s21, $0xb8;
	[tilespmem:$0x1F680] =	vst v63  }
.LBB2_5:
0xdc: {  	p0 =	seq.s32 s2, $0x1  }
.Ltmp6:
0xdd: {  	_ = 	snop;
	(pc) =	sbr.rel @!p0 .LBB2_5-.Ltmp6, $4  }
0xde: {  	_ = 	snop  }
0xdf: {  	s1 =	sadd.s32 $0x80, s1;
	s0 =	sadd.s32 $0x80, s0  }
0xe0: {  	s2 =	sadd.s32 $0xFFFFFFFF, s2  }
0xe1: {  	[tilespmem:s1], [sflag:$0x3] =	stream.indirect.gather [hbm4b:s18+s21], $0x1, s0, s21, $0xb8;
	[tilespmem:$0x1F680] =	vst v63  }
.LBB2_6:
0xe2: {  	s15 =	simm.s32 $0x0;
	s17 =	rddreg [dreg:$0x7]  }
0xe3: {  	s26 =	simm.s32 $0xF400;
	s0 =	simm.s32 $0x2900;
	p0 =	sne.s32 s7, $0x1  }
0xe4: {  	[tilespmem:s26], [sflag:$0x1] =	stream.indirect.gather [hbm4b:s17+s21], $0x80, s0, s21, $0xb8;
	[tilespmem:$0x1F680] =	vst v63  }
.Ltmp7:
0xe5: {  	s19 =	simm.s32 $0x4;
	s25 =	simm.s32 $0x1;
	(pc) =	sbr.rel @!p0 .LBB2_8-.Ltmp7, $4  }
0xe6: {  	s28 =	simm.s32 $0x13400;
	s1 =	simm.s32 $0x3;
	s30 =	simm.s32 $0x5200  }
0xe7: {  	[tilespmem:s28], [sflag:$0x1] =	stream.indirect.gather [hbm4b:s17+s21], $0x80, s30, s21, $0xb8;
	[tilespmem:$0x1F680] =	vst v63  }
0xe8: {  	s31 =	simm.s32 $0x2;
	s23 =	simm.s32 $0x7B00;
	_ =	swait.ge [sflag:s1], $0x80  }
0xe9: {  	s24 =	simm.s32 $0xA300;
	s0 =	sadd.s32 $0xFFFFFFFF, s7;
	[sflag:s1] =	ssyncset.done $0x0  }
.LBB2_7:
0xea: {  	p0 =	sne.s32 s0, $0x1;
	s0 =	sadd.s32 $0xFFFFFFFF, s0;
	[sflag:s1] =	ssyncadd.s32 $0xFFFFFF80  }
.Ltmp8:
0xeb: {  	(pc) =	sbr.rel @p0 .LBB2_7-.Ltmp8, $3  }
0xec: {  	_ =	sdelay $0x1  }
0xed: {  	_ =	swait.ge [sflag:s1], $0x80  }
0xee: {  	[sflag:s1] =	ssyncset.done $0x0  }
.LBB2_8:
.Ltmp9:
0xef: {  	(pc) =	sbr.rel .LBB2_9-.Ltmp9, $2  }
0xf0: {  	_ =	sdelay $0x2  }
0xf1: {  	[sflag:s1] =	ssyncadd.s32 $0xFFFFFF80  }
.LBB2_20:
0xf2: {  	[tilespmem:$0x1F400] =	vst v4  }
0xf3: {  	[tilespmem:$0x1F480] =	vst v4  }
0xf4: {  	[tilespmem:$0x1F500] =	vst v4  }
.LBB2_9:
0xf5: {  	s0 =	sadd.s32 $0x1, s7  }
0xf6: {  	s1 =	sand.u32 $0x1, s0  }
0xf7: {  	p0 =	slt.s32 s7, $0x0;
	p1 =	seq.s32 s1, $0x1  }
0xf8: {  	s30 =	sshrl.u32 s0, $0x1F;
	p0 =	por !p0, !p1  }
0xf9: {  	s0 =	sadd.s32 s30, s0;
	s1 =	simm.s32 $0x1;
	p0 =	por !p0, !p0  }
0xfa: {  	s0 =	sshra.s32 s0, $0x1;
	s1 =	simm.s32 @!p0 $0x0  }
0xfb: {  	s1 =	ssub.s32 s0, s1  }
0xfc: {  	p0 =	slt.s32 s1, $0x1  }
.Ltmp10:
0xfd: {  	_ = 	snop;
	(pc) =	sbr.rel @p0 .LBB2_18-.Ltmp10, $1  }
0xfe: {  	_ =	sdelay $0x3  }
.Ltmp11:
0xff: {  	(pc) =	sbr.rel .LBB2_11-.Ltmp11, $4  }
0x100: {  	s14 =	simm.s32 $0xCB00;
	s30 =	simm.s32 $0x5200  }
0x101: {  	s2 =	simm.s32 $0x2900;
	s13 =	simm.s32 $0x0;
	s16 =	simm.s32 $0xCB80  }
0x102: {  	s29 =	simm.s32 $0x5280;
	s12 =	simm.s32 $0x2980;
	s4 =	rddreg [dreg:$0x10]  }
0x103: {  	v6 =	vbroadcast v6, $0x0;
	s11 =	simm.s32 $0x80;
	s5 =	rddreg [dreg:$0xf];
	s6 =	simm.s32 $0x0  }
.LBB2_17:
0x104: {  	s6 =	sadd.s32 $0x1, s6  }
0x105: {  	p0 =	sne.s32 s6, s1  }
.Ltmp12:
0x106: {  	_ = 	snop;
	(pc) =	sbr.rel @!p0 .LBB2_18-.Ltmp12, $4  }
0x107: {  	s5 =	sadd.s32 $0x100, s5;
	s14 =	sadd.s32 $0x100, s14  }
0x108: {  	s30 =	sadd.s32 $0x100, s30;
	s2 =	sadd.s32 $0x100, s2;
	s13 =	sadd.s32 $0x100, s13  }
0x109: {  	s4 =	sadd.s32 $0x100, s4;
	s16 =	sadd.s32 $0x100, s16;
	s29 =	sadd.s32 $0x100, s29  }
0x10a: {  	s12 =	sadd.s32 $0x100, s12;
	s11 =	sadd.s32 $0x100, s11;
	s7 =	rddreg [dreg:$0x12]  }
.LBB2_11:
0x10b: {  	s8 =	sshll.u32 s6, $0x1  }
0x10c: {  	p0 =	sge.s32 s8, s7  }
.Ltmp13:
0x10d: {  	_ = 	snop;
	(pc) =	sbr.rel @p0 .LBB2_14-.Ltmp13, $2  }
0x10e: {  	_ =	sdelay $0x2  }
0x10f: {  	s9 =	sshllo.u32 s6, $0x1  }
0x110: {  	_ =	swait.ge [sflag:s25], $0x4000  }
0x111: {  	[sflag:s25] =	ssyncset.done $0x0  }
0x112: {  	[sflag:s25] =	ssyncadd.s32 $0xFFFFC000  }
0x113: {  	_ =	swait.ge [sflag:s25], $0x4000  }
0x114: {  	s0 =	rddreg [dreg:$0x12]  }
0x115: {  	[sflag:s25] =	ssyncset.done $0x0;
	p0 =	sge.s32 s9, s0  }
0x116: {  	[sflag:s25] =	ssyncadd.s32 $0xFFFFC000;
	s0 =	sshll.u32 @!p0 s9, $0x7  }
0x117: {  	s7 =	simm.s32 @!p0 $0x80;
	s10 =	simm.s32 @!p0 $0x17400;
	s3 =	sadd.s32 @!p0 $0x2900, s0  }
0x118: {  	[tilespmem:s10], [sflag:$0x2] =	stream.indirect.gather @!p0 [hbm4b:s17+s7], $0x80, s3, s7, $0xb8;
	[tilespmem:$0x1F680] =	vst v63  }
0x119: {  	s22 =	smov.u32 s2;
	s0 =	sadd.s32 @!p0 $0x5200, s0;
	s3 =	simm.s32 @!p0 $0x1B400  }
0x11a: {  	[tilespmem:s3], [sflag:$0x2] =	stream.indirect.gather @!p0 [hbm4b:s17+s7], $0x80, s0, s7, $0xb8;
	[tilespmem:$0x1F680] =	vst v63  }
0x11b: {  	s20 =	smov.u32 s30;
	s10 =	simm.s32 $0x0;
	s0 =	smov.u32 s14  }
.LBB2_13:
0x11c: {  	v7 =	vmov s10  }
0x11d: {  	v7 =	vshll.u32 v7, $0x7  }
0x11e: {  	v7 =	vor.u32 v5, v7;
	_ =	sdelay $0x1  }
0x11f: {  	v10 =	vor.u32 $0x1, v7;
	_ =	sdelay $0x1  }
0x120: {  	v14 =	vor.u32 $0x2, v7  }
0x121: {  	v8 =	vld.idx.msk [tilespmem:v7+s26+$0x0], $0xffff  }
0x122: {  	v18 =	vor.u32 $0x3, v7;
	v9 =	vld.idx.msk [tilespmem:v7+s28+$0x0], $0xffff  }
0x123: {  	v13 =	vld.idx.msk [tilespmem:v10+s26+$0x0], $0xffff  }
0x124: {  	v22 =	vor.u32 $0x4, v7;
	v10 =	vld.idx.msk [tilespmem:v10+s28+$0x0], $0xffff  }
0x125: {  	v54 =	vld.idx.msk [tilespmem:v14+s26+$0x0], $0xffff  }
0x126: {  	v60 =	vor.u32 $0x5, v7;
	v14 =	vld.idx.msk [tilespmem:v14+s28+$0x0], $0xffff  }
0x127: {  	v21 =	vld.idx.msk [tilespmem:v18+s26+$0x0], $0xffff  }
0x128: {  	v33 =	vor.u32 $0x6, v7;
	v18 =	vld.idx.msk [tilespmem:v18+s28+$0x0], $0xffff  }
0x129: {  	v38 =	vor.u32 $0x7, v7;
	v62 =	vld.idx.msk [tilespmem:v22+s26+$0x0], $0xffff  }
0x12a: {  	v63 =	vld.idx.msk [tilespmem:v22+s28+$0x0], $0xffff  }
0x12b: {  	v48 =	vor.u32 $0x8, v7;
	v26 =	vld.idx.msk [tilespmem:v60+s26+$0x0], $0xffff;
	v11 =	vshrl.u32 v8, $0x10  }
0x12c: {  	v29 =	vld.idx.msk [tilespmem:v60+s28+$0x0], $0xffff;
	v12 =	vshrl.u32 v9, $0x10;
	v15 =	vmul.f32 v9, v8;
	v11 =	vand.u32 $0x1, v11  }
0x12d: {  	v40 =	vld.idx.msk [tilespmem:v33+s26+$0x0], $0xffff;
	v12 =	vand.u32 $0x1, v12;
	v16 =	vshrl.u32 v13, $0x10;
	v17 =	vshrl.u32 v10, $0x10  }
0x12e: {  	v43 =	vld.idx.msk [tilespmem:v38+s26+$0x0], $0xffff;
	v55 =	vshrl.u32 v54, $0x10;
	v19 =	vshrl.u32 v14, $0x10;
	v20 =	vmul.f32 v10, v13  }
0x12f: {  	v46 =	vld.idx.msk [tilespmem:v38+s28+$0x0], $0xffff;
	v58 =	vshrl.u32 v21, $0x10;
	v59 =	vshrl.u32 v18, $0x10;
	v61 =	vmul.f32 v14, v54  }
0x130: {  	v24 =	vmul.f32 v18, v21;
	v25 =	vmul.f32 v21, v21;
	v28 =	vshrl.u32 v62, $0x10  }
0x131: {  	v31 =	vshrl.u32 v63, $0x10;
	v32 =	vmul.f32 v18, v18;
	v34 =	vshrl.u32 v26, $0x10  }
0x132: {  	v35 =	vshrl.u32 v29, $0x10;
	v39 =	vmul.f32 v63, v62;
	v41 =	vmul.f32 v63, v63  }
0x133: {  	v42 =	vmul.f32 v29, v26;
	v44 =	vmul.f32 v26, v26;
	v45 =	vshrl.u32 v40, $0x10  }
0x134: {  	v51 =	vshrl.u32 v43, $0x10;
	v52 =	vshrl.u32 v46, $0x10;
	v22 =	vmul.f32 v40, v40  }
0x135: {  	v11 =	vadd.s32 v11, v8;
	v12 =	vadd.s32 v12, v9;
	v16 =	vand.u32 $0x1, v16  }
0x136: {  	v17 =	vand.u32 $0x1, v17;
	v15 =	vadd.f32 $0.0e+00, v15;
	v8 =	vmul.f32 v8, v8  }
0x137: {  	v9 =	vmul.f32 v9, v9;
	v19 =	vand.u32 $0x1, v19;
	v30 =	vand.u32 $0x1, v28  }
0x138: {  	v36 =	vand.u32 $0x1, v34;
	v37 =	vand.u32 $0x1, v35;
	v53 =	vand.u32 $0x1, v51  }
0x139: {  	v34 =	vor.u32 $0xC, v7;
	v11 =	vadd.s32 $0x7FFF, v11;
	v12 =	vadd.s32 $0x7FFF, v12  }
0x13a: {  	v16 =	vadd.s32 v16, v13;
	v17 =	vadd.s32 v17, v10;
	v13 =	vmul.f32 v13, v13  }
0x13b: {  	v19 =	vadd.s32 v19, v14;
	v10 =	vmul.f32 v10, v10;
	v14 =	vmul.f32 v14, v14  }
0x13c: {  	v11 =	vand.u32 $0xFFFF0000, v11;
	v12 =	vand.u32 $0xFFFF0000, v12;
	v16 =	vadd.s32 $0x7FFF, v16  }
0x13d: {  	v17 =	vadd.s32 $0x7FFF, v17;
	v19 =	vadd.s32 $0x7FFF, v19;
	v15 =	vadd.f32 v20, v15  }
0x13e: {  	v11 =	vmul.f32 v12, v11;
	v16 =	vand.u32 $0xFFFF0000, v16;
	v17 =	vand.u32 $0xFFFF0000, v17  }
0x13f: {  	v19 =	vand.u32 $0xFFFF0000, v19;
	v8 =	vadd.f32 v13, v8;
	v9 =	vadd.f32 v10, v9  }
0x140: {  	v13 =	vand.u32 $0x1, v59;
	v12 =	vmul.f32 v54, v54;
	v59 =	vmul.f32 v46, v43  }
0x141: {  	v16 =	vmul.f32 v17, v16;
	v17 =	vand.u32 $0x1, v55;
	v13 =	vadd.s32 v13, v18  }
0x142: {  	v15 =	vadd.f32 v61, v15;
	v11 =	vadd.f32 $0.0e+00, v11;
	v17 =	vadd.s32 v17, v54  }
0x143: {  	v13 =	vadd.s32 $0x7FFF, v13;
	v8 =	vadd.f32 v12, v8;
	v9 =	vadd.f32 v14, v9  }
0x144: {  	v12 =	vadd.s32 v30, v62;
	v14 =	vand.u32 $0x1, v45;
	v54 =	vand.u32 $0x1, v52  }
0x145: {  	v17 =	vadd.s32 $0x7FFF, v17;
	v13 =	vand.u32 $0xFFFF0000, v13;
	v27 =	vadd.f32 v24, v15  }
0x146: {  	v12 =	vadd.s32 $0x7FFF, v12;
	v15 =	vmul.f32 v29, v29;
	v14 =	vadd.s32 v14, v40  }
0x147: {  	v55 =	vld.idx.msk [tilespmem:v48+s26+$0x0], $0xffff;
	v24 =	vmul.f32 v46, v46;
	v17 =	vand.u32 $0xFFFF0000, v17;
	v11 =	vadd.f32 v16, v11  }
0x148: {  	v8 =	vadd.f32 v25, v8;
	v9 =	vadd.f32 v32, v9;
	v12 =	vand.u32 $0xFFFF0000, v12  }
0x149: {  	v16 =	vadd.s32 v37, v29;
	v49 =	vadd.s32 $0x7FFF, v14;
	v25 =	vor.u32 $0xA, v7  }
0x14a: {  	v32 =	vor.u32 $0xB, v7;
	v56 =	vmul.f32 v19, v17;
	v16 =	vadd.s32 $0x7FFF, v16  }
0x14b: {  	v19 =	vmul.f32 v62, v62;
	v17 =	vld.idx.msk [tilespmem:v33+s28+$0x0], $0xffff;
	v16 =	vand.u32 $0xFFFF0000, v16;
	v9 =	vadd.f32 v41, v9  }
0x14c: {  	v61 =	vshrl.u32 v55, $0x10;
	v57 =	vadd.f32 v56, v11;
	v11 =	vand.u32 $0x1, v58  }
0x14d: {  	v8 =	vadd.f32 v19, v8;
	v56 =	vor.u32 $0x9, v7;
	v11 =	vadd.s32 v11, v21  }
0x14e: {  	v19 =	vld.idx.msk [tilespmem:v48+s28+$0x0], $0xffff;
	v9 =	vadd.f32 v15, v9;
	v15 =	vadd.s32 v54, v46;
	v11 =	vadd.s32 $0x7FFF, v11  }
0x14f: {  	v8 =	vadd.f32 v44, v8;
	v15 =	vadd.s32 $0x7FFF, v15;
	v11 =	vand.u32 $0xFFFF0000, v11  }
0x150: {  	v47 =	vshrl.u32 v17, $0x10;
	v15 =	vand.u32 $0xFFFF0000, v15;
	v58 =	vmul.f32 v17, v17  }
0x151: {  	v11 =	vmul.f32 v13, v11;
	v13 =	vand.u32 $0x1, v31;
	v18 =	vand.u32 $0x1, v47  }
0x152: {  	v8 =	vadd.f32 v22, v8;
	v22 =	vand.u32 $0x1, v61;
	v13 =	vadd.s32 v13, v63  }
0x153: {  	v38 =	vld.idx.msk [tilespmem:v32+s26+$0x0], $0xffff;
	v50 =	vadd.s32 v18, v17;
	v9 =	vadd.f32 v58, v9;
	v62 =	vshrl.u32 v19, $0x10  }
0x154: {  	v28 =	vmul.f32 v19, v55;
	v18 =	vmul.f32 v55, v55;
	v10 =	vadd.f32 v11, v57  }
0x155: {  	v31 =	vld.idx.msk [tilespmem:v25+s26+$0x0], $0xffff;
	v13 =	vadd.s32 $0x7FFF, v13;
	v11 =	vadd.f32 v39, v27;
	v14 =	vadd.s32 $0x7FFF, v50  }
0x156: {  	v60 =	vld.idx.msk [tilespmem:v56+s26+$0x0], $0xffff;
	v57 =	vmul.f32 v17, v40;
	v23 =	vand.u32 $0x1, v62;
	v39 =	vor.u32 $0xD, v7  }
0x157: {  	v63 =	vld.idx.msk [tilespmem:v56+s28+$0x0], $0xffff;
	v13 =	vand.u32 $0xFFFF0000, v13;
	v14 =	vand.u32 $0xFFFF0000, v14;
	v9 =	vadd.f32 v24, v9  }
0x158: {  	v45 =	vshrl.u32 v38, $0x10;
	v12 =	vmul.f32 v13, v12;
	v13 =	vadd.s32 v36, v26  }
0x159: {  	v11 =	vadd.f32 v42, v11;
	v47 =	vand.u32 $0x1, v45;
	v13 =	vadd.s32 $0x7FFF, v13  }
0x15a: {  	v36 =	vshrl.u32 v31, $0x10;
	v13 =	vand.u32 $0xFFFF0000, v13;
	v10 =	vadd.f32 v12, v10  }
0x15b: {  	v11 =	vadd.f32 v57, v11;
	v12 =	vmul.f32 v43, v43;
	v26 =	vshrl.u32 v60, $0x10  }
0x15c: {  	v42 =	vld.idx.msk [tilespmem:v34+s26+$0x0], $0xffff;
	v27 =	vshrl.u32 v63, $0x10;
	v17 =	vand.u32 $0x1, v36;
	v13 =	vmul.f32 v16, v13  }
0x15d: {  	v33 =	vmul.f32 v63, v60;
	v35 =	vmul.f32 v63, v63;
	v40 =	vadd.s32 v17, v31  }
0x15e: {  	v8 =	vadd.f32 v12, v8;
	v10 =	vadd.f32 v13, v10;
	v13 =	vand.u32 $0xFFFF0000, v49  }
0x15f: {  	v16 =	vld.idx.msk [tilespmem:v25+s28+$0x0], $0xffff;
	v12 =	vadd.s32 v22, v55;
	v13 =	vmul.f32 v14, v13;
	v14 =	vadd.s32 v53, v43  }
0x160: {  	v46 =	vld.idx.msk [tilespmem:v39+s26+$0x0], $0xffff;
	v11 =	vadd.f32 v59, v11;
	v12 =	vadd.s32 $0x7FFF, v12;
	v14 =	vadd.s32 $0x7FFF, v14  }
0x161: {  	v20 =	vld.idx.msk [tilespmem:v39+s28+$0x0], $0xffff;
	v49 =	vmul.f32 v38, v38;
	v52 =	vmul.f32 v42, v42;
	v14 =	vand.u32 $0xFFFF0000, v14  }
0x162: {  	v12 =	vand.u32 $0xFFFF0000, v12;
	v10 =	vadd.f32 v13, v10;
	v14 =	vmul.f32 v15, v14  }
0x163: {  	v11 =	vadd.f32 v28, v11;
	v8 =	vadd.f32 v18, v8;
	v43 =	vor.u32 $0xE, v7  }
0x164: {  	v7 =	vor.u32 $0xF, v7;
	v10 =	vadd.f32 v14, v10;
	v14 =	vadd.s32 v23, v19  }
0x165: {  	v13 =	vmul.f32 v60, v60;
	v11 =	vadd.f32 v33, v11;
	v14 =	vadd.s32 $0x7FFF, v14  }
0x166: {  	v44 =	vmul.f32 v16, v31;
	v54 =	vmul.f32 v20, v46;
	v14 =	vand.u32 $0xFFFF0000, v14  }
0x167: {  	v15 =	vand.u32 $0x1, v27;
	v12 =	vmul.f32 v14, v12;
	v14 =	vand.u32 $0x1, v26  }
0x168: {  	v55 =	vmul.f32 v46, v46;
	v30 =	vadd.s32 v15, v63;
	v29 =	vadd.s32 v14, v60  }
0x169: {  	v14 =	vadd.s32 $0x7FFF, v30;
	v10 =	vadd.f32 v12, v10;
	v12 =	vadd.s32 $0x7FFF, v29  }
0x16a: {  	v56 =	vmul.f32 v20, v20;
	v14 =	vand.u32 $0xFFFF0000, v14;
	v12 =	vand.u32 $0xFFFF0000, v12  }
0x16b: {  	v37 =	vshrl.u32 v16, $0x10;
	v19 =	vmul.f32 v19, v19;
	v12 =	vmul.f32 v14, v12;
	v14 =	vld.idx.msk [tilespmem:v32+s28+$0x0], $0xffff  }
0x16c: {  	v28 =	vshrl.u32 v46, $0x10;
	v18 =	vand.u32 $0x1, v37;
	v8 =	vadd.f32 v13, v8  }
0x16d: {  	v41 =	vadd.s32 v18, v16;
	v13 =	vadd.s32 $0x7FFF, v40;
	v9 =	vadd.f32 v19, v9  }
0x16e: {  	v15 =	vmul.f32 v31, v31;
	v11 =	vadd.f32 v44, v11;
	v10 =	vadd.f32 v12, v10;
	v12 =	vld.idx.msk [tilespmem:v34+s28+$0x0], $0xffff  }
0x16f: {  	v16 =	vmul.f32 v16, v16;
	v63 =	vshrl.u32 v42, $0x10;
	v9 =	vadd.f32 v35, v9  }
0x170: {  	v17 =	vadd.s32 $0x7FFF, v41;
	v50 =	vld.idx.msk [tilespmem:v43+s26+$0x0], $0xffff;
	v8 =	vadd.f32 v15, v8;
	v48 =	vmul.f32 v14, v38  }
0x171: {  	v13 =	vand.u32 $0xFFFF0000, v13;
	v21 =	vld.idx.msk [tilespmem:v43+s28+$0x0], $0xffff;
	v9 =	vadd.f32 v16, v9;
	v51 =	vmul.f32 v14, v14  }
0x172: {  	v25 =	vld.idx.msk [tilespmem:v7+s26+$0x0], $0xffff;
	v17 =	vand.u32 $0xFFFF0000, v17;
	v8 =	vadd.f32 v49, v8;
	v11 =	vadd.f32 v48, v11  }
0x173: {  	v7 =	vld.idx.msk [tilespmem:v7+s28+$0x0], $0xffff;
	v23 =	vmul.f32 v12, v42;
	v9 =	vadd.f32 v51, v9;
	v53 =	vmul.f32 v12, v12  }
0x174: {  	v15 =	vadd.s32 v47, v38;
	v13 =	vmul.f32 v17, v13;
	v8 =	vadd.f32 v52, v8  }
0x175: {  	v15 =	vadd.s32 $0x7FFF, v15;
	v11 =	vadd.f32 v23, v11;
	v9 =	vadd.f32 v53, v9  }
0x176: {  	v57 =	vmul.f32 v21, v50;
	v58 =	vmul.f32 v50, v50;
	v8 =	vadd.f32 v55, v8  }
0x177: {  	v59 =	vmul.f32 v21, v21;
	v11 =	vadd.f32 v54, v11;
	v9 =	vadd.f32 v56, v9  }
0x178: {  	v60 =	vmul.f32 v7, v25;
	v61 =	vmul.f32 v25, v25;
	v8 =	vadd.f32 v58, v8  }
0x179: {  	v62 =	vmul.f32 v7, v7;
	v11 =	vadd.f32 v57, v11;
	v9 =	vadd.f32 v59, v9  }
0x17a: {  	v15 =	vand.u32 $0xFFFF0000, v15;
	v30 =	vshrl.u32 v20, $0x10;
	v8 =	vadd.f32 v61, v8  }
0x17b: {  	v24 =	vshrl.u32 v14, $0x10;
	v11 =	vadd.f32 v60, v11;
	v9 =	vadd.f32 v62, v9  }
0x17c: {  	v41 =	vshrl.u32 v21, $0x10;
	v43 =	vshrl.u32 v7, $0x10;
	v24 =	vand.u32 $0x1, v24  }
0x17d: {  	v14 =	vadd.s32 v24, v14;
	v8 =	vadd.f32 v9, v8;
	v24 =	vadd.f32 v11, v11  }
0x17e: {  	v10 =	vadd.f32 v13, v10;
	v38 =	vshrl.u32 v50, $0x10;
	v27 =	vshrl.u32 v12, $0x10  }
0x17f: {  	v14 =	vadd.s32 $0x7FFF, v14;
	v13 =	vand.u32 $0x1, v27;
	v9 =	vsub.f32 v8, v24  }
0x180: {  	v14 =	vand.u32 $0xFFFF0000, v14;
	v23 =	vand.u32 $0x1, v63;
	v12 =	vadd.s32 v13, v12  }
0x181: {  	v17 =	vmul.f32 v14, v15;
	v14 =	vadd.s32 v23, v42;
	v9 =	vmax.f32 v9, $0.0e+00  }
0x182: {  	v12 =	vadd.s32 $0x7FFF, v12;
	v31 =	vshra.s32 v9, $0x1;
	v32 =	vmul.f32 $5.000000000e-01, v9  }
0x183: {  	v26 =	vadd.s32 $0x7FFF, v14;
	v14 =	vand.u32 $0x1, v28;
	v15 =	vsub.s32 $0x5F3759DF, v31  }
0x184: {  	v29 =	vadd.s32 v14, v46;
	v14 =	vand.u32 $0x1, v30;
	v33 =	vmul.f32 v15, v32  }
0x185: {  	v42 =	vshrl.u32 v25, $0x10;
	v12 =	vand.u32 $0xFFFF0000, v12;
	v14 =	vadd.s32 v14, v20  }
0x186: {  	v10 =	vadd.f32 v17, v10;
	v35 =	vadd.s32 $0x7FFF, v14;
	v36 =	vmul.f32 v15, v33  }
0x187: {  	v34 =	vadd.s32 $0x7FFF, v29;
	v14 =	vand.u32 $0x1, v42;
	v13 =	vand.u32 $0xFFFF0000, v35  }
0x188: {  	v14 =	vadd.s32 v14, v25;
	v11 =	vand.u32 $0xFFFF0000, v26;
	v39 =	vsub.f32 $1.500000000e+00, v36  }
0x189: {  	v48 =	vadd.s32 $0x7FFF, v14;
	v11 =	vmul.f32 v12, v11;
	v12 =	vand.u32 $0xFFFF0000, v34  }
0x18a: {  	v37 =	vmul.f32 v13, v12;
	v12 =	vand.u32 $0x1, v38;
	v13 =	vmul.f32 v15, v39  }
0x18b: {  	v10 =	vadd.f32 v11, v10;
	v40 =	vadd.s32 v12, v50;
	v12 =	vand.u32 $0x1, v41  }
0x18c: {  	v11 =	vadd.s32 $0x7FFF, v40;
	v12 =	vadd.s32 v12, v21;
	v44 =	vmul.f32 v13, v32  }
0x18d: {  	v45 =	vld [tilespmem:s22+$0x0];
	v11 =	vand.u32 $0xFFFF0000, v11;
	v12 =	vadd.s32 $0x7FFF, v12;
	v15 =	vand.u32 $0x1, v43  }
0x18e: {  	v46 =	vld [tilespmem:s20+$0x0];
	v12 =	vand.u32 $0xFFFF0000, v12;
	v7 =	vadd.s32 v15, v7;
	v47 =	vmul.f32 v44, v13  }
0x18f: {  	v10 =	vadd.f32 v37, v10;
	v11 =	vmul.f32 v12, v11;
	v7 =	vadd.s32 $0x7FFF, v7  }
0x190: {  	v12 =	vand.u32 $0xFFFF0000, v48;
	v7 =	vand.u32 $0xFFFF0000, v7;
	v49 =	vsub.f32 $1.500000000e+00, v47  }
0x191: {  	v10 =	vadd.f32 v11, v10;
	v7 =	vmul.f32 v7, v12  }
0x192: {  	v50 =	vmul.f32 v49, v13  }
0x193: {  	v7 =	vadd.f32 v7, v10  }
0x194: {  	v51 =	vld [tilespmem:s0+$0x0];
	v52 =	vmul.f32 v50, v32  }
0x195: {  	v53 =	vld.idx.msk [tilespmem:v45+s24+$0x0], $0xffff;
	v7 =	vadd.f32 v7, v7  }
0x196: {  	v54 =	vld.idx.msk [tilespmem:v46+s24+$0x0], $0xffff;
	v12 =	vmul.f32 v52, v50  }
0x197: {  	s3 =	sadd.s32 s10, s13;
	s7 =	sadd.s32 s10, s5;
	v57 =	vld.idx.msk [tilespmem:v46+s23+$0x0], $0xffff;
	v7 =	vsub.f32 v8, v7  }
0x198: {  	v55 =	vor.u32 s7, v1;
	v56 =	vor.u32 s3, v1;
	v8 =	vld.idx.msk [tilespmem:v45+s23+$0x0], $0xffff;
	v12 =	vsub.f32 $1.500000000e+00, v12  }
0x199: {  	vm9 =	veq.s32 v51, v55;
	vm10 =	vlt.s32 v56, v6;
	v7 =	vmax.f32 v7, $0.0e+00  }
0x19a: {  	vm9 =	vmand vm10, vm9;
	vm10 =	vle.f32 v7, $1.000000000e+00;
	v58 =	vmul.f32 v12, v50  }
0x19b: {  	vm11 =	vgt.f32 v9, $0.0e+00;
	vm12 =	vne.s32 v53, v54;
	vm10 =	vmneg vm10  }
0x19c: {  	v59 =	vld [tilespmem:$0x1F400];
	vm10 =	vmor vm12, vm10;
	vm12 =	veq.s32 v45, v46;
	v7 =	vmul.f32 v58, v9  }
0x19d: {  	vm13 =	vgt.s32 v8, $0x0;
	vm10 =	vmor vm12, vm10;
	vm12 =	veq.s32 v8, v57;
	v8 =	vld [tilespmem:$0x1F480]  }
0x19e: {  	v60 =	vld [tilespmem:$0x1F500];
	vm9 =	vmand vm9, vm10;
	v7 =	vnsel vm11, $0x0, v7;
	vm11 =	vmand vm13, vm12  }
0x19f: {  	vm10 =	vmand vm11, vm9;
	vm11 =	vmneg vm11;
	v61 =	vsub.f32 $1.000000000e+00, v7  }
0x1a0: {  	p0 =	sne.s32 s10, $0x70;
	vm9 =	vmand vm9, vm11;
	v7 =	vnsel vm10, $0x0, v7  }
.Ltmp14:
0x1a1: {  	v62 =	vsel vm10, $0x3F800000, v4;
	v7 =	vadd.f32 v7, v59;
	v11 =	vmax.f32 v61, $0.0e+00;
	(pc) =	sbr.rel @p0 .LBB2_13-.Ltmp14, $4  }
0x1a2: {  	v8 =	vadd.f32 v62, v8;
	v63 =	vnsel vm9, $0x0, v11  }
0x1a3: {  	[tilespmem:$0x1F400] =	vst v7;
	v7 =	vadd.f32 v63, v60  }
0x1a4: {  	s10 =	sadd.s32 $0x10, s10;
	[tilespmem:$0x1F480] =	vst v8  }
0x1a5: {  	s22 =	sadd.s32 $0x10, s22;
	s0 =	sadd.s32 $0x10, s0;
	s20 =	sadd.s32 $0x10, s20;
	[tilespmem:$0x1F500] =	vst v7  }
.LBB2_14:
0x1a6: {  	s0 =	rddreg [dreg:$0x12]  }
0x1a7: {  	p0 =	sge.s32 s9, s0  }
.Ltmp15:
0x1a8: {  	_ = 	snop;
	(pc) =	sbr.rel @p0 .LBB2_17-.Ltmp15, $2  }
0x1a9: {  	_ =	sdelay $0x2  }
0x1aa: {  	s20 =	simm.s32 $0x17400;
	s22 =	simm.s32 $0x1B400  }
0x1ab: {  	_ =	swait.ge [sflag:s31], $0x4000  }
0x1ac: {  	[sflag:s31] =	ssyncset.done $0x0  }
0x1ad: {  	[sflag:s31] =	ssyncadd.s32 $0xFFFFC000  }
0x1ae: {  	_ =	swait.ge [sflag:s31], $0x4000  }
0x1af: {  	s0 =	sadd.s32 $0x2, s8;
	s3 =	rddreg [dreg:$0x12]  }
0x1b0: {  	[sflag:s31] =	ssyncset.done $0x0;
	p0 =	sge.s32 s0, s3  }
0x1b1: {  	[sflag:s31] =	ssyncadd.s32 $0xFFFFC000;
	s0 =	sshll.u32 @!p0 s0, $0x7  }
0x1b2: {  	s7 =	simm.s32 @!p0 $0x80;
	s8 =	simm.s32 @!p0 $0xF400;
	s3 =	sadd.s32 @!p0 $0x2900, s0  }
0x1b3: {  	[tilespmem:s8], [sflag:$0x1] =	stream.indirect.gather @!p0 [hbm4b:s17+s7], $0x80, s3, s7, $0xb8;
	[tilespmem:$0x1F680] =	vst v63  }
0x1b4: {  	s9 =	smov.u32 s12;
	s0 =	sadd.s32 @!p0 $0x5200, s0;
	s3 =	simm.s32 @!p0 $0x13400  }
0x1b5: {  	[tilespmem:s3], [sflag:$0x1] =	stream.indirect.gather @!p0 [hbm4b:s17+s7], $0x80, s0, s7, $0xb8;
	[tilespmem:$0x1F680] =	vst v63  }
0x1b6: {  	s10 =	smov.u32 s29;
	s8 =	simm.s32 $0x0;
	s0 =	smov.u32 s16  }
.LBB2_16:
0x1b7: {  	v7 =	vmov s8  }
0x1b8: {  	v7 =	vshll.u32 v7, $0x7  }
0x1b9: {  	v7 =	vor.u32 v5, v7;
	_ =	sdelay $0x1  }
0x1ba: {  	v10 =	vor.u32 $0x1, v7;
	_ =	sdelay $0x1  }
0x1bb: {  	v14 =	vor.u32 $0x2, v7  }
0x1bc: {  	v8 =	vld.idx.msk [tilespmem:v7+s20+$0x0], $0xffff  }
0x1bd: {  	v18 =	vor.u32 $0x3, v7;
	v9 =	vld.idx.msk [tilespmem:v7+s22+$0x0], $0xffff  }
0x1be: {  	v13 =	vld.idx.msk [tilespmem:v10+s20+$0x0], $0xffff  }
0x1bf: {  	v22 =	vor.u32 $0x4, v7;
	v10 =	vld.idx.msk [tilespmem:v10+s22+$0x0], $0xffff  }
0x1c0: {  	v54 =	vld.idx.msk [tilespmem:v14+s20+$0x0], $0xffff  }
0x1c1: {  	v60 =	vor.u32 $0x5, v7;
	v14 =	vld.idx.msk [tilespmem:v14+s22+$0x0], $0xffff  }
0x1c2: {  	v21 =	vld.idx.msk [tilespmem:v18+s20+$0x0], $0xffff  }
0x1c3: {  	v33 =	vor.u32 $0x6, v7;
	v18 =	vld.idx.msk [tilespmem:v18+s22+$0x0], $0xffff  }
0x1c4: {  	v38 =	vor.u32 $0x7, v7;
	v62 =	vld.idx.msk [tilespmem:v22+s20+$0x0], $0xffff  }
0x1c5: {  	v63 =	vld.idx.msk [tilespmem:v22+s22+$0x0], $0xffff  }
0x1c6: {  	v48 =	vor.u32 $0x8, v7;
	v26 =	vld.idx.msk [tilespmem:v60+s20+$0x0], $0xffff;
	v11 =	vshrl.u32 v8, $0x10  }
0x1c7: {  	v29 =	vld.idx.msk [tilespmem:v60+s22+$0x0], $0xffff;
	v12 =	vshrl.u32 v9, $0x10;
	v15 =	vmul.f32 v9, v8;
	v11 =	vand.u32 $0x1, v11  }
0x1c8: {  	v40 =	vld.idx.msk [tilespmem:v33+s20+$0x0], $0xffff;
	v12 =	vand.u32 $0x1, v12;
	v16 =	vshrl.u32 v13, $0x10;
	v17 =	vshrl.u32 v10, $0x10  }
0x1c9: {  	v43 =	vld.idx.msk [tilespmem:v38+s20+$0x0], $0xffff;
	v55 =	vshrl.u32 v54, $0x10;
	v19 =	vshrl.u32 v14, $0x10;
	v20 =	vmul.f32 v10, v13  }
0x1ca: {  	v46 =	vld.idx.msk [tilespmem:v38+s22+$0x0], $0xffff;
	v58 =	vshrl.u32 v21, $0x10;
	v59 =	vshrl.u32 v18, $0x10;
	v61 =	vmul.f32 v14, v54  }
0x1cb: {  	v24 =	vmul.f32 v18, v21;
	v25 =	vmul.f32 v21, v21;
	v28 =	vshrl.u32 v62, $0x10  }
0x1cc: {  	v31 =	vshrl.u32 v63, $0x10;
	v32 =	vmul.f32 v18, v18;
	v34 =	vshrl.u32 v26, $0x10  }
0x1cd: {  	v35 =	vshrl.u32 v29, $0x10;
	v39 =	vmul.f32 v63, v62;
	v41 =	vmul.f32 v63, v63  }
0x1ce: {  	v42 =	vmul.f32 v29, v26;
	v44 =	vmul.f32 v26, v26;
	v45 =	vshrl.u32 v40, $0x10  }
0x1cf: {  	v51 =	vshrl.u32 v43, $0x10;
	v52 =	vshrl.u32 v46, $0x10;
	v22 =	vmul.f32 v40, v40  }
0x1d0: {  	v11 =	vadd.s32 v11, v8;
	v12 =	vadd.s32 v12, v9;
	v16 =	vand.u32 $0x1, v16  }
0x1d1: {  	v17 =	vand.u32 $0x1, v17;
	v15 =	vadd.f32 $0.0e+00, v15;
	v8 =	vmul.f32 v8, v8  }
0x1d2: {  	v9 =	vmul.f32 v9, v9;
	v19 =	vand.u32 $0x1, v19;
	v30 =	vand.u32 $0x1, v28  }
0x1d3: {  	v36 =	vand.u32 $0x1, v34;
	v37 =	vand.u32 $0x1, v35;
	v53 =	vand.u32 $0x1, v51  }
0x1d4: {  	v34 =	vor.u32 $0xC, v7;
	v11 =	vadd.s32 $0x7FFF, v11;
	v12 =	vadd.s32 $0x7FFF, v12  }
0x1d5: {  	v16 =	vadd.s32 v16, v13;
	v17 =	vadd.s32 v17, v10;
	v13 =	vmul.f32 v13, v13  }
0x1d6: {  	v19 =	vadd.s32 v19, v14;
	v10 =	vmul.f32 v10, v10;
	v14 =	vmul.f32 v14, v14  }
0x1d7: {  	v11 =	vand.u32 $0xFFFF0000, v11;
	v12 =	vand.u32 $0xFFFF0000, v12;
	v16 =	vadd.s32 $0x7FFF, v16  }
0x1d8: {  	v17 =	vadd.s32 $0x7FFF, v17;
	v19 =	vadd.s32 $0x7FFF, v19;
	v15 =	vadd.f32 v20, v15  }
0x1d9: {  	v11 =	vmul.f32 v12, v11;
	v16 =	vand.u32 $0xFFFF0000, v16;
	v17 =	vand.u32 $0xFFFF0000, v17  }
0x1da: {  	v19 =	vand.u32 $0xFFFF0000, v19;
	v8 =	vadd.f32 v13, v8;
	v9 =	vadd.f32 v10, v9  }
0x1db: {  	v13 =	vand.u32 $0x1, v59;
	v12 =	vmul.f32 v54, v54;
	v59 =	vmul.f32 v46, v43  }
0x1dc: {  	v16 =	vmul.f32 v17, v16;
	v17 =	vand.u32 $0x1, v55;
	v13 =	vadd.s32 v13, v18  }
0x1dd: {  	v15 =	vadd.f32 v61, v15;
	v11 =	vadd.f32 $0.0e+00, v11;
	v17 =	vadd.s32 v17, v54  }
0x1de: {  	v13 =	vadd.s32 $0x7FFF, v13;
	v8 =	vadd.f32 v12, v8;
	v9 =	vadd.f32 v14, v9  }
0x1df: {  	v12 =	vadd.s32 v30, v62;
	v14 =	vand.u32 $0x1, v45;
	v54 =	vand.u32 $0x1, v52  }
0x1e0: {  	v17 =	vadd.s32 $0x7FFF, v17;
	v13 =	vand.u32 $0xFFFF0000, v13;
	v27 =	vadd.f32 v24, v15  }
0x1e1: {  	v12 =	vadd.s32 $0x7FFF, v12;
	v15 =	vmul.f32 v29, v29;
	v14 =	vadd.s32 v14, v40  }
0x1e2: {  	v55 =	vld.idx.msk [tilespmem:v48+s20+$0x0], $0xffff;
	v24 =	vmul.f32 v46, v46;
	v17 =	vand.u32 $0xFFFF0000, v17;
	v11 =	vadd.f32 v16, v11  }
0x1e3: {  	v8 =	vadd.f32 v25, v8;
	v9 =	vadd.f32 v32, v9;
	v12 =	vand.u32 $0xFFFF0000, v12  }
0x1e4: {  	v16 =	vadd.s32 v37, v29;
	v49 =	vadd.s32 $0x7FFF, v14;
	v25 =	vor.u32 $0xA, v7  }
0x1e5: {  	v32 =	vor.u32 $0xB, v7;
	v56 =	vmul.f32 v19, v17;
	v16 =	vadd.s32 $0x7FFF, v16  }
0x1e6: {  	v19 =	vmul.f32 v62, v62;
	v17 =	vld.idx.msk [tilespmem:v33+s22+$0x0], $0xffff;
	v16 =	vand.u32 $0xFFFF0000, v16;
	v9 =	vadd.f32 v41, v9  }
0x1e7: {  	v61 =	vshrl.u32 v55, $0x10;
	v57 =	vadd.f32 v56, v11;
	v11 =	vand.u32 $0x1, v58  }
0x1e8: {  	v8 =	vadd.f32 v19, v8;
	v56 =	vor.u32 $0x9, v7;
	v11 =	vadd.s32 v11, v21  }
0x1e9: {  	v19 =	vld.idx.msk [tilespmem:v48+s22+$0x0], $0xffff;
	v9 =	vadd.f32 v15, v9;
	v15 =	vadd.s32 v54, v46;
	v11 =	vadd.s32 $0x7FFF, v11  }
0x1ea: {  	v8 =	vadd.f32 v44, v8;
	v15 =	vadd.s32 $0x7FFF, v15;
	v11 =	vand.u32 $0xFFFF0000, v11  }
0x1eb: {  	v47 =	vshrl.u32 v17, $0x10;
	v15 =	vand.u32 $0xFFFF0000, v15;
	v58 =	vmul.f32 v17, v17  }
0x1ec: {  	v11 =	vmul.f32 v13, v11;
	v13 =	vand.u32 $0x1, v31;
	v18 =	vand.u32 $0x1, v47  }
0x1ed: {  	v8 =	vadd.f32 v22, v8;
	v22 =	vand.u32 $0x1, v61;
	v13 =	vadd.s32 v13, v63  }
0x1ee: {  	v38 =	vld.idx.msk [tilespmem:v32+s20+$0x0], $0xffff;
	v50 =	vadd.s32 v18, v17;
	v9 =	vadd.f32 v58, v9;
	v62 =	vshrl.u32 v19, $0x10  }
0x1ef: {  	v28 =	vmul.f32 v19, v55;
	v18 =	vmul.f32 v55, v55;
	v10 =	vadd.f32 v11, v57  }
0x1f0: {  	v31 =	vld.idx.msk [tilespmem:v25+s20+$0x0], $0xffff;
	v13 =	vadd.s32 $0x7FFF, v13;
	v11 =	vadd.f32 v39, v27;
	v14 =	vadd.s32 $0x7FFF, v50  }
0x1f1: {  	v60 =	vld.idx.msk [tilespmem:v56+s20+$0x0], $0xffff;
	v57 =	vmul.f32 v17, v40;
	v23 =	vand.u32 $0x1, v62;
	v39 =	vor.u32 $0xD, v7  }
0x1f2: {  	v63 =	vld.idx.msk [tilespmem:v56+s22+$0x0], $0xffff;
	v13 =	vand.u32 $0xFFFF0000, v13;
	v14 =	vand.u32 $0xFFFF0000, v14;
	v9 =	vadd.f32 v24, v9  }
0x1f3: {  	v45 =	vshrl.u32 v38, $0x10;
	v12 =	vmul.f32 v13, v12;
	v13 =	vadd.s32 v36, v26  }
0x1f4: {  	v11 =	vadd.f32 v42, v11;
	v47 =	vand.u32 $0x1, v45;
	v13 =	vadd.s32 $0x7FFF, v13  }
0x1f5: {  	v36 =	vshrl.u32 v31, $0x10;
	v13 =	vand.u32 $0xFFFF0000, v13;
	v10 =	vadd.f32 v12, v10  }
0x1f6: {  	v11 =	vadd.f32 v57, v11;
	v12 =	vmul.f32 v43, v43;
	v26 =	vshrl.u32 v60, $0x10  }
0x1f7: {  	v42 =	vld.idx.msk [tilespmem:v34+s20+$0x0], $0xffff;
	v27 =	vshrl.u32 v63, $0x10;
	v17 =	vand.u32 $0x1, v36;
	v13 =	vmul.f32 v16, v13  }
0x1f8: {  	v33 =	vmul.f32 v63, v60;
	v35 =	vmul.f32 v63, v63;
	v40 =	vadd.s32 v17, v31  }
0x1f9: {  	v8 =	vadd.f32 v12, v8;
	v10 =	vadd.f32 v13, v10;
	v13 =	vand.u32 $0xFFFF0000, v49  }
0x1fa: {  	v16 =	vld.idx.msk [tilespmem:v25+s22+$0x0], $0xffff;
	v12 =	vadd.s32 v22, v55;
	v13 =	vmul.f32 v14, v13;
	v14 =	vadd.s32 v53, v43  }
0x1fb: {  	v46 =	vld.idx.msk [tilespmem:v39+s20+$0x0], $0xffff;
	v11 =	vadd.f32 v59, v11;
	v12 =	vadd.s32 $0x7FFF, v12;
	v14 =	vadd.s32 $0x7FFF, v14  }
0x1fc: {  	v20 =	vld.idx.msk [tilespmem:v39+s22+$0x0], $0xffff;
	v49 =	vmul.f32 v38, v38;
	v52 =	vmul.f32 v42, v42;
	v14 =	vand.u32 $0xFFFF0000, v14  }
0x1fd: {  	v12 =	vand.u32 $0xFFFF0000, v12;
	v10 =	vadd.f32 v13, v10;
	v14 =	vmul.f32 v15, v14  }
0x1fe: {  	v11 =	vadd.f32 v28, v11;
	v8 =	vadd.f32 v18, v8;
	v43 =	vor.u32 $0xE, v7  }
0x1ff: {  	v7 =	vor.u32 $0xF, v7;
	v10 =	vadd.f32 v14, v10;
	v14 =	vadd.s32 v23, v19  }
0x200: {  	v13 =	vmul.f32 v60, v60;
	v11 =	vadd.f32 v33, v11;
	v14 =	vadd.s32 $0x7FFF, v14  }
0x201: {  	v44 =	vmul.f32 v16, v31;
	v54 =	vmul.f32 v20, v46;
	v14 =	vand.u32 $0xFFFF0000, v14  }
0x202: {  	v15 =	vand.u32 $0x1, v27;
	v12 =	vmul.f32 v14, v12;
	v14 =	vand.u32 $0x1, v26  }
0x203: {  	v55 =	vmul.f32 v46, v46;
	v30 =	vadd.s32 v15, v63;
	v29 =	vadd.s32 v14, v60  }
0x204: {  	v14 =	vadd.s32 $0x7FFF, v30;
	v10 =	vadd.f32 v12, v10;
	v12 =	vadd.s32 $0x7FFF, v29  }
0x205: {  	v56 =	vmul.f32 v20, v20;
	v14 =	vand.u32 $0xFFFF0000, v14;
	v12 =	vand.u32 $0xFFFF0000, v12  }
0x206: {  	v37 =	vshrl.u32 v16, $0x10;
	v19 =	vmul.f32 v19, v19;
	v12 =	vmul.f32 v14, v12;
	v14 =	vld.idx.msk [tilespmem:v32+s22+$0x0], $0xffff  }
0x207: {  	v28 =	vshrl.u32 v46, $0x10;
	v18 =	vand.u32 $0x1, v37;
	v8 =	vadd.f32 v13, v8  }
0x208: {  	v41 =	vadd.s32 v18, v16;
	v13 =	vadd.s32 $0x7FFF, v40;
	v9 =	vadd.f32 v19, v9  }
0x209: {  	v15 =	vmul.f32 v31, v31;
	v11 =	vadd.f32 v44, v11;
	v10 =	vadd.f32 v12, v10;
	v12 =	vld.idx.msk [tilespmem:v34+s22+$0x0], $0xffff  }
0x20a: {  	v16 =	vmul.f32 v16, v16;
	v63 =	vshrl.u32 v42, $0x10;
	v9 =	vadd.f32 v35, v9  }
0x20b: {  	v17 =	vadd.s32 $0x7FFF, v41;
	v50 =	vld.idx.msk [tilespmem:v43+s20+$0x0], $0xffff;
	v8 =	vadd.f32 v15, v8;
	v48 =	vmul.f32 v14, v38  }
0x20c: {  	v13 =	vand.u32 $0xFFFF0000, v13;
	v21 =	vld.idx.msk [tilespmem:v43+s22+$0x0], $0xffff;
	v9 =	vadd.f32 v16, v9;
	v51 =	vmul.f32 v14, v14  }
0x20d: {  	v25 =	vld.idx.msk [tilespmem:v7+s20+$0x0], $0xffff;
	v17 =	vand.u32 $0xFFFF0000, v17;
	v8 =	vadd.f32 v49, v8;
	v11 =	vadd.f32 v48, v11  }
0x20e: {  	v7 =	vld.idx.msk [tilespmem:v7+s22+$0x0], $0xffff;
	v23 =	vmul.f32 v12, v42;
	v9 =	vadd.f32 v51, v9;
	v53 =	vmul.f32 v12, v12  }
0x20f: {  	v15 =	vadd.s32 v47, v38;
	v13 =	vmul.f32 v17, v13;
	v8 =	vadd.f32 v52, v8  }
0x210: {  	v15 =	vadd.s32 $0x7FFF, v15;
	v11 =	vadd.f32 v23, v11;
	v9 =	vadd.f32 v53, v9  }
0x211: {  	v57 =	vmul.f32 v21, v50;
	v58 =	vmul.f32 v50, v50;
	v8 =	vadd.f32 v55, v8  }
0x212: {  	v59 =	vmul.f32 v21, v21;
	v11 =	vadd.f32 v54, v11;
	v9 =	vadd.f32 v56, v9  }
0x213: {  	v60 =	vmul.f32 v7, v25;
	v61 =	vmul.f32 v25, v25;
	v8 =	vadd.f32 v58, v8  }
0x214: {  	v62 =	vmul.f32 v7, v7;
	v11 =	vadd.f32 v57, v11;
	v9 =	vadd.f32 v59, v9  }
0x215: {  	v15 =	vand.u32 $0xFFFF0000, v15;
	v30 =	vshrl.u32 v20, $0x10;
	v8 =	vadd.f32 v61, v8  }
0x216: {  	v24 =	vshrl.u32 v14, $0x10;
	v11 =	vadd.f32 v60, v11;
	v9 =	vadd.f32 v62, v9  }
0x217: {  	v41 =	vshrl.u32 v21, $0x10;
	v43 =	vshrl.u32 v7, $0x10;
	v24 =	vand.u32 $0x1, v24  }
0x218: {  	v14 =	vadd.s32 v24, v14;
	v8 =	vadd.f32 v9, v8;
	v24 =	vadd.f32 v11, v11  }
0x219: {  	v10 =	vadd.f32 v13, v10;
	v38 =	vshrl.u32 v50, $0x10;
	v27 =	vshrl.u32 v12, $0x10  }
0x21a: {  	v14 =	vadd.s32 $0x7FFF, v14;
	v13 =	vand.u32 $0x1, v27;
	v9 =	vsub.f32 v8, v24  }
0x21b: {  	v14 =	vand.u32 $0xFFFF0000, v14;
	v23 =	vand.u32 $0x1, v63;
	v12 =	vadd.s32 v13, v12  }
0x21c: {  	v17 =	vmul.f32 v14, v15;
	v14 =	vadd.s32 v23, v42;
	v9 =	vmax.f32 v9, $0.0e+00  }
0x21d: {  	v12 =	vadd.s32 $0x7FFF, v12;
	v31 =	vshra.s32 v9, $0x1;
	v32 =	vmul.f32 $5.000000000e-01, v9  }
0x21e: {  	v26 =	vadd.s32 $0x7FFF, v14;
	v14 =	vand.u32 $0x1, v28;
	v15 =	vsub.s32 $0x5F3759DF, v31  }
0x21f: {  	v29 =	vadd.s32 v14, v46;
	v14 =	vand.u32 $0x1, v30;
	v33 =	vmul.f32 v15, v32  }
0x220: {  	v42 =	vshrl.u32 v25, $0x10;
	v12 =	vand.u32 $0xFFFF0000, v12;
	v14 =	vadd.s32 v14, v20  }
0x221: {  	v10 =	vadd.f32 v17, v10;
	v35 =	vadd.s32 $0x7FFF, v14;
	v36 =	vmul.f32 v15, v33  }
0x222: {  	v34 =	vadd.s32 $0x7FFF, v29;
	v14 =	vand.u32 $0x1, v42;
	v13 =	vand.u32 $0xFFFF0000, v35  }
0x223: {  	v14 =	vadd.s32 v14, v25;
	v11 =	vand.u32 $0xFFFF0000, v26;
	v39 =	vsub.f32 $1.500000000e+00, v36  }
0x224: {  	v48 =	vadd.s32 $0x7FFF, v14;
	v11 =	vmul.f32 v12, v11;
	v12 =	vand.u32 $0xFFFF0000, v34  }
0x225: {  	v37 =	vmul.f32 v13, v12;
	v12 =	vand.u32 $0x1, v38;
	v13 =	vmul.f32 v15, v39  }
0x226: {  	v10 =	vadd.f32 v11, v10;
	v40 =	vadd.s32 v12, v50;
	v12 =	vand.u32 $0x1, v41  }
0x227: {  	v11 =	vadd.s32 $0x7FFF, v40;
	v12 =	vadd.s32 v12, v21;
	v44 =	vmul.f32 v13, v32  }
0x228: {  	v45 =	vld [tilespmem:s9+$0x0];
	v11 =	vand.u32 $0xFFFF0000, v11;
	v12 =	vadd.s32 $0x7FFF, v12;
	v15 =	vand.u32 $0x1, v43  }
0x229: {  	v46 =	vld [tilespmem:s10+$0x0];
	v12 =	vand.u32 $0xFFFF0000, v12;
	v7 =	vadd.s32 v15, v7;
	v47 =	vmul.f32 v44, v13  }
0x22a: {  	v10 =	vadd.f32 v37, v10;
	v11 =	vmul.f32 v12, v11;
	v7 =	vadd.s32 $0x7FFF, v7  }
0x22b: {  	v12 =	vand.u32 $0xFFFF0000, v48;
	v7 =	vand.u32 $0xFFFF0000, v7;
	v49 =	vsub.f32 $1.500000000e+00, v47  }
0x22c: {  	v10 =	vadd.f32 v11, v10;
	v7 =	vmul.f32 v7, v12  }
0x22d: {  	v50 =	vmul.f32 v49, v13  }
0x22e: {  	v7 =	vadd.f32 v7, v10  }
0x22f: {  	v51 =	vld [tilespmem:s0+$0x0];
	v52 =	vmul.f32 v50, v32  }
0x230: {  	v53 =	vld.idx.msk [tilespmem:v45+s24+$0x0], $0xffff;
	v7 =	vadd.f32 v7, v7  }
0x231: {  	v54 =	vld.idx.msk [tilespmem:v46+s24+$0x0], $0xffff;
	v12 =	vmul.f32 v52, v50  }
0x232: {  	s3 =	sadd.s32 s8, s11;
	s7 =	sadd.s32 s8, s4;
	v57 =	vld.idx.msk [tilespmem:v46+s23+$0x0], $0xffff;
	v7 =	vsub.f32 v8, v7  }
0x233: {  	v55 =	vor.u32 s7, v1;
	v56 =	vor.u32 s3, v1;
	v8 =	vld.idx.msk [tilespmem:v45+s23+$0x0], $0xffff;
	v12 =	vsub.f32 $1.500000000e+00, v12  }
0x234: {  	vm9 =	veq.s32 v51, v55;
	vm10 =	vlt.s32 v56, v6;
	v7 =	vmax.f32 v7, $0.0e+00  }
0x235: {  	vm9 =	vmand vm10, vm9;
	vm10 =	vle.f32 v7, $1.000000000e+00;
	v58 =	vmul.f32 v12, v50  }
0x236: {  	vm11 =	vgt.f32 v9, $0.0e+00;
	vm12 =	vne.s32 v53, v54;
	vm10 =	vmneg vm10  }
0x237: {  	v59 =	vld [tilespmem:$0x1F400];
	vm10 =	vmor vm12, vm10;
	vm12 =	veq.s32 v45, v46;
	v7 =	vmul.f32 v58, v9  }
0x238: {  	vm13 =	vgt.s32 v8, $0x0;
	vm10 =	vmor vm12, vm10;
	vm12 =	veq.s32 v8, v57;
	v8 =	vld [tilespmem:$0x1F480]  }
0x239: {  	v60 =	vld [tilespmem:$0x1F500];
	vm9 =	vmand vm9, vm10;
	v7 =	vnsel vm11, $0x0, v7;
	vm11 =	vmand vm13, vm12  }
0x23a: {  	vm10 =	vmand vm11, vm9;
	vm11 =	vmneg vm11;
	v61 =	vsub.f32 $1.000000000e+00, v7  }
0x23b: {  	p0 =	sne.s32 s8, $0x70;
	vm9 =	vmand vm9, vm11;
	v7 =	vnsel vm10, $0x0, v7  }
.Ltmp16:
0x23c: {  	v62 =	vsel vm10, $0x3F800000, v4;
	v7 =	vadd.f32 v7, v59;
	v11 =	vmax.f32 v61, $0.0e+00;
	(pc) =	sbr.rel @p0 .LBB2_16-.Ltmp16, $4  }
0x23d: {  	v8 =	vadd.f32 v62, v8;
	v63 =	vnsel vm9, $0x0, v11  }
0x23e: {  	[tilespmem:$0x1F400] =	vst v7;
	v7 =	vadd.f32 v63, v60  }
0x23f: {  	s8 =	sadd.s32 $0x10, s8;
	[tilespmem:$0x1F480] =	vst v8  }
0x240: {  	s9 =	sadd.s32 $0x10, s9;
	s0 =	sadd.s32 $0x10, s0;
	s10 =	sadd.s32 $0x10, s10;
	[tilespmem:$0x1F500] =	vst v7  }
.Ltmp17:
0x241: {  	_ = 	snop;
	(pc) =	sbr.rel .LBB2_17-.Ltmp17, $1  }
0x242: {  	_ =	sdelay $0x3  }
.LBB2_19:
0x243: {  	_ =	sfence.sel $0x180000  }
0x244: {  	[bflag:$0x0] =	sbarrier.arrive $0xFFFF  }
0x245: {  	_ =	strace $0x9000004A  }
0x246: {  	s0 =	stileid.u32;
	[bflag:$0x2] =	sbarrier.arrive $0xFFFF  }
0x247: {  	p0 =	sne.s32 s0, $0x0;
	s0 =	rddreg [dreg:$0x1]  }
0x248: {  	s0 =	sadd.s32 @!p0 $0x100000, s0  }
0x249: {  	[sflag:s0] =	ssyncadd.tile.s32 @!p0 $0x1;
	_ =	shalt  }
.Lfunc_end2:
_tile_overlayer_lowered:
.L_overlay_start_2:
0x24a: {  	(tag) =	ssettag $0x2  }
0x24b: {  	s0 =	rddreg [dreg:$0x0];
	s2 =	stileid.u32  }
0x24c: {  	s1 =	rddreg [dreg:$0x1];
	p0 =	sne.s32 s2, $0x0  }
0x24d: {  	s3 =	rddreg [dreg:$0x2];
	[bflag:$0x3] =	sbarrier.arrive $0xFFFF;
	s2 =	simm.s32 @!p0 $0x1C04  }
0x24e: {  	[timem:s3], [sflag:s2] =	dma.local @!p0 [hbm:s0], s1  }
0x24f: {  	s0 =	simm.s32 @!p0 $0x4  }
0x250: {  	_ =	swait.ge @!p0 [sflag:s0], s1  }
0x251: {  	s1 =	ssub.s32 @!p0 $0x0, s1;
	[sflag:s0] =	ssyncset.done @!p0 $0x0  }
0x252: {  	[sflag:s0] =	ssyncadd.s32 @!p0 s1  }
0x253: {  	[bflag:$0x3] =	sbarrier.arrive $0xFFFF  }
0x254: {  	_ =	shalt  }

</sc_bundles>
